<compile_context>
chip_gen: v7x
topology: tpu7x:2x2x1
jax: 0.10.2.dev20260603
libtpu: 0.0.44.dev20260713+nightly
codegen_flags: <defaults>
</compile_context>

<pallas_src>
import jax
import jax.numpy as jnp
from jax import lax
from jax.experimental import pallas as pl
from jax.experimental.pallas import tpu as pltpu
from jax.experimental.pallas import tpu_sc as plsc

NUM_NODES = 100000
EMBED_DIM = 128
OUT_DIM = 128

_NC = 2
_NS = 16
_NW = _NC * _NS
_LANES = 16

_CHUNK = 80
_NGROUP = _CHUNK // _LANES
_NUM_CHUNKS = NUM_NODES // _CHUNK
_BASE_N = _NUM_CHUNKS // _NW
_EXTRA = _NUM_CHUNKS - _BASE_N * _NW
_MAX_N = _BASE_N + 1
_NBUF = 8


def _project_body(e_ref, w_ref, p_ref):
    p_ref[...] = jnp.dot(e_ref[...], w_ref[...],
                         preferred_element_type=jnp.float32)


def _project(embed_table, W):
    return pl.pallas_call(
        _project_body,
        out_shape=jax.ShapeDtypeStruct(
            (embed_table.shape[0], W.shape[1]), jnp.float32),
    )(embed_table, W)


def _gather_body(idx_hbm, p_hbm, out_hbm, p_v, idx_v, bufs, wsems):
    wid = lax.axis_index("s") * _NC + lax.axis_index("c")
    n = _BASE_N + (wid < _EXTRA).astype(jnp.int32)
    start = wid * _BASE_N + jnp.minimum(wid, _EXTRA)
    row0 = start * _CHUNK

    pltpu.sync_copy(p_hbm, p_v)
    pltpu.sync_copy(idx_hbm.at[pl.ds(row0, _BASE_N * _CHUNK)],
                    idx_v.at[pl.ds(0, _BASE_N * _CHUNK)])

    @pl.when(n > _BASE_N)
    def _():
        pltpu.sync_copy(
            idx_hbm.at[pl.ds(row0 + _BASE_N * _CHUNK, _CHUNK)],
            idx_v.at[pl.ds(_BASE_N * _CHUNK, _CHUNK)])

    lane = lax.iota(jnp.int32, _LANES)
    cols = [j * _LANES + lane for j in range(OUT_DIM // _LANES)]

    def fill(l, b):
        buf = bufs[b]

        def group(g, carry):
            rows = idx_v[pl.ds(l * _CHUNK + g * _LANES, _LANES)]
            rbase = rows * OUT_DIM
            obase = (g * _LANES + lane) * OUT_DIM
            for c in cols:
                vals = plsc.load_gather(p_v, [rbase + c])
                plsc.store_scatter(buf, [obase + c], vals)
            return carry

        lax.fori_loop(0, _NGROUP, group, 0)

    def wstart(l, b):
        pltpu.async_copy(
            bufs[b],
            out_hbm.at[pl.ds((row0 + l * _CHUNK) * OUT_DIM, _CHUNK * OUT_DIM)],
            wsems[b])

    def wwait(b):
        pltpu.make_async_copy(
            bufs[b], out_hbm.at[pl.ds(0, _CHUNK * OUT_DIM)], wsems[b]).wait()

    for l in range(_MAX_N):
        b = l % _NBUF

        @pl.when(l < n)
        def _(l=l, b=b):
            if l >= _NBUF:
                wwait(b)
            fill(l, b)
            wstart(l, b)

    for b in range(_NBUF):
        wwait(b)


def _gather(node_species, p_flat, num_species):
    mesh = plsc.VectorSubcoreMesh(core_axis_name="c", subcore_axis_name="s")
    return pl.kernel(
        _gather_body,
        out_type=jax.ShapeDtypeStruct((NUM_NODES * OUT_DIM,), jnp.float32),
        mesh=mesh,
        compiler_params=pltpu.CompilerParams(needs_layout_passes=False),
        scratch_types=[
            pltpu.VMEM((num_species * OUT_DIM,), jnp.float32),
            pltpu.VMEM((_MAX_N * _CHUNK,), jnp.int32),
            [pltpu.VMEM((_CHUNK * OUT_DIM,), jnp.float32)
             for _ in range(_NBUF)],
            [pltpu.SemaphoreType.DMA for _ in range(_NBUF)],
        ],
    )(node_species, p_flat)


def kernel(node_species, embed_table, W):
    p = _project(embed_table, W)
    out_flat = _gather(node_species.astype(jnp.int32),
                       p.reshape(-1), embed_table.shape[0])
    return out_flat.reshape(NUM_NODES, OUT_DIM)

# --- scband reference (transcript-rebuilt; emitter-appended) ---
"""Pipeline reference for scband-linear-node-embedding-layer-29850022707546 (READ-ONLY COPY).

The authoritative reference and input builder live on the scoring server;
editing this copy changes nothing except your own understanding.
"""

import jax, jax.numpy as jnp
import numpy as np

NUM_NODES = 100000
NUM_SPECIES = 64
EMBED_DIM = 128
OUT_DIM = 128  # '128x0e' filtered to scalar irreps -> dim 128


def setup_inputs(seed: int = 0) -> dict:
    key = jax.random.key(seed)
    k1, k2, k3 = jax.random.split(key, 3)
    node_species = jax.random.randint(k1, (NUM_NODES,), 0, NUM_SPECIES, dtype=jnp.int64 if jax.config.jax_enable_x64 else jnp.int32)
    # hk.Embed default init: truncated normal, std=1.0
    embed_table = jax.random.normal(k2, (NUM_SPECIES, EMBED_DIM), dtype=jnp.float32)
    # hk.Linear(with_bias=False) default init: truncated normal with stddev 1/sqrt(fan_in)
    W = jax.random.normal(k3, (EMBED_DIM, OUT_DIM), dtype=jnp.float32) / np.sqrt(EMBED_DIM)
    return {"node_species": node_species, "embed_table": embed_table, "W": W}


def reference(node_species, embed_table, W):
    # embedding lookup (gather)
    embedding = jnp.take(embed_table, node_species, axis=0)
    # linear projection to irreps_out.dim (no bias)
    out = embedding @ W
    # e3nn.IrrepsArray('128x0e', out) just wraps the array; return raw array
    return out

if __name__ == "__main__":
    import jax
    _d = setup_inputs()
    print(jax.jit(kernel)(*tuple(_d.values())))

</pallas_src>

<mosaic_0001>
#map = affine_map<(d0, d1) -> (0)>
module attributes {stable_mosaic.version = 14 : i64} {
  func.func @_gather_body(%arg0: i32, %arg1: i32, %arg2: memref<100000xi32, #tpu.memory_space<hbm>>, %arg3: memref<8192xf32, #tpu.memory_space<hbm>>, %arg4: memref<12800000xf32, #tpu.memory_space<hbm>>, %arg5: memref<8192xf32, #tpu.memory_space<vmem>>, %arg6: memref<3200xi32, #tpu.memory_space<vmem>>, %arg7: memref<10240xf32, #tpu.memory_space<vmem>>, %arg8: memref<10240xf32, #tpu.memory_space<vmem>>, %arg9: memref<10240xf32, #tpu.memory_space<vmem>>, %arg10: memref<10240xf32, #tpu.memory_space<vmem>>, %arg11: memref<10240xf32, #tpu.memory_space<vmem>>, %arg12: memref<10240xf32, #tpu.memory_space<vmem>>, %arg13: memref<10240xf32, #tpu.memory_space<vmem>>, %arg14: memref<10240xf32, #tpu.memory_space<vmem>>, %arg15: memref<!tpu.dma_semaphore, #tpu.memory_space<semaphore_mem>>, %arg16: memref<!tpu.dma_semaphore, #tpu.memory_space<semaphore_mem>>, %arg17: memref<!tpu.dma_semaphore, #tpu.memory_space<semaphore_mem>>, %arg18: memref<!tpu.dma_semaphore, #tpu.memory_space<semaphore_mem>>, %arg19: memref<!tpu.dma_semaphore, #tpu.memory_space<semaphore_mem>>, %arg20: memref<!tpu.dma_semaphore, #tpu.memory_space<semaphore_mem>>, %arg21: memref<!tpu.dma_semaphore, #tpu.memory_space<semaphore_mem>>, %arg22: memref<!tpu.dma_semaphore, #tpu.memory_space<semaphore_mem>>) attributes {dimension_semantics = [#tpu.dimension_semantics<core_parallel>, #tpu.dimension_semantics<subcore_parallel>], iteration_bounds = array<i64: 2, 16>, scalar_prefetch = 0 : i64, scratch_operands = 18 : i64, tpu.core_type = #tpu.core_type<sc_vector_subcore>, window_params = [{transform_indices = #map}, {transform_indices = #map}, {transform_indices = #map}]} {
    %mul3A = arith.constant 2 : i32
    %mul3A_0 = arith.muli %arg1, %mul3A : i32
    %add3A = arith.addi %mul3A_0, %arg0 : i32
    %lt3A = arith.constant 2 : i32
    %lt3A_1 = arith.cmpi slt, %add3A, %lt3A : i32
    %convert_element_type3A = arith.extui %lt3A_1 : i1 to i32
    %add3A_2 = arith.constant 39 : i32
    %add3A_3 = arith.addi %add3A_2, %convert_element_type3A : i32
    %mul3A_4 = arith.constant 39 : i32
    %mul3A_5 = arith.muli %add3A, %mul3A_4 : i32
    %min3A = arith.constant 2 : i32
    %min3A_6 = arith.minsi %add3A, %min3A : i32
    %add3A_7 = arith.addi %mul3A_5, %min3A_6 : i32
    %mul3A_8 = arith.constant 80 : i32
    %mul3A_9 = arith.muli %add3A_7, %mul3A_8 : i32
    "tpu.region"() ({
      %run_scoped3A = tpu.sem_alloc : memref<!tpu.dma_semaphore, #tpu.memory_space<semaphore_mem>>
      tpu.enqueue_dma source(%arg3 : memref<8192xf32, #tpu.memory_space<hbm>>) target(%arg5 : memref<8192xf32, #tpu.memory_space<vmem>>) target_semaphore(%run_scoped3A : memref<!tpu.dma_semaphore, #tpu.memory_space<semaphore_mem>>)
      tpu.wait_dma2 semaphore(%run_scoped3A : memref<!tpu.dma_semaphore, #tpu.memory_space<semaphore_mem>>) src(%arg3 : memref<8192xf32, #tpu.memory_space<hbm>>) dst(%arg5 : memref<8192xf32, #tpu.memory_space<vmem>>)
      tpu.yield
    }) : () -> ()
    "tpu.region"() ({
      %run_scoped3A = tpu.sem_alloc : memref<!tpu.dma_semaphore, #tpu.memory_space<semaphore_mem>>
      %dma_start3A = arith.constant 0 : i32
      %dma_start3A_268 = tpu.memref_slice %arg6[%dma_start3A] : memref<3200xi32, #tpu.memory_space<vmem>> -> memref<3120xi32, #tpu.memory_space<vmem>>
      %dma_start3A_269 = tpu.memref_slice %arg2[%mul3A_9] : memref<100000xi32, #tpu.memory_space<hbm>> -> memref<3120xi32, #tpu.memory_space<hbm>>
      %dma_start3A_270 = arith.constant 0 : i32
      %dma_start3A_271 = tpu.memref_slice %arg6[%dma_start3A_270] : memref<3200xi32, #tpu.memory_space<vmem>> -> memref<3120xi32, #tpu.memory_space<vmem>>
      %dma_start3A_272 = tpu.memref_slice %arg2[%mul3A_9] : memref<100000xi32, #tpu.memory_space<hbm>> -> memref<3120xi32, #tpu.memory_space<hbm>>
      tpu.enqueue_dma source(%dma_start3A_272 : memref<3120xi32, #tpu.memory_space<hbm>>) target(%dma_start3A_271 : memref<3120xi32, #tpu.memory_space<vmem>>) target_semaphore(%run_scoped3A : memref<!tpu.dma_semaphore, #tpu.memory_space<semaphore_mem>>)
      %dma_wait3A_273 = arith.constant 0 : i32
      %dma_wait3A_274 = tpu.memref_slice %arg6[%dma_wait3A_273] : memref<3200xi32, #tpu.memory_space<vmem>> -> memref<3120xi32, #tpu.memory_space<vmem>>
      %dma_wait3A_275 = tpu.memref_slice %arg2[%mul3A_9] : memref<100000xi32, #tpu.memory_space<hbm>> -> memref<3120xi32, #tpu.memory_space<hbm>>
      %dma_wait3A_276 = arith.constant 0 : i32
      %dma_wait3A_277 = tpu.memref_slice %arg6[%dma_wait3A_276] : memref<3200xi32, #tpu.memory_space<vmem>> -> memref<3120xi32, #tpu.memory_space<vmem>>
      %dma_wait3A_278 = tpu.memref_slice %arg2[%mul3A_9] : memref<100000xi32, #tpu.memory_space<hbm>> -> memref<3120xi32, #tpu.memory_space<hbm>>
      tpu.wait_dma2 semaphore(%run_scoped3A : memref<!tpu.dma_semaphore, #tpu.memory_space<semaphore_mem>>) src(%dma_wait3A_278 : memref<3120xi32, #tpu.memory_space<hbm>>) dst(%dma_wait3A_277 : memref<3120xi32, #tpu.memory_space<vmem>>)
      tpu.yield
    }) : () -> ()
    %gt3A = arith.constant 39 : i32
    %gt3A_10 = arith.cmpi sgt, %add3A_3, %gt3A : i32
    %convert_element_type3A_11 = arith.extui %gt3A_10 : i1 to i32
    %cond3A = arith.constant 0 : i32
    %cond3A_12 = arith.cmpi ne, %convert_element_type3A_11, %cond3A : i32
    scf.if %cond3A_12 {
      %add3A_268 = arith.constant 3120 : i32
      %add3A_269 = arith.addi %mul3A_9, %add3A_268 : i32
      "tpu.region"() ({
        %run_scoped3A = tpu.sem_alloc : memref<!tpu.dma_semaphore, #tpu.memory_space<semaphore_mem>>
        %dma_start3A = arith.constant 3120 : i32
        %dma_start3A_270 = tpu.memref_slice %arg6[%dma_start3A] : memref<3200xi32, #tpu.memory_space<vmem>> -> memref<80xi32, #tpu.memory_space<vmem>>
        %dma_start3A_271 = tpu.memref_slice %arg2[%add3A_269] : memref<100000xi32, #tpu.memory_space<hbm>> -> memref<80xi32, #tpu.memory_space<hbm>>
        %dma_start3A_272 = arith.constant 3120 : i32
        %dma_start3A_273 = tpu.memref_slice %arg6[%dma_start3A_272] : memref<3200xi32, #tpu.memory_space<vmem>> -> memref<80xi32, #tpu.memory_space<vmem>>
        %dma_start3A_274 = tpu.memref_slice %arg2[%add3A_269] : memref<100000xi32, #tpu.memory_space<hbm>> -> memref<80xi32, #tpu.memory_space<hbm>>
        tpu.enqueue_dma source(%dma_start3A_274 : memref<80xi32, #tpu.memory_space<hbm>>) target(%dma_start3A_273 : memref<80xi32, #tpu.memory_space<vmem>>) target_semaphore(%run_scoped3A : memref<!tpu.dma_semaphore, #tpu.memory_space<semaphore_mem>>)
        %dma_wait3A_275 = arith.constant 3120 : i32
        %dma_wait3A_276 = tpu.memref_slice %arg6[%dma_wait3A_275] : memref<3200xi32, #tpu.memory_space<vmem>> -> memref<80xi32, #tpu.memory_space<vmem>>
        %dma_wait3A_277 = tpu.memref_slice %arg2[%add3A_269] : memref<100000xi32, #tpu.memory_space<hbm>> -> memref<80xi32, #tpu.memory_space<hbm>>
        %dma_wait3A_278 = arith.constant 3120 : i32
        %dma_wait3A_279 = tpu.memref_slice %arg6[%dma_wait3A_278] : memref<3200xi32, #tpu.memory_space<vmem>> -> memref<80xi32, #tpu.memory_space<vmem>>
        %dma_wait3A_280 = tpu.memref_slice %arg2[%add3A_269] : memref<100000xi32, #tpu.memory_space<hbm>> -> memref<80xi32, #tpu.memory_space<hbm>>
        tpu.wait_dma2 semaphore(%run_scoped3A : memref<!tpu.dma_semaphore, #tpu.memory_space<semaphore_mem>>) src(%dma_wait3A_280 : memref<80xi32, #tpu.memory_space<hbm>>) dst(%dma_wait3A_279 : memref<80xi32, #tpu.memory_space<vmem>>)
        tpu.yield
      }) : () -> ()
    } else {
    }
    %iota3A = tpu.iota {dimensions = array<i32: 0>} : vector<16xi32>
    %add3A_13 = arith.constant 0 : i32
    %add3A_14 = vector.broadcast %add3A_13 : i32 to vector<16xi32>
    %add3A_15 = arith.addi %add3A_14, %iota3A : vector<16xi32>
    %add3A_16 = arith.constant 16 : i32
    %add3A_17 = vector.broadcast %add3A_16 : i32 to vector<16xi32>
    %add3A_18 = arith.addi %add3A_17, %iota3A : vector<16xi32>
    %add3A_19 = arith.constant 32 : i32
    %add3A_20 = vector.broadcast %add3A_19 : i32 to vector<16xi32>
    %add3A_21 = arith.addi %add3A_20, %iota3A : vector<16xi32>
    %add3A_22 = arith.constant 48 : i32
    %add3A_23 = vector.broadcast %add3A_22 : i32 to vector<16xi32>
    %add3A_24 = arith.addi %add3A_23, %iota3A : vector<16xi32>
    %add3A_25 = arith.constant 64 : i32
    %add3A_26 = vector.broadcast %add3A_25 : i32 to vector<16xi32>
    %add3A_27 = arith.addi %add3A_26, %iota3A : vector<16xi32>
    %add3A_28 = arith.constant 80 : i32
    %add3A_29 = vector.broadcast %add3A_28 : i32 to vector<16xi32>
    %add3A_30 = arith.addi %add3A_29, %iota3A : vector<16xi32>
    %add3A_31 = arith.constant 96 : i32
    %add3A_32 = vector.broadcast %add3A_31 : i32 to vector<16xi32>
    %add3A_33 = arith.addi %add3A_32, %iota3A : vector<16xi32>
    %add3A_34 = arith.constant 112 : i32
    %add3A_35 = vector.broadcast %add3A_34 : i32 to vector<16xi32>
    %add3A_36 = arith.addi %add3A_35, %iota3A : vector<16xi32>
    %gt3A_37 = arith.constant 0 : i32
    %gt3A_38 = arith.cmpi sgt, %add3A_3, %gt3A_37 : i32
    %convert_element_type3A_39 = arith.extui %gt3A_38 : i1 to i32
    %cond3A_40 = arith.constant 0 : i32
    %cond3A_41 = arith.cmpi ne, %convert_element_type3A_39, %cond3A_40 : i32
    scf.if %cond3A_41 {
      %scan3A = arith.constant 0 : i32
      %scan3A_268 = arith.constant 0 : i32
      %scan3A_269 = arith.constant 5 : i32
      %scan3A_270 = arith.addi %scan3A_268, %scan3A_269 : i32
      %scan3A_271 = arith.constant 1 : i32
      scf.for %scan3A_278 = %scan3A_268 to %scan3A_270 step %scan3A_271  : i32 {
        %mul3A_279 = arith.constant 16 : i32
        %mul3A_280 = arith.muli %scan3A_278, %mul3A_279 : i32
        %add3A_281 = arith.constant 0 : i32
        %add3A_282 = arith.addi %add3A_281, %mul3A_280 : i32
        %get3A = arith.index_cast %add3A_282 : i32 to index
        %get3A_283 = tpu.vector_load %arg6[%get3A] {strides = array<i32>} : memref<3200xi32, #tpu.memory_space<vmem>>, vector<16xi32>,
        %mul3A_284 = arith.constant 128 : i32
        %mul3A_285 = vector.broadcast %mul3A_284 : i32 to vector<16xi32>
        %mul3A_286 = arith.muli %get3A_283, %mul3A_285 : vector<16xi32>
        %mul3A_287 = arith.constant 16 : i32
        %mul3A_288 = arith.muli %scan3A_278, %mul3A_287 : i32
        %add3A_289 = vector.broadcast %mul3A_288 : i32 to vector<16xi32>
        %add3A_290 = arith.addi %add3A_289, %iota3A : vector<16xi32>
        %mul3A_291 = arith.constant 128 : i32
        %mul3A_292 = vector.broadcast %mul3A_291 : i32 to vector<16xi32>
        %mul3A_293 = arith.muli %add3A_290, %mul3A_292 : vector<16xi32>
        %add3A_294 = arith.addi %mul3A_286, %add3A_15 : vector<16xi32>
        %gather3A = tpu.vector_load_idx %arg5[%add3A_294] : memref<8192xf32, #tpu.memory_space<vmem>>[vector<16xi32>], vector<16xf32>,
        %add3A_295 = arith.addi %mul3A_293, %add3A_15 : vector<16xi32>
        tpu.vector_store_idx %arg7[%add3A_295], %gather3A : memref<10240xf32, #tpu.memory_space<vmem>>[vector<16xi32>], vector<16xf32>,
        %add3A_296 = arith.addi %mul3A_286, %add3A_18 : vector<16xi32>
        %gather3A_297 = tpu.vector_load_idx %arg5[%add3A_296] : memref<8192xf32, #tpu.memory_space<vmem>>[vector<16xi32>], vector<16xf32>,
        %add3A_298 = arith.addi %mul3A_293, %add3A_18 : vector<16xi32>
        tpu.vector_store_idx %arg7[%add3A_298], %gather3A_297 : memref<10240xf32, #tpu.memory_space<vmem>>[vector<16xi32>], vector<16xf32>,
        %add3A_299 = arith.addi %mul3A_286, %add3A_21 : vector<16xi32>
        %gather3A_300 = tpu.vector_load_idx %arg5[%add3A_299] : memref<8192xf32, #tpu.memory_space<vmem>>[vector<16xi32>], vector<16xf32>,
        %add3A_301 = arith.addi %mul3A_293, %add3A_21 : vector<16xi32>
        tpu.vector_store_idx %arg7[%add3A_301], %gather3A_300 : memref<10240xf32, #tpu.memory_space<vmem>>[vector<16xi32>], vector<16xf32>,
        %add3A_302 = arith.addi %mul3A_286, %add3A_24 : vector<16xi32>
        %gather3A_303 = tpu.vector_load_idx %arg5[%add3A_302] : memref<8192xf32, #tpu.memory_space<vmem>>[vector<16xi32>], vector<16xf32>,
        %add3A_304 = arith.addi %mul3A_293, %add3A_24 : vector<16xi32>
        tpu.vector_store_idx %arg7[%add3A_304], %gather3A_303 : memref<10240xf32, #tpu.memory_space<vmem>>[vector<16xi32>], vector<16xf32>,
        %add3A_305 = arith.addi %mul3A_286, %add3A_27 : vector<16xi32>
        %gather3A_306 = tpu.vector_load_idx %arg5[%add3A_305] : memref<8192xf32, #tpu.memory_space<vmem>>[vector<16xi32>], vector<16xf32>,
        %add3A_307 = arith.addi %mul3A_293, %add3A_27 : vector<16xi32>
        tpu.vector_store_idx %arg7[%add3A_307], %gather3A_306 : memref<10240xf32, #tpu.memory_space<vmem>>[vector<16xi32>], vector<16xf32>,
        %add3A_308 = arith.addi %mul3A_286, %add3A_30 : vector<16xi32>
        %gather3A_309 = tpu.vector_load_idx %arg5[%add3A_308] : memref<8192xf32, #tpu.memory_space<vmem>>[vector<16xi32>], vector<16xf32>,
        %add3A_310 = arith.addi %mul3A_293, %add3A_30 : vector<16xi32>
        tpu.vector_store_idx %arg7[%add3A_310], %gather3A_309 : memref<10240xf32, #tpu.memory_space<vmem>>[vector<16xi32>], vector<16xf32>,
        %add3A_311 = arith.addi %mul3A_286, %add3A_33 : vector<16xi32>
        %gather3A_312 = tpu.vector_load_idx %arg5[%add3A_311] : memref<8192xf32, #tpu.memory_space<vmem>>[vector<16xi32>], vector<16xf32>,
        %add3A_313 = arith.addi %mul3A_293, %add3A_33 : vector<16xi32>
        tpu.vector_store_idx %arg7[%add3A_313], %gather3A_312 : memref<10240xf32, #tpu.memory_space<vmem>>[vector<16xi32>], vector<16xf32>,
        %add3A_314 = arith.addi %mul3A_286, %add3A_36 : vector<16xi32>
        %gather3A_315 = tpu.vector_load_idx %arg5[%add3A_314] : memref<8192xf32, #tpu.memory_space<vmem>>[vector<16xi32>], vector<16xf32>,
        %add3A_316 = arith.addi %mul3A_293, %add3A_36 : vector<16xi32>
        tpu.vector_store_idx %arg7[%add3A_316], %gather3A_315 : memref<10240xf32, #tpu.memory_space<vmem>>[vector<16xi32>], vector<16xf32>,
      }
      %scan3A_272 = arith.constant 5 : i32
      %add3A_273 = arith.constant 0 : i32
      %add3A_274 = arith.addi %mul3A_9, %add3A_273 : i32
      %mul3A_275 = arith.constant 128 : i32
      %mul3A_276 = arith.muli %add3A_274, %mul3A_275 : i32
      %dma_start3A = tpu.memref_slice %arg4[%mul3A_276] : memref<12800000xf32, #tpu.memory_space<hbm>> -> memref<10240xf32, #tpu.memory_space<hbm>>
      %dma_start3A_277 = tpu.memref_slice %arg4[%mul3A_276] : memref<12800000xf32, #tpu.memory_space<hbm>> -> memref<10240xf32, #tpu.memory_space<hbm>>
      tpu.enqueue_dma source(%arg7 : memref<10240xf32, #tpu.memory_space<vmem>>) target(%dma_start3A_277 : memref<10240xf32, #tpu.memory_space<hbm>>) target_semaphore(%arg15 : memref<!tpu.dma_semaphore, #tpu.memory_space<semaphore_mem>>)
    } else {
    }
    %gt3A_42 = arith.constant 1 : i32
    %gt3A_43 = arith.cmpi sgt, %add3A_3, %gt3A_42 : i32
    %convert_element_type3A_44 = arith.extui %gt3A_43 : i1 to i32
    %cond3A_45 = arith.constant 0 : i32
    %cond3A_46 = arith.cmpi ne, %convert_element_type3A_44, %cond3A_45 : i32
    scf.if %cond3A_46 {
      %scan3A = arith.constant 0 : i32
      %scan3A_268 = arith.constant 0 : i32
      %scan3A_269 = arith.constant 5 : i32
      %scan3A_270 = arith.addi %scan3A_268, %scan3A_269 : i32
      %scan3A_271 = arith.constant 1 : i32
      scf.for %scan3A_278 = %scan3A_268 to %scan3A_270 step %scan3A_271  : i32 {
        %mul3A_279 = arith.constant 16 : i32
        %mul3A_280 = arith.muli %scan3A_278, %mul3A_279 : i32
        %add3A_281 = arith.constant 80 : i32
        %add3A_282 = arith.addi %add3A_281, %mul3A_280 : i32
        %get3A = arith.index_cast %add3A_282 : i32 to index
        %get3A_283 = tpu.vector_load %arg6[%get3A] {strides = array<i32>} : memref<3200xi32, #tpu.memory_space<vmem>>, vector<16xi32>,
        %mul3A_284 = arith.constant 128 : i32
        %mul3A_285 = vector.broadcast %mul3A_284 : i32 to vector<16xi32>
        %mul3A_286 = arith.muli %get3A_283, %mul3A_285 : vector<16xi32>
        %mul3A_287 = arith.constant 16 : i32
        %mul3A_288 = arith.muli %scan3A_278, %mul3A_287 : i32
        %add3A_289 = vector.broadcast %mul3A_288 : i32 to vector<16xi32>
        %add3A_290 = arith.addi %add3A_289, %iota3A : vector<16xi32>
        %mul3A_291 = arith.constant 128 : i32
        %mul3A_292 = vector.broadcast %mul3A_291 : i32 to vector<16xi32>
        %mul3A_293 = arith.muli %add3A_290, %mul3A_292 : vector<16xi32>
        %add3A_294 = arith.addi %mul3A_286, %add3A_15 : vector<16xi32>
        %gather3A = tpu.vector_load_idx %arg5[%add3A_294] : memref<8192xf32, #tpu.memory_space<vmem>>[vector<16xi32>], vector<16xf32>,
        %add3A_295 = arith.addi %mul3A_293, %add3A_15 : vector<16xi32>
        tpu.vector_store_idx %arg8[%add3A_295], %gather3A : memref<10240xf32, #tpu.memory_space<vmem>>[vector<16xi32>], vector<16xf32>,
        %add3A_296 = arith.addi %mul3A_286, %add3A_18 : vector<16xi32>
        %gather3A_297 = tpu.vector_load_idx %arg5[%add3A_296] : memref<8192xf32, #tpu.memory_space<vmem>>[vector<16xi32>], vector<16xf32>,
        %add3A_298 = arith.addi %mul3A_293, %add3A_18 : vector<16xi32>
        tpu.vector_store_idx %arg8[%add3A_298], %gather3A_297 : memref<10240xf32, #tpu.memory_space<vmem>>[vector<16xi32>], vector<16xf32>,
        %add3A_299 = arith.addi %mul3A_286, %add3A_21 : vector<16xi32>
        %gather3A_300 = tpu.vector_load_idx %arg5[%add3A_299] : memref<8192xf32, #tpu.memory_space<vmem>>[vector<16xi32>], vector<16xf32>,
        %add3A_301 = arith.addi %mul3A_293, %add3A_21 : vector<16xi32>
        tpu.vector_store_idx %arg8[%add3A_301], %gather3A_300 : memref<10240xf32, #tpu.memory_space<vmem>>[vector<16xi32>], vector<16xf32>,
        %add3A_302 = arith.addi %mul3A_286, %add3A_24 : vector<16xi32>
        %gather3A_303 = tpu.vector_load_idx %arg5[%add3A_302] : memref<8192xf32, #tpu.memory_space<vmem>>[vector<16xi32>], vector<16xf32>,
        %add3A_304 = arith.addi %mul3A_293, %add3A_24 : vector<16xi32>
        tpu.vector_store_idx %arg8[%add3A_304], %gather3A_303 : memref<10240xf32, #tpu.memory_space<vmem>>[vector<16xi32>], vector<16xf32>,
        %add3A_305 = arith.addi %mul3A_286, %add3A_27 : vector<16xi32>
        %gather3A_306 = tpu.vector_load_idx %arg5[%add3A_305] : memref<8192xf32, #tpu.memory_space<vmem>>[vector<16xi32>], vector<16xf32>,
        %add3A_307 = arith.addi %mul3A_293, %add3A_27 : vector<16xi32>
        tpu.vector_store_idx %arg8[%add3A_307], %gather3A_306 : memref<10240xf32, #tpu.memory_space<vmem>>[vector<16xi32>], vector<16xf32>,
        %add3A_308 = arith.addi %mul3A_286, %add3A_30 : vector<16xi32>
        %gather3A_309 = tpu.vector_load_idx %arg5[%add3A_308] : memref<8192xf32, #tpu.memory_space<vmem>>[vector<16xi32>], vector<16xf32>,
        %add3A_310 = arith.addi %mul3A_293, %add3A_30 : vector<16xi32>
        tpu.vector_store_idx %arg8[%add3A_310], %gather3A_309 : memref<10240xf32, #tpu.memory_space<vmem>>[vector<16xi32>], vector<16xf32>,
        %add3A_311 = arith.addi %mul3A_286, %add3A_33 : vector<16xi32>
        %gather3A_312 = tpu.vector_load_idx %arg5[%add3A_311] : memref<8192xf32, #tpu.memory_space<vmem>>[vector<16xi32>], vector<16xf32>,
        %add3A_313 = arith.addi %mul3A_293, %add3A_33 : vector<16xi32>
        tpu.vector_store_idx %arg8[%add3A_313], %gather3A_312 : memref<10240xf32, #tpu.memory_space<vmem>>[vector<16xi32>], vector<16xf32>,
        %add3A_314 = arith.addi %mul3A_286, %add3A_36 : vector<16xi32>
        %gather3A_315 = tpu.vector_load_idx %arg5[%add3A_314] : memref<8192xf32, #tpu.memory_space<vmem>>[vector<16xi32>], vector<16xf32>,
        %add3A_316 = arith.addi %mul3A_293, %add3A_36 : vector<16xi32>
        tpu.vector_store_idx %arg8[%add3A_316], %gather3A_315 : memref<10240xf32, #tpu.memory_space<vmem>>[vector<16xi32>], vector<16xf32>,
      }
      %scan3A_272 = arith.constant 5 : i32
      %add3A_273 = arith.constant 80 : i32
      %add3A_274 = arith.addi %mul3A_9, %add3A_273 : i32
      %mul3A_275 = arith.constant 128 : i32
      %mul3A_276 = arith.muli %add3A_274, %mul3A_275 : i32
      %dma_start3A = tpu.memref_slice %arg4[%mul3A_276] : memref<12800000xf32, #tpu.memory_space<hbm>> -> memref<10240xf32, #tpu.memory_space<hbm>>
      %dma_start3A_277 = tpu.memref_slice %arg4[%mul3A_276] : memref<12800000xf32, #tpu.memory_space<hbm>> -> memref<10240xf32, #tpu.memory_space<hbm>>
      tpu.enqueue_dma source(%arg8 : memref<10240xf32, #tpu.memory_space<vmem>>) target(%dma_start3A_277 : memref<10240xf32, #tpu.memory_space<hbm>>) target_semaphore(%arg16 : memref<!tpu.dma_semaphore, #tpu.memory_space<semaphore_mem>>)
    } else {
    }
    %gt3A_47 = arith.constant 2 : i32
    %gt3A_48 = arith.cmpi sgt, %add3A_3, %gt3A_47 : i32
    %convert_element_type3A_49 = arith.extui %gt3A_48 : i1 to i32
    %cond3A_50 = arith.constant 0 : i32
    %cond3A_51 = arith.cmpi ne, %convert_element_type3A_49, %cond3A_50 : i32
    scf.if %cond3A_51 {
      %scan3A = arith.constant 0 : i32
      %scan3A_268 = arith.constant 0 : i32
      %scan3A_269 = arith.constant 5 : i32
      %scan3A_270 = arith.addi %scan3A_268, %scan3A_269 : i32
      %scan3A_271 = arith.constant 1 : i32
      scf.for %scan3A_278 = %scan3A_268 to %scan3A_270 step %scan3A_271  : i32 {
        %mul3A_279 = arith.constant 16 : i32
        %mul3A_280 = arith.muli %scan3A_278, %mul3A_279 : i32
        %add3A_281 = arith.constant 160 : i32
        %add3A_282 = arith.addi %add3A_281, %mul3A_280 : i32
        %get3A = arith.index_cast %add3A_282 : i32 to index
        %get3A_283 = tpu.vector_load %arg6[%get3A] {strides = array<i32>} : memref<3200xi32, #tpu.memory_space<vmem>>, vector<16xi32>,
        %mul3A_284 = arith.constant 128 : i32
        %mul3A_285 = vector.broadcast %mul3A_284 : i32 to vector<16xi32>
        %mul3A_286 = arith.muli %get3A_283, %mul3A_285 : vector<16xi32>
        %mul3A_287 = arith.constant 16 : i32
        %mul3A_288 = arith.muli %scan3A_278, %mul3A_287 : i32
        %add3A_289 = vector.broadcast %mul3A_288 : i32 to vector<16xi32>
        %add3A_290 = arith.addi %add3A_289, %iota3A : vector<16xi32>
        %mul3A_291 = arith.constant 128 : i32
        %mul3A_292 = vector.broadcast %mul3A_291 : i32 to vector<16xi32>
        %mul3A_293 = arith.muli %add3A_290, %mul3A_292 : vector<16xi32>
        %add3A_294 = arith.addi %mul3A_286, %add3A_15 : vector<16xi32>
        %gather3A = tpu.vector_load_idx %arg5[%add3A_294] : memref<8192xf32, #tpu.memory_space<vmem>>[vector<16xi32>], vector<16xf32>,
        %add3A_295 = arith.addi %mul3A_293, %add3A_15 : vector<16xi32>
        tpu.vector_store_idx %arg9[%add3A_295], %gather3A : memref<10240xf32, #tpu.memory_space<vmem>>[vector<16xi32>], vector<16xf32>,
        %add3A_296 = arith.addi %mul3A_286, %add3A_18 : vector<16xi32>
        %gather3A_297 = tpu.vector_load_idx %arg5[%add3A_296] : memref<8192xf32, #tpu.memory_space<vmem>>[vector<16xi32>], vector<16xf32>,
        %add3A_298 = arith.addi %mul3A_293, %add3A_18 : vector<16xi32>
        tpu.vector_store_idx %arg9[%add3A_298], %gather3A_297 : memref<10240xf32, #tpu.memory_space<vmem>>[vector<16xi32>], vector<16xf32>,
        %add3A_299 = arith.addi %mul3A_286, %add3A_21 : vector<16xi32>
        %gather3A_300 = tpu.vector_load_idx %arg5[%add3A_299] : memref<8192xf32, #tpu.memory_space<vmem>>[vector<16xi32>], vector<16xf32>,
        %add3A_301 = arith.addi %mul3A_293, %add3A_21 : vector<16xi32>
        tpu.vector_store_idx %arg9[%add3A_301], %gather3A_300 : memref<10240xf32, #tpu.memory_space<vmem>>[vector<16xi32>], vector<16xf32>,
        %add3A_302 = arith.addi %mul3A_286, %add3A_24 : vector<16xi32>
        %gather3A_303 = tpu.vector_load_idx %arg5[%add3A_302] : memref<8192xf32, #tpu.memory_space<vmem>>[vector<16xi32>], vector<16xf32>,
        %add3A_304 = arith.addi %mul3A_293, %add3A_24 : vector<16xi32>
        tpu.vector_store_idx %arg9[%add3A_304], %gather3A_303 : memref<10240xf32, #tpu.memory_space<vmem>>[vector<16xi32>], vector<16xf32>,
        %add3A_305 = arith.addi %mul3A_286, %add3A_27 : vector<16xi32>
        %gather3A_306 = tpu.vector_load_idx %arg5[%add3A_305] : memref<8192xf32, #tpu.memory_space<vmem>>[vector<16xi32>], vector<16xf32>,
        %add3A_307 = arith.addi %mul3A_293, %add3A_27 : vector<16xi32>
        tpu.vector_store_idx %arg9[%add3A_307], %gather3A_306 : memref<10240xf32, #tpu.memory_space<vmem>>[vector<16xi32>], vector<16xf32>,
        %add3A_308 = arith.addi %mul3A_286, %add3A_30 : vector<16xi32>
        %gather3A_309 = tpu.vector_load_idx %arg5[%add3A_308] : memref<8192xf32, #tpu.memory_space<vmem>>[vector<16xi32>], vector<16xf32>,
        %add3A_310 = arith.addi %mul3A_293, %add3A_30 : vector<16xi32>
        tpu.vector_store_idx %arg9[%add3A_310], %gather3A_309 : memref<10240xf32, #tpu.memory_space<vmem>>[vector<16xi32>], vector<16xf32>,
        %add3A_311 = arith.addi %mul3A_286, %add3A_33 : vector<16xi32>
        %gather3A_312 = tpu.vector_load_idx %arg5[%add3A_311] : memref<8192xf32, #tpu.memory_space<vmem>>[vector<16xi32>], vector<16xf32>,
        %add3A_313 = arith.addi %mul3A_293, %add3A_33 : vector<16xi32>
        tpu.vector_store_idx %arg9[%add3A_313], %gather3A_312 : memref<10240xf32, #tpu.memory_space<vmem>>[vector<16xi32>], vector<16xf32>,
        %add3A_314 = arith.addi %mul3A_286, %add3A_36 : vector<16xi32>
        %gather3A_315 = tpu.vector_load_idx %arg5[%add3A_314] : memref<8192xf32, #tpu.memory_space<vmem>>[vector<16xi32>], vector<16xf32>,
        %add3A_316 = arith.addi %mul3A_293, %add3A_36 : vector<16xi32>
        tpu.vector_store_idx %arg9[%add3A_316], %gather3A_315 : memref<10240xf32, #tpu.memory_space<vmem>>[vector<16xi32>], vector<16xf32>,
      }
      %scan3A_272 = arith.constant 5 : i32
      %add3A_273 = arith.constant 160 : i32
      %add3A_274 = arith.addi %mul3A_9, %add3A_273 : i32
      %mul3A_275 = arith.constant 128 : i32
      %mul3A_276 = arith.muli %add3A_274, %mul3A_275 : i32
      %dma_start3A = tpu.memref_slice %arg4[%mul3A_276] : memref<12800000xf32, #tpu.memory_space<hbm>> -> memref<10240xf32, #tpu.memory_space<hbm>>
      %dma_start3A_277 = tpu.memref_slice %arg4[%mul3A_276] : memref<12800000xf32, #tpu.memory_space<hbm>> -> memref<10240xf32, #tpu.memory_space<hbm>>
      tpu.enqueue_dma source(%arg9 : memref<10240xf32, #tpu.memory_space<vmem>>) target(%dma_start3A_277 : memref<10240xf32, #tpu.memory_space<hbm>>) target_semaphore(%arg17 : memref<!tpu.dma_semaphore, #tpu.memory_space<semaphore_mem>>)
    } else {
    }
    %gt3A_52 = arith.constant 3 : i32
    %gt3A_53 = arith.cmpi sgt, %add3A_3, %gt3A_52 : i32
    %convert_element_type3A_54 = arith.extui %gt3A_53 : i1 to i32
    %cond3A_55 = arith.constant 0 : i32
    %cond3A_56 = arith.cmpi ne, %convert_element_type3A_54, %cond3A_55 : i32
    scf.if %cond3A_56 {
      %scan3A = arith.constant 0 : i32
      %scan3A_268 = arith.constant 0 : i32
      %scan3A_269 = arith.constant 5 : i32
      %scan3A_270 = arith.addi %scan3A_268, %scan3A_269 : i32
      %scan3A_271 = arith.constant 1 : i32
      scf.for %scan3A_278 = %scan3A_268 to %scan3A_270 step %scan3A_271  : i32 {
        %mul3A_279 = arith.constant 16 : i32
        %mul3A_280 = arith.muli %scan3A_278, %mul3A_279 : i32
        %add3A_281 = arith.constant 240 : i32
        %add3A_282 = arith.addi %add3A_281, %mul3A_280 : i32
        %get3A = arith.index_cast %add3A_282 : i32 to index
        %get3A_283 = tpu.vector_load %arg6[%get3A] {strides = array<i32>} : memref<3200xi32, #tpu.memory_space<vmem>>, vector<16xi32>,
        %mul3A_284 = arith.constant 128 : i32
        %mul3A_285 = vector.broadcast %mul3A_284 : i32 to vector<16xi32>
        %mul3A_286 = arith.muli %get3A_283, %mul3A_285 : vector<16xi32>
        %mul3A_287 = arith.constant 16 : i32
        %mul3A_288 = arith.muli %scan3A_278, %mul3A_287 : i32
        %add3A_289 = vector.broadcast %mul3A_288 : i32 to vector<16xi32>
        %add3A_290 = arith.addi %add3A_289, %iota3A : vector<16xi32>
        %mul3A_291 = arith.constant 128 : i32
        %mul3A_292 = vector.broadcast %mul3A_291 : i32 to vector<16xi32>
        %mul3A_293 = arith.muli %add3A_290, %mul3A_292 : vector<16xi32>
        %add3A_294 = arith.addi %mul3A_286, %add3A_15 : vector<16xi32>
        %gather3A = tpu.vector_load_idx %arg5[%add3A_294] : memref<8192xf32, #tpu.memory_space<vmem>>[vector<16xi32>], vector<16xf32>,
        %add3A_295 = arith.addi %mul3A_293, %add3A_15 : vector<16xi32>
        tpu.vector_store_idx %arg10[%add3A_295], %gather3A : memref<10240xf32, #tpu.memory_space<vmem>>[vector<16xi32>], vector<16xf32>,
        %add3A_296 = arith.addi %mul3A_286, %add3A_18 : vector<16xi32>
        %gather3A_297 = tpu.vector_load_idx %arg5[%add3A_296] : memref<8192xf32, #tpu.memory_space<vmem>>[vector<16xi32>], vector<16xf32>,
        %add3A_298 = arith.addi %mul3A_293, %add3A_18 : vector<16xi32>
        tpu.vector_store_idx %arg10[%add3A_298], %gather3A_297 : memref<10240xf32, #tpu.memory_space<vmem>>[vector<16xi32>], vector<16xf32>,
        %add3A_299 = arith.addi %mul3A_286, %add3A_21 : vector<16xi32>
        %gather3A_300 = tpu.vector_load_idx %arg5[%add3A_299] : memref<8192xf32, #tpu.memory_space<vmem>>[vector<16xi32>], vector<16xf32>,
        %add3A_301 = arith.addi %mul3A_293, %add3A_21 : vector<16xi32>
        tpu.vector_store_idx %arg10[%add3A_301], %gather3A_300 : memref<10240xf32, #tpu.memory_space<vmem>>[vector<16xi32>], vector<16xf32>,
        %add3A_302 = arith.addi %mul3A_286, %add3A_24 : vector<16xi32>
        %gather3A_303 = tpu.vector_load_idx %arg5[%add3A_302] : memref<8192xf32, #tpu.memory_space<vmem>>[vector<16xi32>], vector<16xf32>,
        %add3A_304 = arith.addi %mul3A_293, %add3A_24 : vector<16xi32>
        tpu.vector_store_idx %arg10[%add3A_304], %gather3A_303 : memref<10240xf32, #tpu.memory_space<vmem>>[vector<16xi32>], vector<16xf32>,
        %add3A_305 = arith.addi %mul3A_286, %add3A_27 : vector<16xi32>
        %gather3A_306 = tpu.vector_load_idx %arg5[%add3A_305] : memref<8192xf32, #tpu.memory_space<vmem>>[vector<16xi32>], vector<16xf32>,
        %add3A_307 = arith.addi %mul3A_293, %add3A_27 : vector<16xi32>
        tpu.vector_store_idx %arg10[%add3A_307], %gather3A_306 : memref<10240xf32, #tpu.memory_space<vmem>>[vector<16xi32>], vector<16xf32>,
        %add3A_308 = arith.addi %mul3A_286, %add3A_30 : vector<16xi32>
        %gather3A_309 = tpu.vector_load_idx %arg5[%add3A_308] : memref<8192xf32, #tpu.memory_space<vmem>>[vector<16xi32>], vector<16xf32>,
        %add3A_310 = arith.addi %mul3A_293, %add3A_30 : vector<16xi32>
        tpu.vector_store_idx %arg10[%add3A_310], %gather3A_309 : memref<10240xf32, #tpu.memory_space<vmem>>[vector<16xi32>], vector<16xf32>,
        %add3A_311 = arith.addi %mul3A_286, %add3A_33 : vector<16xi32>
        %gather3A_312 = tpu.vector_load_idx %arg5[%add3A_311] : memref<8192xf32, #tpu.memory_space<vmem>>[vector<16xi32>], vector<16xf32>,
        %add3A_313 = arith.addi %mul3A_293, %add3A_33 : vector<16xi32>
        tpu.vector_store_idx %arg10[%add3A_313], %gather3A_312 : memref<10240xf32, #tpu.memory_space<vmem>>[vector<16xi32>], vector<16xf32>,
        %add3A_314 = arith.addi %mul3A_286, %add3A_36 : vector<16xi32>
        %gather3A_315 = tpu.vector_load_idx %arg5[%add3A_314] : memref<8192xf32, #tpu.memory_space<vmem>>[vector<16xi32>], vector<16xf32>,
        %add3A_316 = arith.addi %mul3A_293, %add3A_36 : vector<16xi32>
        tpu.vector_store_idx %arg10[%add3A_316], %gather3A_315 : memref<10240xf32, #tpu.memory_space<vmem>>[vector<16xi32>], vector<16xf32>,
      }
      %scan3A_272 = arith.constant 5 : i32
      %add3A_273 = arith.constant 240 : i32
      %add3A_274 = arith.addi %mul3A_9, %add3A_273 : i32
      %mul3A_275 = arith.constant 128 : i32
      %mul3A_276 = arith.muli %add3A_274, %mul3A_275 : i32
      %dma_start3A = tpu.memref_slice %arg4[%mul3A_276] : memref<12800000xf32, #tpu.memory_space<hbm>> -> memref<10240xf32, #tpu.memory_space<hbm>>
      %dma_start3A_277 = tpu.memref_slice %arg4[%mul3A_276] : memref<12800000xf32, #tpu.memory_space<hbm>> -> memref<10240xf32, #tpu.memory_space<hbm>>
      tpu.enqueue_dma source(%arg10 : memref<10240xf32, #tpu.memory_space<vmem>>) target(%dma_start3A_277 : memref<10240xf32, #tpu.memory_space<hbm>>) target_semaphore(%arg18 : memref<!tpu.dma_semaphore, #tpu.memory_space<semaphore_mem>>)
    } else {
    }
    %gt3A_57 = arith.constant 4 : i32
    %gt3A_58 = arith.cmpi sgt, %add3A_3, %gt3A_57 : i32
    %convert_element_type3A_59 = arith.extui %gt3A_58 : i1 to i32
    %cond3A_60 = arith.constant 0 : i32
    %cond3A_61 = arith.cmpi ne, %convert_element_type3A_59, %cond3A_60 : i32
    scf.if %cond3A_61 {
      %scan3A = arith.constant 0 : i32
      %scan3A_268 = arith.constant 0 : i32
      %scan3A_269 = arith.constant 5 : i32
      %scan3A_270 = arith.addi %scan3A_268, %scan3A_269 : i32
      %scan3A_271 = arith.constant 1 : i32
      scf.for %scan3A_278 = %scan3A_268 to %scan3A_270 step %scan3A_271  : i32 {
        %mul3A_279 = arith.constant 16 : i32
        %mul3A_280 = arith.muli %scan3A_278, %mul3A_279 : i32
        %add3A_281 = arith.constant 320 : i32
        %add3A_282 = arith.addi %add3A_281, %mul3A_280 : i32
        %get3A = arith.index_cast %add3A_282 : i32 to index
        %get3A_283 = tpu.vector_load %arg6[%get3A] {strides = array<i32>} : memref<3200xi32, #tpu.memory_space<vmem>>, vector<16xi32>,
        %mul3A_284 = arith.constant 128 : i32
        %mul3A_285 = vector.broadcast %mul3A_284 : i32 to vector<16xi32>
        %mul3A_286 = arith.muli %get3A_283, %mul3A_285 : vector<16xi32>
        %mul3A_287 = arith.constant 16 : i32
        %mul3A_288 = arith.muli %scan3A_278, %mul3A_287 : i32
        %add3A_289 = vector.broadcast %mul3A_288 : i32 to vector<16xi32>
        %add3A_290 = arith.addi %add3A_289, %iota3A : vector<16xi32>
        %mul3A_291 = arith.constant 128 : i32
        %mul3A_292 = vector.broadcast %mul3A_291 : i32 to vector<16xi32>
        %mul3A_293 = arith.muli %add3A_290, %mul3A_292 : vector<16xi32>
        %add3A_294 = arith.addi %mul3A_286, %add3A_15 : vector<16xi32>
        %gather3A = tpu.vector_load_idx %arg5[%add3A_294] : memref<8192xf32, #tpu.memory_space<vmem>>[vector<16xi32>], vector<16xf32>,
        %add3A_295 = arith.addi %mul3A_293, %add3A_15 : vector<16xi32>
        tpu.vector_store_idx %arg11[%add3A_295], %gather3A : memref<10240xf32, #tpu.memory_space<vmem>>[vector<16xi32>], vector<16xf32>,
        %add3A_296 = arith.addi %mul3A_286, %add3A_18 : vector<16xi32>
        %gather3A_297 = tpu.vector_load_idx %arg5[%add3A_296] : memref<8192xf32, #tpu.memory_space<vmem>>[vector<16xi32>], vector<16xf32>,
        %add3A_298 = arith.addi %mul3A_293, %add3A_18 : vector<16xi32>
        tpu.vector_store_idx %arg11[%add3A_298], %gather3A_297 : memref<10240xf32, #tpu.memory_space<vmem>>[vector<16xi32>], vector<16xf32>,
        %add3A_299 = arith.addi %mul3A_286, %add3A_21 : vector<16xi32>
        %gather3A_300 = tpu.vector_load_idx %arg5[%add3A_299] : memref<8192xf32, #tpu.memory_space<vmem>>[vector<16xi32>], vector<16xf32>,
        %add3A_301 = arith.addi %mul3A_293, %add3A_21 : vector<16xi32>
        tpu.vector_store_idx %arg11[%add3A_301], %gather3A_300 : memref<10240xf32, #tpu.memory_space<vmem>>[vector<16xi32>], vector<16xf32>,
        %add3A_302 = arith.addi %mul3A_286, %add3A_24 : vector<16xi32>
        %gather3A_303 = tpu.vector_load_idx %arg5[%add3A_302] : memref<8192xf32, #tpu.memory_space<vmem>>[vector<16xi32>], vector<16xf32>,
        %add3A_304 = arith.addi %mul3A_293, %add3A_24 : vector<16xi32>
        tpu.vector_store_idx %arg11[%add3A_304], %gather3A_303 : memref<10240xf32, #tpu.memory_space<vmem>>[vector<16xi32>], vector<16xf32>,
        %add3A_305 = arith.addi %mul3A_286, %add3A_27 : vector<16xi32>
        %gather3A_306 = tpu.vector_load_idx %arg5[%add3A_305] : memref<8192xf32, #tpu.memory_space<vmem>>[vector<16xi32>], vector<16xf32>,
        %add3A_307 = arith.addi %mul3A_293, %add3A_27 : vector<16xi32>
        tpu.vector_store_idx %arg11[%add3A_307], %gather3A_306 : memref<10240xf32, #tpu.memory_space<vmem>>[vector<16xi32>], vector<16xf32>,
        %add3A_308 = arith.addi %mul3A_286, %add3A_30 : vector<16xi32>
        %gather3A_309 = tpu.vector_load_idx %arg5[%add3A_308] : memref<8192xf32, #tpu.memory_space<vmem>>[vector<16xi32>], vector<16xf32>,
        %add3A_310 = arith.addi %mul3A_293, %add3A_30 : vector<16xi32>
        tpu.vector_store_idx %arg11[%add3A_310], %gather3A_309 : memref<10240xf32, #tpu.memory_space<vmem>>[vector<16xi32>], vector<16xf32>,
        %add3A_311 = arith.addi %mul3A_286, %add3A_33 : vector<16xi32>
        %gather3A_312 = tpu.vector_load_idx %arg5[%add3A_311] : memref<8192xf32, #tpu.memory_space<vmem>>[vector<16xi32>], vector<16xf32>,
        %add3A_313 = arith.addi %mul3A_293, %add3A_33 : vector<16xi32>
        tpu.vector_store_idx %arg11[%add3A_313], %gather3A_312 : memref<10240xf32, #tpu.memory_space<vmem>>[vector<16xi32>], vector<16xf32>,
        %add3A_314 = arith.addi %mul3A_286, %add3A_36 : vector<16xi32>
        %gather3A_315 = tpu.vector_load_idx %arg5[%add3A_314] : memref<8192xf32, #tpu.memory_space<vmem>>[vector<16xi32>], vector<16xf32>,
        %add3A_316 = arith.addi %mul3A_293, %add3A_36 : vector<16xi32>
        tpu.vector_store_idx %arg11[%add3A_316], %gather3A_315 : memref<10240xf32, #tpu.memory_space<vmem>>[vector<16xi32>], vector<16xf32>,
      }
      %scan3A_272 = arith.constant 5 : i32
      %add3A_273 = arith.constant 320 : i32
      %add3A_274 = arith.addi %mul3A_9, %add3A_273 : i32
      %mul3A_275 = arith.constant 128 : i32
      %mul3A_276 = arith.muli %add3A_274, %mul3A_275 : i32
      %dma_start3A = tpu.memref_slice %arg4[%mul3A_276] : memref<12800000xf32, #tpu.memory_space<hbm>> -> memref<10240xf32, #tpu.memory_space<hbm>>
      %dma_start3A_277 = tpu.memref_slice %arg4[%mul3A_276] : memref<12800000xf32, #tpu.memory_space<hbm>> -> memref<10240xf32, #tpu.memory_space<hbm>>
      tpu.enqueue_dma source(%arg11 : memref<10240xf32, #tpu.memory_space<vmem>>) target(%dma_start3A_277 : memref<10240xf32, #tpu.memory_space<hbm>>) target_semaphore(%arg19 : memref<!tpu.dma_semaphore, #tpu.memory_space<semaphore_mem>>)
    } else {
    }
    %gt3A_62 = arith.constant 5 : i32
    %gt3A_63 = arith.cmpi sgt, %add3A_3, %gt3A_62 : i32
    %convert_element_type3A_64 = arith.extui %gt3A_63 : i1 to i32
    %cond3A_65 = arith.constant 0 : i32
    %cond3A_66 = arith.cmpi ne, %convert_element_type3A_64, %cond3A_65 : i32
    scf.if %cond3A_66 {
      %scan3A = arith.constant 0 : i32
      %scan3A_268 = arith.constant 0 : i32
      %scan3A_269 = arith.constant 5 : i32
      %scan3A_270 = arith.addi %scan3A_268, %scan3A_269 : i32
      %scan3A_271 = arith.constant 1 : i32
      scf.for %scan3A_278 = %scan3A_268 to %scan3A_270 step %scan3A_271  : i32 {
        %mul3A_279 = arith.constant 16 : i32
        %mul3A_280 = arith.muli %scan3A_278, %mul3A_279 : i32
        %add3A_281 = arith.constant 400 : i32
        %add3A_282 = arith.addi %add3A_281, %mul3A_280 : i32
        %get3A = arith.index_cast %add3A_282 : i32 to index
        %get3A_283 = tpu.vector_load %arg6[%get3A] {strides = array<i32>} : memref<3200xi32, #tpu.memory_space<vmem>>, vector<16xi32>,
        %mul3A_284 = arith.constant 128 : i32
        %mul3A_285 = vector.broadcast %mul3A_284 : i32 to vector<16xi32>
        %mul3A_286 = arith.muli %get3A_283, %mul3A_285 : vector<16xi32>
        %mul3A_287 = arith.constant 16 : i32
        %mul3A_288 = arith.muli %scan3A_278, %mul3A_287 : i32
        %add3A_289 = vector.broadcast %mul3A_288 : i32 to vector<16xi32>
        %add3A_290 = arith.addi %add3A_289, %iota3A : vector<16xi32>
        %mul3A_291 = arith.constant 128 : i32
        %mul3A_292 = vector.broadcast %mul3A_291 : i32 to vector<16xi32>
        %mul3A_293 = arith.muli %add3A_290, %mul3A_292 : vector<16xi32>
        %add3A_294 = arith.addi %mul3A_286, %add3A_15 : vector<16xi32>
        %gather3A = tpu.vector_load_idx %arg5[%add3A_294] : memref<8192xf32, #tpu.memory_space<vmem>>[vector<16xi32>], vector<16xf32>,
        %add3A_295 = arith.addi %mul3A_293, %add3A_15 : vector<16xi32>
        tpu.vector_store_idx %arg12[%add3A_295], %gather3A : memref<10240xf32, #tpu.memory_space<vmem>>[vector<16xi32>], vector<16xf32>,
        %add3A_296 = arith.addi %mul3A_286, %add3A_18 : vector<16xi32>
        %gather3A_297 = tpu.vector_load_idx %arg5[%add3A_296] : memref<8192xf32, #tpu.memory_space<vmem>>[vector<16xi32>], vector<16xf32>,
        %add3A_298 = arith.addi %mul3A_293, %add3A_18 : vector<16xi32>
        tpu.vector_store_idx %arg12[%add3A_298], %gather3A_297 : memref<10240xf32, #tpu.memory_space<vmem>>[vector<16xi32>], vector<16xf32>,
        %add3A_299 = arith.addi %mul3A_286, %add3A_21 : vector<16xi32>
        %gather3A_300 = tpu.vector_load_idx %arg5[%add3A_299] : memref<8192xf32, #tpu.memory_space<vmem>>[vector<16xi32>], vector<16xf32>,
        %add3A_301 = arith.addi %mul3A_293, %add3A_21 : vector<16xi32>
        tpu.vector_store_idx %arg12[%add3A_301], %gather3A_300 : memref<10240xf32, #tpu.memory_space<vmem>>[vector<16xi32>], vector<16xf32>,
        %add3A_302 = arith.addi %mul3A_286, %add3A_24 : vector<16xi32>
        %gather3A_303 = tpu.vector_load_idx %arg5[%add3A_302] : memref<8192xf32, #tpu.memory_space<vmem>>[vector<16xi32>], vector<16xf32>,
        %add3A_304 = arith.addi %mul3A_293, %add3A_24 : vector<16xi32>
        tpu.vector_store_idx %arg12[%add3A_304], %gather3A_303 : memref<10240xf32, #tpu.memory_space<vmem>>[vector<16xi32>], vector<16xf32>,
        %add3A_305 = arith.addi %mul3A_286, %add3A_27 : vector<16xi32>
        %gather3A_306 = tpu.vector_load_idx %arg5[%add3A_305] : memref<8192xf32, #tpu.memory_space<vmem>>[vector<16xi32>], vector<16xf32>,
        %add3A_307 = arith.addi %mul3A_293, %add3A_27 : vector<16xi32>
        tpu.vector_store_idx %arg12[%add3A_307], %gather3A_306 : memref<10240xf32, #tpu.memory_space<vmem>>[vector<16xi32>], vector<16xf32>,
        %add3A_308 = arith.addi %mul3A_286, %add3A_30 : vector<16xi32>
        %gather3A_309 = tpu.vector_load_idx %arg5[%add3A_308] : memref<8192xf32, #tpu.memory_space<vmem>>[vector<16xi32>], vector<16xf32>,
        %add3A_310 = arith.addi %mul3A_293, %add3A_30 : vector<16xi32>
        tpu.vector_store_idx %arg12[%add3A_310], %gather3A_309 : memref<10240xf32, #tpu.memory_space<vmem>>[vector<16xi32>], vector<16xf32>,
        %add3A_311 = arith.addi %mul3A_286, %add3A_33 : vector<16xi32>
        %gather3A_312 = tpu.vector_load_idx %arg5[%add3A_311] : memref<8192xf32, #tpu.memory_space<vmem>>[vector<16xi32>], vector<16xf32>,
        %add3A_313 = arith.addi %mul3A_293, %add3A_33 : vector<16xi32>
        tpu.vector_store_idx %arg12[%add3A_313], %gather3A_312 : memref<10240xf32, #tpu.memory_space<vmem>>[vector<16xi32>], vector<16xf32>,
        %add3A_314 = arith.addi %mul3A_286, %add3A_36 : vector<16xi32>
        %gather3A_315 = tpu.vector_load_idx %arg5[%add3A_314] : memref<8192xf32, #tpu.memory_space<vmem>>[vector<16xi32>], vector<16xf32>,
        %add3A_316 = arith.addi %mul3A_293, %add3A_36 : vector<16xi32>
        tpu.vector_store_idx %arg12[%add3A_316], %gather3A_315 : memref<10240xf32, #tpu.memory_space<vmem>>[vector<16xi32>], vector<16xf32>,
      }
      %scan3A_272 = arith.constant 5 : i32
      %add3A_273 = arith.constant 400 : i32
      %add3A_274 = arith.addi %mul3A_9, %add3A_273 : i32
      %mul3A_275 = arith.constant 128 : i32
      %mul3A_276 = arith.muli %add3A_274, %mul3A_275 : i32
      %dma_start3A = tpu.memref_slice %arg4[%mul3A_276] : memref<12800000xf32, #tpu.memory_space<hbm>> -> memref<10240xf32, #tpu.memory_space<hbm>>
      %dma_start3A_277 = tpu.memref_slice %arg4[%mul3A_276] : memref<12800000xf32, #tpu.memory_space<hbm>> -> memref<10240xf32, #tpu.memory_space<hbm>>
      tpu.enqueue_dma source(%arg12 : memref<10240xf32, #tpu.memory_space<vmem>>) target(%dma_start3A_277 : memref<10240xf32, #tpu.memory_space<hbm>>) target_semaphore(%arg20 : memref<!tpu.dma_semaphore, #tpu.memory_space<semaphore_mem>>)
    } else {
    }
    %gt3A_67 = arith.constant 6 : i32
    %gt3A_68 = arith.cmpi sgt, %add3A_3, %gt3A_67 : i32
    %convert_element_type3A_69 = arith.extui %gt3A_68 : i1 to i32
    %cond3A_70 = arith.constant 0 : i32
    %cond3A_71 = arith.cmpi ne, %convert_element_type3A_69, %cond3A_70 : i32
    scf.if %cond3A_71 {
      %scan3A = arith.constant 0 : i32
      %scan3A_268 = arith.constant 0 : i32
      %scan3A_269 = arith.constant 5 : i32
      %scan3A_270 = arith.addi %scan3A_268, %scan3A_269 : i32
      %scan3A_271 = arith.constant 1 : i32
      scf.for %scan3A_278 = %scan3A_268 to %scan3A_270 step %scan3A_271  : i32 {
        %mul3A_279 = arith.constant 16 : i32
        %mul3A_280 = arith.muli %scan3A_278, %mul3A_279 : i32
        %add3A_281 = arith.constant 480 : i32
        %add3A_282 = arith.addi %add3A_281, %mul3A_280 : i32
        %get3A = arith.index_cast %add3A_282 : i32 to index
        %get3A_283 = tpu.vector_load %arg6[%get3A] {strides = array<i32>} : memref<3200xi32, #tpu.memory_space<vmem>>, vector<16xi32>,
        %mul3A_284 = arith.constant 128 : i32
        %mul3A_285 = vector.broadcast %mul3A_284 : i32 to vector<16xi32>
        %mul3A_286 = arith.muli %get3A_283, %mul3A_285 : vector<16xi32>
        %mul3A_287 = arith.constant 16 : i32
        %mul3A_288 = arith.muli %scan3A_278, %mul3A_287 : i32
        %add3A_289 = vector.broadcast %mul3A_288 : i32 to vector<16xi32>
        %add3A_290 = arith.addi %add3A_289, %iota3A : vector<16xi32>
        %mul3A_291 = arith.constant 128 : i32
        %mul3A_292 = vector.broadcast %mul3A_291 : i32 to vector<16xi32>
        %mul3A_293 = arith.muli %add3A_290, %mul3A_292 : vector<16xi32>
        %add3A_294 = arith.addi %mul3A_286, %add3A_15 : vector<16xi32>
        %gather3A = tpu.vector_load_idx %arg5[%add3A_294] : memref<8192xf32, #tpu.memory_space<vmem>>[vector<16xi32>], vector<16xf32>,
        %add3A_295 = arith.addi %mul3A_293, %add3A_15 : vector<16xi32>
        tpu.vector_store_idx %arg13[%add3A_295], %gather3A : memref<10240xf32, #tpu.memory_space<vmem>>[vector<16xi32>], vector<16xf32>,
        %add3A_296 = arith.addi %mul3A_286, %add3A_18 : vector<16xi32>
        %gather3A_297 = tpu.vector_load_idx %arg5[%add3A_296] : memref<8192xf32, #tpu.memory_space<vmem>>[vector<16xi32>], vector<16xf32>,
        %add3A_298 = arith.addi %mul3A_293, %add3A_18 : vector<16xi32>
        tpu.vector_store_idx %arg13[%add3A_298], %gather3A_297 : memref<10240xf32, #tpu.memory_space<vmem>>[vector<16xi32>], vector<16xf32>,
        %add3A_299 = arith.addi %mul3A_286, %add3A_21 : vector<16xi32>
        %gather3A_300 = tpu.vector_load_idx %arg5[%add3A_299] : memref<8192xf32, #tpu.memory_space<vmem>>[vector<16xi32>], vector<16xf32>,
        %add3A_301 = arith.addi %mul3A_293, %add3A_21 : vector<16xi32>
        tpu.vector_store_idx %arg13[%add3A_301], %gather3A_300 : memref<10240xf32, #tpu.memory_space<vmem>>[vector<16xi32>], vector<16xf32>,
        %add3A_302 = arith.addi %mul3A_286, %add3A_24 : vector<16xi32>
        %gather3A_303 = tpu.vector_load_idx %arg5[%add3A_302] : memref<8192xf32, #tpu.memory_space<vmem>>[vector<16xi32>], vector<16xf32>,
        %add3A_304 = arith.addi %mul3A_293, %add3A_24 : vector<16xi32>
        tpu.vector_store_idx %arg13[%add3A_304], %gather3A_303 : memref<10240xf32, #tpu.memory_space<vmem>>[vector<16xi32>], vector<16xf32>,
        %add3A_305 = arith.addi %mul3A_286, %add3A_27 : vector<16xi32>
        %gather3A_306 = tpu.vector_load_idx %arg5[%add3A_305] : memref<8192xf32, #tpu.memory_space<vmem>>[vector<16xi32>], vector<16xf32>,
        %add3A_307 = arith.addi %mul3A_293, %add3A_27 : vector<16xi32>
        tpu.vector_store_idx %arg13[%add3A_307], %gather3A_306 : memref<10240xf32, #tpu.memory_space<vmem>>[vector<16xi32>], vector<16xf32>,
        %add3A_308 = arith.addi %mul3A_286, %add3A_30 : vector<16xi32>
        %gather3A_309 = tpu.vector_load_idx %arg5[%add3A_308] : memref<8192xf32, #tpu.memory_space<vmem>>[vector<16xi32>], vector<16xf32>,
        %add3A_310 = arith.addi %mul3A_293, %add3A_30 : vector<16xi32>
        tpu.vector_store_idx %arg13[%add3A_310], %gather3A_309 : memref<10240xf32, #tpu.memory_space<vmem>>[vector<16xi32>], vector<16xf32>,
        %add3A_311 = arith.addi %mul3A_286, %add3A_33 : vector<16xi32>
        %gather3A_312 = tpu.vector_load_idx %arg5[%add3A_311] : memref<8192xf32, #tpu.memory_space<vmem>>[vector<16xi32>], vector<16xf32>,
        %add3A_313 = arith.addi %mul3A_293, %add3A_33 : vector<16xi32>
        tpu.vector_store_idx %arg13[%add3A_313], %gather3A_312 : memref<10240xf32, #tpu.memory_space<vmem>>[vector<16xi32>], vector<16xf32>,
        %add3A_314 = arith.addi %mul3A_286, %add3A_36 : vector<16xi32>
        %gather3A_315 = tpu.vector_load_idx %arg5[%add3A_314] : memref<8192xf32, #tpu.memory_space<vmem>>[vector<16xi32>], vector<16xf32>,
        %add3A_316 = arith.addi %mul3A_293, %add3A_36 : vector<16xi32>
        tpu.vector_store_idx %arg13[%add3A_316], %gather3A_315 : memref<10240xf32, #tpu.memory_space<vmem>>[vector<16xi32>], vector<16xf32>,
      }
      %scan3A_272 = arith.constant 5 : i32
      %add3A_273 = arith.constant 480 : i32
      %add3A_274 = arith.addi %mul3A_9, %add3A_273 : i32
      %mul3A_275 = arith.constant 128 : i32
      %mul3A_276 = arith.muli %add3A_274, %mul3A_275 : i32
      %dma_start3A = tpu.memref_slice %arg4[%mul3A_276] : memref<12800000xf32, #tpu.memory_space<hbm>> -> memref<10240xf32, #tpu.memory_space<hbm>>
      %dma_start3A_277 = tpu.memref_slice %arg4[%mul3A_276] : memref<12800000xf32, #tpu.memory_space<hbm>> -> memref<10240xf32, #tpu.memory_space<hbm>>
      tpu.enqueue_dma source(%arg13 : memref<10240xf32, #tpu.memory_space<vmem>>) target(%dma_start3A_277 : memref<10240xf32, #tpu.memory_space<hbm>>) target_semaphore(%arg21 : memref<!tpu.dma_semaphore, #tpu.memory_space<semaphore_mem>>)
    } else {
    }
    %gt3A_72 = arith.constant 7 : i32
    %gt3A_73 = arith.cmpi sgt, %add3A_3, %gt3A_72 : i32
    %convert_element_type3A_74 = arith.extui %gt3A_73 : i1 to i32
    %cond3A_75 = arith.constant 0 : i32
    %cond3A_76 = arith.cmpi ne, %convert_element_type3A_74, %cond3A_75 : i32
    scf.if %cond3A_76 {
      %scan3A = arith.constant 0 : i32
      %scan3A_268 = arith.constant 0 : i32
      %scan3A_269 = arith.constant 5 : i32
      %scan3A_270 = arith.addi %scan3A_268, %scan3A_269 : i32
      %scan3A_271 = arith.constant 1 : i32
      scf.for %scan3A_278 = %scan3A_268 to %scan3A_270 step %scan3A_271  : i32 {
        %mul3A_279 = arith.constant 16 : i32
        %mul3A_280 = arith.muli %scan3A_278, %mul3A_279 : i32
        %add3A_281 = arith.constant 560 : i32
        %add3A_282 = arith.addi %add3A_281, %mul3A_280 : i32
        %get3A = arith.index_cast %add3A_282 : i32 to index
        %get3A_283 = tpu.vector_load %arg6[%get3A] {strides = array<i32>} : memref<3200xi32, #tpu.memory_space<vmem>>, vector<16xi32>,
        %mul3A_284 = arith.constant 128 : i32
        %mul3A_285 = vector.broadcast %mul3A_284 : i32 to vector<16xi32>
        %mul3A_286 = arith.muli %get3A_283, %mul3A_285 : vector<16xi32>
        %mul3A_287 = arith.constant 16 : i32
        %mul3A_288 = arith.muli %scan3A_278, %mul3A_287 : i32
        %add3A_289 = vector.broadcast %mul3A_288 : i32 to vector<16xi32>
        %add3A_290 = arith.addi %add3A_289, %iota3A : vector<16xi32>
        %mul3A_291 = arith.constant 128 : i32
        %mul3A_292 = vector.broadcast %mul3A_291 : i32 to vector<16xi32>
        %mul3A_293 = arith.muli %add3A_290, %mul3A_292 : vector<16xi32>
        %add3A_294 = arith.addi %mul3A_286, %add3A_15 : vector<16xi32>
        %gather3A = tpu.vector_load_idx %arg5[%add3A_294] : memref<8192xf32, #tpu.memory_space<vmem>>[vector<16xi32>], vector<16xf32>,
        %add3A_295 = arith.addi %mul3A_293, %add3A_15 : vector<16xi32>
        tpu.vector_store_idx %arg14[%add3A_295], %gather3A : memref<10240xf32, #tpu.memory_space<vmem>>[vector<16xi32>], vector<16xf32>,
        %add3A_296 = arith.addi %mul3A_286, %add3A_18 : vector<16xi32>
        %gather3A_297 = tpu.vector_load_idx %arg5[%add3A_296] : memref<8192xf32, #tpu.memory_space<vmem>>[vector<16xi32>], vector<16xf32>,
        %add3A_298 = arith.addi %mul3A_293, %add3A_18 : vector<16xi32>
        tpu.vector_store_idx %arg14[%add3A_298], %gather3A_297 : memref<10240xf32, #tpu.memory_space<vmem>>[vector<16xi32>], vector<16xf32>,
        %add3A_299 = arith.addi %mul3A_286, %add3A_21 : vector<16xi32>
        %gather3A_300 = tpu.vector_load_idx %arg5[%add3A_299] : memref<8192xf32, #tpu.memory_space<vmem>>[vector<16xi32>], vector<16xf32>,
        %add3A_301 = arith.addi %mul3A_293, %add3A_21 : vector<16xi32>
        tpu.vector_store_idx %arg14[%add3A_301], %gather3A_300 : memref<10240xf32, #tpu.memory_space<vmem>>[vector<16xi32>], vector<16xf32>,
        %add3A_302 = arith.addi %mul3A_286, %add3A_24 : vector<16xi32>
        %gather3A_303 = tpu.vector_load_idx %arg5[%add3A_302] : memref<8192xf32, #tpu.memory_space<vmem>>[vector<16xi32>], vector<16xf32>,
        %add3A_304 = arith.addi %mul3A_293, %add3A_24 : vector<16xi32>
        tpu.vector_store_idx %arg14[%add3A_304], %gather3A_303 : memref<10240xf32, #tpu.memory_space<vmem>>[vector<16xi32>], vector<16xf32>,
        %add3A_305 = arith.addi %mul3A_286, %add3A_27 : vector<16xi32>
        %gather3A_306 = tpu.vector_load_idx %arg5[%add3A_305] : memref<8192xf32, #tpu.memory_space<vmem>>[vector<16xi32>], vector<16xf32>,
        %add3A_307 = arith.addi %mul3A_293, %add3A_27 : vector<16xi32>
        tpu.vector_store_idx %arg14[%add3A_307], %gather3A_306 : memref<10240xf32, #tpu.memory_space<vmem>>[vector<16xi32>], vector<16xf32>,
        %add3A_308 = arith.addi %mul3A_286, %add3A_30 : vector<16xi32>
        %gather3A_309 = tpu.vector_load_idx %arg5[%add3A_308] : memref<8192xf32, #tpu.memory_space<vmem>>[vector<16xi32>], vector<16xf32>,
        %add3A_310 = arith.addi %mul3A_293, %add3A_30 : vector<16xi32>
        tpu.vector_store_idx %arg14[%add3A_310], %gather3A_309 : memref<10240xf32, #tpu.memory_space<vmem>>[vector<16xi32>], vector<16xf32>,
        %add3A_311 = arith.addi %mul3A_286, %add3A_33 : vector<16xi32>
        %gather3A_312 = tpu.vector_load_idx %arg5[%add3A_311] : memref<8192xf32, #tpu.memory_space<vmem>>[vector<16xi32>], vector<16xf32>,
        %add3A_313 = arith.addi %mul3A_293, %add3A_33 : vector<16xi32>
        tpu.vector_store_idx %arg14[%add3A_313], %gather3A_312 : memref<10240xf32, #tpu.memory_space<vmem>>[vector<16xi32>], vector<16xf32>,
        %add3A_314 = arith.addi %mul3A_286, %add3A_36 : vector<16xi32>
        %gather3A_315 = tpu.vector_load_idx %arg5[%add3A_314] : memref<8192xf32, #tpu.memory_space<vmem>>[vector<16xi32>], vector<16xf32>,
        %add3A_316 = arith.addi %mul3A_293, %add3A_36 : vector<16xi32>
        tpu.vector_store_idx %arg14[%add3A_316], %gather3A_315 : memref<10240xf32, #tpu.memory_space<vmem>>[vector<16xi32>], vector<16xf32>,
      }
      %scan3A_272 = arith.constant 5 : i32
      %add3A_273 = arith.constant 560 : i32
      %add3A_274 = arith.addi %mul3A_9, %add3A_273 : i32
      %mul3A_275 = arith.constant 128 : i32
      %mul3A_276 = arith.muli %add3A_274, %mul3A_275 : i32
      %dma_start3A = tpu.memref_slice %arg4[%mul3A_276] : memref<12800000xf32, #tpu.memory_space<hbm>> -> memref<10240xf32, #tpu.memory_space<hbm>>
      %dma_start3A_277 = tpu.memref_slice %arg4[%mul3A_276] : memref<12800000xf32, #tpu.memory_space<hbm>> -> memref<10240xf32, #tpu.memory_space<hbm>>
      tpu.enqueue_dma source(%arg14 : memref<10240xf32, #tpu.memory_space<vmem>>) target(%dma_start3A_277 : memref<10240xf32, #tpu.memory_space<hbm>>) target_semaphore(%arg22 : memref<!tpu.dma_semaphore, #tpu.memory_space<semaphore_mem>>)
    } else {
    }
    %gt3A_77 = arith.constant 8 : i32
    %gt3A_78 = arith.cmpi sgt, %add3A_3, %gt3A_77 : i32
    %convert_element_type3A_79 = arith.extui %gt3A_78 : i1 to i32
    %cond3A_80 = arith.constant 0 : i32
    %cond3A_81 = arith.cmpi ne, %convert_element_type3A_79, %cond3A_80 : i32
    scf.if %cond3A_81 {
      %dma_wait3A_268 = arith.constant 0 : i32
      %dma_wait3A_269 = tpu.memref_slice %arg4[%dma_wait3A_268] : memref<12800000xf32, #tpu.memory_space<hbm>> -> memref<10240xf32, #tpu.memory_space<hbm>>
      %dma_wait3A_270 = arith.constant 0 : i32
      %dma_wait3A_271 = tpu.memref_slice %arg4[%dma_wait3A_270] : memref<12800000xf32, #tpu.memory_space<hbm>> -> memref<10240xf32, #tpu.memory_space<hbm>>
      tpu.wait_dma2 semaphore(%arg15 : memref<!tpu.dma_semaphore, #tpu.memory_space<semaphore_mem>>) src(%arg7 : memref<10240xf32, #tpu.memory_space<vmem>>) dst(%dma_wait3A_271 : memref<10240xf32, #tpu.memory_space<hbm>>)
      %scan3A = arith.constant 0 : i32
      %scan3A_272 = arith.constant 0 : i32
      %scan3A_273 = arith.constant 5 : i32
      %scan3A_274 = arith.addi %scan3A_272, %scan3A_273 : i32
      %scan3A_275 = arith.constant 1 : i32
      scf.for %scan3A_282 = %scan3A_272 to %scan3A_274 step %scan3A_275  : i32 {
        %mul3A_283 = arith.constant 16 : i32
        %mul3A_284 = arith.muli %scan3A_282, %mul3A_283 : i32
        %add3A_285 = arith.constant 640 : i32
        %add3A_286 = arith.addi %add3A_285, %mul3A_284 : i32
        %get3A = arith.index_cast %add3A_286 : i32 to index
        %get3A_287 = tpu.vector_load %arg6[%get3A] {strides = array<i32>} : memref<3200xi32, #tpu.memory_space<vmem>>, vector<16xi32>,
        %mul3A_288 = arith.constant 128 : i32
        %mul3A_289 = vector.broadcast %mul3A_288 : i32 to vector<16xi32>
        %mul3A_290 = arith.muli %get3A_287, %mul3A_289 : vector<16xi32>
        %mul3A_291 = arith.constant 16 : i32
        %mul3A_292 = arith.muli %scan3A_282, %mul3A_291 : i32
        %add3A_293 = vector.broadcast %mul3A_292 : i32 to vector<16xi32>
        %add3A_294 = arith.addi %add3A_293, %iota3A : vector<16xi32>
        %mul3A_295 = arith.constant 128 : i32
        %mul3A_296 = vector.broadcast %mul3A_295 : i32 to vector<16xi32>
        %mul3A_297 = arith.muli %add3A_294, %mul3A_296 : vector<16xi32>
        %add3A_298 = arith.addi %mul3A_290, %add3A_15 : vector<16xi32>
        %gather3A = tpu.vector_load_idx %arg5[%add3A_298] : memref<8192xf32, #tpu.memory_space<vmem>>[vector<16xi32>], vector<16xf32>,
        %add3A_299 = arith.addi %mul3A_297, %add3A_15 : vector<16xi32>
        tpu.vector_store_idx %arg7[%add3A_299], %gather3A : memref<10240xf32, #tpu.memory_space<vmem>>[vector<16xi32>], vector<16xf32>,
        %add3A_300 = arith.addi %mul3A_290, %add3A_18 : vector<16xi32>
        %gather3A_301 = tpu.vector_load_idx %arg5[%add3A_300] : memref<8192xf32, #tpu.memory_space<vmem>>[vector<16xi32>], vector<16xf32>,
        %add3A_302 = arith.addi %mul3A_297, %add3A_18 : vector<16xi32>
        tpu.vector_store_idx %arg7[%add3A_302], %gather3A_301 : memref<10240xf32, #tpu.memory_space<vmem>>[vector<16xi32>], vector<16xf32>,
        %add3A_303 = arith.addi %mul3A_290, %add3A_21 : vector<16xi32>
        %gather3A_304 = tpu.vector_load_idx %arg5[%add3A_303] : memref<8192xf32, #tpu.memory_space<vmem>>[vector<16xi32>], vector<16xf32>,
        %add3A_305 = arith.addi %mul3A_297, %add3A_21 : vector<16xi32>
        tpu.vector_store_idx %arg7[%add3A_305], %gather3A_304 : memref<10240xf32, #tpu.memory_space<vmem>>[vector<16xi32>], vector<16xf32>,
        %add3A_306 = arith.addi %mul3A_290, %add3A_24 : vector<16xi32>
        %gather3A_307 = tpu.vector_load_idx %arg5[%add3A_306] : memref<8192xf32, #tpu.memory_space<vmem>>[vector<16xi32>], vector<16xf32>,
        %add3A_308 = arith.addi %mul3A_297, %add3A_24 : vector<16xi32>
        tpu.vector_store_idx %arg7[%add3A_308], %gather3A_307 : memref<10240xf32, #tpu.memory_space<vmem>>[vector<16xi32>], vector<16xf32>,
        %add3A_309 = arith.addi %mul3A_290, %add3A_27 : vector<16xi32>
        %gather3A_310 = tpu.vector_load_idx %arg5[%add3A_309] : memref<8192xf32, #tpu.memory_space<vmem>>[vector<16xi32>], vector<16xf32>,
        %add3A_311 = arith.addi %mul3A_297, %add3A_27 : vector<16xi32>
        tpu.vector_store_idx %arg7[%add3A_311], %gather3A_310 : memref<10240xf32, #tpu.memory_space<vmem>>[vector<16xi32>], vector<16xf32>,
        %add3A_312 = arith.addi %mul3A_290, %add3A_30 : vector<16xi32>
        %gather3A_313 = tpu.vector_load_idx %arg5[%add3A_312] : memref<8192xf32, #tpu.memory_space<vmem>>[vector<16xi32>], vector<16xf32>,
        %add3A_314 = arith.addi %mul3A_297, %add3A_30 : vector<16xi32>
        tpu.vector_store_idx %arg7[%add3A_314], %gather3A_313 : memref<10240xf32, #tpu.memory_space<vmem>>[vector<16xi32>], vector<16xf32>,
        %add3A_315 = arith.addi %mul3A_290, %add3A_33 : vector<16xi32>
        %gather3A_316 = tpu.vector_load_idx %arg5[%add3A_315] : memref<8192xf32, #tpu.memory_space<vmem>>[vector<16xi32>], vector<16xf32>,
        %add3A_317 = arith.addi %mul3A_297, %add3A_33 : vector<16xi32>
        tpu.vector_store_idx %arg7[%add3A_317], %gather3A_316 : memref<10240xf32, #tpu.memory_space<vmem>>[vector<16xi32>], vector<16xf32>,
        %add3A_318 = arith.addi %mul3A_290, %add3A_36 : vector<16xi32>
        %gather3A_319 = tpu.vector_load_idx %arg5[%add3A_318] : memref<8192xf32, #tpu.memory_space<vmem>>[vector<16xi32>], vector<16xf32>,
        %add3A_320 = arith.addi %mul3A_297, %add3A_36 : vector<16xi32>
        tpu.vector_store_idx %arg7[%add3A_320], %gather3A_319 : memref<10240xf32, #tpu.memory_space<vmem>>[vector<16xi32>], vector<16xf32>,
      }
      %scan3A_276 = arith.constant 5 : i32
      %add3A_277 = arith.constant 640 : i32
      %add3A_278 = arith.addi %mul3A_9, %add3A_277 : i32
      %mul3A_279 = arith.constant 128 : i32
      %mul3A_280 = arith.muli %add3A_278, %mul3A_279 : i32
      %dma_start3A = tpu.memref_slice %arg4[%mul3A_280] : memref<12800000xf32, #tpu.memory_space<hbm>> -> memref<10240xf32, #tpu.memory_space<hbm>>
      %dma_start3A_281 = tpu.memref_slice %arg4[%mul3A_280] : memref<12800000xf32, #tpu.memory_space<hbm>> -> memref<10240xf32, #tpu.memory_space<hbm>>
      tpu.enqueue_dma source(%arg7 : memref<10240xf32, #tpu.memory_space<vmem>>) target(%dma_start3A_281 : memref<10240xf32, #tpu.memory_space<hbm>>) target_semaphore(%arg15 : memref<!tpu.dma_semaphore, #tpu.memory_space<semaphore_mem>>)
    } else {
    }
    %gt3A_82 = arith.constant 9 : i32
    %gt3A_83 = arith.cmpi sgt, %add3A_3, %gt3A_82 : i32
    %convert_element_type3A_84 = arith.extui %gt3A_83 : i1 to i32
    %cond3A_85 = arith.constant 0 : i32
    %cond3A_86 = arith.cmpi ne, %convert_element_type3A_84, %cond3A_85 : i32
    scf.if %cond3A_86 {
      %dma_wait3A_268 = arith.constant 0 : i32
      %dma_wait3A_269 = tpu.memref_slice %arg4[%dma_wait3A_268] : memref<12800000xf32, #tpu.memory_space<hbm>> -> memref<10240xf32, #tpu.memory_space<hbm>>
      %dma_wait3A_270 = arith.constant 0 : i32
      %dma_wait3A_271 = tpu.memref_slice %arg4[%dma_wait3A_270] : memref<12800000xf32, #tpu.memory_space<hbm>> -> memref<10240xf32, #tpu.memory_space<hbm>>
      tpu.wait_dma2 semaphore(%arg16 : memref<!tpu.dma_semaphore, #tpu.memory_space<semaphore_mem>>) src(%arg8 : memref<10240xf32, #tpu.memory_space<vmem>>) dst(%dma_wait3A_271 : memref<10240xf32, #tpu.memory_space<hbm>>)
      %scan3A = arith.constant 0 : i32
      %scan3A_272 = arith.constant 0 : i32
      %scan3A_273 = arith.constant 5 : i32
      %scan3A_274 = arith.addi %scan3A_272, %scan3A_273 : i32
      %scan3A_275 = arith.constant 1 : i32
      scf.for %scan3A_282 = %scan3A_272 to %scan3A_274 step %scan3A_275  : i32 {
        %mul3A_283 = arith.constant 16 : i32
        %mul3A_284 = arith.muli %scan3A_282, %mul3A_283 : i32
        %add3A_285 = arith.constant 720 : i32
        %add3A_286 = arith.addi %add3A_285, %mul3A_284 : i32
        %get3A = arith.index_cast %add3A_286 : i32 to index
        %get3A_287 = tpu.vector_load %arg6[%get3A] {strides = array<i32>} : memref<3200xi32, #tpu.memory_space<vmem>>, vector<16xi32>,
        %mul3A_288 = arith.constant 128 : i32
        %mul3A_289 = vector.broadcast %mul3A_288 : i32 to vector<16xi32>
        %mul3A_290 = arith.muli %get3A_287, %mul3A_289 : vector<16xi32>
        %mul3A_291 = arith.constant 16 : i32
        %mul3A_292 = arith.muli %scan3A_282, %mul3A_291 : i32
        %add3A_293 = vector.broadcast %mul3A_292 : i32 to vector<16xi32>
        %add3A_294 = arith.addi %add3A_293, %iota3A : vector<16xi32>
        %mul3A_295 = arith.constant 128 : i32
        %mul3A_296 = vector.broadcast %mul3A_295 : i32 to vector<16xi32>
        %mul3A_297 = arith.muli %add3A_294, %mul3A_296 : vector<16xi32>
        %add3A_298 = arith.addi %mul3A_290, %add3A_15 : vector<16xi32>
        %gather3A = tpu.vector_load_idx %arg5[%add3A_298] : memref<8192xf32, #tpu.memory_space<vmem>>[vector<16xi32>], vector<16xf32>,
        %add3A_299 = arith.addi %mul3A_297, %add3A_15 : vector<16xi32>
        tpu.vector_store_idx %arg8[%add3A_299], %gather3A : memref<10240xf32, #tpu.memory_space<vmem>>[vector<16xi32>], vector<16xf32>,
        %add3A_300 = arith.addi %mul3A_290, %add3A_18 : vector<16xi32>
        %gather3A_301 = tpu.vector_load_idx %arg5[%add3A_300] : memref<8192xf32, #tpu.memory_space<vmem>>[vector<16xi32>], vector<16xf32>,
        %add3A_302 = arith.addi %mul3A_297, %add3A_18 : vector<16xi32>
        tpu.vector_store_idx %arg8[%add3A_302], %gather3A_301 : memref<10240xf32, #tpu.memory_space<vmem>>[vector<16xi32>], vector<16xf32>,
        %add3A_303 = arith.addi %mul3A_290, %add3A_21 : vector<16xi32>
        %gather3A_304 = tpu.vector_load_idx %arg5[%add3A_303] : memref<8192xf32, #tpu.memory_space<vmem>>[vector<16xi32>], vector<16xf32>,
        %add3A_305 = arith.addi %mul3A_297, %add3A_21 : vector<16xi32>
        tpu.vector_store_idx %arg8[%add3A_305], %gather3A_304 : memref<10240xf32, #tpu.memory_space<vmem>>[vector<16xi32>], vector<16xf32>,
        %add3A_306 = arith.addi %mul3A_290, %add3A_24 : vector<16xi32>
        %gather3A_307 = tpu.vector_load_idx %arg5[%add3A_306] : memref<8192xf32, #tpu.memory_space<vmem>>[vector<16xi32>], vector<16xf32>,
        %add3A_308 = arith.addi %mul3A_297, %add3A_24 : vector<16xi32>
        tpu.vector_store_idx %arg8[%add3A_308], %gather3A_307 : memref<10240xf32, #tpu.memory_space<vmem>>[vector<16xi32>], vector<16xf32>,
        %add3A_309 = arith.addi %mul3A_290, %add3A_27 : vector<16xi32>
        %gather3A_310 = tpu.vector_load_idx %arg5[%add3A_309] : memref<8192xf32, #tpu.memory_space<vmem>>[vector<16xi32>], vector<16xf32>,
        %add3A_311 = arith.addi %mul3A_297, %add3A_27 : vector<16xi32>
        tpu.vector_store_idx %arg8[%add3A_311], %gather3A_310 : memref<10240xf32, #tpu.memory_space<vmem>>[vector<16xi32>], vector<16xf32>,
        %add3A_312 = arith.addi %mul3A_290, %add3A_30 : vector<16xi32>
        %gather3A_313 = tpu.vector_load_idx %arg5[%add3A_312] : memref<8192xf32, #tpu.memory_space<vmem>>[vector<16xi32>], vector<16xf32>,
        %add3A_314 = arith.addi %mul3A_297, %add3A_30 : vector<16xi32>
        tpu.vector_store_idx %arg8[%add3A_314], %gather3A_313 : memref<10240xf32, #tpu.memory_space<vmem>>[vector<16xi32>], vector<16xf32>,
        %add3A_315 = arith.addi %mul3A_290, %add3A_33 : vector<16xi32>
        %gather3A_316 = tpu.vector_load_idx %arg5[%add3A_315] : memref<8192xf32, #tpu.memory_space<vmem>>[vector<16xi32>], vector<16xf32>,
        %add3A_317 = arith.addi %mul3A_297, %add3A_33 : vector<16xi32>
        tpu.vector_store_idx %arg8[%add3A_317], %gather3A_316 : memref<10240xf32, #tpu.memory_space<vmem>>[vector<16xi32>], vector<16xf32>,
        %add3A_318 = arith.addi %mul3A_290, %add3A_36 : vector<16xi32>
        %gather3A_319 = tpu.vector_load_idx %arg5[%add3A_318] : memref<8192xf32, #tpu.memory_space<vmem>>[vector<16xi32>], vector<16xf32>,
        %add3A_320 = arith.addi %mul3A_297, %add3A_36 : vector<16xi32>
        tpu.vector_store_idx %arg8[%add3A_320], %gather3A_319 : memref<10240xf32, #tpu.memory_space<vmem>>[vector<16xi32>], vector<16xf32>,
      }
      %scan3A_276 = arith.constant 5 : i32
      %add3A_277 = arith.constant 720 : i32
      %add3A_278 = arith.addi %mul3A_9, %add3A_277 : i32
      %mul3A_279 = arith.constant 128 : i32
      %mul3A_280 = arith.muli %add3A_278, %mul3A_279 : i32
      %dma_start3A = tpu.memref_slice %arg4[%mul3A_280] : memref<12800000xf32, #tpu.memory_space<hbm>> -> memref<10240xf32, #tpu.memory_space<hbm>>
      %dma_start3A_281 = tpu.memref_slice %arg4[%mul3A_280] : memref<12800000xf32, #tpu.memory_space<hbm>> -> memref<10240xf32, #tpu.memory_space<hbm>>
      tpu.enqueue_dma source(%arg8 : memref<10240xf32, #tpu.memory_space<vmem>>) target(%dma_start3A_281 : memref<10240xf32, #tpu.memory_space<hbm>>) target_semaphore(%arg16 : memref<!tpu.dma_semaphore, #tpu.memory_space<semaphore_mem>>)
    } else {
    }
    %gt3A_87 = arith.constant 10 : i32
    %gt3A_88 = arith.cmpi sgt, %add3A_3, %gt3A_87 : i32
    %convert_element_type3A_89 = arith.extui %gt3A_88 : i1 to i32
    %cond3A_90 = arith.constant 0 : i32
    %cond3A_91 = arith.cmpi ne, %convert_element_type3A_89, %cond3A_90 : i32
    scf.if %cond3A_91 {
      %dma_wait3A_268 = arith.constant 0 : i32
      %dma_wait3A_269 = tpu.memref_slice %arg4[%dma_wait3A_268] : memref<12800000xf32, #tpu.memory_space<hbm>> -> memref<10240xf32, #tpu.memory_space<hbm>>
      %dma_wait3A_270 = arith.constant 0 : i32
      %dma_wait3A_271 = tpu.memref_slice %arg4[%dma_wait3A_270] : memref<12800000xf32, #tpu.memory_space<hbm>> -> memref<10240xf32, #tpu.memory_space<hbm>>
      tpu.wait_dma2 semaphore(%arg17 : memref<!tpu.dma_semaphore, #tpu.memory_space<semaphore_mem>>) src(%arg9 : memref<10240xf32, #tpu.memory_space<vmem>>) dst(%dma_wait3A_271 : memref<10240xf32, #tpu.memory_space<hbm>>)
      %scan3A = arith.constant 0 : i32
      %scan3A_272 = arith.constant 0 : i32
      %scan3A_273 = arith.constant 5 : i32
      %scan3A_274 = arith.addi %scan3A_272, %scan3A_273 : i32
      %scan3A_275 = arith.constant 1 : i32
      scf.for %scan3A_282 = %scan3A_272 to %scan3A_274 step %scan3A_275  : i32 {
        %mul3A_283 = arith.constant 16 : i32
        %mul3A_284 = arith.muli %scan3A_282, %mul3A_283 : i32
        %add3A_285 = arith.constant 800 : i32
        %add3A_286 = arith.addi %add3A_285, %mul3A_284 : i32
        %get3A = arith.index_cast %add3A_286 : i32 to index
        %get3A_287 = tpu.vector_load %arg6[%get3A] {strides = array<i32>} : memref<3200xi32, #tpu.memory_space<vmem>>, vector<16xi32>,
        %mul3A_288 = arith.constant 128 : i32
        %mul3A_289 = vector.broadcast %mul3A_288 : i32 to vector<16xi32>
        %mul3A_290 = arith.muli %get3A_287, %mul3A_289 : vector<16xi32>
        %mul3A_291 = arith.constant 16 : i32
        %mul3A_292 = arith.muli %scan3A_282, %mul3A_291 : i32
        %add3A_293 = vector.broadcast %mul3A_292 : i32 to vector<16xi32>
        %add3A_294 = arith.addi %add3A_293, %iota3A : vector<16xi32>
        %mul3A_295 = arith.constant 128 : i32
        %mul3A_296 = vector.broadcast %mul3A_295 : i32 to vector<16xi32>
        %mul3A_297 = arith.muli %add3A_294, %mul3A_296 : vector<16xi32>
        %add3A_298 = arith.addi %mul3A_290, %add3A_15 : vector<16xi32>
        %gather3A = tpu.vector_load_idx %arg5[%add3A_298] : memref<8192xf32, #tpu.memory_space<vmem>>[vector<16xi32>], vector<16xf32>,
        %add3A_299 = arith.addi %mul3A_297, %add3A_15 : vector<16xi32>
        tpu.vector_store_idx %arg9[%add3A_299], %gather3A : memref<10240xf32, #tpu.memory_space<vmem>>[vector<16xi32>], vector<16xf32>,
        %add3A_300 = arith.addi %mul3A_290, %add3A_18 : vector<16xi32>
        %gather3A_301 = tpu.vector_load_idx %arg5[%add3A_300] : memref<8192xf32, #tpu.memory_space<vmem>>[vector<16xi32>], vector<16xf32>,
        %add3A_302 = arith.addi %mul3A_297, %add3A_18 : vector<16xi32>
        tpu.vector_store_idx %arg9[%add3A_302], %gather3A_301 : memref<10240xf32, #tpu.memory_space<vmem>>[vector<16xi32>], vector<16xf32>,
        %add3A_303 = arith.addi %mul3A_290, %add3A_21 : vector<16xi32>
        %gather3A_304 = tpu.vector_load_idx %arg5[%add3A_303] : memref<8192xf32, #tpu.memory_space<vmem>>[vector<16xi32>], vector<16xf32>,
        %add3A_305 = arith.addi %mul3A_297, %add3A_21 : vector<16xi32>
        tpu.vector_store_idx %arg9[%add3A_305], %gather3A_304 : memref<10240xf32, #tpu.memory_space<vmem>>[vector<16xi32>], vector<16xf32>,
        %add3A_306 = arith.addi %mul3A_290, %add3A_24 : vector<16xi32>
        %gather3A_307 = tpu.vector_load_idx %arg5[%add3A_306] : memref<8192xf32, #tpu.memory_space<vmem>>[vector<16xi32>], vector<16xf32>,
        %add3A_308 = arith.addi %mul3A_297, %add3A_24 : vector<16xi32>
        tpu.vector_store_idx %arg9[%add3A_308], %gather3A_307 : memref<10240xf32, #tpu.memory_space<vmem>>[vector<16xi32>], vector<16xf32>,
        %add3A_309 = arith.addi %mul3A_290, %add3A_27 : vector<16xi32>
        %gather3A_310 = tpu.vector_load_idx %arg5[%add3A_309] : memref<8192xf32, #tpu.memory_space<vmem>>[vector<16xi32>], vector<16xf32>,
        %add3A_311 = arith.addi %mul3A_297, %add3A_27 : vector<16xi32>
        tpu.vector_store_idx %arg9[%add3A_311], %gather3A_310 : memref<10240xf32, #tpu.memory_space<vmem>>[vector<16xi32>], vector<16xf32>,
        %add3A_312 = arith.addi %mul3A_290, %add3A_30 : vector<16xi32>
        %gather3A_313 = tpu.vector_load_idx %arg5[%add3A_312] : memref<8192xf32, #tpu.memory_space<vmem>>[vector<16xi32>], vector<16xf32>,
        %add3A_314 = arith.addi %mul3A_297, %add3A_30 : vector<16xi32>
        tpu.vector_store_idx %arg9[%add3A_314], %gather3A_313 : memref<10240xf32, #tpu.memory_space<vmem>>[vector<16xi32>], vector<16xf32>,
        %add3A_315 = arith.addi %mul3A_290, %add3A_33 : vector<16xi32>
        %gather3A_316 = tpu.vector_load_idx %arg5[%add3A_315] : memref<8192xf32, #tpu.memory_space<vmem>>[vector<16xi32>], vector<16xf32>,
        %add3A_317 = arith.addi %mul3A_297, %add3A_33 : vector<16xi32>
        tpu.vector_store_idx %arg9[%add3A_317], %gather3A_316 : memref<10240xf32, #tpu.memory_space<vmem>>[vector<16xi32>], vector<16xf32>,
        %add3A_318 = arith.addi %mul3A_290, %add3A_36 : vector<16xi32>
        %gather3A_319 = tpu.vector_load_idx %arg5[%add3A_318] : memref<8192xf32, #tpu.memory_space<vmem>>[vector<16xi32>], vector<16xf32>,
        %add3A_320 = arith.addi %mul3A_297, %add3A_36 : vector<16xi32>
        tpu.vector_store_idx %arg9[%add3A_320], %gather3A_319 : memref<10240xf32, #tpu.memory_space<vmem>>[vector<16xi32>], vector<16xf32>,
      }
      %scan3A_276 = arith.constant 5 : i32
      %add3A_277 = arith.constant 800 : i32
      %add3A_278 = arith.addi %mul3A_9, %add3A_277 : i32
      %mul3A_279 = arith.constant 128 : i32
      %mul3A_280 = arith.muli %add3A_278, %mul3A_279 : i32
      %dma_start3A = tpu.memref_slice %arg4[%mul3A_280] : memref<12800000xf32, #tpu.memory_space<hbm>> -> memref<10240xf32, #tpu.memory_space<hbm>>
      %dma_start3A_281 = tpu.memref_slice %arg4[%mul3A_280] : memref<12800000xf32, #tpu.memory_space<hbm>> -> memref<10240xf32, #tpu.memory_space<hbm>>
      tpu.enqueue_dma source(%arg9 : memref<10240xf32, #tpu.memory_space<vmem>>) target(%dma_start3A_281 : memref<10240xf32, #tpu.memory_space<hbm>>) target_semaphore(%arg17 : memref<!tpu.dma_semaphore, #tpu.memory_space<semaphore_mem>>)
    } else {
    }
    %gt3A_92 = arith.constant 11 : i32
    %gt3A_93 = arith.cmpi sgt, %add3A_3, %gt3A_92 : i32
    %convert_element_type3A_94 = arith.extui %gt3A_93 : i1 to i32
    %cond3A_95 = arith.constant 0 : i32
    %cond3A_96 = arith.cmpi ne, %convert_element_type3A_94, %cond3A_95 : i32
    scf.if %cond3A_96 {
      %dma_wait3A_268 = arith.constant 0 : i32
      %dma_wait3A_269 = tpu.memref_slice %arg4[%dma_wait3A_268] : memref<12800000xf32, #tpu.memory_space<hbm>> -> memref<10240xf32, #tpu.memory_space<hbm>>
      %dma_wait3A_270 = arith.constant 0 : i32
      %dma_wait3A_271 = tpu.memref_slice %arg4[%dma_wait3A_270] : memref<12800000xf32, #tpu.memory_space<hbm>> -> memref<10240xf32, #tpu.memory_space<hbm>>
      tpu.wait_dma2 semaphore(%arg18 : memref<!tpu.dma_semaphore, #tpu.memory_space<semaphore_mem>>) src(%arg10 : memref<10240xf32, #tpu.memory_space<vmem>>) dst(%dma_wait3A_271 : memref<10240xf32, #tpu.memory_space<hbm>>)
      %scan3A = arith.constant 0 : i32
      %scan3A_272 = arith.constant 0 : i32
      %scan3A_273 = arith.constant 5 : i32
      %scan3A_274 = arith.addi %scan3A_272, %scan3A_273 : i32
      %scan3A_275 = arith.constant 1 : i32
      scf.for %scan3A_282 = %scan3A_272 to %scan3A_274 step %scan3A_275  : i32 {
        %mul3A_283 = arith.constant 16 : i32
        %mul3A_284 = arith.muli %scan3A_282, %mul3A_283 : i32
        %add3A_285 = arith.constant 880 : i32
        %add3A_286 = arith.addi %add3A_285, %mul3A_284 : i32
        %get3A = arith.index_cast %add3A_286 : i32 to index
        %get3A_287 = tpu.vector_load %arg6[%get3A] {strides = array<i32>} : memref<3200xi32, #tpu.memory_space<vmem>>, vector<16xi32>,
        %mul3A_288 = arith.constant 128 : i32
        %mul3A_289 = vector.broadcast %mul3A_288 : i32 to vector<16xi32>
        %mul3A_290 = arith.muli %get3A_287, %mul3A_289 : vector<16xi32>
        %mul3A_291 = arith.constant 16 : i32
        %mul3A_292 = arith.muli %scan3A_282, %mul3A_291 : i32
        %add3A_293 = vector.broadcast %mul3A_292 : i32 to vector<16xi32>
        %add3A_294 = arith.addi %add3A_293, %iota3A : vector<16xi32>
        %mul3A_295 = arith.constant 128 : i32
        %mul3A_296 = vector.broadcast %mul3A_295 : i32 to vector<16xi32>
        %mul3A_297 = arith.muli %add3A_294, %mul3A_296 : vector<16xi32>
        %add3A_298 = arith.addi %mul3A_290, %add3A_15 : vector<16xi32>
        %gather3A = tpu.vector_load_idx %arg5[%add3A_298] : memref<8192xf32, #tpu.memory_space<vmem>>[vector<16xi32>], vector<16xf32>,
        %add3A_299 = arith.addi %mul3A_297, %add3A_15 : vector<16xi32>
        tpu.vector_store_idx %arg10[%add3A_299], %gather3A : memref<10240xf32, #tpu.memory_space<vmem>>[vector<16xi32>], vector<16xf32>,
        %add3A_300 = arith.addi %mul3A_290, %add3A_18 : vector<16xi32>
        %gather3A_301 = tpu.vector_load_idx %arg5[%add3A_300] : memref<8192xf32, #tpu.memory_space<vmem>>[vector<16xi32>], vector<16xf32>,
        %add3A_302 = arith.addi %mul3A_297, %add3A_18 : vector<16xi32>
        tpu.vector_store_idx %arg10[%add3A_302], %gather3A_301 : memref<10240xf32, #tpu.memory_space<vmem>>[vector<16xi32>], vector<16xf32>,
        %add3A_303 = arith.addi %mul3A_290, %add3A_21 : vector<16xi32>
        %gather3A_304 = tpu.vector_load_idx %arg5[%add3A_303] : memref<8192xf32, #tpu.memory_space<vmem>>[vector<16xi32>], vector<16xf32>,
        %add3A_305 = arith.addi %mul3A_297, %add3A_21 : vector<16xi32>
        tpu.vector_store_idx %arg10[%add3A_305], %gather3A_304 : memref<10240xf32, #tpu.memory_space<vmem>>[vector<16xi32>], vector<16xf32>,
        %add3A_306 = arith.addi %mul3A_290, %add3A_24 : vector<16xi32>
        %gather3A_307 = tpu.vector_load_idx %arg5[%add3A_306] : memref<8192xf32, #tpu.memory_space<vmem>>[vector<16xi32>], vector<16xf32>,
        %add3A_308 = arith.addi %mul3A_297, %add3A_24 : vector<16xi32>
        tpu.vector_store_idx %arg10[%add3A_308], %gather3A_307 : memref<10240xf32, #tpu.memory_space<vmem>>[vector<16xi32>], vector<16xf32>,
        %add3A_309 = arith.addi %mul3A_290, %add3A_27 : vector<16xi32>
        %gather3A_310 = tpu.vector_load_idx %arg5[%add3A_309] : memref<8192xf32, #tpu.memory_space<vmem>>[vector<16xi32>], vector<16xf32>,
        %add3A_311 = arith.addi %mul3A_297, %add3A_27 : vector<16xi32>
        tpu.vector_store_idx %arg10[%add3A_311], %gather3A_310 : memref<10240xf32, #tpu.memory_space<vmem>>[vector<16xi32>], vector<16xf32>,
        %add3A_312 = arith.addi %mul3A_290, %add3A_30 : vector<16xi32>
        %gather3A_313 = tpu.vector_load_idx %arg5[%add3A_312] : memref<8192xf32, #tpu.memory_space<vmem>>[vector<16xi32>], vector<16xf32>,
        %add3A_314 = arith.addi %mul3A_297, %add3A_30 : vector<16xi32>
        tpu.vector_store_idx %arg10[%add3A_314], %gather3A_313 : memref<10240xf32, #tpu.memory_space<vmem>>[vector<16xi32>], vector<16xf32>,
        %add3A_315 = arith.addi %mul3A_290, %add3A_33 : vector<16xi32>
        %gather3A_316 = tpu.vector_load_idx %arg5[%add3A_315] : memref<8192xf32, #tpu.memory_space<vmem>>[vector<16xi32>], vector<16xf32>,
        %add3A_317 = arith.addi %mul3A_297, %add3A_33 : vector<16xi32>
        tpu.vector_store_idx %arg10[%add3A_317], %gather3A_316 : memref<10240xf32, #tpu.memory_space<vmem>>[vector<16xi32>], vector<16xf32>,
        %add3A_318 = arith.addi %mul3A_290, %add3A_36 : vector<16xi32>
        %gather3A_319 = tpu.vector_load_idx %arg5[%add3A_318] : memref<8192xf32, #tpu.memory_space<vmem>>[vector<16xi32>], vector<16xf32>,
        %add3A_320 = arith.addi %mul3A_297, %add3A_36 : vector<16xi32>
        tpu.vector_store_idx %arg10[%add3A_320], %gather3A_319 : memref<10240xf32, #tpu.memory_space<vmem>>[vector<16xi32>], vector<16xf32>,
      }
      %scan3A_276 = arith.constant 5 : i32
      %add3A_277 = arith.constant 880 : i32
      %add3A_278 = arith.addi %mul3A_9, %add3A_277 : i32
      %mul3A_279 = arith.constant 128 : i32
      %mul3A_280 = arith.muli %add3A_278, %mul3A_279 : i32
      %dma_start3A = tpu.memref_slice %arg4[%mul3A_280] : memref<12800000xf32, #tpu.memory_space<hbm>> -> memref<10240xf32, #tpu.memory_space<hbm>>
      %dma_start3A_281 = tpu.memref_slice %arg4[%mul3A_280] : memref<12800000xf32, #tpu.memory_space<hbm>> -> memref<10240xf32, #tpu.memory_space<hbm>>
      tpu.enqueue_dma source(%arg10 : memref<10240xf32, #tpu.memory_space<vmem>>) target(%dma_start3A_281 : memref<10240xf32, #tpu.memory_space<hbm>>) target_semaphore(%arg18 : memref<!tpu.dma_semaphore, #tpu.memory_space<semaphore_mem>>)
    } else {
    }
    %gt3A_97 = arith.constant 12 : i32
    %gt3A_98 = arith.cmpi sgt, %add3A_3, %gt3A_97 : i32
    %convert_element_type3A_99 = arith.extui %gt3A_98 : i1 to i32
    %cond3A_100 = arith.constant 0 : i32
    %cond3A_101 = arith.cmpi ne, %convert_element_type3A_99, %cond3A_100 : i32
    scf.if %cond3A_101 {
      %dma_wait3A_268 = arith.constant 0 : i32
      %dma_wait3A_269 = tpu.memref_slice %arg4[%dma_wait3A_268] : memref<12800000xf32, #tpu.memory_space<hbm>> -> memref<10240xf32, #tpu.memory_space<hbm>>
      %dma_wait3A_270 = arith.constant 0 : i32
      %dma_wait3A_271 = tpu.memref_slice %arg4[%dma_wait3A_270] : memref<12800000xf32, #tpu.memory_space<hbm>> -> memref<10240xf32, #tpu.memory_space<hbm>>
      tpu.wait_dma2 semaphore(%arg19 : memref<!tpu.dma_semaphore, #tpu.memory_space<semaphore_mem>>) src(%arg11 : memref<10240xf32, #tpu.memory_space<vmem>>) dst(%dma_wait3A_271 : memref<10240xf32, #tpu.memory_space<hbm>>)
      %scan3A = arith.constant 0 : i32
      %scan3A_272 = arith.constant 0 : i32
      %scan3A_273 = arith.constant 5 : i32
      %scan3A_274 = arith.addi %scan3A_272, %scan3A_273 : i32
      %scan3A_275 = arith.constant 1 : i32
      scf.for %scan3A_282 = %scan3A_272 to %scan3A_274 step %scan3A_275  : i32 {
        %mul3A_283 = arith.constant 16 : i32
        %mul3A_284 = arith.muli %scan3A_282, %mul3A_283 : i32
        %add3A_285 = arith.constant 960 : i32
        %add3A_286 = arith.addi %add3A_285, %mul3A_284 : i32
        %get3A = arith.index_cast %add3A_286 : i32 to index
        %get3A_287 = tpu.vector_load %arg6[%get3A] {strides = array<i32>} : memref<3200xi32, #tpu.memory_space<vmem>>, vector<16xi32>,
        %mul3A_288 = arith.constant 128 : i32
        %mul3A_289 = vector.broadcast %mul3A_288 : i32 to vector<16xi32>
        %mul3A_290 = arith.muli %get3A_287, %mul3A_289 : vector<16xi32>
        %mul3A_291 = arith.constant 16 : i32
        %mul3A_292 = arith.muli %scan3A_282, %mul3A_291 : i32
        %add3A_293 = vector.broadcast %mul3A_292 : i32 to vector<16xi32>
        %add3A_294 = arith.addi %add3A_293, %iota3A : vector<16xi32>
        %mul3A_295 = arith.constant 128 : i32
        %mul3A_296 = vector.broadcast %mul3A_295 : i32 to vector<16xi32>
        %mul3A_297 = arith.muli %add3A_294, %mul3A_296 : vector<16xi32>
        %add3A_298 = arith.addi %mul3A_290, %add3A_15 : vector<16xi32>
        %gather3A = tpu.vector_load_idx %arg5[%add3A_298] : memref<8192xf32, #tpu.memory_space<vmem>>[vector<16xi32>], vector<16xf32>,
        %add3A_299 = arith.addi %mul3A_297, %add3A_15 : vector<16xi32>
        tpu.vector_store_idx %arg11[%add3A_299], %gather3A : memref<10240xf32, #tpu.memory_space<vmem>>[vector<16xi32>], vector<16xf32>,
        %add3A_300 = arith.addi %mul3A_290, %add3A_18 : vector<16xi32>
        %gather3A_301 = tpu.vector_load_idx %arg5[%add3A_300] : memref<8192xf32, #tpu.memory_space<vmem>>[vector<16xi32>], vector<16xf32>,
        %add3A_302 = arith.addi %mul3A_297, %add3A_18 : vector<16xi32>
        tpu.vector_store_idx %arg11[%add3A_302], %gather3A_301 : memref<10240xf32, #tpu.memory_space<vmem>>[vector<16xi32>], vector<16xf32>,
        %add3A_303 = arith.addi %mul3A_290, %add3A_21 : vector<16xi32>
        %gather3A_304 = tpu.vector_load_idx %arg5[%add3A_303] : memref<8192xf32, #tpu.memory_space<vmem>>[vector<16xi32>], vector<16xf32>,
        %add3A_305 = arith.addi %mul3A_297, %add3A_21 : vector<16xi32>
        tpu.vector_store_idx %arg11[%add3A_305], %gather3A_304 : memref<10240xf32, #tpu.memory_space<vmem>>[vector<16xi32>], vector<16xf32>,
        %add3A_306 = arith.addi %mul3A_290, %add3A_24 : vector<16xi32>
        %gather3A_307 = tpu.vector_load_idx %arg5[%add3A_306] : memref<8192xf32, #tpu.memory_space<vmem>>[vector<16xi32>], vector<16xf32>,
        %add3A_308 = arith.addi %mul3A_297, %add3A_24 : vector<16xi32>
        tpu.vector_store_idx %arg11[%add3A_308], %gather3A_307 : memref<10240xf32, #tpu.memory_space<vmem>>[vector<16xi32>], vector<16xf32>,
        %add3A_309 = arith.addi %mul3A_290, %add3A_27 : vector<16xi32>
        %gather3A_310 = tpu.vector_load_idx %arg5[%add3A_309] : memref<8192xf32, #tpu.memory_space<vmem>>[vector<16xi32>], vector<16xf32>,
        %add3A_311 = arith.addi %mul3A_297, %add3A_27 : vector<16xi32>
        tpu.vector_store_idx %arg11[%add3A_311], %gather3A_310 : memref<10240xf32, #tpu.memory_space<vmem>>[vector<16xi32>], vector<16xf32>,
        %add3A_312 = arith.addi %mul3A_290, %add3A_30 : vector<16xi32>
        %gather3A_313 = tpu.vector_load_idx %arg5[%add3A_312] : memref<8192xf32, #tpu.memory_space<vmem>>[vector<16xi32>], vector<16xf32>,
        %add3A_314 = arith.addi %mul3A_297, %add3A_30 : vector<16xi32>
        tpu.vector_store_idx %arg11[%add3A_314], %gather3A_313 : memref<10240xf32, #tpu.memory_space<vmem>>[vector<16xi32>], vector<16xf32>,
        %add3A_315 = arith.addi %mul3A_290, %add3A_33 : vector<16xi32>
        %gather3A_316 = tpu.vector_load_idx %arg5[%add3A_315] : memref<8192xf32, #tpu.memory_space<vmem>>[vector<16xi32>], vector<16xf32>,
        %add3A_317 = arith.addi %mul3A_297, %add3A_33 : vector<16xi32>
        tpu.vector_store_idx %arg11[%add3A_317], %gather3A_316 : memref<10240xf32, #tpu.memory_space<vmem>>[vector<16xi32>], vector<16xf32>,
        %add3A_318 = arith.addi %mul3A_290, %add3A_36 : vector<16xi32>
        %gather3A_319 = tpu.vector_load_idx %arg5[%add3A_318] : memref<8192xf32, #tpu.memory_space<vmem>>[vector<16xi32>], vector<16xf32>,
        %add3A_320 = arith.addi %mul3A_297, %add3A_36 : vector<16xi32>
        tpu.vector_store_idx %arg11[%add3A_320], %gather3A_319 : memref<10240xf32, #tpu.memory_space<vmem>>[vector<16xi32>], vector<16xf32>,
      }
      %scan3A_276 = arith.constant 5 : i32
      %add3A_277 = arith.constant 960 : i32
      %add3A_278 = arith.addi %mul3A_9, %add3A_277 : i32
      %mul3A_279 = arith.constant 128 : i32
      %mul3A_280 = arith.muli %add3A_278, %mul3A_279 : i32
      %dma_start3A = tpu.memref_slice %arg4[%mul3A_280] : memref<12800000xf32, #tpu.memory_space<hbm>> -> memref<10240xf32, #tpu.memory_space<hbm>>
      %dma_start3A_281 = tpu.memref_slice %arg4[%mul3A_280] : memref<12800000xf32, #tpu.memory_space<hbm>> -> memref<10240xf32, #tpu.memory_space<hbm>>
      tpu.enqueue_dma source(%arg11 : memref<10240xf32, #tpu.memory_space<vmem>>) target(%dma_start3A_281 : memref<10240xf32, #tpu.memory_space<hbm>>) target_semaphore(%arg19 : memref<!tpu.dma_semaphore, #tpu.memory_space<semaphore_mem>>)
    } else {
    }
    %gt3A_102 = arith.constant 13 : i32
    %gt3A_103 = arith.cmpi sgt, %add3A_3, %gt3A_102 : i32
    %convert_element_type3A_104 = arith.extui %gt3A_103 : i1 to i32
    %cond3A_105 = arith.constant 0 : i32
    %cond3A_106 = arith.cmpi ne, %convert_element_type3A_104, %cond3A_105 : i32
    scf.if %cond3A_106 {
      %dma_wait3A_268 = arith.constant 0 : i32
      %dma_wait3A_269 = tpu.memref_slice %arg4[%dma_wait3A_268] : memref<12800000xf32, #tpu.memory_space<hbm>> -> memref<10240xf32, #tpu.memory_space<hbm>>
      %dma_wait3A_270 = arith.constant 0 : i32
      %dma_wait3A_271 = tpu.memref_slice %arg4[%dma_wait3A_270] : memref<12800000xf32, #tpu.memory_space<hbm>> -> memref<10240xf32, #tpu.memory_space<hbm>>
      tpu.wait_dma2 semaphore(%arg20 : memref<!tpu.dma_semaphore, #tpu.memory_space<semaphore_mem>>) src(%arg12 : memref<10240xf32, #tpu.memory_space<vmem>>) dst(%dma_wait3A_271 : memref<10240xf32, #tpu.memory_space<hbm>>)
      %scan3A = arith.constant 0 : i32
      %scan3A_272 = arith.constant 0 : i32
      %scan3A_273 = arith.constant 5 : i32
      %scan3A_274 = arith.addi %scan3A_272, %scan3A_273 : i32
      %scan3A_275 = arith.constant 1 : i32
      scf.for %scan3A_282 = %scan3A_272 to %scan3A_274 step %scan3A_275  : i32 {
        %mul3A_283 = arith.constant 16 : i32
        %mul3A_284 = arith.muli %scan3A_282, %mul3A_283 : i32
        %add3A_285 = arith.constant 1040 : i32
        %add3A_286 = arith.addi %add3A_285, %mul3A_284 : i32
        %get3A = arith.index_cast %add3A_286 : i32 to index
        %get3A_287 = tpu.vector_load %arg6[%get3A] {strides = array<i32>} : memref<3200xi32, #tpu.memory_space<vmem>>, vector<16xi32>,
        %mul3A_288 = arith.constant 128 : i32
        %mul3A_289 = vector.broadcast %mul3A_288 : i32 to vector<16xi32>
        %mul3A_290 = arith.muli %get3A_287, %mul3A_289 : vector<16xi32>
        %mul3A_291 = arith.constant 16 : i32
        %mul3A_292 = arith.muli %scan3A_282, %mul3A_291 : i32
        %add3A_293 = vector.broadcast %mul3A_292 : i32 to vector<16xi32>
        %add3A_294 = arith.addi %add3A_293, %iota3A : vector<16xi32>
        %mul3A_295 = arith.constant 128 : i32
        %mul3A_296 = vector.broadcast %mul3A_295 : i32 to vector<16xi32>
        %mul3A_297 = arith.muli %add3A_294, %mul3A_296 : vector<16xi32>
        %add3A_298 = arith.addi %mul3A_290, %add3A_15 : vector<16xi32>
        %gather3A = tpu.vector_load_idx %arg5[%add3A_298] : memref<8192xf32, #tpu.memory_space<vmem>>[vector<16xi32>], vector<16xf32>,
        %add3A_299 = arith.addi %mul3A_297, %add3A_15 : vector<16xi32>
        tpu.vector_store_idx %arg12[%add3A_299], %gather3A : memref<10240xf32, #tpu.memory_space<vmem>>[vector<16xi32>], vector<16xf32>,
        %add3A_300 = arith.addi %mul3A_290, %add3A_18 : vector<16xi32>
        %gather3A_301 = tpu.vector_load_idx %arg5[%add3A_300] : memref<8192xf32, #tpu.memory_space<vmem>>[vector<16xi32>], vector<16xf32>,
        %add3A_302 = arith.addi %mul3A_297, %add3A_18 : vector<16xi32>
        tpu.vector_store_idx %arg12[%add3A_302], %gather3A_301 : memref<10240xf32, #tpu.memory_space<vmem>>[vector<16xi32>], vector<16xf32>,
        %add3A_303 = arith.addi %mul3A_290, %add3A_21 : vector<16xi32>
        %gather3A_304 = tpu.vector_load_idx %arg5[%add3A_303] : memref<8192xf32, #tpu.memory_space<vmem>>[vector<16xi32>], vector<16xf32>,
        %add3A_305 = arith.addi %mul3A_297, %add3A_21 : vector<16xi32>
        tpu.vector_store_idx %arg12[%add3A_305], %gather3A_304 : memref<10240xf32, #tpu.memory_space<vmem>>[vector<16xi32>], vector<16xf32>,
        %add3A_306 = arith.addi %mul3A_290, %add3A_24 : vector<16xi32>
        %gather3A_307 = tpu.vector_load_idx %arg5[%add3A_306] : memref<8192xf32, #tpu.memory_space<vmem>>[vector<16xi32>], vector<16xf32>,
        %add3A_308 = arith.addi %mul3A_297, %add3A_24 : vector<16xi32>
        tpu.vector_store_idx %arg12[%add3A_308], %gather3A_307 : memref<10240xf32, #tpu.memory_space<vmem>>[vector<16xi32>], vector<16xf32>,
        %add3A_309 = arith.addi %mul3A_290, %add3A_27 : vector<16xi32>
        %gather3A_310 = tpu.vector_load_idx %arg5[%add3A_309] : memref<8192xf32, #tpu.memory_space<vmem>>[vector<16xi32>], vector<16xf32>,
        %add3A_311 = arith.addi %mul3A_297, %add3A_27 : vector<16xi32>
        tpu.vector_store_idx %arg12[%add3A_311], %gather3A_310 : memref<10240xf32, #tpu.memory_space<vmem>>[vector<16xi32>], vector<16xf32>,
        %add3A_312 = arith.addi %mul3A_290, %add3A_30 : vector<16xi32>
        %gather3A_313 = tpu.vector_load_idx %arg5[%add3A_312] : memref<8192xf32, #tpu.memory_space<vmem>>[vector<16xi32>], vector<16xf32>,
        %add3A_314 = arith.addi %mul3A_297, %add3A_30 : vector<16xi32>
        tpu.vector_store_idx %arg12[%add3A_314], %gather3A_313 : memref<10240xf32, #tpu.memory_space<vmem>>[vector<16xi32>], vector<16xf32>,
        %add3A_315 = arith.addi %mul3A_290, %add3A_33 : vector<16xi32>
        %gather3A_316 = tpu.vector_load_idx %arg5[%add3A_315] : memref<8192xf32, #tpu.memory_space<vmem>>[vector<16xi32>], vector<16xf32>,
        %add3A_317 = arith.addi %mul3A_297, %add3A_33 : vector<16xi32>
        tpu.vector_store_idx %arg12[%add3A_317], %gather3A_316 : memref<10240xf32, #tpu.memory_space<vmem>>[vector<16xi32>], vector<16xf32>,
        %add3A_318 = arith.addi %mul3A_290, %add3A_36 : vector<16xi32>
        %gather3A_319 = tpu.vector_load_idx %arg5[%add3A_318] : memref<8192xf32, #tpu.memory_space<vmem>>[vector<16xi32>], vector<16xf32>,
        %add3A_320 = arith.addi %mul3A_297, %add3A_36 : vector<16xi32>
        tpu.vector_store_idx %arg12[%add3A_320], %gather3A_319 : memref<10240xf32, #tpu.memory_space<vmem>>[vector<16xi32>], vector<16xf32>,
      }
      %scan3A_276 = arith.constant 5 : i32
      %add3A_277 = arith.constant 1040 : i32
      %add3A_278 = arith.addi %mul3A_9, %add3A_277 : i32
      %mul3A_279 = arith.constant 128 : i32
      %mul3A_280 = arith.muli %add3A_278, %mul3A_279 : i32
      %dma_start3A = tpu.memref_slice %arg4[%mul3A_280] : memref<12800000xf32, #tpu.memory_space<hbm>> -> memref<10240xf32, #tpu.memory_space<hbm>>
      %dma_start3A_281 = tpu.memref_slice %arg4[%mul3A_280] : memref<12800000xf32, #tpu.memory_space<hbm>> -> memref<10240xf32, #tpu.memory_space<hbm>>
      tpu.enqueue_dma source(%arg12 : memref<10240xf32, #tpu.memory_space<vmem>>) target(%dma_start3A_281 : memref<10240xf32, #tpu.memory_space<hbm>>) target_semaphore(%arg20 : memref<!tpu.dma_semaphore, #tpu.memory_space<semaphore_mem>>)
    } else {
    }
    %gt3A_107 = arith.constant 14 : i32
    %gt3A_108 = arith.cmpi sgt, %add3A_3, %gt3A_107 : i32
    %convert_element_type3A_109 = arith.extui %gt3A_108 : i1 to i32
    %cond3A_110 = arith.constant 0 : i32
    %cond3A_111 = arith.cmpi ne, %convert_element_type3A_109, %cond3A_110 : i32
    scf.if %cond3A_111 {
      %dma_wait3A_268 = arith.constant 0 : i32
      %dma_wait3A_269 = tpu.memref_slice %arg4[%dma_wait3A_268] : memref<12800000xf32, #tpu.memory_space<hbm>> -> memref<10240xf32, #tpu.memory_space<hbm>>
      %dma_wait3A_270 = arith.constant 0 : i32
      %dma_wait3A_271 = tpu.memref_slice %arg4[%dma_wait3A_270] : memref<12800000xf32, #tpu.memory_space<hbm>> -> memref<10240xf32, #tpu.memory_space<hbm>>
      tpu.wait_dma2 semaphore(%arg21 : memref<!tpu.dma_semaphore, #tpu.memory_space<semaphore_mem>>) src(%arg13 : memref<10240xf32, #tpu.memory_space<vmem>>) dst(%dma_wait3A_271 : memref<10240xf32, #tpu.memory_space<hbm>>)
      %scan3A = arith.constant 0 : i32
      %scan3A_272 = arith.constant 0 : i32
      %scan3A_273 = arith.constant 5 : i32
      %scan3A_274 = arith.addi %scan3A_272, %scan3A_273 : i32
      %scan3A_275 = arith.constant 1 : i32
      scf.for %scan3A_282 = %scan3A_272 to %scan3A_274 step %scan3A_275  : i32 {
        %mul3A_283 = arith.constant 16 : i32
        %mul3A_284 = arith.muli %scan3A_282, %mul3A_283 : i32
        %add3A_285 = arith.constant 1120 : i32
        %add3A_286 = arith.addi %add3A_285, %mul3A_284 : i32
        %get3A = arith.index_cast %add3A_286 : i32 to index
        %get3A_287 = tpu.vector_load %arg6[%get3A] {strides = array<i32>} : memref<3200xi32, #tpu.memory_space<vmem>>, vector<16xi32>,
        %mul3A_288 = arith.constant 128 : i32
        %mul3A_289 = vector.broadcast %mul3A_288 : i32 to vector<16xi32>
        %mul3A_290 = arith.muli %get3A_287, %mul3A_289 : vector<16xi32>
        %mul3A_291 = arith.constant 16 : i32
        %mul3A_292 = arith.muli %scan3A_282, %mul3A_291 : i32
        %add3A_293 = vector.broadcast %mul3A_292 : i32 to vector<16xi32>
        %add3A_294 = arith.addi %add3A_293, %iota3A : vector<16xi32>
        %mul3A_295 = arith.constant 128 : i32
        %mul3A_296 = vector.broadcast %mul3A_295 : i32 to vector<16xi32>
        %mul3A_297 = arith.muli %add3A_294, %mul3A_296 : vector<16xi32>
        %add3A_298 = arith.addi %mul3A_290, %add3A_15 : vector<16xi32>
        %gather3A = tpu.vector_load_idx %arg5[%add3A_298] : memref<8192xf32, #tpu.memory_space<vmem>>[vector<16xi32>], vector<16xf32>,
        %add3A_299 = arith.addi %mul3A_297, %add3A_15 : vector<16xi32>
        tpu.vector_store_idx %arg13[%add3A_299], %gather3A : memref<10240xf32, #tpu.memory_space<vmem>>[vector<16xi32>], vector<16xf32>,
        %add3A_300 = arith.addi %mul3A_290, %add3A_18 : vector<16xi32>
        %gather3A_301 = tpu.vector_load_idx %arg5[%add3A_300] : memref<8192xf32, #tpu.memory_space<vmem>>[vector<16xi32>], vector<16xf32>,
        %add3A_302 = arith.addi %mul3A_297, %add3A_18 : vector<16xi32>
        tpu.vector_store_idx %arg13[%add3A_302], %gather3A_301 : memref<10240xf32, #tpu.memory_space<vmem>>[vector<16xi32>], vector<16xf32>,
        %add3A_303 = arith.addi %mul3A_290, %add3A_21 : vector<16xi32>
        %gather3A_304 = tpu.vector_load_idx %arg5[%add3A_303] : memref<8192xf32, #tpu.memory_space<vmem>>[vector<16xi32>], vector<16xf32>,
        %add3A_305 = arith.addi %mul3A_297, %add3A_21 : vector<16xi32>
        tpu.vector_store_idx %arg13[%add3A_305], %gather3A_304 : memref<10240xf32, #tpu.memory_space<vmem>>[vector<16xi32>], vector<16xf32>,
        %add3A_306 = arith.addi %mul3A_290, %add3A_24 : vector<16xi32>
        %gather3A_307 = tpu.vector_load_idx %arg5[%add3A_306] : memref<8192xf32, #tpu.memory_space<vmem>>[vector<16xi32>], vector<16xf32>,
        %add3A_308 = arith.addi %mul3A_297, %add3A_24 : vector<16xi32>
        tpu.vector_store_idx %arg13[%add3A_308], %gather3A_307 : memref<10240xf32, #tpu.memory_space<vmem>>[vector<16xi32>], vector<16xf32>,
        %add3A_309 = arith.addi %mul3A_290, %add3A_27 : vector<16xi32>
        %gather3A_310 = tpu.vector_load_idx %arg5[%add3A_309] : memref<8192xf32, #tpu.memory_space<vmem>>[vector<16xi32>], vector<16xf32>,
        %add3A_311 = arith.addi %mul3A_297, %add3A_27 : vector<16xi32>
        tpu.vector_store_idx %arg13[%add3A_311], %gather3A_310 : memref<10240xf32, #tpu.memory_space<vmem>>[vector<16xi32>], vector<16xf32>,
        %add3A_312 = arith.addi %mul3A_290, %add3A_30 : vector<16xi32>
        %gather3A_313 = tpu.vector_load_idx %arg5[%add3A_312] : memref<8192xf32, #tpu.memory_space<vmem>>[vector<16xi32>], vector<16xf32>,
        %add3A_314 = arith.addi %mul3A_297, %add3A_30 : vector<16xi32>
        tpu.vector_store_idx %arg13[%add3A_314], %gather3A_313 : memref<10240xf32, #tpu.memory_space<vmem>>[vector<16xi32>], vector<16xf32>,
        %add3A_315 = arith.addi %mul3A_290, %add3A_33 : vector<16xi32>
        %gather3A_316 = tpu.vector_load_idx %arg5[%add3A_315] : memref<8192xf32, #tpu.memory_space<vmem>>[vector<16xi32>], vector<16xf32>,
        %add3A_317 = arith.addi %mul3A_297, %add3A_33 : vector<16xi32>
        tpu.vector_store_idx %arg13[%add3A_317], %gather3A_316 : memref<10240xf32, #tpu.memory_space<vmem>>[vector<16xi32>], vector<16xf32>,
        %add3A_318 = arith.addi %mul3A_290, %add3A_36 : vector<16xi32>
        %gather3A_319 = tpu.vector_load_idx %arg5[%add3A_318] : memref<8192xf32, #tpu.memory_space<vmem>>[vector<16xi32>], vector<16xf32>,
        %add3A_320 = arith.addi %mul3A_297, %add3A_36 : vector<16xi32>
        tpu.vector_store_idx %arg13[%add3A_320], %gather3A_319 : memref<10240xf32, #tpu.memory_space<vmem>>[vector<16xi32>], vector<16xf32>,
      }
      %scan3A_276 = arith.constant 5 : i32
      %add3A_277 = arith.constant 1120 : i32
      %add3A_278 = arith.addi %mul3A_9, %add3A_277 : i32
      %mul3A_279 = arith.constant 128 : i32
      %mul3A_280 = arith.muli %add3A_278, %mul3A_279 : i32
      %dma_start3A = tpu.memref_slice %arg4[%mul3A_280] : memref<12800000xf32, #tpu.memory_space<hbm>> -> memref<10240xf32, #tpu.memory_space<hbm>>
      %dma_start3A_281 = tpu.memref_slice %arg4[%mul3A_280] : memref<12800000xf32, #tpu.memory_space<hbm>> -> memref<10240xf32, #tpu.memory_space<hbm>>
      tpu.enqueue_dma source(%arg13 : memref<10240xf32, #tpu.memory_space<vmem>>) target(%dma_start3A_281 : memref<10240xf32, #tpu.memory_space<hbm>>) target_semaphore(%arg21 : memref<!tpu.dma_semaphore, #tpu.memory_space<semaphore_mem>>)
    } else {
    }
    %gt3A_112 = arith.constant 15 : i32
    %gt3A_113 = arith.cmpi sgt, %add3A_3, %gt3A_112 : i32
    %convert_element_type3A_114 = arith.extui %gt3A_113 : i1 to i32
    %cond3A_115 = arith.constant 0 : i32
    %cond3A_116 = arith.cmpi ne, %convert_element_type3A_114, %cond3A_115 : i32
    scf.if %cond3A_116 {
      %dma_wait3A_268 = arith.constant 0 : i32
      %dma_wait3A_269 = tpu.memref_slice %arg4[%dma_wait3A_268] : memref<12800000xf32, #tpu.memory_space<hbm>> -> memref<10240xf32, #tpu.memory_space<hbm>>
      %dma_wait3A_270 = arith.constant 0 : i32
      %dma_wait3A_271 = tpu.memref_slice %arg4[%dma_wait3A_270] : memref<12800000xf32, #tpu.memory_space<hbm>> -> memref<10240xf32, #tpu.memory_space<hbm>>
      tpu.wait_dma2 semaphore(%arg22 : memref<!tpu.dma_semaphore, #tpu.memory_space<semaphore_mem>>) src(%arg14 : memref<10240xf32, #tpu.memory_space<vmem>>) dst(%dma_wait3A_271 : memref<10240xf32, #tpu.memory_space<hbm>>)
      %scan3A = arith.constant 0 : i32
      %scan3A_272 = arith.constant 0 : i32
      %scan3A_273 = arith.constant 5 : i32
      %scan3A_274 = arith.addi %scan3A_272, %scan3A_273 : i32
      %scan3A_275 = arith.constant 1 : i32
      scf.for %scan3A_282 = %scan3A_272 to %scan3A_274 step %scan3A_275  : i32 {
        %mul3A_283 = arith.constant 16 : i32
        %mul3A_284 = arith.muli %scan3A_282, %mul3A_283 : i32
        %add3A_285 = arith.constant 1200 : i32
        %add3A_286 = arith.addi %add3A_285, %mul3A_284 : i32
        %get3A = arith.index_cast %add3A_286 : i32 to index
        %get3A_287 = tpu.vector_load %arg6[%get3A] {strides = array<i32>} : memref<3200xi32, #tpu.memory_space<vmem>>, vector<16xi32>,
        %mul3A_288 = arith.constant 128 : i32
        %mul3A_289 = vector.broadcast %mul3A_288 : i32 to vector<16xi32>
        %mul3A_290 = arith.muli %get3A_287, %mul3A_289 : vector<16xi32>
        %mul3A_291 = arith.constant 16 : i32
        %mul3A_292 = arith.muli %scan3A_282, %mul3A_291 : i32
        %add3A_293 = vector.broadcast %mul3A_292 : i32 to vector<16xi32>
        %add3A_294 = arith.addi %add3A_293, %iota3A : vector<16xi32>
        %mul3A_295 = arith.constant 128 : i32
        %mul3A_296 = vector.broadcast %mul3A_295 : i32 to vector<16xi32>
        %mul3A_297 = arith.muli %add3A_294, %mul3A_296 : vector<16xi32>
        %add3A_298 = arith.addi %mul3A_290, %add3A_15 : vector<16xi32>
        %gather3A = tpu.vector_load_idx %arg5[%add3A_298] : memref<8192xf32, #tpu.memory_space<vmem>>[vector<16xi32>], vector<16xf32>,
        %add3A_299 = arith.addi %mul3A_297, %add3A_15 : vector<16xi32>
        tpu.vector_store_idx %arg14[%add3A_299], %gather3A : memref<10240xf32, #tpu.memory_space<vmem>>[vector<16xi32>], vector<16xf32>,
        %add3A_300 = arith.addi %mul3A_290, %add3A_18 : vector<16xi32>
        %gather3A_301 = tpu.vector_load_idx %arg5[%add3A_300] : memref<8192xf32, #tpu.memory_space<vmem>>[vector<16xi32>], vector<16xf32>,
        %add3A_302 = arith.addi %mul3A_297, %add3A_18 : vector<16xi32>
        tpu.vector_store_idx %arg14[%add3A_302], %gather3A_301 : memref<10240xf32, #tpu.memory_space<vmem>>[vector<16xi32>], vector<16xf32>,
        %add3A_303 = arith.addi %mul3A_290, %add3A_21 : vector<16xi32>
        %gather3A_304 = tpu.vector_load_idx %arg5[%add3A_303] : memref<8192xf32, #tpu.memory_space<vmem>>[vector<16xi32>], vector<16xf32>,
        %add3A_305 = arith.addi %mul3A_297, %add3A_21 : vector<16xi32>
        tpu.vector_store_idx %arg14[%add3A_305], %gather3A_304 : memref<10240xf32, #tpu.memory_space<vmem>>[vector<16xi32>], vector<16xf32>,
        %add3A_306 = arith.addi %mul3A_290, %add3A_24 : vector<16xi32>
        %gather3A_307 = tpu.vector_load_idx %arg5[%add3A_306] : memref<8192xf32, #tpu.memory_space<vmem>>[vector<16xi32>], vector<16xf32>,
        %add3A_308 = arith.addi %mul3A_297, %add3A_24 : vector<16xi32>
        tpu.vector_store_idx %arg14[%add3A_308], %gather3A_307 : memref<10240xf32, #tpu.memory_space<vmem>>[vector<16xi32>], vector<16xf32>,
        %add3A_309 = arith.addi %mul3A_290, %add3A_27 : vector<16xi32>
        %gather3A_310 = tpu.vector_load_idx %arg5[%add3A_309] : memref<8192xf32, #tpu.memory_space<vmem>>[vector<16xi32>], vector<16xf32>,
        %add3A_311 = arith.addi %mul3A_297, %add3A_27 : vector<16xi32>
        tpu.vector_store_idx %arg14[%add3A_311], %gather3A_310 : memref<10240xf32, #tpu.memory_space<vmem>>[vector<16xi32>], vector<16xf32>,
        %add3A_312 = arith.addi %mul3A_290, %add3A_30 : vector<16xi32>
        %gather3A_313 = tpu.vector_load_idx %arg5[%add3A_312] : memref<8192xf32, #tpu.memory_space<vmem>>[vector<16xi32>], vector<16xf32>,
        %add3A_314 = arith.addi %mul3A_297, %add3A_30 : vector<16xi32>
        tpu.vector_store_idx %arg14[%add3A_314], %gather3A_313 : memref<10240xf32, #tpu.memory_space<vmem>>[vector<16xi32>], vector<16xf32>,
        %add3A_315 = arith.addi %mul3A_290, %add3A_33 : vector<16xi32>
        %gather3A_316 = tpu.vector_load_idx %arg5[%add3A_315] : memref<8192xf32, #tpu.memory_space<vmem>>[vector<16xi32>], vector<16xf32>,
        %add3A_317 = arith.addi %mul3A_297, %add3A_33 : vector<16xi32>
        tpu.vector_store_idx %arg14[%add3A_317], %gather3A_316 : memref<10240xf32, #tpu.memory_space<vmem>>[vector<16xi32>], vector<16xf32>,
        %add3A_318 = arith.addi %mul3A_290, %add3A_36 : vector<16xi32>
        %gather3A_319 = tpu.vector_load_idx %arg5[%add3A_318] : memref<8192xf32, #tpu.memory_space<vmem>>[vector<16xi32>], vector<16xf32>,
        %add3A_320 = arith.addi %mul3A_297, %add3A_36 : vector<16xi32>
        tpu.vector_store_idx %arg14[%add3A_320], %gather3A_319 : memref<10240xf32, #tpu.memory_space<vmem>>[vector<16xi32>], vector<16xf32>,
      }
      %scan3A_276 = arith.constant 5 : i32
      %add3A_277 = arith.constant 1200 : i32
      %add3A_278 = arith.addi %mul3A_9, %add3A_277 : i32
      %mul3A_279 = arith.constant 128 : i32
      %mul3A_280 = arith.muli %add3A_278, %mul3A_279 : i32
      %dma_start3A = tpu.memref_slice %arg4[%mul3A_280] : memref<12800000xf32, #tpu.memory_space<hbm>> -> memref<10240xf32, #tpu.memory_space<hbm>>
      %dma_start3A_281 = tpu.memref_slice %arg4[%mul3A_280] : memref<12800000xf32, #tpu.memory_space<hbm>> -> memref<10240xf32, #tpu.memory_space<hbm>>
      tpu.enqueue_dma source(%arg14 : memref<10240xf32, #tpu.memory_space<vmem>>) target(%dma_start3A_281 : memref<10240xf32, #tpu.memory_space<hbm>>) target_semaphore(%arg22 : memref<!tpu.dma_semaphore, #tpu.memory_space<semaphore_mem>>)
    } else {
    }
    %gt3A_117 = arith.constant 16 : i32
    %gt3A_118 = arith.cmpi sgt, %add3A_3, %gt3A_117 : i32
    %convert_element_type3A_119 = arith.extui %gt3A_118 : i1 to i32
    %cond3A_120 = arith.constant 0 : i32
    %cond3A_121 = arith.cmpi ne, %convert_element_type3A_119, %cond3A_120 : i32
    scf.if %cond3A_121 {
      %dma_wait3A_268 = arith.constant 0 : i32
      %dma_wait3A_269 = tpu.memref_slice %arg4[%dma_wait3A_268] : memref<12800000xf32, #tpu.memory_space<hbm>> -> memref<10240xf32, #tpu.memory_space<hbm>>
      %dma_wait3A_270 = arith.constant 0 : i32
      %dma_wait3A_271 = tpu.memref_slice %arg4[%dma_wait3A_270] : memref<12800000xf32, #tpu.memory_space<hbm>> -> memref<10240xf32, #tpu.memory_space<hbm>>
      tpu.wait_dma2 semaphore(%arg15 : memref<!tpu.dma_semaphore, #tpu.memory_space<semaphore_mem>>) src(%arg7 : memref<10240xf32, #tpu.memory_space<vmem>>) dst(%dma_wait3A_271 : memref<10240xf32, #tpu.memory_space<hbm>>)
      %scan3A = arith.constant 0 : i32
      %scan3A_272 = arith.constant 0 : i32
      %scan3A_273 = arith.constant 5 : i32
      %scan3A_274 = arith.addi %scan3A_272, %scan3A_273 : i32
      %scan3A_275 = arith.constant 1 : i32
      scf.for %scan3A_282 = %scan3A_272 to %scan3A_274 step %scan3A_275  : i32 {
        %mul3A_283 = arith.constant 16 : i32
        %mul3A_284 = arith.muli %scan3A_282, %mul3A_283 : i32
        %add3A_285 = arith.constant 1280 : i32
        %add3A_286 = arith.addi %add3A_285, %mul3A_284 : i32
        %get3A = arith.index_cast %add3A_286 : i32 to index
        %get3A_287 = tpu.vector_load %arg6[%get3A] {strides = array<i32>} : memref<3200xi32, #tpu.memory_space<vmem>>, vector<16xi32>,
        %mul3A_288 = arith.constant 128 : i32
        %mul3A_289 = vector.broadcast %mul3A_288 : i32 to vector<16xi32>
        %mul3A_290 = arith.muli %get3A_287, %mul3A_289 : vector<16xi32>
        %mul3A_291 = arith.constant 16 : i32
        %mul3A_292 = arith.muli %scan3A_282, %mul3A_291 : i32
        %add3A_293 = vector.broadcast %mul3A_292 : i32 to vector<16xi32>
        %add3A_294 = arith.addi %add3A_293, %iota3A : vector<16xi32>
        %mul3A_295 = arith.constant 128 : i32
        %mul3A_296 = vector.broadcast %mul3A_295 : i32 to vector<16xi32>
        %mul3A_297 = arith.muli %add3A_294, %mul3A_296 : vector<16xi32>
        %add3A_298 = arith.addi %mul3A_290, %add3A_15 : vector<16xi32>
        %gather3A = tpu.vector_load_idx %arg5[%add3A_298] : memref<8192xf32, #tpu.memory_space<vmem>>[vector<16xi32>], vector<16xf32>,
        %add3A_299 = arith.addi %mul3A_297, %add3A_15 : vector<16xi32>
        tpu.vector_store_idx %arg7[%add3A_299], %gather3A : memref<10240xf32, #tpu.memory_space<vmem>>[vector<16xi32>], vector<16xf32>,
        %add3A_300 = arith.addi %mul3A_290, %add3A_18 : vector<16xi32>
        %gather3A_301 = tpu.vector_load_idx %arg5[%add3A_300] : memref<8192xf32, #tpu.memory_space<vmem>>[vector<16xi32>], vector<16xf32>,
        %add3A_302 = arith.addi %mul3A_297, %add3A_18 : vector<16xi32>
        tpu.vector_store_idx %arg7[%add3A_302], %gather3A_301 : memref<10240xf32, #tpu.memory_space<vmem>>[vector<16xi32>], vector<16xf32>,
        %add3A_303 = arith.addi %mul3A_290, %add3A_21 : vector<16xi32>
        %gather3A_304 = tpu.vector_load_idx %arg5[%add3A_303] : memref<8192xf32, #tpu.memory_space<vmem>>[vector<16xi32>], vector<16xf32>,
        %add3A_305 = arith.addi %mul3A_297, %add3A_21 : vector<16xi32>
        tpu.vector_store_idx %arg7[%add3A_305], %gather3A_304 : memref<10240xf32, #tpu.memory_space<vmem>>[vector<16xi32>], vector<16xf32>,
        %add3A_306 = arith.addi %mul3A_290, %add3A_24 : vector<16xi32>
        %gather3A_307 = tpu.vector_load_idx %arg5[%add3A_306] : memref<8192xf32, #tpu.memory_space<vmem>>[vector<16xi32>], vector<16xf32>,
        %add3A_308 = arith.addi %mul3A_297, %add3A_24 : vector<16xi32>
        tpu.vector_store_idx %arg7[%add3A_308], %gather3A_307 : memref<10240xf32, #tpu.memory_space<vmem>>[vector<16xi32>], vector<16xf32>,
        %add3A_309 = arith.addi %mul3A_290, %add3A_27 : vector<16xi32>
        %gather3A_310 = tpu.vector_load_idx %arg5[%add3A_309] : memref<8192xf32, #tpu.memory_space<vmem>>[vector<16xi32>], vector<16xf32>,
        %add3A_311 = arith.addi %mul3A_297, %add3A_27 : vector<16xi32>
        tpu.vector_store_idx %arg7[%add3A_311], %gather3A_310 : memref<10240xf32, #tpu.memory_space<vmem>>[vector<16xi32>], vector<16xf32>,
        %add3A_312 = arith.addi %mul3A_290, %add3A_30 : vector<16xi32>
        %gather3A_313 = tpu.vector_load_idx %arg5[%add3A_312] : memref<8192xf32, #tpu.memory_space<vmem>>[vector<16xi32>], vector<16xf32>,
        %add3A_314 = arith.addi %mul3A_297, %add3A_30 : vector<16xi32>
        tpu.vector_store_idx %arg7[%add3A_314], %gather3A_313 : memref<10240xf32, #tpu.memory_space<vmem>>[vector<16xi32>], vector<16xf32>,
        %add3A_315 = arith.addi %mul3A_290, %add3A_33 : vector<16xi32>
        %gather3A_316 = tpu.vector_load_idx %arg5[%add3A_315] : memref<8192xf32, #tpu.memory_space<vmem>>[vector<16xi32>], vector<16xf32>,
        %add3A_317 = arith.addi %mul3A_297, %add3A_33 : vector<16xi32>
        tpu.vector_store_idx %arg7[%add3A_317], %gather3A_316 : memref<10240xf32, #tpu.memory_space<vmem>>[vector<16xi32>], vector<16xf32>,
        %add3A_318 = arith.addi %mul3A_290, %add3A_36 : vector<16xi32>
        %gather3A_319 = tpu.vector_load_idx %arg5[%add3A_318] : memref<8192xf32, #tpu.memory_space<vmem>>[vector<16xi32>], vector<16xf32>,
        %add3A_320 = arith.addi %mul3A_297, %add3A_36 : vector<16xi32>
        tpu.vector_store_idx %arg7[%add3A_320], %gather3A_319 : memref<10240xf32, #tpu.memory_space<vmem>>[vector<16xi32>], vector<16xf32>,
      }
      %scan3A_276 = arith.constant 5 : i32
      %add3A_277 = arith.constant 1280 : i32
      %add3A_278 = arith.addi %mul3A_9, %add3A_277 : i32
      %mul3A_279 = arith.constant 128 : i32
      %mul3A_280 = arith.muli %add3A_278, %mul3A_279 : i32
      %dma_start3A = tpu.memref_slice %arg4[%mul3A_280] : memref<12800000xf32, #tpu.memory_space<hbm>> -> memref<10240xf32, #tpu.memory_space<hbm>>
      %dma_start3A_281 = tpu.memref_slice %arg4[%mul3A_280] : memref<12800000xf32, #tpu.memory_space<hbm>> -> memref<10240xf32, #tpu.memory_space<hbm>>
      tpu.enqueue_dma source(%arg7 : memref<10240xf32, #tpu.memory_space<vmem>>) target(%dma_start3A_281 : memref<10240xf32, #tpu.memory_space<hbm>>) target_semaphore(%arg15 : memref<!tpu.dma_semaphore, #tpu.memory_space<semaphore_mem>>)
    } else {
    }
    %gt3A_122 = arith.constant 17 : i32
    %gt3A_123 = arith.cmpi sgt, %add3A_3, %gt3A_122 : i32
    %convert_element_type3A_124 = arith.extui %gt3A_123 : i1 to i32
    %cond3A_125 = arith.constant 0 : i32
    %cond3A_126 = arith.cmpi ne, %convert_element_type3A_124, %cond3A_125 : i32
    scf.if %cond3A_126 {
      %dma_wait3A_268 = arith.constant 0 : i32
      %dma_wait3A_269 = tpu.memref_slice %arg4[%dma_wait3A_268] : memref<12800000xf32, #tpu.memory_space<hbm>> -> memref<10240xf32, #tpu.memory_space<hbm>>
      %dma_wait3A_270 = arith.constant 0 : i32
      %dma_wait3A_271 = tpu.memref_slice %arg4[%dma_wait3A_270] : memref<12800000xf32, #tpu.memory_space<hbm>> -> memref<10240xf32, #tpu.memory_space<hbm>>
      tpu.wait_dma2 semaphore(%arg16 : memref<!tpu.dma_semaphore, #tpu.memory_space<semaphore_mem>>) src(%arg8 : memref<10240xf32, #tpu.memory_space<vmem>>) dst(%dma_wait3A_271 : memref<10240xf32, #tpu.memory_space<hbm>>)
      %scan3A = arith.constant 0 : i32
      %scan3A_272 = arith.constant 0 : i32
      %scan3A_273 = arith.constant 5 : i32
      %scan3A_274 = arith.addi %scan3A_272, %scan3A_273 : i32
      %scan3A_275 = arith.constant 1 : i32
      scf.for %scan3A_282 = %scan3A_272 to %scan3A_274 step %scan3A_275  : i32 {
        %mul3A_283 = arith.constant 16 : i32
        %mul3A_284 = arith.muli %scan3A_282, %mul3A_283 : i32
        %add3A_285 = arith.constant 1360 : i32
        %add3A_286 = arith.addi %add3A_285, %mul3A_284 : i32
        %get3A = arith.index_cast %add3A_286 : i32 to index
        %get3A_287 = tpu.vector_load %arg6[%get3A] {strides = array<i32>} : memref<3200xi32, #tpu.memory_space<vmem>>, vector<16xi32>,
        %mul3A_288 = arith.constant 128 : i32
        %mul3A_289 = vector.broadcast %mul3A_288 : i32 to vector<16xi32>
        %mul3A_290 = arith.muli %get3A_287, %mul3A_289 : vector<16xi32>
        %mul3A_291 = arith.constant 16 : i32
        %mul3A_292 = arith.muli %scan3A_282, %mul3A_291 : i32
        %add3A_293 = vector.broadcast %mul3A_292 : i32 to vector<16xi32>
        %add3A_294 = arith.addi %add3A_293, %iota3A : vector<16xi32>
        %mul3A_295 = arith.constant 128 : i32
        %mul3A_296 = vector.broadcast %mul3A_295 : i32 to vector<16xi32>
        %mul3A_297 = arith.muli %add3A_294, %mul3A_296 : vector<16xi32>
        %add3A_298 = arith.addi %mul3A_290, %add3A_15 : vector<16xi32>
        %gather3A = tpu.vector_load_idx %arg5[%add3A_298] : memref<8192xf32, #tpu.memory_space<vmem>>[vector<16xi32>], vector<16xf32>,
        %add3A_299 = arith.addi %mul3A_297, %add3A_15 : vector<16xi32>
        tpu.vector_store_idx %arg8[%add3A_299], %gather3A : memref<10240xf32, #tpu.memory_space<vmem>>[vector<16xi32>], vector<16xf32>,
        %add3A_300 = arith.addi %mul3A_290, %add3A_18 : vector<16xi32>
        %gather3A_301 = tpu.vector_load_idx %arg5[%add3A_300] : memref<8192xf32, #tpu.memory_space<vmem>>[vector<16xi32>], vector<16xf32>,
        %add3A_302 = arith.addi %mul3A_297, %add3A_18 : vector<16xi32>
        tpu.vector_store_idx %arg8[%add3A_302], %gather3A_301 : memref<10240xf32, #tpu.memory_space<vmem>>[vector<16xi32>], vector<16xf32>,
        %add3A_303 = arith.addi %mul3A_290, %add3A_21 : vector<16xi32>
        %gather3A_304 = tpu.vector_load_idx %arg5[%add3A_303] : memref<8192xf32, #tpu.memory_space<vmem>>[vector<16xi32>], vector<16xf32>,
        %add3A_305 = arith.addi %mul3A_297, %add3A_21 : vector<16xi32>
        tpu.vector_store_idx %arg8[%add3A_305], %gather3A_304 : memref<10240xf32, #tpu.memory_space<vmem>>[vector<16xi32>], vector<16xf32>,
        %add3A_306 = arith.addi %mul3A_290, %add3A_24 : vector<16xi32>
        %gather3A_307 = tpu.vector_load_idx %arg5[%add3A_306] : memref<8192xf32, #tpu.memory_space<vmem>>[vector<16xi32>], vector<16xf32>,
        %add3A_308 = arith.addi %mul3A_297, %add3A_24 : vector<16xi32>
        tpu.vector_store_idx %arg8[%add3A_308], %gather3A_307 : memref<10240xf32, #tpu.memory_space<vmem>>[vector<16xi32>], vector<16xf32>,
        %add3A_309 = arith.addi %mul3A_290, %add3A_27 : vector<16xi32>
        %gather3A_310 = tpu.vector_load_idx %arg5[%add3A_309] : memref<8192xf32, #tpu.memory_space<vmem>>[vector<16xi32>], vector<16xf32>,
        %add3A_311 = arith.addi %mul3A_297, %add3A_27 : vector<16xi32>
        tpu.vector_store_idx %arg8[%add3A_311], %gather3A_310 : memref<10240xf32, #tpu.memory_space<vmem>>[vector<16xi32>], vector<16xf32>,
        %add3A_312 = arith.addi %mul3A_290, %add3A_30 : vector<16xi32>
        %gather3A_313 = tpu.vector_load_idx %arg5[%add3A_312] : memref<8192xf32, #tpu.memory_space<vmem>>[vector<16xi32>], vector<16xf32>,
        %add3A_314 = arith.addi %mul3A_297, %add3A_30 : vector<16xi32>
        tpu.vector_store_idx %arg8[%add3A_314], %gather3A_313 : memref<10240xf32, #tpu.memory_space<vmem>>[vector<16xi32>], vector<16xf32>,
        %add3A_315 = arith.addi %mul3A_290, %add3A_33 : vector<16xi32>
        %gather3A_316 = tpu.vector_load_idx %arg5[%add3A_315] : memref<8192xf32, #tpu.memory_space<vmem>>[vector<16xi32>], vector<16xf32>,
        %add3A_317 = arith.addi %mul3A_297, %add3A_33 : vector<16xi32>
        tpu.vector_store_idx %arg8[%add3A_317], %gather3A_316 : memref<10240xf32, #tpu.memory_space<vmem>>[vector<16xi32>], vector<16xf32>,
        %add3A_318 = arith.addi %mul3A_290, %add3A_36 : vector<16xi32>
        %gather3A_319 = tpu.vector_load_idx %arg5[%add3A_318] : memref<8192xf32, #tpu.memory_space<vmem>>[vector<16xi32>], vector<16xf32>,
        %add3A_320 = arith.addi %mul3A_297, %add3A_36 : vector<16xi32>
        tpu.vector_store_idx %arg8[%add3A_320], %gather3A_319 : memref<10240xf32, #tpu.memory_space<vmem>>[vector<16xi32>], vector<16xf32>,
      }
      %scan3A_276 = arith.constant 5 : i32
      %add3A_277 = arith.constant 1360 : i32
      %add3A_278 = arith.addi %mul3A_9, %add3A_277 : i32
      %mul3A_279 = arith.constant 128 : i32
      %mul3A_280 = arith.muli %add3A_278, %mul3A_279 : i32
      %dma_start3A = tpu.memref_slice %arg4[%mul3A_280] : memref<12800000xf32, #tpu.memory_space<hbm>> -> memref<10240xf32, #tpu.memory_space<hbm>>
      %dma_start3A_281 = tpu.memref_slice %arg4[%mul3A_280] : memref<12800000xf32, #tpu.memory_space<hbm>> -> memref<10240xf32, #tpu.memory_space<hbm>>
      tpu.enqueue_dma source(%arg8 : memref<10240xf32, #tpu.memory_space<vmem>>) target(%dma_start3A_281 : memref<10240xf32, #tpu.memory_space<hbm>>) target_semaphore(%arg16 : memref<!tpu.dma_semaphore, #tpu.memory_space<semaphore_mem>>)
    } else {
    }
    %gt3A_127 = arith.constant 18 : i32
    %gt3A_128 = arith.cmpi sgt, %add3A_3, %gt3A_127 : i32
    %convert_element_type3A_129 = arith.extui %gt3A_128 : i1 to i32
    %cond3A_130 = arith.constant 0 : i32
    %cond3A_131 = arith.cmpi ne, %convert_element_type3A_129, %cond3A_130 : i32
    scf.if %cond3A_131 {
      %dma_wait3A_268 = arith.constant 0 : i32
      %dma_wait3A_269 = tpu.memref_slice %arg4[%dma_wait3A_268] : memref<12800000xf32, #tpu.memory_space<hbm>> -> memref<10240xf32, #tpu.memory_space<hbm>>
      %dma_wait3A_270 = arith.constant 0 : i32
      %dma_wait3A_271 = tpu.memref_slice %arg4[%dma_wait3A_270] : memref<12800000xf32, #tpu.memory_space<hbm>> -> memref<10240xf32, #tpu.memory_space<hbm>>
      tpu.wait_dma2 semaphore(%arg17 : memref<!tpu.dma_semaphore, #tpu.memory_space<semaphore_mem>>) src(%arg9 : memref<10240xf32, #tpu.memory_space<vmem>>) dst(%dma_wait3A_271 : memref<10240xf32, #tpu.memory_space<hbm>>)
      %scan3A = arith.constant 0 : i32
      %scan3A_272 = arith.constant 0 : i32
      %scan3A_273 = arith.constant 5 : i32
      %scan3A_274 = arith.addi %scan3A_272, %scan3A_273 : i32
      %scan3A_275 = arith.constant 1 : i32
      scf.for %scan3A_282 = %scan3A_272 to %scan3A_274 step %scan3A_275  : i32 {
        %mul3A_283 = arith.constant 16 : i32
        %mul3A_284 = arith.muli %scan3A_282, %mul3A_283 : i32
        %add3A_285 = arith.constant 1440 : i32
        %add3A_286 = arith.addi %add3A_285, %mul3A_284 : i32
        %get3A = arith.index_cast %add3A_286 : i32 to index
        %get3A_287 = tpu.vector_load %arg6[%get3A] {strides = array<i32>} : memref<3200xi32, #tpu.memory_space<vmem>>, vector<16xi32>,
        %mul3A_288 = arith.constant 128 : i32
        %mul3A_289 = vector.broadcast %mul3A_288 : i32 to vector<16xi32>
        %mul3A_290 = arith.muli %get3A_287, %mul3A_289 : vector<16xi32>
        %mul3A_291 = arith.constant 16 : i32
        %mul3A_292 = arith.muli %scan3A_282, %mul3A_291 : i32
        %add3A_293 = vector.broadcast %mul3A_292 : i32 to vector<16xi32>
        %add3A_294 = arith.addi %add3A_293, %iota3A : vector<16xi32>
        %mul3A_295 = arith.constant 128 : i32
        %mul3A_296 = vector.broadcast %mul3A_295 : i32 to vector<16xi32>
        %mul3A_297 = arith.muli %add3A_294, %mul3A_296 : vector<16xi32>
        %add3A_298 = arith.addi %mul3A_290, %add3A_15 : vector<16xi32>
        %gather3A = tpu.vector_load_idx %arg5[%add3A_298] : memref<8192xf32, #tpu.memory_space<vmem>>[vector<16xi32>], vector<16xf32>,
        %add3A_299 = arith.addi %mul3A_297, %add3A_15 : vector<16xi32>
        tpu.vector_store_idx %arg9[%add3A_299], %gather3A : memref<10240xf32, #tpu.memory_space<vmem>>[vector<16xi32>], vector<16xf32>,
        %add3A_300 = arith.addi %mul3A_290, %add3A_18 : vector<16xi32>
        %gather3A_301 = tpu.vector_load_idx %arg5[%add3A_300] : memref<8192xf32, #tpu.memory_space<vmem>>[vector<16xi32>], vector<16xf32>,
        %add3A_302 = arith.addi %mul3A_297, %add3A_18 : vector<16xi32>
        tpu.vector_store_idx %arg9[%add3A_302], %gather3A_301 : memref<10240xf32, #tpu.memory_space<vmem>>[vector<16xi32>], vector<16xf32>,
        %add3A_303 = arith.addi %mul3A_290, %add3A_21 : vector<16xi32>
        %gather3A_304 = tpu.vector_load_idx %arg5[%add3A_303] : memref<8192xf32, #tpu.memory_space<vmem>>[vector<16xi32>], vector<16xf32>,
        %add3A_305 = arith.addi %mul3A_297, %add3A_21 : vector<16xi32>
        tpu.vector_store_idx %arg9[%add3A_305], %gather3A_304 : memref<10240xf32, #tpu.memory_space<vmem>>[vector<16xi32>], vector<16xf32>,
        %add3A_306 = arith.addi %mul3A_290, %add3A_24 : vector<16xi32>
        %gather3A_307 = tpu.vector_load_idx %arg5[%add3A_306] : memref<8192xf32, #tpu.memory_space<vmem>>[vector<16xi32>], vector<16xf32>,
        %add3A_308 = arith.addi %mul3A_297, %add3A_24 : vector<16xi32>
        tpu.vector_store_idx %arg9[%add3A_308], %gather3A_307 : memref<10240xf32, #tpu.memory_space<vmem>>[vector<16xi32>], vector<16xf32>,
        %add3A_309 = arith.addi %mul3A_290, %add3A_27 : vector<16xi32>
        %gather3A_310 = tpu.vector_load_idx %arg5[%add3A_309] : memref<8192xf32, #tpu.memory_space<vmem>>[vector<16xi32>], vector<16xf32>,
        %add3A_311 = arith.addi %mul3A_297, %add3A_27 : vector<16xi32>
        tpu.vector_store_idx %arg9[%add3A_311], %gather3A_310 : memref<10240xf32, #tpu.memory_space<vmem>>[vector<16xi32>], vector<16xf32>,
        %add3A_312 = arith.addi %mul3A_290, %add3A_30 : vector<16xi32>
        %gather3A_313 = tpu.vector_load_idx %arg5[%add3A_312] : memref<8192xf32, #tpu.memory_space<vmem>>[vector<16xi32>], vector<16xf32>,
        %add3A_314 = arith.addi %mul3A_297, %add3A_30 : vector<16xi32>
        tpu.vector_store_idx %arg9[%add3A_314], %gather3A_313 : memref<10240xf32, #tpu.memory_space<vmem>>[vector<16xi32>], vector<16xf32>,
        %add3A_315 = arith.addi %mul3A_290, %add3A_33 : vector<16xi32>
        %gather3A_316 = tpu.vector_load_idx %arg5[%add3A_315] : memref<8192xf32, #tpu.memory_space<vmem>>[vector<16xi32>], vector<16xf32>,
        %add3A_317 = arith.addi %mul3A_297, %add3A_33 : vector<16xi32>
        tpu.vector_store_idx %arg9[%add3A_317], %gather3A_316 : memref<10240xf32, #tpu.memory_space<vmem>>[vector<16xi32>], vector<16xf32>,
        %add3A_318 = arith.addi %mul3A_290, %add3A_36 : vector<16xi32>
        %gather3A_319 = tpu.vector_load_idx %arg5[%add3A_318] : memref<8192xf32, #tpu.memory_space<vmem>>[vector<16xi32>], vector<16xf32>,
        %add3A_320 = arith.addi %mul3A_297, %add3A_36 : vector<16xi32>
        tpu.vector_store_idx %arg9[%add3A_320], %gather3A_319 : memref<10240xf32, #tpu.memory_space<vmem>>[vector<16xi32>], vector<16xf32>,
      }
      %scan3A_276 = arith.constant 5 : i32
      %add3A_277 = arith.constant 1440 : i32
      %add3A_278 = arith.addi %mul3A_9, %add3A_277 : i32
      %mul3A_279 = arith.constant 128 : i32
      %mul3A_280 = arith.muli %add3A_278, %mul3A_279 : i32
      %dma_start3A = tpu.memref_slice %arg4[%mul3A_280] : memref<12800000xf32, #tpu.memory_space<hbm>> -> memref<10240xf32, #tpu.memory_space<hbm>>
      %dma_start3A_281 = tpu.memref_slice %arg4[%mul3A_280] : memref<12800000xf32, #tpu.memory_space<hbm>> -> memref<10240xf32, #tpu.memory_space<hbm>>
      tpu.enqueue_dma source(%arg9 : memref<10240xf32, #tpu.memory_space<vmem>>) target(%dma_start3A_281 : memref<10240xf32, #tpu.memory_space<hbm>>) target_semaphore(%arg17 : memref<!tpu.dma_semaphore, #tpu.memory_space<semaphore_mem>>)
    } else {
    }
    %gt3A_132 = arith.constant 19 : i32
    %gt3A_133 = arith.cmpi sgt, %add3A_3, %gt3A_132 : i32
    %convert_element_type3A_134 = arith.extui %gt3A_133 : i1 to i32
    %cond3A_135 = arith.constant 0 : i32
    %cond3A_136 = arith.cmpi ne, %convert_element_type3A_134, %cond3A_135 : i32
    scf.if %cond3A_136 {
      %dma_wait3A_268 = arith.constant 0 : i32
      %dma_wait3A_269 = tpu.memref_slice %arg4[%dma_wait3A_268] : memref<12800000xf32, #tpu.memory_space<hbm>> -> memref<10240xf32, #tpu.memory_space<hbm>>
      %dma_wait3A_270 = arith.constant 0 : i32
      %dma_wait3A_271 = tpu.memref_slice %arg4[%dma_wait3A_270] : memref<12800000xf32, #tpu.memory_space<hbm>> -> memref<10240xf32, #tpu.memory_space<hbm>>
      tpu.wait_dma2 semaphore(%arg18 : memref<!tpu.dma_semaphore, #tpu.memory_space<semaphore_mem>>) src(%arg10 : memref<10240xf32, #tpu.memory_space<vmem>>) dst(%dma_wait3A_271 : memref<10240xf32, #tpu.memory_space<hbm>>)
      %scan3A = arith.constant 0 : i32
      %scan3A_272 = arith.constant 0 : i32
      %scan3A_273 = arith.constant 5 : i32
      %scan3A_274 = arith.addi %scan3A_272, %scan3A_273 : i32
      %scan3A_275 = arith.constant 1 : i32
      scf.for %scan3A_282 = %scan3A_272 to %scan3A_274 step %scan3A_275  : i32 {
        %mul3A_283 = arith.constant 16 : i32
        %mul3A_284 = arith.muli %scan3A_282, %mul3A_283 : i32
        %add3A_285 = arith.constant 1520 : i32
        %add3A_286 = arith.addi %add3A_285, %mul3A_284 : i32
        %get3A = arith.index_cast %add3A_286 : i32 to index
        %get3A_287 = tpu.vector_load %arg6[%get3A] {strides = array<i32>} : memref<3200xi32, #tpu.memory_space<vmem>>, vector<16xi32>,
        %mul3A_288 = arith.constant 128 : i32
        %mul3A_289 = vector.broadcast %mul3A_288 : i32 to vector<16xi32>
        %mul3A_290 = arith.muli %get3A_287, %mul3A_289 : vector<16xi32>
        %mul3A_291 = arith.constant 16 : i32
        %mul3A_292 = arith.muli %scan3A_282, %mul3A_291 : i32
        %add3A_293 = vector.broadcast %mul3A_292 : i32 to vector<16xi32>
        %add3A_294 = arith.addi %add3A_293, %iota3A : vector<16xi32>
        %mul3A_295 = arith.constant 128 : i32
        %mul3A_296 = vector.broadcast %mul3A_295 : i32 to vector<16xi32>
        %mul3A_297 = arith.muli %add3A_294, %mul3A_296 : vector<16xi32>
        %add3A_298 = arith.addi %mul3A_290, %add3A_15 : vector<16xi32>
        %gather3A = tpu.vector_load_idx %arg5[%add3A_298] : memref<8192xf32, #tpu.memory_space<vmem>>[vector<16xi32>], vector<16xf32>,
        %add3A_299 = arith.addi %mul3A_297, %add3A_15 : vector<16xi32>
        tpu.vector_store_idx %arg10[%add3A_299], %gather3A : memref<10240xf32, #tpu.memory_space<vmem>>[vector<16xi32>], vector<16xf32>,
        %add3A_300 = arith.addi %mul3A_290, %add3A_18 : vector<16xi32>
        %gather3A_301 = tpu.vector_load_idx %arg5[%add3A_300] : memref<8192xf32, #tpu.memory_space<vmem>>[vector<16xi32>], vector<16xf32>,
        %add3A_302 = arith.addi %mul3A_297, %add3A_18 : vector<16xi32>
        tpu.vector_store_idx %arg10[%add3A_302], %gather3A_301 : memref<10240xf32, #tpu.memory_space<vmem>>[vector<16xi32>], vector<16xf32>,
        %add3A_303 = arith.addi %mul3A_290, %add3A_21 : vector<16xi32>
        %gather3A_304 = tpu.vector_load_idx %arg5[%add3A_303] : memref<8192xf32, #tpu.memory_space<vmem>>[vector<16xi32>], vector<16xf32>,
        %add3A_305 = arith.addi %mul3A_297, %add3A_21 : vector<16xi32>
        tpu.vector_store_idx %arg10[%add3A_305], %gather3A_304 : memref<10240xf32, #tpu.memory_space<vmem>>[vector<16xi32>], vector<16xf32>,
        %add3A_306 = arith.addi %mul3A_290, %add3A_24 : vector<16xi32>
        %gather3A_307 = tpu.vector_load_idx %arg5[%add3A_306] : memref<8192xf32, #tpu.memory_space<vmem>>[vector<16xi32>], vector<16xf32>,
        %add3A_308 = arith.addi %mul3A_297, %add3A_24 : vector<16xi32>
        tpu.vector_store_idx %arg10[%add3A_308], %gather3A_307 : memref<10240xf32, #tpu.memory_space<vmem>>[vector<16xi32>], vector<16xf32>,
        %add3A_309 = arith.addi %mul3A_290, %add3A_27 : vector<16xi32>
        %gather3A_310 = tpu.vector_load_idx %arg5[%add3A_309] : memref<8192xf32, #tpu.memory_space<vmem>>[vector<16xi32>], vector<16xf32>,
        %add3A_311 = arith.addi %mul3A_297, %add3A_27 : vector<16xi32>
        tpu.vector_store_idx %arg10[%add3A_311], %gather3A_310 : memref<10240xf32, #tpu.memory_space<vmem>>[vector<16xi32>], vector<16xf32>,
        %add3A_312 = arith.addi %mul3A_290, %add3A_30 : vector<16xi32>
        %gather3A_313 = tpu.vector_load_idx %arg5[%add3A_312] : memref<8192xf32, #tpu.memory_space<vmem>>[vector<16xi32>], vector<16xf32>,
        %add3A_314 = arith.addi %mul3A_297, %add3A_30 : vector<16xi32>
        tpu.vector_store_idx %arg10[%add3A_314], %gather3A_313 : memref<10240xf32, #tpu.memory_space<vmem>>[vector<16xi32>], vector<16xf32>,
        %add3A_315 = arith.addi %mul3A_290, %add3A_33 : vector<16xi32>
        %gather3A_316 = tpu.vector_load_idx %arg5[%add3A_315] : memref<8192xf32, #tpu.memory_space<vmem>>[vector<16xi32>], vector<16xf32>,
        %add3A_317 = arith.addi %mul3A_297, %add3A_33 : vector<16xi32>
        tpu.vector_store_idx %arg10[%add3A_317], %gather3A_316 : memref<10240xf32, #tpu.memory_space<vmem>>[vector<16xi32>], vector<16xf32>,
        %add3A_318 = arith.addi %mul3A_290, %add3A_36 : vector<16xi32>
        %gather3A_319 = tpu.vector_load_idx %arg5[%add3A_318] : memref<8192xf32, #tpu.memory_space<vmem>>[vector<16xi32>], vector<16xf32>,
        %add3A_320 = arith.addi %mul3A_297, %add3A_36 : vector<16xi32>
        tpu.vector_store_idx %arg10[%add3A_320], %gather3A_319 : memref<10240xf32, #tpu.memory_space<vmem>>[vector<16xi32>], vector<16xf32>,
      }
      %scan3A_276 = arith.constant 5 : i32
      %add3A_277 = arith.constant 1520 : i32
      %add3A_278 = arith.addi %mul3A_9, %add3A_277 : i32
      %mul3A_279 = arith.constant 128 : i32
      %mul3A_280 = arith.muli %add3A_278, %mul3A_279 : i32
      %dma_start3A = tpu.memref_slice %arg4[%mul3A_280] : memref<12800000xf32, #tpu.memory_space<hbm>> -> memref<10240xf32, #tpu.memory_space<hbm>>
      %dma_start3A_281 = tpu.memref_slice %arg4[%mul3A_280] : memref<12800000xf32, #tpu.memory_space<hbm>> -> memref<10240xf32, #tpu.memory_space<hbm>>
      tpu.enqueue_dma source(%arg10 : memref<10240xf32, #tpu.memory_space<vmem>>) target(%dma_start3A_281 : memref<10240xf32, #tpu.memory_space<hbm>>) target_semaphore(%arg18 : memref<!tpu.dma_semaphore, #tpu.memory_space<semaphore_mem>>)
    } else {
    }
    %gt3A_137 = arith.constant 20 : i32
    %gt3A_138 = arith.cmpi sgt, %add3A_3, %gt3A_137 : i32
    %convert_element_type3A_139 = arith.extui %gt3A_138 : i1 to i32
    %cond3A_140 = arith.constant 0 : i32
    %cond3A_141 = arith.cmpi ne, %convert_element_type3A_139, %cond3A_140 : i32
    scf.if %cond3A_141 {
      %dma_wait3A_268 = arith.constant 0 : i32
      %dma_wait3A_269 = tpu.memref_slice %arg4[%dma_wait3A_268] : memref<12800000xf32, #tpu.memory_space<hbm>> -> memref<10240xf32, #tpu.memory_space<hbm>>
      %dma_wait3A_270 = arith.constant 0 : i32
      %dma_wait3A_271 = tpu.memref_slice %arg4[%dma_wait3A_270] : memref<12800000xf32, #tpu.memory_space<hbm>> -> memref<10240xf32, #tpu.memory_space<hbm>>
      tpu.wait_dma2 semaphore(%arg19 : memref<!tpu.dma_semaphore, #tpu.memory_space<semaphore_mem>>) src(%arg11 : memref<10240xf32, #tpu.memory_space<vmem>>) dst(%dma_wait3A_271 : memref<10240xf32, #tpu.memory_space<hbm>>)
      %scan3A = arith.constant 0 : i32
      %scan3A_272 = arith.constant 0 : i32
      %scan3A_273 = arith.constant 5 : i32
      %scan3A_274 = arith.addi %scan3A_272, %scan3A_273 : i32
      %scan3A_275 = arith.constant 1 : i32
      scf.for %scan3A_282 = %scan3A_272 to %scan3A_274 step %scan3A_275  : i32 {
        %mul3A_283 = arith.constant 16 : i32
        %mul3A_284 = arith.muli %scan3A_282, %mul3A_283 : i32
        %add3A_285 = arith.constant 1600 : i32
        %add3A_286 = arith.addi %add3A_285, %mul3A_284 : i32
        %get3A = arith.index_cast %add3A_286 : i32 to index
        %get3A_287 = tpu.vector_load %arg6[%get3A] {strides = array<i32>} : memref<3200xi32, #tpu.memory_space<vmem>>, vector<16xi32>,
        %mul3A_288 = arith.constant 128 : i32
        %mul3A_289 = vector.broadcast %mul3A_288 : i32 to vector<16xi32>
        %mul3A_290 = arith.muli %get3A_287, %mul3A_289 : vector<16xi32>
        %mul3A_291 = arith.constant 16 : i32
        %mul3A_292 = arith.muli %scan3A_282, %mul3A_291 : i32
        %add3A_293 = vector.broadcast %mul3A_292 : i32 to vector<16xi32>
        %add3A_294 = arith.addi %add3A_293, %iota3A : vector<16xi32>
        %mul3A_295 = arith.constant 128 : i32
        %mul3A_296 = vector.broadcast %mul3A_295 : i32 to vector<16xi32>
        %mul3A_297 = arith.muli %add3A_294, %mul3A_296 : vector<16xi32>
        %add3A_298 = arith.addi %mul3A_290, %add3A_15 : vector<16xi32>
        %gather3A = tpu.vector_load_idx %arg5[%add3A_298] : memref<8192xf32, #tpu.memory_space<vmem>>[vector<16xi32>], vector<16xf32>,
        %add3A_299 = arith.addi %mul3A_297, %add3A_15 : vector<16xi32>
        tpu.vector_store_idx %arg11[%add3A_299], %gather3A : memref<10240xf32, #tpu.memory_space<vmem>>[vector<16xi32>], vector<16xf32>,
        %add3A_300 = arith.addi %mul3A_290, %add3A_18 : vector<16xi32>
        %gather3A_301 = tpu.vector_load_idx %arg5[%add3A_300] : memref<8192xf32, #tpu.memory_space<vmem>>[vector<16xi32>], vector<16xf32>,
        %add3A_302 = arith.addi %mul3A_297, %add3A_18 : vector<16xi32>
        tpu.vector_store_idx %arg11[%add3A_302], %gather3A_301 : memref<10240xf32, #tpu.memory_space<vmem>>[vector<16xi32>], vector<16xf32>,
        %add3A_303 = arith.addi %mul3A_290, %add3A_21 : vector<16xi32>
        %gather3A_304 = tpu.vector_load_idx %arg5[%add3A_303] : memref<8192xf32, #tpu.memory_space<vmem>>[vector<16xi32>], vector<16xf32>,
        %add3A_305 = arith.addi %mul3A_297, %add3A_21 : vector<16xi32>
        tpu.vector_store_idx %arg11[%add3A_305], %gather3A_304 : memref<10240xf32, #tpu.memory_space<vmem>>[vector<16xi32>], vector<16xf32>,
        %add3A_306 = arith.addi %mul3A_290, %add3A_24 : vector<16xi32>
        %gather3A_307 = tpu.vector_load_idx %arg5[%add3A_306] : memref<8192xf32, #tpu.memory_space<vmem>>[vector<16xi32>], vector<16xf32>,
        %add3A_308 = arith.addi %mul3A_297, %add3A_24 : vector<16xi32>
        tpu.vector_store_idx %arg11[%add3A_308], %gather3A_307 : memref<10240xf32, #tpu.memory_space<vmem>>[vector<16xi32>], vector<16xf32>,
        %add3A_309 = arith.addi %mul3A_290, %add3A_27 : vector<16xi32>
        %gather3A_310 = tpu.vector_load_idx %arg5[%add3A_309] : memref<8192xf32, #tpu.memory_space<vmem>>[vector<16xi32>], vector<16xf32>,
        %add3A_311 = arith.addi %mul3A_297, %add3A_27 : vector<16xi32>
        tpu.vector_store_idx %arg11[%add3A_311], %gather3A_310 : memref<10240xf32, #tpu.memory_space<vmem>>[vector<16xi32>], vector<16xf32>,
        %add3A_312 = arith.addi %mul3A_290, %add3A_30 : vector<16xi32>
        %gather3A_313 = tpu.vector_load_idx %arg5[%add3A_312] : memref<8192xf32, #tpu.memory_space<vmem>>[vector<16xi32>], vector<16xf32>,
        %add3A_314 = arith.addi %mul3A_297, %add3A_30 : vector<16xi32>
        tpu.vector_store_idx %arg11[%add3A_314], %gather3A_313 : memref<10240xf32, #tpu.memory_space<vmem>>[vector<16xi32>], vector<16xf32>,
        %add3A_315 = arith.addi %mul3A_290, %add3A_33 : vector<16xi32>
        %gather3A_316 = tpu.vector_load_idx %arg5[%add3A_315] : memref<8192xf32, #tpu.memory_space<vmem>>[vector<16xi32>], vector<16xf32>,
        %add3A_317 = arith.addi %mul3A_297, %add3A_33 : vector<16xi32>
        tpu.vector_store_idx %arg11[%add3A_317], %gather3A_316 : memref<10240xf32, #tpu.memory_space<vmem>>[vector<16xi32>], vector<16xf32>,
        %add3A_318 = arith.addi %mul3A_290, %add3A_36 : vector<16xi32>
        %gather3A_319 = tpu.vector_load_idx %arg5[%add3A_318] : memref<8192xf32, #tpu.memory_space<vmem>>[vector<16xi32>], vector<16xf32>,
        %add3A_320 = arith.addi %mul3A_297, %add3A_36 : vector<16xi32>
        tpu.vector_store_idx %arg11[%add3A_320], %gather3A_319 : memref<10240xf32, #tpu.memory_space<vmem>>[vector<16xi32>], vector<16xf32>,
      }
      %scan3A_276 = arith.constant 5 : i32
      %add3A_277 = arith.constant 1600 : i32
      %add3A_278 = arith.addi %mul3A_9, %add3A_277 : i32
      %mul3A_279 = arith.constant 128 : i32
      %mul3A_280 = arith.muli %add3A_278, %mul3A_279 : i32
      %dma_start3A = tpu.memref_slice %arg4[%mul3A_280] : memref<12800000xf32, #tpu.memory_space<hbm>> -> memref<10240xf32, #tpu.memory_space<hbm>>
      %dma_start3A_281 = tpu.memref_slice %arg4[%mul3A_280] : memref<12800000xf32, #tpu.memory_space<hbm>> -> memref<10240xf32, #tpu.memory_space<hbm>>
      tpu.enqueue_dma source(%arg11 : memref<10240xf32, #tpu.memory_space<vmem>>) target(%dma_start3A_281 : memref<10240xf32, #tpu.memory_space<hbm>>) target_semaphore(%arg19 : memref<!tpu.dma_semaphore, #tpu.memory_space<semaphore_mem>>)
    } else {
    }
    %gt3A_142 = arith.constant 21 : i32
    %gt3A_143 = arith.cmpi sgt, %add3A_3, %gt3A_142 : i32
    %convert_element_type3A_144 = arith.extui %gt3A_143 : i1 to i32
    %cond3A_145 = arith.constant 0 : i32
    %cond3A_146 = arith.cmpi ne, %convert_element_type3A_144, %cond3A_145 : i32
    scf.if %cond3A_146 {
      %dma_wait3A_268 = arith.constant 0 : i32
      %dma_wait3A_269 = tpu.memref_slice %arg4[%dma_wait3A_268] : memref<12800000xf32, #tpu.memory_space<hbm>> -> memref<10240xf32, #tpu.memory_space<hbm>>
      %dma_wait3A_270 = arith.constant 0 : i32
      %dma_wait3A_271 = tpu.memref_slice %arg4[%dma_wait3A_270] : memref<12800000xf32, #tpu.memory_space<hbm>> -> memref<10240xf32, #tpu.memory_space<hbm>>
      tpu.wait_dma2 semaphore(%arg20 : memref<!tpu.dma_semaphore, #tpu.memory_space<semaphore_mem>>) src(%arg12 : memref<10240xf32, #tpu.memory_space<vmem>>) dst(%dma_wait3A_271 : memref<10240xf32, #tpu.memory_space<hbm>>)
      %scan3A = arith.constant 0 : i32
      %scan3A_272 = arith.constant 0 : i32
      %scan3A_273 = arith.constant 5 : i32
      %scan3A_274 = arith.addi %scan3A_272, %scan3A_273 : i32
      %scan3A_275 = arith.constant 1 : i32
      scf.for %scan3A_282 = %scan3A_272 to %scan3A_274 step %scan3A_275  : i32 {
        %mul3A_283 = arith.constant 16 : i32
        %mul3A_284 = arith.muli %scan3A_282, %mul3A_283 : i32
        %add3A_285 = arith.constant 1680 : i32
        %add3A_286 = arith.addi %add3A_285, %mul3A_284 : i32
        %get3A = arith.index_cast %add3A_286 : i32 to index
        %get3A_287 = tpu.vector_load %arg6[%get3A] {strides = array<i32>} : memref<3200xi32, #tpu.memory_space<vmem>>, vector<16xi32>,
        %mul3A_288 = arith.constant 128 : i32
        %mul3A_289 = vector.broadcast %mul3A_288 : i32 to vector<16xi32>
        %mul3A_290 = arith.muli %get3A_287, %mul3A_289 : vector<16xi32>
        %mul3A_291 = arith.constant 16 : i32
        %mul3A_292 = arith.muli %scan3A_282, %mul3A_291 : i32
        %add3A_293 = vector.broadcast %mul3A_292 : i32 to vector<16xi32>
        %add3A_294 = arith.addi %add3A_293, %iota3A : vector<16xi32>
        %mul3A_295 = arith.constant 128 : i32
        %mul3A_296 = vector.broadcast %mul3A_295 : i32 to vector<16xi32>
        %mul3A_297 = arith.muli %add3A_294, %mul3A_296 : vector<16xi32>
        %add3A_298 = arith.addi %mul3A_290, %add3A_15 : vector<16xi32>
        %gather3A = tpu.vector_load_idx %arg5[%add3A_298] : memref<8192xf32, #tpu.memory_space<vmem>>[vector<16xi32>], vector<16xf32>,
        %add3A_299 = arith.addi %mul3A_297, %add3A_15 : vector<16xi32>
        tpu.vector_store_idx %arg12[%add3A_299], %gather3A : memref<10240xf32, #tpu.memory_space<vmem>>[vector<16xi32>], vector<16xf32>,
        %add3A_300 = arith.addi %mul3A_290, %add3A_18 : vector<16xi32>
        %gather3A_301 = tpu.vector_load_idx %arg5[%add3A_300] : memref<8192xf32, #tpu.memory_space<vmem>>[vector<16xi32>], vector<16xf32>,
        %add3A_302 = arith.addi %mul3A_297, %add3A_18 : vector<16xi32>
        tpu.vector_store_idx %arg12[%add3A_302], %gather3A_301 : memref<10240xf32, #tpu.memory_space<vmem>>[vector<16xi32>], vector<16xf32>,
        %add3A_303 = arith.addi %mul3A_290, %add3A_21 : vector<16xi32>
        %gather3A_304 = tpu.vector_load_idx %arg5[%add3A_303] : memref<8192xf32, #tpu.memory_space<vmem>>[vector<16xi32>], vector<16xf32>,
        %add3A_305 = arith.addi %mul3A_297, %add3A_21 : vector<16xi32>
        tpu.vector_store_idx %arg12[%add3A_305], %gather3A_304 : memref<10240xf32, #tpu.memory_space<vmem>>[vector<16xi32>], vector<16xf32>,
        %add3A_306 = arith.addi %mul3A_290, %add3A_24 : vector<16xi32>
        %gather3A_307 = tpu.vector_load_idx %arg5[%add3A_306] : memref<8192xf32, #tpu.memory_space<vmem>>[vector<16xi32>], vector<16xf32>,
        %add3A_308 = arith.addi %mul3A_297, %add3A_24 : vector<16xi32>
        tpu.vector_store_idx %arg12[%add3A_308], %gather3A_307 : memref<10240xf32, #tpu.memory_space<vmem>>[vector<16xi32>], vector<16xf32>,
        %add3A_309 = arith.addi %mul3A_290, %add3A_27 : vector<16xi32>
        %gather3A_310 = tpu.vector_load_idx %arg5[%add3A_309] : memref<8192xf32, #tpu.memory_space<vmem>>[vector<16xi32>], vector<16xf32>,
        %add3A_311 = arith.addi %mul3A_297, %add3A_27 : vector<16xi32>
        tpu.vector_store_idx %arg12[%add3A_311], %gather3A_310 : memref<10240xf32, #tpu.memory_space<vmem>>[vector<16xi32>], vector<16xf32>,
        %add3A_312 = arith.addi %mul3A_290, %add3A_30 : vector<16xi32>
        %gather3A_313 = tpu.vector_load_idx %arg5[%add3A_312] : memref<8192xf32, #tpu.memory_space<vmem>>[vector<16xi32>], vector<16xf32>,
        %add3A_314 = arith.addi %mul3A_297, %add3A_30 : vector<16xi32>
        tpu.vector_store_idx %arg12[%add3A_314], %gather3A_313 : memref<10240xf32, #tpu.memory_space<vmem>>[vector<16xi32>], vector<16xf32>,
        %add3A_315 = arith.addi %mul3A_290, %add3A_33 : vector<16xi32>
        %gather3A_316 = tpu.vector_load_idx %arg5[%add3A_315] : memref<8192xf32, #tpu.memory_space<vmem>>[vector<16xi32>], vector<16xf32>,
        %add3A_317 = arith.addi %mul3A_297, %add3A_33 : vector<16xi32>
        tpu.vector_store_idx %arg12[%add3A_317], %gather3A_316 : memref<10240xf32, #tpu.memory_space<vmem>>[vector<16xi32>], vector<16xf32>,
        %add3A_318 = arith.addi %mul3A_290, %add3A_36 : vector<16xi32>
        %gather3A_319 = tpu.vector_load_idx %arg5[%add3A_318] : memref<8192xf32, #tpu.memory_space<vmem>>[vector<16xi32>], vector<16xf32>,
        %add3A_320 = arith.addi %mul3A_297, %add3A_36 : vector<16xi32>
        tpu.vector_store_idx %arg12[%add3A_320], %gather3A_319 : memref<10240xf32, #tpu.memory_space<vmem>>[vector<16xi32>], vector<16xf32>,
      }
      %scan3A_276 = arith.constant 5 : i32
      %add3A_277 = arith.constant 1680 : i32
      %add3A_278 = arith.addi %mul3A_9, %add3A_277 : i32
      %mul3A_279 = arith.constant 128 : i32
      %mul3A_280 = arith.muli %add3A_278, %mul3A_279 : i32
      %dma_start3A = tpu.memref_slice %arg4[%mul3A_280] : memref<12800000xf32, #tpu.memory_space<hbm>> -> memref<10240xf32, #tpu.memory_space<hbm>>
      %dma_start3A_281 = tpu.memref_slice %arg4[%mul3A_280] : memref<12800000xf32, #tpu.memory_space<hbm>> -> memref<10240xf32, #tpu.memory_space<hbm>>
      tpu.enqueue_dma source(%arg12 : memref<10240xf32, #tpu.memory_space<vmem>>) target(%dma_start3A_281 : memref<10240xf32, #tpu.memory_space<hbm>>) target_semaphore(%arg20 : memref<!tpu.dma_semaphore, #tpu.memory_space<semaphore_mem>>)
    } else {
    }
    %gt3A_147 = arith.constant 22 : i32
    %gt3A_148 = arith.cmpi sgt, %add3A_3, %gt3A_147 : i32
    %convert_element_type3A_149 = arith.extui %gt3A_148 : i1 to i32
    %cond3A_150 = arith.constant 0 : i32
    %cond3A_151 = arith.cmpi ne, %convert_element_type3A_149, %cond3A_150 : i32
    scf.if %cond3A_151 {
      %dma_wait3A_268 = arith.constant 0 : i32
      %dma_wait3A_269 = tpu.memref_slice %arg4[%dma_wait3A_268] : memref<12800000xf32, #tpu.memory_space<hbm>> -> memref<10240xf32, #tpu.memory_space<hbm>>
      %dma_wait3A_270 = arith.constant 0 : i32
      %dma_wait3A_271 = tpu.memref_slice %arg4[%dma_wait3A_270] : memref<12800000xf32, #tpu.memory_space<hbm>> -> memref<10240xf32, #tpu.memory_space<hbm>>
      tpu.wait_dma2 semaphore(%arg21 : memref<!tpu.dma_semaphore, #tpu.memory_space<semaphore_mem>>) src(%arg13 : memref<10240xf32, #tpu.memory_space<vmem>>) dst(%dma_wait3A_271 : memref<10240xf32, #tpu.memory_space<hbm>>)
      %scan3A = arith.constant 0 : i32
      %scan3A_272 = arith.constant 0 : i32
      %scan3A_273 = arith.constant 5 : i32
      %scan3A_274 = arith.addi %scan3A_272, %scan3A_273 : i32
      %scan3A_275 = arith.constant 1 : i32
      scf.for %scan3A_282 = %scan3A_272 to %scan3A_274 step %scan3A_275  : i32 {
        %mul3A_283 = arith.constant 16 : i32
        %mul3A_284 = arith.muli %scan3A_282, %mul3A_283 : i32
        %add3A_285 = arith.constant 1760 : i32
        %add3A_286 = arith.addi %add3A_285, %mul3A_284 : i32
        %get3A = arith.index_cast %add3A_286 : i32 to index
        %get3A_287 = tpu.vector_load %arg6[%get3A] {strides = array<i32>} : memref<3200xi32, #tpu.memory_space<vmem>>, vector<16xi32>,
        %mul3A_288 = arith.constant 128 : i32
        %mul3A_289 = vector.broadcast %mul3A_288 : i32 to vector<16xi32>
        %mul3A_290 = arith.muli %get3A_287, %mul3A_289 : vector<16xi32>
        %mul3A_291 = arith.constant 16 : i32
        %mul3A_292 = arith.muli %scan3A_282, %mul3A_291 : i32
        %add3A_293 = vector.broadcast %mul3A_292 : i32 to vector<16xi32>
        %add3A_294 = arith.addi %add3A_293, %iota3A : vector<16xi32>
        %mul3A_295 = arith.constant 128 : i32
        %mul3A_296 = vector.broadcast %mul3A_295 : i32 to vector<16xi32>
        %mul3A_297 = arith.muli %add3A_294, %mul3A_296 : vector<16xi32>
        %add3A_298 = arith.addi %mul3A_290, %add3A_15 : vector<16xi32>
        %gather3A = tpu.vector_load_idx %arg5[%add3A_298] : memref<8192xf32, #tpu.memory_space<vmem>>[vector<16xi32>], vector<16xf32>,
        %add3A_299 = arith.addi %mul3A_297, %add3A_15 : vector<16xi32>
        tpu.vector_store_idx %arg13[%add3A_299], %gather3A : memref<10240xf32, #tpu.memory_space<vmem>>[vector<16xi32>], vector<16xf32>,
        %add3A_300 = arith.addi %mul3A_290, %add3A_18 : vector<16xi32>
        %gather3A_301 = tpu.vector_load_idx %arg5[%add3A_300] : memref<8192xf32, #tpu.memory_space<vmem>>[vector<16xi32>], vector<16xf32>,
        %add3A_302 = arith.addi %mul3A_297, %add3A_18 : vector<16xi32>
        tpu.vector_store_idx %arg13[%add3A_302], %gather3A_301 : memref<10240xf32, #tpu.memory_space<vmem>>[vector<16xi32>], vector<16xf32>,
        %add3A_303 = arith.addi %mul3A_290, %add3A_21 : vector<16xi32>
        %gather3A_304 = tpu.vector_load_idx %arg5[%add3A_303] : memref<8192xf32, #tpu.memory_space<vmem>>[vector<16xi32>], vector<16xf32>,
        %add3A_305 = arith.addi %mul3A_297, %add3A_21 : vector<16xi32>
        tpu.vector_store_idx %arg13[%add3A_305], %gather3A_304 : memref<10240xf32, #tpu.memory_space<vmem>>[vector<16xi32>], vector<16xf32>,
        %add3A_306 = arith.addi %mul3A_290, %add3A_24 : vector<16xi32>
        %gather3A_307 = tpu.vector_load_idx %arg5[%add3A_306] : memref<8192xf32, #tpu.memory_space<vmem>>[vector<16xi32>], vector<16xf32>,
        %add3A_308 = arith.addi %mul3A_297, %add3A_24 : vector<16xi32>
        tpu.vector_store_idx %arg13[%add3A_308], %gather3A_307 : memref<10240xf32, #tpu.memory_space<vmem>>[vector<16xi32>], vector<16xf32>,
        %add3A_309 = arith.addi %mul3A_290, %add3A_27 : vector<16xi32>
        %gather3A_310 = tpu.vector_load_idx %arg5[%add3A_309] : memref<8192xf32, #tpu.memory_space<vmem>>[vector<16xi32>], vector<16xf32>,
        %add3A_311 = arith.addi %mul3A_297, %add3A_27 : vector<16xi32>
        tpu.vector_store_idx %arg13[%add3A_311], %gather3A_310 : memref<10240xf32, #tpu.memory_space<vmem>>[vector<16xi32>], vector<16xf32>,
        %add3A_312 = arith.addi %mul3A_290, %add3A_30 : vector<16xi32>
        %gather3A_313 = tpu.vector_load_idx %arg5[%add3A_312] : memref<8192xf32, #tpu.memory_space<vmem>>[vector<16xi32>], vector<16xf32>,
        %add3A_314 = arith.addi %mul3A_297, %add3A_30 : vector<16xi32>
        tpu.vector_store_idx %arg13[%add3A_314], %gather3A_313 : memref<10240xf32, #tpu.memory_space<vmem>>[vector<16xi32>], vector<16xf32>,
        %add3A_315 = arith.addi %mul3A_290, %add3A_33 : vector<16xi32>
        %gather3A_316 = tpu.vector_load_idx %arg5[%add3A_315] : memref<8192xf32, #tpu.memory_space<vmem>>[vector<16xi32>], vector<16xf32>,
        %add3A_317 = arith.addi %mul3A_297, %add3A_33 : vector<16xi32>
        tpu.vector_store_idx %arg13[%add3A_317], %gather3A_316 : memref<10240xf32, #tpu.memory_space<vmem>>[vector<16xi32>], vector<16xf32>,
        %add3A_318 = arith.addi %mul3A_290, %add3A_36 : vector<16xi32>
        %gather3A_319 = tpu.vector_load_idx %arg5[%add3A_318] : memref<8192xf32, #tpu.memory_space<vmem>>[vector<16xi32>], vector<16xf32>,
        %add3A_320 = arith.addi %mul3A_297, %add3A_36 : vector<16xi32>
        tpu.vector_store_idx %arg13[%add3A_320], %gather3A_319 : memref<10240xf32, #tpu.memory_space<vmem>>[vector<16xi32>], vector<16xf32>,
      }
      %scan3A_276 = arith.constant 5 : i32
      %add3A_277 = arith.constant 1760 : i32
      %add3A_278 = arith.addi %mul3A_9, %add3A_277 : i32
      %mul3A_279 = arith.constant 128 : i32
      %mul3A_280 = arith.muli %add3A_278, %mul3A_279 : i32
      %dma_start3A = tpu.memref_slice %arg4[%mul3A_280] : memref<12800000xf32, #tpu.memory_space<hbm>> -> memref<10240xf32, #tpu.memory_space<hbm>>
      %dma_start3A_281 = tpu.memref_slice %arg4[%mul3A_280] : memref<12800000xf32, #tpu.memory_space<hbm>> -> memref<10240xf32, #tpu.memory_space<hbm>>
      tpu.enqueue_dma source(%arg13 : memref<10240xf32, #tpu.memory_space<vmem>>) target(%dma_start3A_281 : memref<10240xf32, #tpu.memory_space<hbm>>) target_semaphore(%arg21 : memref<!tpu.dma_semaphore, #tpu.memory_space<semaphore_mem>>)
    } else {
    }
    %gt3A_152 = arith.constant 23 : i32
    %gt3A_153 = arith.cmpi sgt, %add3A_3, %gt3A_152 : i32
    %convert_element_type3A_154 = arith.extui %gt3A_153 : i1 to i32
    %cond3A_155 = arith.constant 0 : i32
    %cond3A_156 = arith.cmpi ne, %convert_element_type3A_154, %cond3A_155 : i32
    scf.if %cond3A_156 {
      %dma_wait3A_268 = arith.constant 0 : i32
      %dma_wait3A_269 = tpu.memref_slice %arg4[%dma_wait3A_268] : memref<12800000xf32, #tpu.memory_space<hbm>> -> memref<10240xf32, #tpu.memory_space<hbm>>
      %dma_wait3A_270 = arith.constant 0 : i32
      %dma_wait3A_271 = tpu.memref_slice %arg4[%dma_wait3A_270] : memref<12800000xf32, #tpu.memory_space<hbm>> -> memref<10240xf32, #tpu.memory_space<hbm>>
      tpu.wait_dma2 semaphore(%arg22 : memref<!tpu.dma_semaphore, #tpu.memory_space<semaphore_mem>>) src(%arg14 : memref<10240xf32, #tpu.memory_space<vmem>>) dst(%dma_wait3A_271 : memref<10240xf32, #tpu.memory_space<hbm>>)
      %scan3A = arith.constant 0 : i32
      %scan3A_272 = arith.constant 0 : i32
      %scan3A_273 = arith.constant 5 : i32
      %scan3A_274 = arith.addi %scan3A_272, %scan3A_273 : i32
      %scan3A_275 = arith.constant 1 : i32
      scf.for %scan3A_282 = %scan3A_272 to %scan3A_274 step %scan3A_275  : i32 {
        %mul3A_283 = arith.constant 16 : i32
        %mul3A_284 = arith.muli %scan3A_282, %mul3A_283 : i32
        %add3A_285 = arith.constant 1840 : i32
        %add3A_286 = arith.addi %add3A_285, %mul3A_284 : i32
        %get3A = arith.index_cast %add3A_286 : i32 to index
        %get3A_287 = tpu.vector_load %arg6[%get3A] {strides = array<i32>} : memref<3200xi32, #tpu.memory_space<vmem>>, vector<16xi32>,
        %mul3A_288 = arith.constant 128 : i32
        %mul3A_289 = vector.broadcast %mul3A_288 : i32 to vector<16xi32>
        %mul3A_290 = arith.muli %get3A_287, %mul3A_289 : vector<16xi32>
        %mul3A_291 = arith.constant 16 : i32
        %mul3A_292 = arith.muli %scan3A_282, %mul3A_291 : i32
        %add3A_293 = vector.broadcast %mul3A_292 : i32 to vector<16xi32>
        %add3A_294 = arith.addi %add3A_293, %iota3A : vector<16xi32>
        %mul3A_295 = arith.constant 128 : i32
        %mul3A_296 = vector.broadcast %mul3A_295 : i32 to vector<16xi32>
        %mul3A_297 = arith.muli %add3A_294, %mul3A_296 : vector<16xi32>
        %add3A_298 = arith.addi %mul3A_290, %add3A_15 : vector<16xi32>
        %gather3A = tpu.vector_load_idx %arg5[%add3A_298] : memref<8192xf32, #tpu.memory_space<vmem>>[vector<16xi32>], vector<16xf32>,
        %add3A_299 = arith.addi %mul3A_297, %add3A_15 : vector<16xi32>
        tpu.vector_store_idx %arg14[%add3A_299], %gather3A : memref<10240xf32, #tpu.memory_space<vmem>>[vector<16xi32>], vector<16xf32>,
        %add3A_300 = arith.addi %mul3A_290, %add3A_18 : vector<16xi32>
        %gather3A_301 = tpu.vector_load_idx %arg5[%add3A_300] : memref<8192xf32, #tpu.memory_space<vmem>>[vector<16xi32>], vector<16xf32>,
        %add3A_302 = arith.addi %mul3A_297, %add3A_18 : vector<16xi32>
        tpu.vector_store_idx %arg14[%add3A_302], %gather3A_301 : memref<10240xf32, #tpu.memory_space<vmem>>[vector<16xi32>], vector<16xf32>,
        %add3A_303 = arith.addi %mul3A_290, %add3A_21 : vector<16xi32>
        %gather3A_304 = tpu.vector_load_idx %arg5[%add3A_303] : memref<8192xf32, #tpu.memory_space<vmem>>[vector<16xi32>], vector<16xf32>,
        %add3A_305 = arith.addi %mul3A_297, %add3A_21 : vector<16xi32>
        tpu.vector_store_idx %arg14[%add3A_305], %gather3A_304 : memref<10240xf32, #tpu.memory_space<vmem>>[vector<16xi32>], vector<16xf32>,
        %add3A_306 = arith.addi %mul3A_290, %add3A_24 : vector<16xi32>
        %gather3A_307 = tpu.vector_load_idx %arg5[%add3A_306] : memref<8192xf32, #tpu.memory_space<vmem>>[vector<16xi32>], vector<16xf32>,
        %add3A_308 = arith.addi %mul3A_297, %add3A_24 : vector<16xi32>
        tpu.vector_store_idx %arg14[%add3A_308], %gather3A_307 : memref<10240xf32, #tpu.memory_space<vmem>>[vector<16xi32>], vector<16xf32>,
        %add3A_309 = arith.addi %mul3A_290, %add3A_27 : vector<16xi32>
        %gather3A_310 = tpu.vector_load_idx %arg5[%add3A_309] : memref<8192xf32, #tpu.memory_space<vmem>>[vector<16xi32>], vector<16xf32>,
        %add3A_311 = arith.addi %mul3A_297, %add3A_27 : vector<16xi32>
        tpu.vector_store_idx %arg14[%add3A_311], %gather3A_310 : memref<10240xf32, #tpu.memory_space<vmem>>[vector<16xi32>], vector<16xf32>,
        %add3A_312 = arith.addi %mul3A_290, %add3A_30 : vector<16xi32>
        %gather3A_313 = tpu.vector_load_idx %arg5[%add3A_312] : memref<8192xf32, #tpu.memory_space<vmem>>[vector<16xi32>], vector<16xf32>,
        %add3A_314 = arith.addi %mul3A_297, %add3A_30 : vector<16xi32>
        tpu.vector_store_idx %arg14[%add3A_314], %gather3A_313 : memref<10240xf32, #tpu.memory_space<vmem>>[vector<16xi32>], vector<16xf32>,
        %add3A_315 = arith.addi %mul3A_290, %add3A_33 : vector<16xi32>
        %gather3A_316 = tpu.vector_load_idx %arg5[%add3A_315] : memref<8192xf32, #tpu.memory_space<vmem>>[vector<16xi32>], vector<16xf32>,
        %add3A_317 = arith.addi %mul3A_297, %add3A_33 : vector<16xi32>
        tpu.vector_store_idx %arg14[%add3A_317], %gather3A_316 : memref<10240xf32, #tpu.memory_space<vmem>>[vector<16xi32>], vector<16xf32>,
        %add3A_318 = arith.addi %mul3A_290, %add3A_36 : vector<16xi32>
        %gather3A_319 = tpu.vector_load_idx %arg5[%add3A_318] : memref<8192xf32, #tpu.memory_space<vmem>>[vector<16xi32>], vector<16xf32>,
        %add3A_320 = arith.addi %mul3A_297, %add3A_36 : vector<16xi32>
        tpu.vector_store_idx %arg14[%add3A_320], %gather3A_319 : memref<10240xf32, #tpu.memory_space<vmem>>[vector<16xi32>], vector<16xf32>,
      }
      %scan3A_276 = arith.constant 5 : i32
      %add3A_277 = arith.constant 1840 : i32
      %add3A_278 = arith.addi %mul3A_9, %add3A_277 : i32
      %mul3A_279 = arith.constant 128 : i32
      %mul3A_280 = arith.muli %add3A_278, %mul3A_279 : i32
      %dma_start3A = tpu.memref_slice %arg4[%mul3A_280] : memref<12800000xf32, #tpu.memory_space<hbm>> -> memref<10240xf32, #tpu.memory_space<hbm>>
      %dma_start3A_281 = tpu.memref_slice %arg4[%mul3A_280] : memref<12800000xf32, #tpu.memory_space<hbm>> -> memref<10240xf32, #tpu.memory_space<hbm>>
      tpu.enqueue_dma source(%arg14 : memref<10240xf32, #tpu.memory_space<vmem>>) target(%dma_start3A_281 : memref<10240xf32, #tpu.memory_space<hbm>>) target_semaphore(%arg22 : memref<!tpu.dma_semaphore, #tpu.memory_space<semaphore_mem>>)
    } else {
    }
    %gt3A_157 = arith.constant 24 : i32
    %gt3A_158 = arith.cmpi sgt, %add3A_3, %gt3A_157 : i32
    %convert_element_type3A_159 = arith.extui %gt3A_158 : i1 to i32
    %cond3A_160 = arith.constant 0 : i32
    %cond3A_161 = arith.cmpi ne, %convert_element_type3A_159, %cond3A_160 : i32
    scf.if %cond3A_161 {
      %dma_wait3A_268 = arith.constant 0 : i32
      %dma_wait3A_269 = tpu.memref_slice %arg4[%dma_wait3A_268] : memref<12800000xf32, #tpu.memory_space<hbm>> -> memref<10240xf32, #tpu.memory_space<hbm>>
      %dma_wait3A_270 = arith.constant 0 : i32
      %dma_wait3A_271 = tpu.memref_slice %arg4[%dma_wait3A_270] : memref<12800000xf32, #tpu.memory_space<hbm>> -> memref<10240xf32, #tpu.memory_space<hbm>>
      tpu.wait_dma2 semaphore(%arg15 : memref<!tpu.dma_semaphore, #tpu.memory_space<semaphore_mem>>) src(%arg7 : memref<10240xf32, #tpu.memory_space<vmem>>) dst(%dma_wait3A_271 : memref<10240xf32, #tpu.memory_space<hbm>>)
      %scan3A = arith.constant 0 : i32
      %scan3A_272 = arith.constant 0 : i32
      %scan3A_273 = arith.constant 5 : i32
      %scan3A_274 = arith.addi %scan3A_272, %scan3A_273 : i32
      %scan3A_275 = arith.constant 1 : i32
      scf.for %scan3A_282 = %scan3A_272 to %scan3A_274 step %scan3A_275  : i32 {
        %mul3A_283 = arith.constant 16 : i32
        %mul3A_284 = arith.muli %scan3A_282, %mul3A_283 : i32
        %add3A_285 = arith.constant 1920 : i32
        %add3A_286 = arith.addi %add3A_285, %mul3A_284 : i32
        %get3A = arith.index_cast %add3A_286 : i32 to index
        %get3A_287 = tpu.vector_load %arg6[%get3A] {strides = array<i32>} : memref<3200xi32, #tpu.memory_space<vmem>>, vector<16xi32>,
        %mul3A_288 = arith.constant 128 : i32
        %mul3A_289 = vector.broadcast %mul3A_288 : i32 to vector<16xi32>
        %mul3A_290 = arith.muli %get3A_287, %mul3A_289 : vector<16xi32>
        %mul3A_291 = arith.constant 16 : i32
        %mul3A_292 = arith.muli %scan3A_282, %mul3A_291 : i32
        %add3A_293 = vector.broadcast %mul3A_292 : i32 to vector<16xi32>
        %add3A_294 = arith.addi %add3A_293, %iota3A : vector<16xi32>
        %mul3A_295 = arith.constant 128 : i32
        %mul3A_296 = vector.broadcast %mul3A_295 : i32 to vector<16xi32>
        %mul3A_297 = arith.muli %add3A_294, %mul3A_296 : vector<16xi32>
        %add3A_298 = arith.addi %mul3A_290, %add3A_15 : vector<16xi32>
        %gather3A = tpu.vector_load_idx %arg5[%add3A_298] : memref<8192xf32, #tpu.memory_space<vmem>>[vector<16xi32>], vector<16xf32>,
        %add3A_299 = arith.addi %mul3A_297, %add3A_15 : vector<16xi32>
        tpu.vector_store_idx %arg7[%add3A_299], %gather3A : memref<10240xf32, #tpu.memory_space<vmem>>[vector<16xi32>], vector<16xf32>,
        %add3A_300 = arith.addi %mul3A_290, %add3A_18 : vector<16xi32>
        %gather3A_301 = tpu.vector_load_idx %arg5[%add3A_300] : memref<8192xf32, #tpu.memory_space<vmem>>[vector<16xi32>], vector<16xf32>,
        %add3A_302 = arith.addi %mul3A_297, %add3A_18 : vector<16xi32>
        tpu.vector_store_idx %arg7[%add3A_302], %gather3A_301 : memref<10240xf32, #tpu.memory_space<vmem>>[vector<16xi32>], vector<16xf32>,
        %add3A_303 = arith.addi %mul3A_290, %add3A_21 : vector<16xi32>
        %gather3A_304 = tpu.vector_load_idx %arg5[%add3A_303] : memref<8192xf32, #tpu.memory_space<vmem>>[vector<16xi32>], vector<16xf32>,
        %add3A_305 = arith.addi %mul3A_297, %add3A_21 : vector<16xi32>
        tpu.vector_store_idx %arg7[%add3A_305], %gather3A_304 : memref<10240xf32, #tpu.memory_space<vmem>>[vector<16xi32>], vector<16xf32>,
        %add3A_306 = arith.addi %mul3A_290, %add3A_24 : vector<16xi32>
        %gather3A_307 = tpu.vector_load_idx %arg5[%add3A_306] : memref<8192xf32, #tpu.memory_space<vmem>>[vector<16xi32>], vector<16xf32>,
        %add3A_308 = arith.addi %mul3A_297, %add3A_24 : vector<16xi32>
        tpu.vector_store_idx %arg7[%add3A_308], %gather3A_307 : memref<10240xf32, #tpu.memory_space<vmem>>[vector<16xi32>], vector<16xf32>,
        %add3A_309 = arith.addi %mul3A_290, %add3A_27 : vector<16xi32>
        %gather3A_310 = tpu.vector_load_idx %arg5[%add3A_309] : memref<8192xf32, #tpu.memory_space<vmem>>[vector<16xi32>], vector<16xf32>,
        %add3A_311 = arith.addi %mul3A_297, %add3A_27 : vector<16xi32>
        tpu.vector_store_idx %arg7[%add3A_311], %gather3A_310 : memref<10240xf32, #tpu.memory_space<vmem>>[vector<16xi32>], vector<16xf32>,
        %add3A_312 = arith.addi %mul3A_290, %add3A_30 : vector<16xi32>
        %gather3A_313 = tpu.vector_load_idx %arg5[%add3A_312] : memref<8192xf32, #tpu.memory_space<vmem>>[vector<16xi32>], vector<16xf32>,
        %add3A_314 = arith.addi %mul3A_297, %add3A_30 : vector<16xi32>
        tpu.vector_store_idx %arg7[%add3A_314], %gather3A_313 : memref<10240xf32, #tpu.memory_space<vmem>>[vector<16xi32>], vector<16xf32>,
        %add3A_315 = arith.addi %mul3A_290, %add3A_33 : vector<16xi32>
        %gather3A_316 = tpu.vector_load_idx %arg5[%add3A_315] : memref<8192xf32, #tpu.memory_space<vmem>>[vector<16xi32>], vector<16xf32>,
        %add3A_317 = arith.addi %mul3A_297, %add3A_33 : vector<16xi32>
        tpu.vector_store_idx %arg7[%add3A_317], %gather3A_316 : memref<10240xf32, #tpu.memory_space<vmem>>[vector<16xi32>], vector<16xf32>,
        %add3A_318 = arith.addi %mul3A_290, %add3A_36 : vector<16xi32>
        %gather3A_319 = tpu.vector_load_idx %arg5[%add3A_318] : memref<8192xf32, #tpu.memory_space<vmem>>[vector<16xi32>], vector<16xf32>,
        %add3A_320 = arith.addi %mul3A_297, %add3A_36 : vector<16xi32>
        tpu.vector_store_idx %arg7[%add3A_320], %gather3A_319 : memref<10240xf32, #tpu.memory_space<vmem>>[vector<16xi32>], vector<16xf32>,
      }
      %scan3A_276 = arith.constant 5 : i32
      %add3A_277 = arith.constant 1920 : i32
      %add3A_278 = arith.addi %mul3A_9, %add3A_277 : i32
      %mul3A_279 = arith.constant 128 : i32
      %mul3A_280 = arith.muli %add3A_278, %mul3A_279 : i32
      %dma_start3A = tpu.memref_slice %arg4[%mul3A_280] : memref<12800000xf32, #tpu.memory_space<hbm>> -> memref<10240xf32, #tpu.memory_space<hbm>>
      %dma_start3A_281 = tpu.memref_slice %arg4[%mul3A_280] : memref<12800000xf32, #tpu.memory_space<hbm>> -> memref<10240xf32, #tpu.memory_space<hbm>>
      tpu.enqueue_dma source(%arg7 : memref<10240xf32, #tpu.memory_space<vmem>>) target(%dma_start3A_281 : memref<10240xf32, #tpu.memory_space<hbm>>) target_semaphore(%arg15 : memref<!tpu.dma_semaphore, #tpu.memory_space<semaphore_mem>>)
    } else {
    }
    %gt3A_162 = arith.constant 25 : i32
    %gt3A_163 = arith.cmpi sgt, %add3A_3, %gt3A_162 : i32
    %convert_element_type3A_164 = arith.extui %gt3A_163 : i1 to i32
    %cond3A_165 = arith.constant 0 : i32
    %cond3A_166 = arith.cmpi ne, %convert_element_type3A_164, %cond3A_165 : i32
    scf.if %cond3A_166 {
      %dma_wait3A_268 = arith.constant 0 : i32
      %dma_wait3A_269 = tpu.memref_slice %arg4[%dma_wait3A_268] : memref<12800000xf32, #tpu.memory_space<hbm>> -> memref<10240xf32, #tpu.memory_space<hbm>>
      %dma_wait3A_270 = arith.constant 0 : i32
      %dma_wait3A_271 = tpu.memref_slice %arg4[%dma_wait3A_270] : memref<12800000xf32, #tpu.memory_space<hbm>> -> memref<10240xf32, #tpu.memory_space<hbm>>
      tpu.wait_dma2 semaphore(%arg16 : memref<!tpu.dma_semaphore, #tpu.memory_space<semaphore_mem>>) src(%arg8 : memref<10240xf32, #tpu.memory_space<vmem>>) dst(%dma_wait3A_271 : memref<10240xf32, #tpu.memory_space<hbm>>)
      %scan3A = arith.constant 0 : i32
      %scan3A_272 = arith.constant 0 : i32
      %scan3A_273 = arith.constant 5 : i32
      %scan3A_274 = arith.addi %scan3A_272, %scan3A_273 : i32
      %scan3A_275 = arith.constant 1 : i32
      scf.for %scan3A_282 = %scan3A_272 to %scan3A_274 step %scan3A_275  : i32 {
        %mul3A_283 = arith.constant 16 : i32
        %mul3A_284 = arith.muli %scan3A_282, %mul3A_283 : i32
        %add3A_285 = arith.constant 2000 : i32
        %add3A_286 = arith.addi %add3A_285, %mul3A_284 : i32
        %get3A = arith.index_cast %add3A_286 : i32 to index
        %get3A_287 = tpu.vector_load %arg6[%get3A] {strides = array<i32>} : memref<3200xi32, #tpu.memory_space<vmem>>, vector<16xi32>,
        %mul3A_288 = arith.constant 128 : i32
        %mul3A_289 = vector.broadcast %mul3A_288 : i32 to vector<16xi32>
        %mul3A_290 = arith.muli %get3A_287, %mul3A_289 : vector<16xi32>
        %mul3A_291 = arith.constant 16 : i32
        %mul3A_292 = arith.muli %scan3A_282, %mul3A_291 : i32
        %add3A_293 = vector.broadcast %mul3A_292 : i32 to vector<16xi32>
        %add3A_294 = arith.addi %add3A_293, %iota3A : vector<16xi32>
        %mul3A_295 = arith.constant 128 : i32
        %mul3A_296 = vector.broadcast %mul3A_295 : i32 to vector<16xi32>
        %mul3A_297 = arith.muli %add3A_294, %mul3A_296 : vector<16xi32>
        %add3A_298 = arith.addi %mul3A_290, %add3A_15 : vector<16xi32>
        %gather3A = tpu.vector_load_idx %arg5[%add3A_298] : memref<8192xf32, #tpu.memory_space<vmem>>[vector<16xi32>], vector<16xf32>,
        %add3A_299 = arith.addi %mul3A_297, %add3A_15 : vector<16xi32>
        tpu.vector_store_idx %arg8[%add3A_299], %gather3A : memref<10240xf32, #tpu.memory_space<vmem>>[vector<16xi32>], vector<16xf32>,
        %add3A_300 = arith.addi %mul3A_290, %add3A_18 : vector<16xi32>
        %gather3A_301 = tpu.vector_load_idx %arg5[%add3A_300] : memref<8192xf32, #tpu.memory_space<vmem>>[vector<16xi32>], vector<16xf32>,
        %add3A_302 = arith.addi %mul3A_297, %add3A_18 : vector<16xi32>
        tpu.vector_store_idx %arg8[%add3A_302], %gather3A_301 : memref<10240xf32, #tpu.memory_space<vmem>>[vector<16xi32>], vector<16xf32>,
        %add3A_303 = arith.addi %mul3A_290, %add3A_21 : vector<16xi32>
        %gather3A_304 = tpu.vector_load_idx %arg5[%add3A_303] : memref<8192xf32, #tpu.memory_space<vmem>>[vector<16xi32>], vector<16xf32>,
        %add3A_305 = arith.addi %mul3A_297, %add3A_21 : vector<16xi32>
        tpu.vector_store_idx %arg8[%add3A_305], %gather3A_304 : memref<10240xf32, #tpu.memory_space<vmem>>[vector<16xi32>], vector<16xf32>,
        %add3A_306 = arith.addi %mul3A_290, %add3A_24 : vector<16xi32>
        %gather3A_307 = tpu.vector_load_idx %arg5[%add3A_306] : memref<8192xf32, #tpu.memory_space<vmem>>[vector<16xi32>], vector<16xf32>,
        %add3A_308 = arith.addi %mul3A_297, %add3A_24 : vector<16xi32>
        tpu.vector_store_idx %arg8[%add3A_308], %gather3A_307 : memref<10240xf32, #tpu.memory_space<vmem>>[vector<16xi32>], vector<16xf32>,
        %add3A_309 = arith.addi %mul3A_290, %add3A_27 : vector<16xi32>
        %gather3A_310 = tpu.vector_load_idx %arg5[%add3A_309] : memref<8192xf32, #tpu.memory_space<vmem>>[vector<16xi32>], vector<16xf32>,
        %add3A_311 = arith.addi %mul3A_297, %add3A_27 : vector<16xi32>
        tpu.vector_store_idx %arg8[%add3A_311], %gather3A_310 : memref<10240xf32, #tpu.memory_space<vmem>>[vector<16xi32>], vector<16xf32>,
        %add3A_312 = arith.addi %mul3A_290, %add3A_30 : vector<16xi32>
        %gather3A_313 = tpu.vector_load_idx %arg5[%add3A_312] : memref<8192xf32, #tpu.memory_space<vmem>>[vector<16xi32>], vector<16xf32>,
        %add3A_314 = arith.addi %mul3A_297, %add3A_30 : vector<16xi32>
        tpu.vector_store_idx %arg8[%add3A_314], %gather3A_313 : memref<10240xf32, #tpu.memory_space<vmem>>[vector<16xi32>], vector<16xf32>,
        %add3A_315 = arith.addi %mul3A_290, %add3A_33 : vector<16xi32>
        %gather3A_316 = tpu.vector_load_idx %arg5[%add3A_315] : memref<8192xf32, #tpu.memory_space<vmem>>[vector<16xi32>], vector<16xf32>,
        %add3A_317 = arith.addi %mul3A_297, %add3A_33 : vector<16xi32>
        tpu.vector_store_idx %arg8[%add3A_317], %gather3A_316 : memref<10240xf32, #tpu.memory_space<vmem>>[vector<16xi32>], vector<16xf32>,
        %add3A_318 = arith.addi %mul3A_290, %add3A_36 : vector<16xi32>
        %gather3A_319 = tpu.vector_load_idx %arg5[%add3A_318] : memref<8192xf32, #tpu.memory_space<vmem>>[vector<16xi32>], vector<16xf32>,
        %add3A_320 = arith.addi %mul3A_297, %add3A_36 : vector<16xi32>
        tpu.vector_store_idx %arg8[%add3A_320], %gather3A_319 : memref<10240xf32, #tpu.memory_space<vmem>>[vector<16xi32>], vector<16xf32>,
      }
      %scan3A_276 = arith.constant 5 : i32
      %add3A_277 = arith.constant 2000 : i32
      %add3A_278 = arith.addi %mul3A_9, %add3A_277 : i32
      %mul3A_279 = arith.constant 128 : i32
      %mul3A_280 = arith.muli %add3A_278, %mul3A_279 : i32
      %dma_start3A = tpu.memref_slice %arg4[%mul3A_280] : memref<12800000xf32, #tpu.memory_space<hbm>> -> memref<10240xf32, #tpu.memory_space<hbm>>
      %dma_start3A_281 = tpu.memref_slice %arg4[%mul3A_280] : memref<12800000xf32, #tpu.memory_space<hbm>> -> memref<10240xf32, #tpu.memory_space<hbm>>
      tpu.enqueue_dma source(%arg8 : memref<10240xf32, #tpu.memory_space<vmem>>) target(%dma_start3A_281 : memref<10240xf32, #tpu.memory_space<hbm>>) target_semaphore(%arg16 : memref<!tpu.dma_semaphore, #tpu.memory_space<semaphore_mem>>)
    } else {
    }
    %gt3A_167 = arith.constant 26 : i32
    %gt3A_168 = arith.cmpi sgt, %add3A_3, %gt3A_167 : i32
    %convert_element_type3A_169 = arith.extui %gt3A_168 : i1 to i32
    %cond3A_170 = arith.constant 0 : i32
    %cond3A_171 = arith.cmpi ne, %convert_element_type3A_169, %cond3A_170 : i32
    scf.if %cond3A_171 {
      %dma_wait3A_268 = arith.constant 0 : i32
      %dma_wait3A_269 = tpu.memref_slice %arg4[%dma_wait3A_268] : memref<12800000xf32, #tpu.memory_space<hbm>> -> memref<10240xf32, #tpu.memory_space<hbm>>
      %dma_wait3A_270 = arith.constant 0 : i32
      %dma_wait3A_271 = tpu.memref_slice %arg4[%dma_wait3A_270] : memref<12800000xf32, #tpu.memory_space<hbm>> -> memref<10240xf32, #tpu.memory_space<hbm>>
      tpu.wait_dma2 semaphore(%arg17 : memref<!tpu.dma_semaphore, #tpu.memory_space<semaphore_mem>>) src(%arg9 : memref<10240xf32, #tpu.memory_space<vmem>>) dst(%dma_wait3A_271 : memref<10240xf32, #tpu.memory_space<hbm>>)
      %scan3A = arith.constant 0 : i32
      %scan3A_272 = arith.constant 0 : i32
      %scan3A_273 = arith.constant 5 : i32
      %scan3A_274 = arith.addi %scan3A_272, %scan3A_273 : i32
      %scan3A_275 = arith.constant 1 : i32
      scf.for %scan3A_282 = %scan3A_272 to %scan3A_274 step %scan3A_275  : i32 {
        %mul3A_283 = arith.constant 16 : i32
        %mul3A_284 = arith.muli %scan3A_282, %mul3A_283 : i32
        %add3A_285 = arith.constant 2080 : i32
        %add3A_286 = arith.addi %add3A_285, %mul3A_284 : i32
        %get3A = arith.index_cast %add3A_286 : i32 to index
        %get3A_287 = tpu.vector_load %arg6[%get3A] {strides = array<i32>} : memref<3200xi32, #tpu.memory_space<vmem>>, vector<16xi32>,
        %mul3A_288 = arith.constant 128 : i32
        %mul3A_289 = vector.broadcast %mul3A_288 : i32 to vector<16xi32>
        %mul3A_290 = arith.muli %get3A_287, %mul3A_289 : vector<16xi32>
        %mul3A_291 = arith.constant 16 : i32
        %mul3A_292 = arith.muli %scan3A_282, %mul3A_291 : i32
        %add3A_293 = vector.broadcast %mul3A_292 : i32 to vector<16xi32>
        %add3A_294 = arith.addi %add3A_293, %iota3A : vector<16xi32>
        %mul3A_295 = arith.constant 128 : i32
        %mul3A_296 = vector.broadcast %mul3A_295 : i32 to vector<16xi32>
        %mul3A_297 = arith.muli %add3A_294, %mul3A_296 : vector<16xi32>
        %add3A_298 = arith.addi %mul3A_290, %add3A_15 : vector<16xi32>
        %gather3A = tpu.vector_load_idx %arg5[%add3A_298] : memref<8192xf32, #tpu.memory_space<vmem>>[vector<16xi32>], vector<16xf32>,
        %add3A_299 = arith.addi %mul3A_297, %add3A_15 : vector<16xi32>
        tpu.vector_store_idx %arg9[%add3A_299], %gather3A : memref<10240xf32, #tpu.memory_space<vmem>>[vector<16xi32>], vector<16xf32>,
        %add3A_300 = arith.addi %mul3A_290, %add3A_18 : vector<16xi32>
        %gather3A_301 = tpu.vector_load_idx %arg5[%add3A_300] : memref<8192xf32, #tpu.memory_space<vmem>>[vector<16xi32>], vector<16xf32>,
        %add3A_302 = arith.addi %mul3A_297, %add3A_18 : vector<16xi32>
        tpu.vector_store_idx %arg9[%add3A_302], %gather3A_301 : memref<10240xf32, #tpu.memory_space<vmem>>[vector<16xi32>], vector<16xf32>,
        %add3A_303 = arith.addi %mul3A_290, %add3A_21 : vector<16xi32>
        %gather3A_304 = tpu.vector_load_idx %arg5[%add3A_303] : memref<8192xf32, #tpu.memory_space<vmem>>[vector<16xi32>], vector<16xf32>,
        %add3A_305 = arith.addi %mul3A_297, %add3A_21 : vector<16xi32>
        tpu.vector_store_idx %arg9[%add3A_305], %gather3A_304 : memref<10240xf32, #tpu.memory_space<vmem>>[vector<16xi32>], vector<16xf32>,
        %add3A_306 = arith.addi %mul3A_290, %add3A_24 : vector<16xi32>
        %gather3A_307 = tpu.vector_load_idx %arg5[%add3A_306] : memref<8192xf32, #tpu.memory_space<vmem>>[vector<16xi32>], vector<16xf32>,
        %add3A_308 = arith.addi %mul3A_297, %add3A_24 : vector<16xi32>
        tpu.vector_store_idx %arg9[%add3A_308], %gather3A_307 : memref<10240xf32, #tpu.memory_space<vmem>>[vector<16xi32>], vector<16xf32>,
        %add3A_309 = arith.addi %mul3A_290, %add3A_27 : vector<16xi32>
        %gather3A_310 = tpu.vector_load_idx %arg5[%add3A_309] : memref<8192xf32, #tpu.memory_space<vmem>>[vector<16xi32>], vector<16xf32>,
        %add3A_311 = arith.addi %mul3A_297, %add3A_27 : vector<16xi32>
        tpu.vector_store_idx %arg9[%add3A_311], %gather3A_310 : memref<10240xf32, #tpu.memory_space<vmem>>[vector<16xi32>], vector<16xf32>,
        %add3A_312 = arith.addi %mul3A_290, %add3A_30 : vector<16xi32>
        %gather3A_313 = tpu.vector_load_idx %arg5[%add3A_312] : memref<8192xf32, #tpu.memory_space<vmem>>[vector<16xi32>], vector<16xf32>,
        %add3A_314 = arith.addi %mul3A_297, %add3A_30 : vector<16xi32>
        tpu.vector_store_idx %arg9[%add3A_314], %gather3A_313 : memref<10240xf32, #tpu.memory_space<vmem>>[vector<16xi32>], vector<16xf32>,
        %add3A_315 = arith.addi %mul3A_290, %add3A_33 : vector<16xi32>
        %gather3A_316 = tpu.vector_load_idx %arg5[%add3A_315] : memref<8192xf32, #tpu.memory_space<vmem>>[vector<16xi32>], vector<16xf32>,
        %add3A_317 = arith.addi %mul3A_297, %add3A_33 : vector<16xi32>
        tpu.vector_store_idx %arg9[%add3A_317], %gather3A_316 : memref<10240xf32, #tpu.memory_space<vmem>>[vector<16xi32>], vector<16xf32>,
        %add3A_318 = arith.addi %mul3A_290, %add3A_36 : vector<16xi32>
        %gather3A_319 = tpu.vector_load_idx %arg5[%add3A_318] : memref<8192xf32, #tpu.memory_space<vmem>>[vector<16xi32>], vector<16xf32>,
        %add3A_320 = arith.addi %mul3A_297, %add3A_36 : vector<16xi32>
        tpu.vector_store_idx %arg9[%add3A_320], %gather3A_319 : memref<10240xf32, #tpu.memory_space<vmem>>[vector<16xi32>], vector<16xf32>,
      }
      %scan3A_276 = arith.constant 5 : i32
      %add3A_277 = arith.constant 2080 : i32
      %add3A_278 = arith.addi %mul3A_9, %add3A_277 : i32
      %mul3A_279 = arith.constant 128 : i32
      %mul3A_280 = arith.muli %add3A_278, %mul3A_279 : i32
      %dma_start3A = tpu.memref_slice %arg4[%mul3A_280] : memref<12800000xf32, #tpu.memory_space<hbm>> -> memref<10240xf32, #tpu.memory_space<hbm>>
      %dma_start3A_281 = tpu.memref_slice %arg4[%mul3A_280] : memref<12800000xf32, #tpu.memory_space<hbm>> -> memref<10240xf32, #tpu.memory_space<hbm>>
      tpu.enqueue_dma source(%arg9 : memref<10240xf32, #tpu.memory_space<vmem>>) target(%dma_start3A_281 : memref<10240xf32, #tpu.memory_space<hbm>>) target_semaphore(%arg17 : memref<!tpu.dma_semaphore, #tpu.memory_space<semaphore_mem>>)
    } else {
    }
    %gt3A_172 = arith.constant 27 : i32
    %gt3A_173 = arith.cmpi sgt, %add3A_3, %gt3A_172 : i32
    %convert_element_type3A_174 = arith.extui %gt3A_173 : i1 to i32
    %cond3A_175 = arith.constant 0 : i32
    %cond3A_176 = arith.cmpi ne, %convert_element_type3A_174, %cond3A_175 : i32
    scf.if %cond3A_176 {
      %dma_wait3A_268 = arith.constant 0 : i32
      %dma_wait3A_269 = tpu.memref_slice %arg4[%dma_wait3A_268] : memref<12800000xf32, #tpu.memory_space<hbm>> -> memref<10240xf32, #tpu.memory_space<hbm>>
      %dma_wait3A_270 = arith.constant 0 : i32
      %dma_wait3A_271 = tpu.memref_slice %arg4[%dma_wait3A_270] : memref<12800000xf32, #tpu.memory_space<hbm>> -> memref<10240xf32, #tpu.memory_space<hbm>>
      tpu.wait_dma2 semaphore(%arg18 : memref<!tpu.dma_semaphore, #tpu.memory_space<semaphore_mem>>) src(%arg10 : memref<10240xf32, #tpu.memory_space<vmem>>) dst(%dma_wait3A_271 : memref<10240xf32, #tpu.memory_space<hbm>>)
      %scan3A = arith.constant 0 : i32
      %scan3A_272 = arith.constant 0 : i32
      %scan3A_273 = arith.constant 5 : i32
      %scan3A_274 = arith.addi %scan3A_272, %scan3A_273 : i32
      %scan3A_275 = arith.constant 1 : i32
      scf.for %scan3A_282 = %scan3A_272 to %scan3A_274 step %scan3A_275  : i32 {
        %mul3A_283 = arith.constant 16 : i32
        %mul3A_284 = arith.muli %scan3A_282, %mul3A_283 : i32
        %add3A_285 = arith.constant 2160 : i32
        %add3A_286 = arith.addi %add3A_285, %mul3A_284 : i32
        %get3A = arith.index_cast %add3A_286 : i32 to index
        %get3A_287 = tpu.vector_load %arg6[%get3A] {strides = array<i32>} : memref<3200xi32, #tpu.memory_space<vmem>>, vector<16xi32>,
        %mul3A_288 = arith.constant 128 : i32
        %mul3A_289 = vector.broadcast %mul3A_288 : i32 to vector<16xi32>
        %mul3A_290 = arith.muli %get3A_287, %mul3A_289 : vector<16xi32>
        %mul3A_291 = arith.constant 16 : i32
        %mul3A_292 = arith.muli %scan3A_282, %mul3A_291 : i32
        %add3A_293 = vector.broadcast %mul3A_292 : i32 to vector<16xi32>
        %add3A_294 = arith.addi %add3A_293, %iota3A : vector<16xi32>
        %mul3A_295 = arith.constant 128 : i32
        %mul3A_296 = vector.broadcast %mul3A_295 : i32 to vector<16xi32>
        %mul3A_297 = arith.muli %add3A_294, %mul3A_296 : vector<16xi32>
        %add3A_298 = arith.addi %mul3A_290, %add3A_15 : vector<16xi32>
        %gather3A = tpu.vector_load_idx %arg5[%add3A_298] : memref<8192xf32, #tpu.memory_space<vmem>>[vector<16xi32>], vector<16xf32>,
        %add3A_299 = arith.addi %mul3A_297, %add3A_15 : vector<16xi32>
        tpu.vector_store_idx %arg10[%add3A_299], %gather3A : memref<10240xf32, #tpu.memory_space<vmem>>[vector<16xi32>], vector<16xf32>,
        %add3A_300 = arith.addi %mul3A_290, %add3A_18 : vector<16xi32>
        %gather3A_301 = tpu.vector_load_idx %arg5[%add3A_300] : memref<8192xf32, #tpu.memory_space<vmem>>[vector<16xi32>], vector<16xf32>,
        %add3A_302 = arith.addi %mul3A_297, %add3A_18 : vector<16xi32>
        tpu.vector_store_idx %arg10[%add3A_302], %gather3A_301 : memref<10240xf32, #tpu.memory_space<vmem>>[vector<16xi32>], vector<16xf32>,
        %add3A_303 = arith.addi %mul3A_290, %add3A_21 : vector<16xi32>
        %gather3A_304 = tpu.vector_load_idx %arg5[%add3A_303] : memref<8192xf32, #tpu.memory_space<vmem>>[vector<16xi32>], vector<16xf32>,
        %add3A_305 = arith.addi %mul3A_297, %add3A_21 : vector<16xi32>
        tpu.vector_store_idx %arg10[%add3A_305], %gather3A_304 : memref<10240xf32, #tpu.memory_space<vmem>>[vector<16xi32>], vector<16xf32>,
        %add3A_306 = arith.addi %mul3A_290, %add3A_24 : vector<16xi32>
        %gather3A_307 = tpu.vector_load_idx %arg5[%add3A_306] : memref<8192xf32, #tpu.memory_space<vmem>>[vector<16xi32>], vector<16xf32>,
        %add3A_308 = arith.addi %mul3A_297, %add3A_24 : vector<16xi32>
        tpu.vector_store_idx %arg10[%add3A_308], %gather3A_307 : memref<10240xf32, #tpu.memory_space<vmem>>[vector<16xi32>], vector<16xf32>,
        %add3A_309 = arith.addi %mul3A_290, %add3A_27 : vector<16xi32>
        %gather3A_310 = tpu.vector_load_idx %arg5[%add3A_309] : memref<8192xf32, #tpu.memory_space<vmem>>[vector<16xi32>], vector<16xf32>,
        %add3A_311 = arith.addi %mul3A_297, %add3A_27 : vector<16xi32>
        tpu.vector_store_idx %arg10[%add3A_311], %gather3A_310 : memref<10240xf32, #tpu.memory_space<vmem>>[vector<16xi32>], vector<16xf32>,
        %add3A_312 = arith.addi %mul3A_290, %add3A_30 : vector<16xi32>
        %gather3A_313 = tpu.vector_load_idx %arg5[%add3A_312] : memref<8192xf32, #tpu.memory_space<vmem>>[vector<16xi32>], vector<16xf32>,
        %add3A_314 = arith.addi %mul3A_297, %add3A_30 : vector<16xi32>
        tpu.vector_store_idx %arg10[%add3A_314], %gather3A_313 : memref<10240xf32, #tpu.memory_space<vmem>>[vector<16xi32>], vector<16xf32>,
        %add3A_315 = arith.addi %mul3A_290, %add3A_33 : vector<16xi32>
        %gather3A_316 = tpu.vector_load_idx %arg5[%add3A_315] : memref<8192xf32, #tpu.memory_space<vmem>>[vector<16xi32>], vector<16xf32>,
        %add3A_317 = arith.addi %mul3A_297, %add3A_33 : vector<16xi32>
        tpu.vector_store_idx %arg10[%add3A_317], %gather3A_316 : memref<10240xf32, #tpu.memory_space<vmem>>[vector<16xi32>], vector<16xf32>,
        %add3A_318 = arith.addi %mul3A_290, %add3A_36 : vector<16xi32>
        %gather3A_319 = tpu.vector_load_idx %arg5[%add3A_318] : memref<8192xf32, #tpu.memory_space<vmem>>[vector<16xi32>], vector<16xf32>,
        %add3A_320 = arith.addi %mul3A_297, %add3A_36 : vector<16xi32>
        tpu.vector_store_idx %arg10[%add3A_320], %gather3A_319 : memref<10240xf32, #tpu.memory_space<vmem>>[vector<16xi32>], vector<16xf32>,
      }
      %scan3A_276 = arith.constant 5 : i32
      %add3A_277 = arith.constant 2160 : i32
      %add3A_278 = arith.addi %mul3A_9, %add3A_277 : i32
      %mul3A_279 = arith.constant 128 : i32
      %mul3A_280 = arith.muli %add3A_278, %mul3A_279 : i32
      %dma_start3A = tpu.memref_slice %arg4[%mul3A_280] : memref<12800000xf32, #tpu.memory_space<hbm>> -> memref<10240xf32, #tpu.memory_space<hbm>>
      %dma_start3A_281 = tpu.memref_slice %arg4[%mul3A_280] : memref<12800000xf32, #tpu.memory_space<hbm>> -> memref<10240xf32, #tpu.memory_space<hbm>>
      tpu.enqueue_dma source(%arg10 : memref<10240xf32, #tpu.memory_space<vmem>>) target(%dma_start3A_281 : memref<10240xf32, #tpu.memory_space<hbm>>) target_semaphore(%arg18 : memref<!tpu.dma_semaphore, #tpu.memory_space<semaphore_mem>>)
    } else {
    }
    %gt3A_177 = arith.constant 28 : i32
    %gt3A_178 = arith.cmpi sgt, %add3A_3, %gt3A_177 : i32
    %convert_element_type3A_179 = arith.extui %gt3A_178 : i1 to i32
    %cond3A_180 = arith.constant 0 : i32
    %cond3A_181 = arith.cmpi ne, %convert_element_type3A_179, %cond3A_180 : i32
    scf.if %cond3A_181 {
      %dma_wait3A_268 = arith.constant 0 : i32
      %dma_wait3A_269 = tpu.memref_slice %arg4[%dma_wait3A_268] : memref<12800000xf32, #tpu.memory_space<hbm>> -> memref<10240xf32, #tpu.memory_space<hbm>>
      %dma_wait3A_270 = arith.constant 0 : i32
      %dma_wait3A_271 = tpu.memref_slice %arg4[%dma_wait3A_270] : memref<12800000xf32, #tpu.memory_space<hbm>> -> memref<10240xf32, #tpu.memory_space<hbm>>
      tpu.wait_dma2 semaphore(%arg19 : memref<!tpu.dma_semaphore, #tpu.memory_space<semaphore_mem>>) src(%arg11 : memref<10240xf32, #tpu.memory_space<vmem>>) dst(%dma_wait3A_271 : memref<10240xf32, #tpu.memory_space<hbm>>)
      %scan3A = arith.constant 0 : i32
      %scan3A_272 = arith.constant 0 : i32
      %scan3A_273 = arith.constant 5 : i32
      %scan3A_274 = arith.addi %scan3A_272, %scan3A_273 : i32
      %scan3A_275 = arith.constant 1 : i32
      scf.for %scan3A_282 = %scan3A_272 to %scan3A_274 step %scan3A_275  : i32 {
        %mul3A_283 = arith.constant 16 : i32
        %mul3A_284 = arith.muli %scan3A_282, %mul3A_283 : i32
        %add3A_285 = arith.constant 2240 : i32
        %add3A_286 = arith.addi %add3A_285, %mul3A_284 : i32
        %get3A = arith.index_cast %add3A_286 : i32 to index
        %get3A_287 = tpu.vector_load %arg6[%get3A] {strides = array<i32>} : memref<3200xi32, #tpu.memory_space<vmem>>, vector<16xi32>,
        %mul3A_288 = arith.constant 128 : i32
        %mul3A_289 = vector.broadcast %mul3A_288 : i32 to vector<16xi32>
        %mul3A_290 = arith.muli %get3A_287, %mul3A_289 : vector<16xi32>
        %mul3A_291 = arith.constant 16 : i32
        %mul3A_292 = arith.muli %scan3A_282, %mul3A_291 : i32
        %add3A_293 = vector.broadcast %mul3A_292 : i32 to vector<16xi32>
        %add3A_294 = arith.addi %add3A_293, %iota3A : vector<16xi32>
        %mul3A_295 = arith.constant 128 : i32
        %mul3A_296 = vector.broadcast %mul3A_295 : i32 to vector<16xi32>
        %mul3A_297 = arith.muli %add3A_294, %mul3A_296 : vector<16xi32>
        %add3A_298 = arith.addi %mul3A_290, %add3A_15 : vector<16xi32>
        %gather3A = tpu.vector_load_idx %arg5[%add3A_298] : memref<8192xf32, #tpu.memory_space<vmem>>[vector<16xi32>], vector<16xf32>,
        %add3A_299 = arith.addi %mul3A_297, %add3A_15 : vector<16xi32>
        tpu.vector_store_idx %arg11[%add3A_299], %gather3A : memref<10240xf32, #tpu.memory_space<vmem>>[vector<16xi32>], vector<16xf32>,
        %add3A_300 = arith.addi %mul3A_290, %add3A_18 : vector<16xi32>
        %gather3A_301 = tpu.vector_load_idx %arg5[%add3A_300] : memref<8192xf32, #tpu.memory_space<vmem>>[vector<16xi32>], vector<16xf32>,
        %add3A_302 = arith.addi %mul3A_297, %add3A_18 : vector<16xi32>
        tpu.vector_store_idx %arg11[%add3A_302], %gather3A_301 : memref<10240xf32, #tpu.memory_space<vmem>>[vector<16xi32>], vector<16xf32>,
        %add3A_303 = arith.addi %mul3A_290, %add3A_21 : vector<16xi32>
        %gather3A_304 = tpu.vector_load_idx %arg5[%add3A_303] : memref<8192xf32, #tpu.memory_space<vmem>>[vector<16xi32>], vector<16xf32>,
        %add3A_305 = arith.addi %mul3A_297, %add3A_21 : vector<16xi32>
        tpu.vector_store_idx %arg11[%add3A_305], %gather3A_304 : memref<10240xf32, #tpu.memory_space<vmem>>[vector<16xi32>], vector<16xf32>,
        %add3A_306 = arith.addi %mul3A_290, %add3A_24 : vector<16xi32>
        %gather3A_307 = tpu.vector_load_idx %arg5[%add3A_306] : memref<8192xf32, #tpu.memory_space<vmem>>[vector<16xi32>], vector<16xf32>,
        %add3A_308 = arith.addi %mul3A_297, %add3A_24 : vector<16xi32>
        tpu.vector_store_idx %arg11[%add3A_308], %gather3A_307 : memref<10240xf32, #tpu.memory_space<vmem>>[vector<16xi32>], vector<16xf32>,
        %add3A_309 = arith.addi %mul3A_290, %add3A_27 : vector<16xi32>
        %gather3A_310 = tpu.vector_load_idx %arg5[%add3A_309] : memref<8192xf32, #tpu.memory_space<vmem>>[vector<16xi32>], vector<16xf32>,
        %add3A_311 = arith.addi %mul3A_297, %add3A_27 : vector<16xi32>
        tpu.vector_store_idx %arg11[%add3A_311], %gather3A_310 : memref<10240xf32, #tpu.memory_space<vmem>>[vector<16xi32>], vector<16xf32>,
        %add3A_312 = arith.addi %mul3A_290, %add3A_30 : vector<16xi32>
        %gather3A_313 = tpu.vector_load_idx %arg5[%add3A_312] : memref<8192xf32, #tpu.memory_space<vmem>>[vector<16xi32>], vector<16xf32>,
        %add3A_314 = arith.addi %mul3A_297, %add3A_30 : vector<16xi32>
        tpu.vector_store_idx %arg11[%add3A_314], %gather3A_313 : memref<10240xf32, #tpu.memory_space<vmem>>[vector<16xi32>], vector<16xf32>,
        %add3A_315 = arith.addi %mul3A_290, %add3A_33 : vector<16xi32>
        %gather3A_316 = tpu.vector_load_idx %arg5[%add3A_315] : memref<8192xf32, #tpu.memory_space<vmem>>[vector<16xi32>], vector<16xf32>,
        %add3A_317 = arith.addi %mul3A_297, %add3A_33 : vector<16xi32>
        tpu.vector_store_idx %arg11[%add3A_317], %gather3A_316 : memref<10240xf32, #tpu.memory_space<vmem>>[vector<16xi32>], vector<16xf32>,
        %add3A_318 = arith.addi %mul3A_290, %add3A_36 : vector<16xi32>
        %gather3A_319 = tpu.vector_load_idx %arg5[%add3A_318] : memref<8192xf32, #tpu.memory_space<vmem>>[vector<16xi32>], vector<16xf32>,
        %add3A_320 = arith.addi %mul3A_297, %add3A_36 : vector<16xi32>
        tpu.vector_store_idx %arg11[%add3A_320], %gather3A_319 : memref<10240xf32, #tpu.memory_space<vmem>>[vector<16xi32>], vector<16xf32>,
      }
      %scan3A_276 = arith.constant 5 : i32
      %add3A_277 = arith.constant 2240 : i32
      %add3A_278 = arith.addi %mul3A_9, %add3A_277 : i32
      %mul3A_279 = arith.constant 128 : i32
      %mul3A_280 = arith.muli %add3A_278, %mul3A_279 : i32
      %dma_start3A = tpu.memref_slice %arg4[%mul3A_280] : memref<12800000xf32, #tpu.memory_space<hbm>> -> memref<10240xf32, #tpu.memory_space<hbm>>
      %dma_start3A_281 = tpu.memref_slice %arg4[%mul3A_280] : memref<12800000xf32, #tpu.memory_space<hbm>> -> memref<10240xf32, #tpu.memory_space<hbm>>
      tpu.enqueue_dma source(%arg11 : memref<10240xf32, #tpu.memory_space<vmem>>) target(%dma_start3A_281 : memref<10240xf32, #tpu.memory_space<hbm>>) target_semaphore(%arg19 : memref<!tpu.dma_semaphore, #tpu.memory_space<semaphore_mem>>)
    } else {
    }
    %gt3A_182 = arith.constant 29 : i32
    %gt3A_183 = arith.cmpi sgt, %add3A_3, %gt3A_182 : i32
    %convert_element_type3A_184 = arith.extui %gt3A_183 : i1 to i32
    %cond3A_185 = arith.constant 0 : i32
    %cond3A_186 = arith.cmpi ne, %convert_element_type3A_184, %cond3A_185 : i32
    scf.if %cond3A_186 {
      %dma_wait3A_268 = arith.constant 0 : i32
      %dma_wait3A_269 = tpu.memref_slice %arg4[%dma_wait3A_268] : memref<12800000xf32, #tpu.memory_space<hbm>> -> memref<10240xf32, #tpu.memory_space<hbm>>
      %dma_wait3A_270 = arith.constant 0 : i32
      %dma_wait3A_271 = tpu.memref_slice %arg4[%dma_wait3A_270] : memref<12800000xf32, #tpu.memory_space<hbm>> -> memref<10240xf32, #tpu.memory_space<hbm>>
      tpu.wait_dma2 semaphore(%arg20 : memref<!tpu.dma_semaphore, #tpu.memory_space<semaphore_mem>>) src(%arg12 : memref<10240xf32, #tpu.memory_space<vmem>>) dst(%dma_wait3A_271 : memref<10240xf32, #tpu.memory_space<hbm>>)
      %scan3A = arith.constant 0 : i32
      %scan3A_272 = arith.constant 0 : i32
      %scan3A_273 = arith.constant 5 : i32
      %scan3A_274 = arith.addi %scan3A_272, %scan3A_273 : i32
      %scan3A_275 = arith.constant 1 : i32
      scf.for %scan3A_282 = %scan3A_272 to %scan3A_274 step %scan3A_275  : i32 {
        %mul3A_283 = arith.constant 16 : i32
        %mul3A_284 = arith.muli %scan3A_282, %mul3A_283 : i32
        %add3A_285 = arith.constant 2320 : i32
        %add3A_286 = arith.addi %add3A_285, %mul3A_284 : i32
        %get3A = arith.index_cast %add3A_286 : i32 to index
        %get3A_287 = tpu.vector_load %arg6[%get3A] {strides = array<i32>} : memref<3200xi32, #tpu.memory_space<vmem>>, vector<16xi32>,
        %mul3A_288 = arith.constant 128 : i32
        %mul3A_289 = vector.broadcast %mul3A_288 : i32 to vector<16xi32>
        %mul3A_290 = arith.muli %get3A_287, %mul3A_289 : vector<16xi32>
        %mul3A_291 = arith.constant 16 : i32
        %mul3A_292 = arith.muli %scan3A_282, %mul3A_291 : i32
        %add3A_293 = vector.broadcast %mul3A_292 : i32 to vector<16xi32>
        %add3A_294 = arith.addi %add3A_293, %iota3A : vector<16xi32>
        %mul3A_295 = arith.constant 128 : i32
        %mul3A_296 = vector.broadcast %mul3A_295 : i32 to vector<16xi32>
        %mul3A_297 = arith.muli %add3A_294, %mul3A_296 : vector<16xi32>
        %add3A_298 = arith.addi %mul3A_290, %add3A_15 : vector<16xi32>
        %gather3A = tpu.vector_load_idx %arg5[%add3A_298] : memref<8192xf32, #tpu.memory_space<vmem>>[vector<16xi32>], vector<16xf32>,
        %add3A_299 = arith.addi %mul3A_297, %add3A_15 : vector<16xi32>
        tpu.vector_store_idx %arg12[%add3A_299], %gather3A : memref<10240xf32, #tpu.memory_space<vmem>>[vector<16xi32>], vector<16xf32>,
        %add3A_300 = arith.addi %mul3A_290, %add3A_18 : vector<16xi32>
        %gather3A_301 = tpu.vector_load_idx %arg5[%add3A_300] : memref<8192xf32, #tpu.memory_space<vmem>>[vector<16xi32>], vector<16xf32>,
        %add3A_302 = arith.addi %mul3A_297, %add3A_18 : vector<16xi32>
        tpu.vector_store_idx %arg12[%add3A_302], %gather3A_301 : memref<10240xf32, #tpu.memory_space<vmem>>[vector<16xi32>], vector<16xf32>,
        %add3A_303 = arith.addi %mul3A_290, %add3A_21 : vector<16xi32>
        %gather3A_304 = tpu.vector_load_idx %arg5[%add3A_303] : memref<8192xf32, #tpu.memory_space<vmem>>[vector<16xi32>], vector<16xf32>,
        %add3A_305 = arith.addi %mul3A_297, %add3A_21 : vector<16xi32>
        tpu.vector_store_idx %arg12[%add3A_305], %gather3A_304 : memref<10240xf32, #tpu.memory_space<vmem>>[vector<16xi32>], vector<16xf32>,
        %add3A_306 = arith.addi %mul3A_290, %add3A_24 : vector<16xi32>
        %gather3A_307 = tpu.vector_load_idx %arg5[%add3A_306] : memref<8192xf32, #tpu.memory_space<vmem>>[vector<16xi32>], vector<16xf32>,
        %add3A_308 = arith.addi %mul3A_297, %add3A_24 : vector<16xi32>
        tpu.vector_store_idx %arg12[%add3A_308], %gather3A_307 : memref<10240xf32, #tpu.memory_space<vmem>>[vector<16xi32>], vector<16xf32>,
        %add3A_309 = arith.addi %mul3A_290, %add3A_27 : vector<16xi32>
        %gather3A_310 = tpu.vector_load_idx %arg5[%add3A_309] : memref<8192xf32, #tpu.memory_space<vmem>>[vector<16xi32>], vector<16xf32>,
        %add3A_311 = arith.addi %mul3A_297, %add3A_27 : vector<16xi32>
        tpu.vector_store_idx %arg12[%add3A_311], %gather3A_310 : memref<10240xf32, #tpu.memory_space<vmem>>[vector<16xi32>], vector<16xf32>,
        %add3A_312 = arith.addi %mul3A_290, %add3A_30 : vector<16xi32>
        %gather3A_313 = tpu.vector_load_idx %arg5[%add3A_312] : memref<8192xf32, #tpu.memory_space<vmem>>[vector<16xi32>], vector<16xf32>,
        %add3A_314 = arith.addi %mul3A_297, %add3A_30 : vector<16xi32>
        tpu.vector_store_idx %arg12[%add3A_314], %gather3A_313 : memref<10240xf32, #tpu.memory_space<vmem>>[vector<16xi32>], vector<16xf32>,
        %add3A_315 = arith.addi %mul3A_290, %add3A_33 : vector<16xi32>
        %gather3A_316 = tpu.vector_load_idx %arg5[%add3A_315] : memref<8192xf32, #tpu.memory_space<vmem>>[vector<16xi32>], vector<16xf32>,
        %add3A_317 = arith.addi %mul3A_297, %add3A_33 : vector<16xi32>
        tpu.vector_store_idx %arg12[%add3A_317], %gather3A_316 : memref<10240xf32, #tpu.memory_space<vmem>>[vector<16xi32>], vector<16xf32>,
        %add3A_318 = arith.addi %mul3A_290, %add3A_36 : vector<16xi32>
        %gather3A_319 = tpu.vector_load_idx %arg5[%add3A_318] : memref<8192xf32, #tpu.memory_space<vmem>>[vector<16xi32>], vector<16xf32>,
        %add3A_320 = arith.addi %mul3A_297, %add3A_36 : vector<16xi32>
        tpu.vector_store_idx %arg12[%add3A_320], %gather3A_319 : memref<10240xf32, #tpu.memory_space<vmem>>[vector<16xi32>], vector<16xf32>,
      }
      %scan3A_276 = arith.constant 5 : i32
      %add3A_277 = arith.constant 2320 : i32
      %add3A_278 = arith.addi %mul3A_9, %add3A_277 : i32
      %mul3A_279 = arith.constant 128 : i32
      %mul3A_280 = arith.muli %add3A_278, %mul3A_279 : i32
      %dma_start3A = tpu.memref_slice %arg4[%mul3A_280] : memref<12800000xf32, #tpu.memory_space<hbm>> -> memref<10240xf32, #tpu.memory_space<hbm>>
      %dma_start3A_281 = tpu.memref_slice %arg4[%mul3A_280] : memref<12800000xf32, #tpu.memory_space<hbm>> -> memref<10240xf32, #tpu.memory_space<hbm>>
      tpu.enqueue_dma source(%arg12 : memref<10240xf32, #tpu.memory_space<vmem>>) target(%dma_start3A_281 : memref<10240xf32, #tpu.memory_space<hbm>>) target_semaphore(%arg20 : memref<!tpu.dma_semaphore, #tpu.memory_space<semaphore_mem>>)
    } else {
    }
    %gt3A_187 = arith.constant 30 : i32
    %gt3A_188 = arith.cmpi sgt, %add3A_3, %gt3A_187 : i32
    %convert_element_type3A_189 = arith.extui %gt3A_188 : i1 to i32
    %cond3A_190 = arith.constant 0 : i32
    %cond3A_191 = arith.cmpi ne, %convert_element_type3A_189, %cond3A_190 : i32
    scf.if %cond3A_191 {
      %dma_wait3A_268 = arith.constant 0 : i32
      %dma_wait3A_269 = tpu.memref_slice %arg4[%dma_wait3A_268] : memref<12800000xf32, #tpu.memory_space<hbm>> -> memref<10240xf32, #tpu.memory_space<hbm>>
      %dma_wait3A_270 = arith.constant 0 : i32
      %dma_wait3A_271 = tpu.memref_slice %arg4[%dma_wait3A_270] : memref<12800000xf32, #tpu.memory_space<hbm>> -> memref<10240xf32, #tpu.memory_space<hbm>>
      tpu.wait_dma2 semaphore(%arg21 : memref<!tpu.dma_semaphore, #tpu.memory_space<semaphore_mem>>) src(%arg13 : memref<10240xf32, #tpu.memory_space<vmem>>) dst(%dma_wait3A_271 : memref<10240xf32, #tpu.memory_space<hbm>>)
      %scan3A = arith.constant 0 : i32
      %scan3A_272 = arith.constant 0 : i32
      %scan3A_273 = arith.constant 5 : i32
      %scan3A_274 = arith.addi %scan3A_272, %scan3A_273 : i32
      %scan3A_275 = arith.constant 1 : i32
      scf.for %scan3A_282 = %scan3A_272 to %scan3A_274 step %scan3A_275  : i32 {
        %mul3A_283 = arith.constant 16 : i32
        %mul3A_284 = arith.muli %scan3A_282, %mul3A_283 : i32
        %add3A_285 = arith.constant 2400 : i32
        %add3A_286 = arith.addi %add3A_285, %mul3A_284 : i32
        %get3A = arith.index_cast %add3A_286 : i32 to index
        %get3A_287 = tpu.vector_load %arg6[%get3A] {strides = array<i32>} : memref<3200xi32, #tpu.memory_space<vmem>>, vector<16xi32>,
        %mul3A_288 = arith.constant 128 : i32
        %mul3A_289 = vector.broadcast %mul3A_288 : i32 to vector<16xi32>
        %mul3A_290 = arith.muli %get3A_287, %mul3A_289 : vector<16xi32>
        %mul3A_291 = arith.constant 16 : i32
        %mul3A_292 = arith.muli %scan3A_282, %mul3A_291 : i32
        %add3A_293 = vector.broadcast %mul3A_292 : i32 to vector<16xi32>
        %add3A_294 = arith.addi %add3A_293, %iota3A : vector<16xi32>
        %mul3A_295 = arith.constant 128 : i32
        %mul3A_296 = vector.broadcast %mul3A_295 : i32 to vector<16xi32>
        %mul3A_297 = arith.muli %add3A_294, %mul3A_296 : vector<16xi32>
        %add3A_298 = arith.addi %mul3A_290, %add3A_15 : vector<16xi32>
        %gather3A = tpu.vector_load_idx %arg5[%add3A_298] : memref<8192xf32, #tpu.memory_space<vmem>>[vector<16xi32>], vector<16xf32>,
        %add3A_299 = arith.addi %mul3A_297, %add3A_15 : vector<16xi32>
        tpu.vector_store_idx %arg13[%add3A_299], %gather3A : memref<10240xf32, #tpu.memory_space<vmem>>[vector<16xi32>], vector<16xf32>,
        %add3A_300 = arith.addi %mul3A_290, %add3A_18 : vector<16xi32>
        %gather3A_301 = tpu.vector_load_idx %arg5[%add3A_300] : memref<8192xf32, #tpu.memory_space<vmem>>[vector<16xi32>], vector<16xf32>,
        %add3A_302 = arith.addi %mul3A_297, %add3A_18 : vector<16xi32>
        tpu.vector_store_idx %arg13[%add3A_302], %gather3A_301 : memref<10240xf32, #tpu.memory_space<vmem>>[vector<16xi32>], vector<16xf32>,
        %add3A_303 = arith.addi %mul3A_290, %add3A_21 : vector<16xi32>
        %gather3A_304 = tpu.vector_load_idx %arg5[%add3A_303] : memref<8192xf32, #tpu.memory_space<vmem>>[vector<16xi32>], vector<16xf32>,
        %add3A_305 = arith.addi %mul3A_297, %add3A_21 : vector<16xi32>
        tpu.vector_store_idx %arg13[%add3A_305], %gather3A_304 : memref<10240xf32, #tpu.memory_space<vmem>>[vector<16xi32>], vector<16xf32>,
        %add3A_306 = arith.addi %mul3A_290, %add3A_24 : vector<16xi32>
        %gather3A_307 = tpu.vector_load_idx %arg5[%add3A_306] : memref<8192xf32, #tpu.memory_space<vmem>>[vector<16xi32>], vector<16xf32>,
        %add3A_308 = arith.addi %mul3A_297, %add3A_24 : vector<16xi32>
        tpu.vector_store_idx %arg13[%add3A_308], %gather3A_307 : memref<10240xf32, #tpu.memory_space<vmem>>[vector<16xi32>], vector<16xf32>,
        %add3A_309 = arith.addi %mul3A_290, %add3A_27 : vector<16xi32>
        %gather3A_310 = tpu.vector_load_idx %arg5[%add3A_309] : memref<8192xf32, #tpu.memory_space<vmem>>[vector<16xi32>], vector<16xf32>,
        %add3A_311 = arith.addi %mul3A_297, %add3A_27 : vector<16xi32>
        tpu.vector_store_idx %arg13[%add3A_311], %gather3A_310 : memref<10240xf32, #tpu.memory_space<vmem>>[vector<16xi32>], vector<16xf32>,
        %add3A_312 = arith.addi %mul3A_290, %add3A_30 : vector<16xi32>
        %gather3A_313 = tpu.vector_load_idx %arg5[%add3A_312] : memref<8192xf32, #tpu.memory_space<vmem>>[vector<16xi32>], vector<16xf32>,
        %add3A_314 = arith.addi %mul3A_297, %add3A_30 : vector<16xi32>
        tpu.vector_store_idx %arg13[%add3A_314], %gather3A_313 : memref<10240xf32, #tpu.memory_space<vmem>>[vector<16xi32>], vector<16xf32>,
        %add3A_315 = arith.addi %mul3A_290, %add3A_33 : vector<16xi32>
        %gather3A_316 = tpu.vector_load_idx %arg5[%add3A_315] : memref<8192xf32, #tpu.memory_space<vmem>>[vector<16xi32>], vector<16xf32>,
        %add3A_317 = arith.addi %mul3A_297, %add3A_33 : vector<16xi32>
        tpu.vector_store_idx %arg13[%add3A_317], %gather3A_316 : memref<10240xf32, #tpu.memory_space<vmem>>[vector<16xi32>], vector<16xf32>,
        %add3A_318 = arith.addi %mul3A_290, %add3A_36 : vector<16xi32>
        %gather3A_319 = tpu.vector_load_idx %arg5[%add3A_318] : memref<8192xf32, #tpu.memory_space<vmem>>[vector<16xi32>], vector<16xf32>,
        %add3A_320 = arith.addi %mul3A_297, %add3A_36 : vector<16xi32>
        tpu.vector_store_idx %arg13[%add3A_320], %gather3A_319 : memref<10240xf32, #tpu.memory_space<vmem>>[vector<16xi32>], vector<16xf32>,
      }
      %scan3A_276 = arith.constant 5 : i32
      %add3A_277 = arith.constant 2400 : i32
      %add3A_278 = arith.addi %mul3A_9, %add3A_277 : i32
      %mul3A_279 = arith.constant 128 : i32
      %mul3A_280 = arith.muli %add3A_278, %mul3A_279 : i32
      %dma_start3A = tpu.memref_slice %arg4[%mul3A_280] : memref<12800000xf32, #tpu.memory_space<hbm>> -> memref<10240xf32, #tpu.memory_space<hbm>>
      %dma_start3A_281 = tpu.memref_slice %arg4[%mul3A_280] : memref<12800000xf32, #tpu.memory_space<hbm>> -> memref<10240xf32, #tpu.memory_space<hbm>>
      tpu.enqueue_dma source(%arg13 : memref<10240xf32, #tpu.memory_space<vmem>>) target(%dma_start3A_281 : memref<10240xf32, #tpu.memory_space<hbm>>) target_semaphore(%arg21 : memref<!tpu.dma_semaphore, #tpu.memory_space<semaphore_mem>>)
    } else {
    }
    %gt3A_192 = arith.constant 31 : i32
    %gt3A_193 = arith.cmpi sgt, %add3A_3, %gt3A_192 : i32
    %convert_element_type3A_194 = arith.extui %gt3A_193 : i1 to i32
    %cond3A_195 = arith.constant 0 : i32
    %cond3A_196 = arith.cmpi ne, %convert_element_type3A_194, %cond3A_195 : i32
    scf.if %cond3A_196 {
      %dma_wait3A_268 = arith.constant 0 : i32
      %dma_wait3A_269 = tpu.memref_slice %arg4[%dma_wait3A_268] : memref<12800000xf32, #tpu.memory_space<hbm>> -> memref<10240xf32, #tpu.memory_space<hbm>>
      %dma_wait3A_270 = arith.constant 0 : i32
      %dma_wait3A_271 = tpu.memref_slice %arg4[%dma_wait3A_270] : memref<12800000xf32, #tpu.memory_space<hbm>> -> memref<10240xf32, #tpu.memory_space<hbm>>
      tpu.wait_dma2 semaphore(%arg22 : memref<!tpu.dma_semaphore, #tpu.memory_space<semaphore_mem>>) src(%arg14 : memref<10240xf32, #tpu.memory_space<vmem>>) dst(%dma_wait3A_271 : memref<10240xf32, #tpu.memory_space<hbm>>)
      %scan3A = arith.constant 0 : i32
      %scan3A_272 = arith.constant 0 : i32
      %scan3A_273 = arith.constant 5 : i32
      %scan3A_274 = arith.addi %scan3A_272, %scan3A_273 : i32
      %scan3A_275 = arith.constant 1 : i32
      scf.for %scan3A_282 = %scan3A_272 to %scan3A_274 step %scan3A_275  : i32 {
        %mul3A_283 = arith.constant 16 : i32
        %mul3A_284 = arith.muli %scan3A_282, %mul3A_283 : i32
        %add3A_285 = arith.constant 2480 : i32
        %add3A_286 = arith.addi %add3A_285, %mul3A_284 : i32
        %get3A = arith.index_cast %add3A_286 : i32 to index
        %get3A_287 = tpu.vector_load %arg6[%get3A] {strides = array<i32>} : memref<3200xi32, #tpu.memory_space<vmem>>, vector<16xi32>,
        %mul3A_288 = arith.constant 128 : i32
        %mul3A_289 = vector.broadcast %mul3A_288 : i32 to vector<16xi32>
        %mul3A_290 = arith.muli %get3A_287, %mul3A_289 : vector<16xi32>
        %mul3A_291 = arith.constant 16 : i32
        %mul3A_292 = arith.muli %scan3A_282, %mul3A_291 : i32
        %add3A_293 = vector.broadcast %mul3A_292 : i32 to vector<16xi32>
        %add3A_294 = arith.addi %add3A_293, %iota3A : vector<16xi32>
        %mul3A_295 = arith.constant 128 : i32
        %mul3A_296 = vector.broadcast %mul3A_295 : i32 to vector<16xi32>
        %mul3A_297 = arith.muli %add3A_294, %mul3A_296 : vector<16xi32>
        %add3A_298 = arith.addi %mul3A_290, %add3A_15 : vector<16xi32>
        %gather3A = tpu.vector_load_idx %arg5[%add3A_298] : memref<8192xf32, #tpu.memory_space<vmem>>[vector<16xi32>], vector<16xf32>,
        %add3A_299 = arith.addi %mul3A_297, %add3A_15 : vector<16xi32>
        tpu.vector_store_idx %arg14[%add3A_299], %gather3A : memref<10240xf32, #tpu.memory_space<vmem>>[vector<16xi32>], vector<16xf32>,
        %add3A_300 = arith.addi %mul3A_290, %add3A_18 : vector<16xi32>
        %gather3A_301 = tpu.vector_load_idx %arg5[%add3A_300] : memref<8192xf32, #tpu.memory_space<vmem>>[vector<16xi32>], vector<16xf32>,
        %add3A_302 = arith.addi %mul3A_297, %add3A_18 : vector<16xi32>
        tpu.vector_store_idx %arg14[%add3A_302], %gather3A_301 : memref<10240xf32, #tpu.memory_space<vmem>>[vector<16xi32>], vector<16xf32>,
        %add3A_303 = arith.addi %mul3A_290, %add3A_21 : vector<16xi32>
        %gather3A_304 = tpu.vector_load_idx %arg5[%add3A_303] : memref<8192xf32, #tpu.memory_space<vmem>>[vector<16xi32>], vector<16xf32>,
        %add3A_305 = arith.addi %mul3A_297, %add3A_21 : vector<16xi32>
        tpu.vector_store_idx %arg14[%add3A_305], %gather3A_304 : memref<10240xf32, #tpu.memory_space<vmem>>[vector<16xi32>], vector<16xf32>,
        %add3A_306 = arith.addi %mul3A_290, %add3A_24 : vector<16xi32>
        %gather3A_307 = tpu.vector_load_idx %arg5[%add3A_306] : memref<8192xf32, #tpu.memory_space<vmem>>[vector<16xi32>], vector<16xf32>,
        %add3A_308 = arith.addi %mul3A_297, %add3A_24 : vector<16xi32>
        tpu.vector_store_idx %arg14[%add3A_308], %gather3A_307 : memref<10240xf32, #tpu.memory_space<vmem>>[vector<16xi32>], vector<16xf32>,
        %add3A_309 = arith.addi %mul3A_290, %add3A_27 : vector<16xi32>
        %gather3A_310 = tpu.vector_load_idx %arg5[%add3A_309] : memref<8192xf32, #tpu.memory_space<vmem>>[vector<16xi32>], vector<16xf32>,
        %add3A_311 = arith.addi %mul3A_297, %add3A_27 : vector<16xi32>
        tpu.vector_store_idx %arg14[%add3A_311], %gather3A_310 : memref<10240xf32, #tpu.memory_space<vmem>>[vector<16xi32>], vector<16xf32>,
        %add3A_312 = arith.addi %mul3A_290, %add3A_30 : vector<16xi32>
        %gather3A_313 = tpu.vector_load_idx %arg5[%add3A_312] : memref<8192xf32, #tpu.memory_space<vmem>>[vector<16xi32>], vector<16xf32>,
        %add3A_314 = arith.addi %mul3A_297, %add3A_30 : vector<16xi32>
        tpu.vector_store_idx %arg14[%add3A_314], %gather3A_313 : memref<10240xf32, #tpu.memory_space<vmem>>[vector<16xi32>], vector<16xf32>,
        %add3A_315 = arith.addi %mul3A_290, %add3A_33 : vector<16xi32>
        %gather3A_316 = tpu.vector_load_idx %arg5[%add3A_315] : memref<8192xf32, #tpu.memory_space<vmem>>[vector<16xi32>], vector<16xf32>,
        %add3A_317 = arith.addi %mul3A_297, %add3A_33 : vector<16xi32>
        tpu.vector_store_idx %arg14[%add3A_317], %gather3A_316 : memref<10240xf32, #tpu.memory_space<vmem>>[vector<16xi32>], vector<16xf32>,
        %add3A_318 = arith.addi %mul3A_290, %add3A_36 : vector<16xi32>
        %gather3A_319 = tpu.vector_load_idx %arg5[%add3A_318] : memref<8192xf32, #tpu.memory_space<vmem>>[vector<16xi32>], vector<16xf32>,
        %add3A_320 = arith.addi %mul3A_297, %add3A_36 : vector<16xi32>
        tpu.vector_store_idx %arg14[%add3A_320], %gather3A_319 : memref<10240xf32, #tpu.memory_space<vmem>>[vector<16xi32>], vector<16xf32>,
      }
      %scan3A_276 = arith.constant 5 : i32
      %add3A_277 = arith.constant 2480 : i32
      %add3A_278 = arith.addi %mul3A_9, %add3A_277 : i32
      %mul3A_279 = arith.constant 128 : i32
      %mul3A_280 = arith.muli %add3A_278, %mul3A_279 : i32
      %dma_start3A = tpu.memref_slice %arg4[%mul3A_280] : memref<12800000xf32, #tpu.memory_space<hbm>> -> memref<10240xf32, #tpu.memory_space<hbm>>
      %dma_start3A_281 = tpu.memref_slice %arg4[%mul3A_280] : memref<12800000xf32, #tpu.memory_space<hbm>> -> memref<10240xf32, #tpu.memory_space<hbm>>
      tpu.enqueue_dma source(%arg14 : memref<10240xf32, #tpu.memory_space<vmem>>) target(%dma_start3A_281 : memref<10240xf32, #tpu.memory_space<hbm>>) target_semaphore(%arg22 : memref<!tpu.dma_semaphore, #tpu.memory_space<semaphore_mem>>)
    } else {
    }
    %gt3A_197 = arith.constant 32 : i32
    %gt3A_198 = arith.cmpi sgt, %add3A_3, %gt3A_197 : i32
    %convert_element_type3A_199 = arith.extui %gt3A_198 : i1 to i32
    %cond3A_200 = arith.constant 0 : i32
    %cond3A_201 = arith.cmpi ne, %convert_element_type3A_199, %cond3A_200 : i32
    scf.if %cond3A_201 {
      %dma_wait3A_268 = arith.constant 0 : i32
      %dma_wait3A_269 = tpu.memref_slice %arg4[%dma_wait3A_268] : memref<12800000xf32, #tpu.memory_space<hbm>> -> memref<10240xf32, #tpu.memory_space<hbm>>
      %dma_wait3A_270 = arith.constant 0 : i32
      %dma_wait3A_271 = tpu.memref_slice %arg4[%dma_wait3A_270] : memref<12800000xf32, #tpu.memory_space<hbm>> -> memref<10240xf32, #tpu.memory_space<hbm>>
      tpu.wait_dma2 semaphore(%arg15 : memref<!tpu.dma_semaphore, #tpu.memory_space<semaphore_mem>>) src(%arg7 : memref<10240xf32, #tpu.memory_space<vmem>>) dst(%dma_wait3A_271 : memref<10240xf32, #tpu.memory_space<hbm>>)
      %scan3A = arith.constant 0 : i32
      %scan3A_272 = arith.constant 0 : i32
      %scan3A_273 = arith.constant 5 : i32
      %scan3A_274 = arith.addi %scan3A_272, %scan3A_273 : i32
      %scan3A_275 = arith.constant 1 : i32
      scf.for %scan3A_282 = %scan3A_272 to %scan3A_274 step %scan3A_275  : i32 {
        %mul3A_283 = arith.constant 16 : i32
        %mul3A_284 = arith.muli %scan3A_282, %mul3A_283 : i32
        %add3A_285 = arith.constant 2560 : i32
        %add3A_286 = arith.addi %add3A_285, %mul3A_284 : i32
        %get3A = arith.index_cast %add3A_286 : i32 to index
        %get3A_287 = tpu.vector_load %arg6[%get3A] {strides = array<i32>} : memref<3200xi32, #tpu.memory_space<vmem>>, vector<16xi32>,
        %mul3A_288 = arith.constant 128 : i32
        %mul3A_289 = vector.broadcast %mul3A_288 : i32 to vector<16xi32>
        %mul3A_290 = arith.muli %get3A_287, %mul3A_289 : vector<16xi32>
        %mul3A_291 = arith.constant 16 : i32
        %mul3A_292 = arith.muli %scan3A_282, %mul3A_291 : i32
        %add3A_293 = vector.broadcast %mul3A_292 : i32 to vector<16xi32>
        %add3A_294 = arith.addi %add3A_293, %iota3A : vector<16xi32>
        %mul3A_295 = arith.constant 128 : i32
        %mul3A_296 = vector.broadcast %mul3A_295 : i32 to vector<16xi32>
        %mul3A_297 = arith.muli %add3A_294, %mul3A_296 : vector<16xi32>
        %add3A_298 = arith.addi %mul3A_290, %add3A_15 : vector<16xi32>
        %gather3A = tpu.vector_load_idx %arg5[%add3A_298] : memref<8192xf32, #tpu.memory_space<vmem>>[vector<16xi32>], vector<16xf32>,
        %add3A_299 = arith.addi %mul3A_297, %add3A_15 : vector<16xi32>
        tpu.vector_store_idx %arg7[%add3A_299], %gather3A : memref<10240xf32, #tpu.memory_space<vmem>>[vector<16xi32>], vector<16xf32>,
        %add3A_300 = arith.addi %mul3A_290, %add3A_18 : vector<16xi32>
        %gather3A_301 = tpu.vector_load_idx %arg5[%add3A_300] : memref<8192xf32, #tpu.memory_space<vmem>>[vector<16xi32>], vector<16xf32>,
        %add3A_302 = arith.addi %mul3A_297, %add3A_18 : vector<16xi32>
        tpu.vector_store_idx %arg7[%add3A_302], %gather3A_301 : memref<10240xf32, #tpu.memory_space<vmem>>[vector<16xi32>], vector<16xf32>,
        %add3A_303 = arith.addi %mul3A_290, %add3A_21 : vector<16xi32>
        %gather3A_304 = tpu.vector_load_idx %arg5[%add3A_303] : memref<8192xf32, #tpu.memory_space<vmem>>[vector<16xi32>], vector<16xf32>,
        %add3A_305 = arith.addi %mul3A_297, %add3A_21 : vector<16xi32>
        tpu.vector_store_idx %arg7[%add3A_305], %gather3A_304 : memref<10240xf32, #tpu.memory_space<vmem>>[vector<16xi32>], vector<16xf32>,
        %add3A_306 = arith.addi %mul3A_290, %add3A_24 : vector<16xi32>
        %gather3A_307 = tpu.vector_load_idx %arg5[%add3A_306] : memref<8192xf32, #tpu.memory_space<vmem>>[vector<16xi32>], vector<16xf32>,
        %add3A_308 = arith.addi %mul3A_297, %add3A_24 : vector<16xi32>
        tpu.vector_store_idx %arg7[%add3A_308], %gather3A_307 : memref<10240xf32, #tpu.memory_space<vmem>>[vector<16xi32>], vector<16xf32>,
        %add3A_309 = arith.addi %mul3A_290, %add3A_27 : vector<16xi32>
        %gather3A_310 = tpu.vector_load_idx %arg5[%add3A_309] : memref<8192xf32, #tpu.memory_space<vmem>>[vector<16xi32>], vector<16xf32>,
        %add3A_311 = arith.addi %mul3A_297, %add3A_27 : vector<16xi32>
        tpu.vector_store_idx %arg7[%add3A_311], %gather3A_310 : memref<10240xf32, #tpu.memory_space<vmem>>[vector<16xi32>], vector<16xf32>,
        %add3A_312 = arith.addi %mul3A_290, %add3A_30 : vector<16xi32>
        %gather3A_313 = tpu.vector_load_idx %arg5[%add3A_312] : memref<8192xf32, #tpu.memory_space<vmem>>[vector<16xi32>], vector<16xf32>,
        %add3A_314 = arith.addi %mul3A_297, %add3A_30 : vector<16xi32>
        tpu.vector_store_idx %arg7[%add3A_314], %gather3A_313 : memref<10240xf32, #tpu.memory_space<vmem>>[vector<16xi32>], vector<16xf32>,
        %add3A_315 = arith.addi %mul3A_290, %add3A_33 : vector<16xi32>
        %gather3A_316 = tpu.vector_load_idx %arg5[%add3A_315] : memref<8192xf32, #tpu.memory_space<vmem>>[vector<16xi32>], vector<16xf32>,
        %add3A_317 = arith.addi %mul3A_297, %add3A_33 : vector<16xi32>
        tpu.vector_store_idx %arg7[%add3A_317], %gather3A_316 : memref<10240xf32, #tpu.memory_space<vmem>>[vector<16xi32>], vector<16xf32>,
        %add3A_318 = arith.addi %mul3A_290, %add3A_36 : vector<16xi32>
        %gather3A_319 = tpu.vector_load_idx %arg5[%add3A_318] : memref<8192xf32, #tpu.memory_space<vmem>>[vector<16xi32>], vector<16xf32>,
        %add3A_320 = arith.addi %mul3A_297, %add3A_36 : vector<16xi32>
        tpu.vector_store_idx %arg7[%add3A_320], %gather3A_319 : memref<10240xf32, #tpu.memory_space<vmem>>[vector<16xi32>], vector<16xf32>,
      }
      %scan3A_276 = arith.constant 5 : i32
      %add3A_277 = arith.constant 2560 : i32
      %add3A_278 = arith.addi %mul3A_9, %add3A_277 : i32
      %mul3A_279 = arith.constant 128 : i32
      %mul3A_280 = arith.muli %add3A_278, %mul3A_279 : i32
      %dma_start3A = tpu.memref_slice %arg4[%mul3A_280] : memref<12800000xf32, #tpu.memory_space<hbm>> -> memref<10240xf32, #tpu.memory_space<hbm>>
      %dma_start3A_281 = tpu.memref_slice %arg4[%mul3A_280] : memref<12800000xf32, #tpu.memory_space<hbm>> -> memref<10240xf32, #tpu.memory_space<hbm>>
      tpu.enqueue_dma source(%arg7 : memref<10240xf32, #tpu.memory_space<vmem>>) target(%dma_start3A_281 : memref<10240xf32, #tpu.memory_space<hbm>>) target_semaphore(%arg15 : memref<!tpu.dma_semaphore, #tpu.memory_space<semaphore_mem>>)
    } else {
    }
    %gt3A_202 = arith.constant 33 : i32
    %gt3A_203 = arith.cmpi sgt, %add3A_3, %gt3A_202 : i32
    %convert_element_type3A_204 = arith.extui %gt3A_203 : i1 to i32
    %cond3A_205 = arith.constant 0 : i32
    %cond3A_206 = arith.cmpi ne, %convert_element_type3A_204, %cond3A_205 : i32
    scf.if %cond3A_206 {
      %dma_wait3A_268 = arith.constant 0 : i32
      %dma_wait3A_269 = tpu.memref_slice %arg4[%dma_wait3A_268] : memref<12800000xf32, #tpu.memory_space<hbm>> -> memref<10240xf32, #tpu.memory_space<hbm>>
      %dma_wait3A_270 = arith.constant 0 : i32
      %dma_wait3A_271 = tpu.memref_slice %arg4[%dma_wait3A_270] : memref<12800000xf32, #tpu.memory_space<hbm>> -> memref<10240xf32, #tpu.memory_space<hbm>>
      tpu.wait_dma2 semaphore(%arg16 : memref<!tpu.dma_semaphore, #tpu.memory_space<semaphore_mem>>) src(%arg8 : memref<10240xf32, #tpu.memory_space<vmem>>) dst(%dma_wait3A_271 : memref<10240xf32, #tpu.memory_space<hbm>>)
      %scan3A = arith.constant 0 : i32
      %scan3A_272 = arith.constant 0 : i32
      %scan3A_273 = arith.constant 5 : i32
      %scan3A_274 = arith.addi %scan3A_272, %scan3A_273 : i32
      %scan3A_275 = arith.constant 1 : i32
      scf.for %scan3A_282 = %scan3A_272 to %scan3A_274 step %scan3A_275  : i32 {
        %mul3A_283 = arith.constant 16 : i32
        %mul3A_284 = arith.muli %scan3A_282, %mul3A_283 : i32
        %add3A_285 = arith.constant 2640 : i32
        %add3A_286 = arith.addi %add3A_285, %mul3A_284 : i32
        %get3A = arith.index_cast %add3A_286 : i32 to index
        %get3A_287 = tpu.vector_load %arg6[%get3A] {strides = array<i32>} : memref<3200xi32, #tpu.memory_space<vmem>>, vector<16xi32>,
        %mul3A_288 = arith.constant 128 : i32
        %mul3A_289 = vector.broadcast %mul3A_288 : i32 to vector<16xi32>
        %mul3A_290 = arith.muli %get3A_287, %mul3A_289 : vector<16xi32>
        %mul3A_291 = arith.constant 16 : i32
        %mul3A_292 = arith.muli %scan3A_282, %mul3A_291 : i32
        %add3A_293 = vector.broadcast %mul3A_292 : i32 to vector<16xi32>
        %add3A_294 = arith.addi %add3A_293, %iota3A : vector<16xi32>
        %mul3A_295 = arith.constant 128 : i32
        %mul3A_296 = vector.broadcast %mul3A_295 : i32 to vector<16xi32>
        %mul3A_297 = arith.muli %add3A_294, %mul3A_296 : vector<16xi32>
        %add3A_298 = arith.addi %mul3A_290, %add3A_15 : vector<16xi32>
        %gather3A = tpu.vector_load_idx %arg5[%add3A_298] : memref<8192xf32, #tpu.memory_space<vmem>>[vector<16xi32>], vector<16xf32>,
        %add3A_299 = arith.addi %mul3A_297, %add3A_15 : vector<16xi32>
        tpu.vector_store_idx %arg8[%add3A_299], %gather3A : memref<10240xf32, #tpu.memory_space<vmem>>[vector<16xi32>], vector<16xf32>,
        %add3A_300 = arith.addi %mul3A_290, %add3A_18 : vector<16xi32>
        %gather3A_301 = tpu.vector_load_idx %arg5[%add3A_300] : memref<8192xf32, #tpu.memory_space<vmem>>[vector<16xi32>], vector<16xf32>,
        %add3A_302 = arith.addi %mul3A_297, %add3A_18 : vector<16xi32>
        tpu.vector_store_idx %arg8[%add3A_302], %gather3A_301 : memref<10240xf32, #tpu.memory_space<vmem>>[vector<16xi32>], vector<16xf32>,
        %add3A_303 = arith.addi %mul3A_290, %add3A_21 : vector<16xi32>
        %gather3A_304 = tpu.vector_load_idx %arg5[%add3A_303] : memref<8192xf32, #tpu.memory_space<vmem>>[vector<16xi32>], vector<16xf32>,
        %add3A_305 = arith.addi %mul3A_297, %add3A_21 : vector<16xi32>
        tpu.vector_store_idx %arg8[%add3A_305], %gather3A_304 : memref<10240xf32, #tpu.memory_space<vmem>>[vector<16xi32>], vector<16xf32>,
        %add3A_306 = arith.addi %mul3A_290, %add3A_24 : vector<16xi32>
        %gather3A_307 = tpu.vector_load_idx %arg5[%add3A_306] : memref<8192xf32, #tpu.memory_space<vmem>>[vector<16xi32>], vector<16xf32>,
        %add3A_308 = arith.addi %mul3A_297, %add3A_24 : vector<16xi32>
        tpu.vector_store_idx %arg8[%add3A_308], %gather3A_307 : memref<10240xf32, #tpu.memory_space<vmem>>[vector<16xi32>], vector<16xf32>,
        %add3A_309 = arith.addi %mul3A_290, %add3A_27 : vector<16xi32>
        %gather3A_310 = tpu.vector_load_idx %arg5[%add3A_309] : memref<8192xf32, #tpu.memory_space<vmem>>[vector<16xi32>], vector<16xf32>,
        %add3A_311 = arith.addi %mul3A_297, %add3A_27 : vector<16xi32>
        tpu.vector_store_idx %arg8[%add3A_311], %gather3A_310 : memref<10240xf32, #tpu.memory_space<vmem>>[vector<16xi32>], vector<16xf32>,
        %add3A_312 = arith.addi %mul3A_290, %add3A_30 : vector<16xi32>
        %gather3A_313 = tpu.vector_load_idx %arg5[%add3A_312] : memref<8192xf32, #tpu.memory_space<vmem>>[vector<16xi32>], vector<16xf32>,
        %add3A_314 = arith.addi %mul3A_297, %add3A_30 : vector<16xi32>
        tpu.vector_store_idx %arg8[%add3A_314], %gather3A_313 : memref<10240xf32, #tpu.memory_space<vmem>>[vector<16xi32>], vector<16xf32>,
        %add3A_315 = arith.addi %mul3A_290, %add3A_33 : vector<16xi32>
        %gather3A_316 = tpu.vector_load_idx %arg5[%add3A_315] : memref<8192xf32, #tpu.memory_space<vmem>>[vector<16xi32>], vector<16xf32>,
        %add3A_317 = arith.addi %mul3A_297, %add3A_33 : vector<16xi32>
        tpu.vector_store_idx %arg8[%add3A_317], %gather3A_316 : memref<10240xf32, #tpu.memory_space<vmem>>[vector<16xi32>], vector<16xf32>,
        %add3A_318 = arith.addi %mul3A_290, %add3A_36 : vector<16xi32>
        %gather3A_319 = tpu.vector_load_idx %arg5[%add3A_318] : memref<8192xf32, #tpu.memory_space<vmem>>[vector<16xi32>], vector<16xf32>,
        %add3A_320 = arith.addi %mul3A_297, %add3A_36 : vector<16xi32>
        tpu.vector_store_idx %arg8[%add3A_320], %gather3A_319 : memref<10240xf32, #tpu.memory_space<vmem>>[vector<16xi32>], vector<16xf32>,
      }
      %scan3A_276 = arith.constant 5 : i32
      %add3A_277 = arith.constant 2640 : i32
      %add3A_278 = arith.addi %mul3A_9, %add3A_277 : i32
      %mul3A_279 = arith.constant 128 : i32
      %mul3A_280 = arith.muli %add3A_278, %mul3A_279 : i32
      %dma_start3A = tpu.memref_slice %arg4[%mul3A_280] : memref<12800000xf32, #tpu.memory_space<hbm>> -> memref<10240xf32, #tpu.memory_space<hbm>>
      %dma_start3A_281 = tpu.memref_slice %arg4[%mul3A_280] : memref<12800000xf32, #tpu.memory_space<hbm>> -> memref<10240xf32, #tpu.memory_space<hbm>>
      tpu.enqueue_dma source(%arg8 : memref<10240xf32, #tpu.memory_space<vmem>>) target(%dma_start3A_281 : memref<10240xf32, #tpu.memory_space<hbm>>) target_semaphore(%arg16 : memref<!tpu.dma_semaphore, #tpu.memory_space<semaphore_mem>>)
    } else {
    }
    %gt3A_207 = arith.constant 34 : i32
    %gt3A_208 = arith.cmpi sgt, %add3A_3, %gt3A_207 : i32
    %convert_element_type3A_209 = arith.extui %gt3A_208 : i1 to i32
    %cond3A_210 = arith.constant 0 : i32
    %cond3A_211 = arith.cmpi ne, %convert_element_type3A_209, %cond3A_210 : i32
    scf.if %cond3A_211 {
      %dma_wait3A_268 = arith.constant 0 : i32
      %dma_wait3A_269 = tpu.memref_slice %arg4[%dma_wait3A_268] : memref<12800000xf32, #tpu.memory_space<hbm>> -> memref<10240xf32, #tpu.memory_space<hbm>>
      %dma_wait3A_270 = arith.constant 0 : i32
      %dma_wait3A_271 = tpu.memref_slice %arg4[%dma_wait3A_270] : memref<12800000xf32, #tpu.memory_space<hbm>> -> memref<10240xf32, #tpu.memory_space<hbm>>
      tpu.wait_dma2 semaphore(%arg17 : memref<!tpu.dma_semaphore, #tpu.memory_space<semaphore_mem>>) src(%arg9 : memref<10240xf32, #tpu.memory_space<vmem>>) dst(%dma_wait3A_271 : memref<10240xf32, #tpu.memory_space<hbm>>)
      %scan3A = arith.constant 0 : i32
      %scan3A_272 = arith.constant 0 : i32
      %scan3A_273 = arith.constant 5 : i32
      %scan3A_274 = arith.addi %scan3A_272, %scan3A_273 : i32
      %scan3A_275 = arith.constant 1 : i32
      scf.for %scan3A_282 = %scan3A_272 to %scan3A_274 step %scan3A_275  : i32 {
        %mul3A_283 = arith.constant 16 : i32
        %mul3A_284 = arith.muli %scan3A_282, %mul3A_283 : i32
        %add3A_285 = arith.constant 2720 : i32
        %add3A_286 = arith.addi %add3A_285, %mul3A_284 : i32
        %get3A = arith.index_cast %add3A_286 : i32 to index
        %get3A_287 = tpu.vector_load %arg6[%get3A] {strides = array<i32>} : memref<3200xi32, #tpu.memory_space<vmem>>, vector<16xi32>,
        %mul3A_288 = arith.constant 128 : i32
        %mul3A_289 = vector.broadcast %mul3A_288 : i32 to vector<16xi32>
        %mul3A_290 = arith.muli %get3A_287, %mul3A_289 : vector<16xi32>
        %mul3A_291 = arith.constant 16 : i32
        %mul3A_292 = arith.muli %scan3A_282, %mul3A_291 : i32
        %add3A_293 = vector.broadcast %mul3A_292 : i32 to vector<16xi32>
        %add3A_294 = arith.addi %add3A_293, %iota3A : vector<16xi32>
        %mul3A_295 = arith.constant 128 : i32
        %mul3A_296 = vector.broadcast %mul3A_295 : i32 to vector<16xi32>
        %mul3A_297 = arith.muli %add3A_294, %mul3A_296 : vector<16xi32>
        %add3A_298 = arith.addi %mul3A_290, %add3A_15 : vector<16xi32>
        %gather3A = tpu.vector_load_idx %arg5[%add3A_298] : memref<8192xf32, #tpu.memory_space<vmem>>[vector<16xi32>], vector<16xf32>,
        %add3A_299 = arith.addi %mul3A_297, %add3A_15 : vector<16xi32>
        tpu.vector_store_idx %arg9[%add3A_299], %gather3A : memref<10240xf32, #tpu.memory_space<vmem>>[vector<16xi32>], vector<16xf32>,
        %add3A_300 = arith.addi %mul3A_290, %add3A_18 : vector<16xi32>
        %gather3A_301 = tpu.vector_load_idx %arg5[%add3A_300] : memref<8192xf32, #tpu.memory_space<vmem>>[vector<16xi32>], vector<16xf32>,
        %add3A_302 = arith.addi %mul3A_297, %add3A_18 : vector<16xi32>
        tpu.vector_store_idx %arg9[%add3A_302], %gather3A_301 : memref<10240xf32, #tpu.memory_space<vmem>>[vector<16xi32>], vector<16xf32>,
        %add3A_303 = arith.addi %mul3A_290, %add3A_21 : vector<16xi32>
        %gather3A_304 = tpu.vector_load_idx %arg5[%add3A_303] : memref<8192xf32, #tpu.memory_space<vmem>>[vector<16xi32>], vector<16xf32>,
        %add3A_305 = arith.addi %mul3A_297, %add3A_21 : vector<16xi32>
        tpu.vector_store_idx %arg9[%add3A_305], %gather3A_304 : memref<10240xf32, #tpu.memory_space<vmem>>[vector<16xi32>], vector<16xf32>,
        %add3A_306 = arith.addi %mul3A_290, %add3A_24 : vector<16xi32>
        %gather3A_307 = tpu.vector_load_idx %arg5[%add3A_306] : memref<8192xf32, #tpu.memory_space<vmem>>[vector<16xi32>], vector<16xf32>,
        %add3A_308 = arith.addi %mul3A_297, %add3A_24 : vector<16xi32>
        tpu.vector_store_idx %arg9[%add3A_308], %gather3A_307 : memref<10240xf32, #tpu.memory_space<vmem>>[vector<16xi32>], vector<16xf32>,
        %add3A_309 = arith.addi %mul3A_290, %add3A_27 : vector<16xi32>
        %gather3A_310 = tpu.vector_load_idx %arg5[%add3A_309] : memref<8192xf32, #tpu.memory_space<vmem>>[vector<16xi32>], vector<16xf32>,
        %add3A_311 = arith.addi %mul3A_297, %add3A_27 : vector<16xi32>
        tpu.vector_store_idx %arg9[%add3A_311], %gather3A_310 : memref<10240xf32, #tpu.memory_space<vmem>>[vector<16xi32>], vector<16xf32>,
        %add3A_312 = arith.addi %mul3A_290, %add3A_30 : vector<16xi32>
        %gather3A_313 = tpu.vector_load_idx %arg5[%add3A_312] : memref<8192xf32, #tpu.memory_space<vmem>>[vector<16xi32>], vector<16xf32>,
        %add3A_314 = arith.addi %mul3A_297, %add3A_30 : vector<16xi32>
        tpu.vector_store_idx %arg9[%add3A_314], %gather3A_313 : memref<10240xf32, #tpu.memory_space<vmem>>[vector<16xi32>], vector<16xf32>,
        %add3A_315 = arith.addi %mul3A_290, %add3A_33 : vector<16xi32>
        %gather3A_316 = tpu.vector_load_idx %arg5[%add3A_315] : memref<8192xf32, #tpu.memory_space<vmem>>[vector<16xi32>], vector<16xf32>,
        %add3A_317 = arith.addi %mul3A_297, %add3A_33 : vector<16xi32>
        tpu.vector_store_idx %arg9[%add3A_317], %gather3A_316 : memref<10240xf32, #tpu.memory_space<vmem>>[vector<16xi32>], vector<16xf32>,
        %add3A_318 = arith.addi %mul3A_290, %add3A_36 : vector<16xi32>
        %gather3A_319 = tpu.vector_load_idx %arg5[%add3A_318] : memref<8192xf32, #tpu.memory_space<vmem>>[vector<16xi32>], vector<16xf32>,
        %add3A_320 = arith.addi %mul3A_297, %add3A_36 : vector<16xi32>
        tpu.vector_store_idx %arg9[%add3A_320], %gather3A_319 : memref<10240xf32, #tpu.memory_space<vmem>>[vector<16xi32>], vector<16xf32>,
      }
      %scan3A_276 = arith.constant 5 : i32
      %add3A_277 = arith.constant 2720 : i32
      %add3A_278 = arith.addi %mul3A_9, %add3A_277 : i32
      %mul3A_279 = arith.constant 128 : i32
      %mul3A_280 = arith.muli %add3A_278, %mul3A_279 : i32
      %dma_start3A = tpu.memref_slice %arg4[%mul3A_280] : memref<12800000xf32, #tpu.memory_space<hbm>> -> memref<10240xf32, #tpu.memory_space<hbm>>
      %dma_start3A_281 = tpu.memref_slice %arg4[%mul3A_280] : memref<12800000xf32, #tpu.memory_space<hbm>> -> memref<10240xf32, #tpu.memory_space<hbm>>
      tpu.enqueue_dma source(%arg9 : memref<10240xf32, #tpu.memory_space<vmem>>) target(%dma_start3A_281 : memref<10240xf32, #tpu.memory_space<hbm>>) target_semaphore(%arg17 : memref<!tpu.dma_semaphore, #tpu.memory_space<semaphore_mem>>)
    } else {
    }
    %gt3A_212 = arith.constant 35 : i32
    %gt3A_213 = arith.cmpi sgt, %add3A_3, %gt3A_212 : i32
    %convert_element_type3A_214 = arith.extui %gt3A_213 : i1 to i32
    %cond3A_215 = arith.constant 0 : i32
    %cond3A_216 = arith.cmpi ne, %convert_element_type3A_214, %cond3A_215 : i32
    scf.if %cond3A_216 {
      %dma_wait3A_268 = arith.constant 0 : i32
      %dma_wait3A_269 = tpu.memref_slice %arg4[%dma_wait3A_268] : memref<12800000xf32, #tpu.memory_space<hbm>> -> memref<10240xf32, #tpu.memory_space<hbm>>
      %dma_wait3A_270 = arith.constant 0 : i32
      %dma_wait3A_271 = tpu.memref_slice %arg4[%dma_wait3A_270] : memref<12800000xf32, #tpu.memory_space<hbm>> -> memref<10240xf32, #tpu.memory_space<hbm>>
      tpu.wait_dma2 semaphore(%arg18 : memref<!tpu.dma_semaphore, #tpu.memory_space<semaphore_mem>>) src(%arg10 : memref<10240xf32, #tpu.memory_space<vmem>>) dst(%dma_wait3A_271 : memref<10240xf32, #tpu.memory_space<hbm>>)
      %scan3A = arith.constant 0 : i32
      %scan3A_272 = arith.constant 0 : i32
      %scan3A_273 = arith.constant 5 : i32
      %scan3A_274 = arith.addi %scan3A_272, %scan3A_273 : i32
      %scan3A_275 = arith.constant 1 : i32
      scf.for %scan3A_282 = %scan3A_272 to %scan3A_274 step %scan3A_275  : i32 {
        %mul3A_283 = arith.constant 16 : i32
        %mul3A_284 = arith.muli %scan3A_282, %mul3A_283 : i32
        %add3A_285 = arith.constant 2800 : i32
        %add3A_286 = arith.addi %add3A_285, %mul3A_284 : i32
        %get3A = arith.index_cast %add3A_286 : i32 to index
        %get3A_287 = tpu.vector_load %arg6[%get3A] {strides = array<i32>} : memref<3200xi32, #tpu.memory_space<vmem>>, vector<16xi32>,
        %mul3A_288 = arith.constant 128 : i32
        %mul3A_289 = vector.broadcast %mul3A_288 : i32 to vector<16xi32>
        %mul3A_290 = arith.muli %get3A_287, %mul3A_289 : vector<16xi32>
        %mul3A_291 = arith.constant 16 : i32
        %mul3A_292 = arith.muli %scan3A_282, %mul3A_291 : i32
        %add3A_293 = vector.broadcast %mul3A_292 : i32 to vector<16xi32>
        %add3A_294 = arith.addi %add3A_293, %iota3A : vector<16xi32>
        %mul3A_295 = arith.constant 128 : i32
        %mul3A_296 = vector.broadcast %mul3A_295 : i32 to vector<16xi32>
        %mul3A_297 = arith.muli %add3A_294, %mul3A_296 : vector<16xi32>
        %add3A_298 = arith.addi %mul3A_290, %add3A_15 : vector<16xi32>
        %gather3A = tpu.vector_load_idx %arg5[%add3A_298] : memref<8192xf32, #tpu.memory_space<vmem>>[vector<16xi32>], vector<16xf32>,
        %add3A_299 = arith.addi %mul3A_297, %add3A_15 : vector<16xi32>
        tpu.vector_store_idx %arg10[%add3A_299], %gather3A : memref<10240xf32, #tpu.memory_space<vmem>>[vector<16xi32>], vector<16xf32>,
        %add3A_300 = arith.addi %mul3A_290, %add3A_18 : vector<16xi32>
        %gather3A_301 = tpu.vector_load_idx %arg5[%add3A_300] : memref<8192xf32, #tpu.memory_space<vmem>>[vector<16xi32>], vector<16xf32>,
        %add3A_302 = arith.addi %mul3A_297, %add3A_18 : vector<16xi32>
        tpu.vector_store_idx %arg10[%add3A_302], %gather3A_301 : memref<10240xf32, #tpu.memory_space<vmem>>[vector<16xi32>], vector<16xf32>,
        %add3A_303 = arith.addi %mul3A_290, %add3A_21 : vector<16xi32>
        %gather3A_304 = tpu.vector_load_idx %arg5[%add3A_303] : memref<8192xf32, #tpu.memory_space<vmem>>[vector<16xi32>], vector<16xf32>,
        %add3A_305 = arith.addi %mul3A_297, %add3A_21 : vector<16xi32>
        tpu.vector_store_idx %arg10[%add3A_305], %gather3A_304 : memref<10240xf32, #tpu.memory_space<vmem>>[vector<16xi32>], vector<16xf32>,
        %add3A_306 = arith.addi %mul3A_290, %add3A_24 : vector<16xi32>
        %gather3A_307 = tpu.vector_load_idx %arg5[%add3A_306] : memref<8192xf32, #tpu.memory_space<vmem>>[vector<16xi32>], vector<16xf32>,
        %add3A_308 = arith.addi %mul3A_297, %add3A_24 : vector<16xi32>
        tpu.vector_store_idx %arg10[%add3A_308], %gather3A_307 : memref<10240xf32, #tpu.memory_space<vmem>>[vector<16xi32>], vector<16xf32>,
        %add3A_309 = arith.addi %mul3A_290, %add3A_27 : vector<16xi32>
        %gather3A_310 = tpu.vector_load_idx %arg5[%add3A_309] : memref<8192xf32, #tpu.memory_space<vmem>>[vector<16xi32>], vector<16xf32>,
        %add3A_311 = arith.addi %mul3A_297, %add3A_27 : vector<16xi32>
        tpu.vector_store_idx %arg10[%add3A_311], %gather3A_310 : memref<10240xf32, #tpu.memory_space<vmem>>[vector<16xi32>], vector<16xf32>,
        %add3A_312 = arith.addi %mul3A_290, %add3A_30 : vector<16xi32>
        %gather3A_313 = tpu.vector_load_idx %arg5[%add3A_312] : memref<8192xf32, #tpu.memory_space<vmem>>[vector<16xi32>], vector<16xf32>,
        %add3A_314 = arith.addi %mul3A_297, %add3A_30 : vector<16xi32>
        tpu.vector_store_idx %arg10[%add3A_314], %gather3A_313 : memref<10240xf32, #tpu.memory_space<vmem>>[vector<16xi32>], vector<16xf32>,
        %add3A_315 = arith.addi %mul3A_290, %add3A_33 : vector<16xi32>
        %gather3A_316 = tpu.vector_load_idx %arg5[%add3A_315] : memref<8192xf32, #tpu.memory_space<vmem>>[vector<16xi32>], vector<16xf32>,
        %add3A_317 = arith.addi %mul3A_297, %add3A_33 : vector<16xi32>
        tpu.vector_store_idx %arg10[%add3A_317], %gather3A_316 : memref<10240xf32, #tpu.memory_space<vmem>>[vector<16xi32>], vector<16xf32>,
        %add3A_318 = arith.addi %mul3A_290, %add3A_36 : vector<16xi32>
        %gather3A_319 = tpu.vector_load_idx %arg5[%add3A_318] : memref<8192xf32, #tpu.memory_space<vmem>>[vector<16xi32>], vector<16xf32>,
        %add3A_320 = arith.addi %mul3A_297, %add3A_36 : vector<16xi32>
        tpu.vector_store_idx %arg10[%add3A_320], %gather3A_319 : memref<10240xf32, #tpu.memory_space<vmem>>[vector<16xi32>], vector<16xf32>,
      }
      %scan3A_276 = arith.constant 5 : i32
      %add3A_277 = arith.constant 2800 : i32
      %add3A_278 = arith.addi %mul3A_9, %add3A_277 : i32
      %mul3A_279 = arith.constant 128 : i32
      %mul3A_280 = arith.muli %add3A_278, %mul3A_279 : i32
      %dma_start3A = tpu.memref_slice %arg4[%mul3A_280] : memref<12800000xf32, #tpu.memory_space<hbm>> -> memref<10240xf32, #tpu.memory_space<hbm>>
      %dma_start3A_281 = tpu.memref_slice %arg4[%mul3A_280] : memref<12800000xf32, #tpu.memory_space<hbm>> -> memref<10240xf32, #tpu.memory_space<hbm>>
      tpu.enqueue_dma source(%arg10 : memref<10240xf32, #tpu.memory_space<vmem>>) target(%dma_start3A_281 : memref<10240xf32, #tpu.memory_space<hbm>>) target_semaphore(%arg18 : memref<!tpu.dma_semaphore, #tpu.memory_space<semaphore_mem>>)
    } else {
    }
    %gt3A_217 = arith.constant 36 : i32
    %gt3A_218 = arith.cmpi sgt, %add3A_3, %gt3A_217 : i32
    %convert_element_type3A_219 = arith.extui %gt3A_218 : i1 to i32
    %cond3A_220 = arith.constant 0 : i32
    %cond3A_221 = arith.cmpi ne, %convert_element_type3A_219, %cond3A_220 : i32
    scf.if %cond3A_221 {
      %dma_wait3A_268 = arith.constant 0 : i32
      %dma_wait3A_269 = tpu.memref_slice %arg4[%dma_wait3A_268] : memref<12800000xf32, #tpu.memory_space<hbm>> -> memref<10240xf32, #tpu.memory_space<hbm>>
      %dma_wait3A_270 = arith.constant 0 : i32
      %dma_wait3A_271 = tpu.memref_slice %arg4[%dma_wait3A_270] : memref<12800000xf32, #tpu.memory_space<hbm>> -> memref<10240xf32, #tpu.memory_space<hbm>>
      tpu.wait_dma2 semaphore(%arg19 : memref<!tpu.dma_semaphore, #tpu.memory_space<semaphore_mem>>) src(%arg11 : memref<10240xf32, #tpu.memory_space<vmem>>) dst(%dma_wait3A_271 : memref<10240xf32, #tpu.memory_space<hbm>>)
      %scan3A = arith.constant 0 : i32
      %scan3A_272 = arith.constant 0 : i32
      %scan3A_273 = arith.constant 5 : i32
      %scan3A_274 = arith.addi %scan3A_272, %scan3A_273 : i32
      %scan3A_275 = arith.constant 1 : i32
      scf.for %scan3A_282 = %scan3A_272 to %scan3A_274 step %scan3A_275  : i32 {
        %mul3A_283 = arith.constant 16 : i32
        %mul3A_284 = arith.muli %scan3A_282, %mul3A_283 : i32
        %add3A_285 = arith.constant 2880 : i32
        %add3A_286 = arith.addi %add3A_285, %mul3A_284 : i32
        %get3A = arith.index_cast %add3A_286 : i32 to index
        %get3A_287 = tpu.vector_load %arg6[%get3A] {strides = array<i32>} : memref<3200xi32, #tpu.memory_space<vmem>>, vector<16xi32>,
        %mul3A_288 = arith.constant 128 : i32
        %mul3A_289 = vector.broadcast %mul3A_288 : i32 to vector<16xi32>
        %mul3A_290 = arith.muli %get3A_287, %mul3A_289 : vector<16xi32>
        %mul3A_291 = arith.constant 16 : i32
        %mul3A_292 = arith.muli %scan3A_282, %mul3A_291 : i32
        %add3A_293 = vector.broadcast %mul3A_292 : i32 to vector<16xi32>
        %add3A_294 = arith.addi %add3A_293, %iota3A : vector<16xi32>
        %mul3A_295 = arith.constant 128 : i32
        %mul3A_296 = vector.broadcast %mul3A_295 : i32 to vector<16xi32>
        %mul3A_297 = arith.muli %add3A_294, %mul3A_296 : vector<16xi32>
        %add3A_298 = arith.addi %mul3A_290, %add3A_15 : vector<16xi32>
        %gather3A = tpu.vector_load_idx %arg5[%add3A_298] : memref<8192xf32, #tpu.memory_space<vmem>>[vector<16xi32>], vector<16xf32>,
        %add3A_299 = arith.addi %mul3A_297, %add3A_15 : vector<16xi32>
        tpu.vector_store_idx %arg11[%add3A_299], %gather3A : memref<10240xf32, #tpu.memory_space<vmem>>[vector<16xi32>], vector<16xf32>,
        %add3A_300 = arith.addi %mul3A_290, %add3A_18 : vector<16xi32>
        %gather3A_301 = tpu.vector_load_idx %arg5[%add3A_300] : memref<8192xf32, #tpu.memory_space<vmem>>[vector<16xi32>], vector<16xf32>,
        %add3A_302 = arith.addi %mul3A_297, %add3A_18 : vector<16xi32>
        tpu.vector_store_idx %arg11[%add3A_302], %gather3A_301 : memref<10240xf32, #tpu.memory_space<vmem>>[vector<16xi32>], vector<16xf32>,
        %add3A_303 = arith.addi %mul3A_290, %add3A_21 : vector<16xi32>
        %gather3A_304 = tpu.vector_load_idx %arg5[%add3A_303] : memref<8192xf32, #tpu.memory_space<vmem>>[vector<16xi32>], vector<16xf32>,
        %add3A_305 = arith.addi %mul3A_297, %add3A_21 : vector<16xi32>
        tpu.vector_store_idx %arg11[%add3A_305], %gather3A_304 : memref<10240xf32, #tpu.memory_space<vmem>>[vector<16xi32>], vector<16xf32>,
        %add3A_306 = arith.addi %mul3A_290, %add3A_24 : vector<16xi32>
        %gather3A_307 = tpu.vector_load_idx %arg5[%add3A_306] : memref<8192xf32, #tpu.memory_space<vmem>>[vector<16xi32>], vector<16xf32>,
        %add3A_308 = arith.addi %mul3A_297, %add3A_24 : vector<16xi32>
        tpu.vector_store_idx %arg11[%add3A_308], %gather3A_307 : memref<10240xf32, #tpu.memory_space<vmem>>[vector<16xi32>], vector<16xf32>,
        %add3A_309 = arith.addi %mul3A_290, %add3A_27 : vector<16xi32>
        %gather3A_310 = tpu.vector_load_idx %arg5[%add3A_309] : memref<8192xf32, #tpu.memory_space<vmem>>[vector<16xi32>], vector<16xf32>,
        %add3A_311 = arith.addi %mul3A_297, %add3A_27 : vector<16xi32>
        tpu.vector_store_idx %arg11[%add3A_311], %gather3A_310 : memref<10240xf32, #tpu.memory_space<vmem>>[vector<16xi32>], vector<16xf32>,
        %add3A_312 = arith.addi %mul3A_290, %add3A_30 : vector<16xi32>
        %gather3A_313 = tpu.vector_load_idx %arg5[%add3A_312] : memref<8192xf32, #tpu.memory_space<vmem>>[vector<16xi32>], vector<16xf32>,
        %add3A_314 = arith.addi %mul3A_297, %add3A_30 : vector<16xi32>
        tpu.vector_store_idx %arg11[%add3A_314], %gather3A_313 : memref<10240xf32, #tpu.memory_space<vmem>>[vector<16xi32>], vector<16xf32>,
        %add3A_315 = arith.addi %mul3A_290, %add3A_33 : vector<16xi32>
        %gather3A_316 = tpu.vector_load_idx %arg5[%add3A_315] : memref<8192xf32, #tpu.memory_space<vmem>>[vector<16xi32>], vector<16xf32>,
        %add3A_317 = arith.addi %mul3A_297, %add3A_33 : vector<16xi32>
        tpu.vector_store_idx %arg11[%add3A_317], %gather3A_316 : memref<10240xf32, #tpu.memory_space<vmem>>[vector<16xi32>], vector<16xf32>,
        %add3A_318 = arith.addi %mul3A_290, %add3A_36 : vector<16xi32>
        %gather3A_319 = tpu.vector_load_idx %arg5[%add3A_318] : memref<8192xf32, #tpu.memory_space<vmem>>[vector<16xi32>], vector<16xf32>,
        %add3A_320 = arith.addi %mul3A_297, %add3A_36 : vector<16xi32>
        tpu.vector_store_idx %arg11[%add3A_320], %gather3A_319 : memref<10240xf32, #tpu.memory_space<vmem>>[vector<16xi32>], vector<16xf32>,
      }
      %scan3A_276 = arith.constant 5 : i32
      %add3A_277 = arith.constant 2880 : i32
      %add3A_278 = arith.addi %mul3A_9, %add3A_277 : i32
      %mul3A_279 = arith.constant 128 : i32
      %mul3A_280 = arith.muli %add3A_278, %mul3A_279 : i32
      %dma_start3A = tpu.memref_slice %arg4[%mul3A_280] : memref<12800000xf32, #tpu.memory_space<hbm>> -> memref<10240xf32, #tpu.memory_space<hbm>>
      %dma_start3A_281 = tpu.memref_slice %arg4[%mul3A_280] : memref<12800000xf32, #tpu.memory_space<hbm>> -> memref<10240xf32, #tpu.memory_space<hbm>>
      tpu.enqueue_dma source(%arg11 : memref<10240xf32, #tpu.memory_space<vmem>>) target(%dma_start3A_281 : memref<10240xf32, #tpu.memory_space<hbm>>) target_semaphore(%arg19 : memref<!tpu.dma_semaphore, #tpu.memory_space<semaphore_mem>>)
    } else {
    }
    %gt3A_222 = arith.constant 37 : i32
    %gt3A_223 = arith.cmpi sgt, %add3A_3, %gt3A_222 : i32
    %convert_element_type3A_224 = arith.extui %gt3A_223 : i1 to i32
    %cond3A_225 = arith.constant 0 : i32
    %cond3A_226 = arith.cmpi ne, %convert_element_type3A_224, %cond3A_225 : i32
    scf.if %cond3A_226 {
      %dma_wait3A_268 = arith.constant 0 : i32
      %dma_wait3A_269 = tpu.memref_slice %arg4[%dma_wait3A_268] : memref<12800000xf32, #tpu.memory_space<hbm>> -> memref<10240xf32, #tpu.memory_space<hbm>>
      %dma_wait3A_270 = arith.constant 0 : i32
      %dma_wait3A_271 = tpu.memref_slice %arg4[%dma_wait3A_270] : memref<12800000xf32, #tpu.memory_space<hbm>> -> memref<10240xf32, #tpu.memory_space<hbm>>
      tpu.wait_dma2 semaphore(%arg20 : memref<!tpu.dma_semaphore, #tpu.memory_space<semaphore_mem>>) src(%arg12 : memref<10240xf32, #tpu.memory_space<vmem>>) dst(%dma_wait3A_271 : memref<10240xf32, #tpu.memory_space<hbm>>)
      %scan3A = arith.constant 0 : i32
      %scan3A_272 = arith.constant 0 : i32
      %scan3A_273 = arith.constant 5 : i32
      %scan3A_274 = arith.addi %scan3A_272, %scan3A_273 : i32
      %scan3A_275 = arith.constant 1 : i32
      scf.for %scan3A_282 = %scan3A_272 to %scan3A_274 step %scan3A_275  : i32 {
        %mul3A_283 = arith.constant 16 : i32
        %mul3A_284 = arith.muli %scan3A_282, %mul3A_283 : i32
        %add3A_285 = arith.constant 2960 : i32
        %add3A_286 = arith.addi %add3A_285, %mul3A_284 : i32
        %get3A = arith.index_cast %add3A_286 : i32 to index
        %get3A_287 = tpu.vector_load %arg6[%get3A] {strides = array<i32>} : memref<3200xi32, #tpu.memory_space<vmem>>, vector<16xi32>,
        %mul3A_288 = arith.constant 128 : i32
        %mul3A_289 = vector.broadcast %mul3A_288 : i32 to vector<16xi32>
        %mul3A_290 = arith.muli %get3A_287, %mul3A_289 : vector<16xi32>
        %mul3A_291 = arith.constant 16 : i32
        %mul3A_292 = arith.muli %scan3A_282, %mul3A_291 : i32
        %add3A_293 = vector.broadcast %mul3A_292 : i32 to vector<16xi32>
        %add3A_294 = arith.addi %add3A_293, %iota3A : vector<16xi32>
        %mul3A_295 = arith.constant 128 : i32
        %mul3A_296 = vector.broadcast %mul3A_295 : i32 to vector<16xi32>
        %mul3A_297 = arith.muli %add3A_294, %mul3A_296 : vector<16xi32>
        %add3A_298 = arith.addi %mul3A_290, %add3A_15 : vector<16xi32>
        %gather3A = tpu.vector_load_idx %arg5[%add3A_298] : memref<8192xf32, #tpu.memory_space<vmem>>[vector<16xi32>], vector<16xf32>,
        %add3A_299 = arith.addi %mul3A_297, %add3A_15 : vector<16xi32>
        tpu.vector_store_idx %arg12[%add3A_299], %gather3A : memref<10240xf32, #tpu.memory_space<vmem>>[vector<16xi32>], vector<16xf32>,
        %add3A_300 = arith.addi %mul3A_290, %add3A_18 : vector<16xi32>
        %gather3A_301 = tpu.vector_load_idx %arg5[%add3A_300] : memref<8192xf32, #tpu.memory_space<vmem>>[vector<16xi32>], vector<16xf32>,
        %add3A_302 = arith.addi %mul3A_297, %add3A_18 : vector<16xi32>
        tpu.vector_store_idx %arg12[%add3A_302], %gather3A_301 : memref<10240xf32, #tpu.memory_space<vmem>>[vector<16xi32>], vector<16xf32>,
        %add3A_303 = arith.addi %mul3A_290, %add3A_21 : vector<16xi32>
        %gather3A_304 = tpu.vector_load_idx %arg5[%add3A_303] : memref<8192xf32, #tpu.memory_space<vmem>>[vector<16xi32>], vector<16xf32>,
        %add3A_305 = arith.addi %mul3A_297, %add3A_21 : vector<16xi32>
        tpu.vector_store_idx %arg12[%add3A_305], %gather3A_304 : memref<10240xf32, #tpu.memory_space<vmem>>[vector<16xi32>], vector<16xf32>,
        %add3A_306 = arith.addi %mul3A_290, %add3A_24 : vector<16xi32>
        %gather3A_307 = tpu.vector_load_idx %arg5[%add3A_306] : memref<8192xf32, #tpu.memory_space<vmem>>[vector<16xi32>], vector<16xf32>,
        %add3A_308 = arith.addi %mul3A_297, %add3A_24 : vector<16xi32>
        tpu.vector_store_idx %arg12[%add3A_308], %gather3A_307 : memref<10240xf32, #tpu.memory_space<vmem>>[vector<16xi32>], vector<16xf32>,
        %add3A_309 = arith.addi %mul3A_290, %add3A_27 : vector<16xi32>
        %gather3A_310 = tpu.vector_load_idx %arg5[%add3A_309] : memref<8192xf32, #tpu.memory_space<vmem>>[vector<16xi32>], vector<16xf32>,
        %add3A_311 = arith.addi %mul3A_297, %add3A_27 : vector<16xi32>
        tpu.vector_store_idx %arg12[%add3A_311], %gather3A_310 : memref<10240xf32, #tpu.memory_space<vmem>>[vector<16xi32>], vector<16xf32>,
        %add3A_312 = arith.addi %mul3A_290, %add3A_30 : vector<16xi32>
        %gather3A_313 = tpu.vector_load_idx %arg5[%add3A_312] : memref<8192xf32, #tpu.memory_space<vmem>>[vector<16xi32>], vector<16xf32>,
        %add3A_314 = arith.addi %mul3A_297, %add3A_30 : vector<16xi32>
        tpu.vector_store_idx %arg12[%add3A_314], %gather3A_313 : memref<10240xf32, #tpu.memory_space<vmem>>[vector<16xi32>], vector<16xf32>,
        %add3A_315 = arith.addi %mul3A_290, %add3A_33 : vector<16xi32>
        %gather3A_316 = tpu.vector_load_idx %arg5[%add3A_315] : memref<8192xf32, #tpu.memory_space<vmem>>[vector<16xi32>], vector<16xf32>,
        %add3A_317 = arith.addi %mul3A_297, %add3A_33 : vector<16xi32>
        tpu.vector_store_idx %arg12[%add3A_317], %gather3A_316 : memref<10240xf32, #tpu.memory_space<vmem>>[vector<16xi32>], vector<16xf32>,
        %add3A_318 = arith.addi %mul3A_290, %add3A_36 : vector<16xi32>
        %gather3A_319 = tpu.vector_load_idx %arg5[%add3A_318] : memref<8192xf32, #tpu.memory_space<vmem>>[vector<16xi32>], vector<16xf32>,
        %add3A_320 = arith.addi %mul3A_297, %add3A_36 : vector<16xi32>
        tpu.vector_store_idx %arg12[%add3A_320], %gather3A_319 : memref<10240xf32, #tpu.memory_space<vmem>>[vector<16xi32>], vector<16xf32>,
      }
      %scan3A_276 = arith.constant 5 : i32
      %add3A_277 = arith.constant 2960 : i32
      %add3A_278 = arith.addi %mul3A_9, %add3A_277 : i32
      %mul3A_279 = arith.constant 128 : i32
      %mul3A_280 = arith.muli %add3A_278, %mul3A_279 : i32
      %dma_start3A = tpu.memref_slice %arg4[%mul3A_280] : memref<12800000xf32, #tpu.memory_space<hbm>> -> memref<10240xf32, #tpu.memory_space<hbm>>
      %dma_start3A_281 = tpu.memref_slice %arg4[%mul3A_280] : memref<12800000xf32, #tpu.memory_space<hbm>> -> memref<10240xf32, #tpu.memory_space<hbm>>
      tpu.enqueue_dma source(%arg12 : memref<10240xf32, #tpu.memory_space<vmem>>) target(%dma_start3A_281 : memref<10240xf32, #tpu.memory_space<hbm>>) target_semaphore(%arg20 : memref<!tpu.dma_semaphore, #tpu.memory_space<semaphore_mem>>)
    } else {
    }
    %gt3A_227 = arith.constant 38 : i32
    %gt3A_228 = arith.cmpi sgt, %add3A_3, %gt3A_227 : i32
    %convert_element_type3A_229 = arith.extui %gt3A_228 : i1 to i32
    %cond3A_230 = arith.constant 0 : i32
    %cond3A_231 = arith.cmpi ne, %convert_element_type3A_229, %cond3A_230 : i32
    scf.if %cond3A_231 {
      %dma_wait3A_268 = arith.constant 0 : i32
      %dma_wait3A_269 = tpu.memref_slice %arg4[%dma_wait3A_268] : memref<12800000xf32, #tpu.memory_space<hbm>> -> memref<10240xf32, #tpu.memory_space<hbm>>
      %dma_wait3A_270 = arith.constant 0 : i32
      %dma_wait3A_271 = tpu.memref_slice %arg4[%dma_wait3A_270] : memref<12800000xf32, #tpu.memory_space<hbm>> -> memref<10240xf32, #tpu.memory_space<hbm>>
      tpu.wait_dma2 semaphore(%arg21 : memref<!tpu.dma_semaphore, #tpu.memory_space<semaphore_mem>>) src(%arg13 : memref<10240xf32, #tpu.memory_space<vmem>>) dst(%dma_wait3A_271 : memref<10240xf32, #tpu.memory_space<hbm>>)
      %scan3A = arith.constant 0 : i32
      %scan3A_272 = arith.constant 0 : i32
      %scan3A_273 = arith.constant 5 : i32
      %scan3A_274 = arith.addi %scan3A_272, %scan3A_273 : i32
      %scan3A_275 = arith.constant 1 : i32
      scf.for %scan3A_282 = %scan3A_272 to %scan3A_274 step %scan3A_275  : i32 {
        %mul3A_283 = arith.constant 16 : i32
        %mul3A_284 = arith.muli %scan3A_282, %mul3A_283 : i32
        %add3A_285 = arith.constant 3040 : i32
        %add3A_286 = arith.addi %add3A_285, %mul3A_284 : i32
        %get3A = arith.index_cast %add3A_286 : i32 to index
        %get3A_287 = tpu.vector_load %arg6[%get3A] {strides = array<i32>} : memref<3200xi32, #tpu.memory_space<vmem>>, vector<16xi32>,
        %mul3A_288 = arith.constant 128 : i32
        %mul3A_289 = vector.broadcast %mul3A_288 : i32 to vector<16xi32>
        %mul3A_290 = arith.muli %get3A_287, %mul3A_289 : vector<16xi32>
        %mul3A_291 = arith.constant 16 : i32
        %mul3A_292 = arith.muli %scan3A_282, %mul3A_291 : i32
        %add3A_293 = vector.broadcast %mul3A_292 : i32 to vector<16xi32>
        %add3A_294 = arith.addi %add3A_293, %iota3A : vector<16xi32>
        %mul3A_295 = arith.constant 128 : i32
        %mul3A_296 = vector.broadcast %mul3A_295 : i32 to vector<16xi32>
        %mul3A_297 = arith.muli %add3A_294, %mul3A_296 : vector<16xi32>
        %add3A_298 = arith.addi %mul3A_290, %add3A_15 : vector<16xi32>
        %gather3A = tpu.vector_load_idx %arg5[%add3A_298] : memref<8192xf32, #tpu.memory_space<vmem>>[vector<16xi32>], vector<16xf32>,
        %add3A_299 = arith.addi %mul3A_297, %add3A_15 : vector<16xi32>
        tpu.vector_store_idx %arg13[%add3A_299], %gather3A : memref<10240xf32, #tpu.memory_space<vmem>>[vector<16xi32>], vector<16xf32>,
        %add3A_300 = arith.addi %mul3A_290, %add3A_18 : vector<16xi32>
        %gather3A_301 = tpu.vector_load_idx %arg5[%add3A_300] : memref<8192xf32, #tpu.memory_space<vmem>>[vector<16xi32>], vector<16xf32>,
        %add3A_302 = arith.addi %mul3A_297, %add3A_18 : vector<16xi32>
        tpu.vector_store_idx %arg13[%add3A_302], %gather3A_301 : memref<10240xf32, #tpu.memory_space<vmem>>[vector<16xi32>], vector<16xf32>,
        %add3A_303 = arith.addi %mul3A_290, %add3A_21 : vector<16xi32>
        %gather3A_304 = tpu.vector_load_idx %arg5[%add3A_303] : memref<8192xf32, #tpu.memory_space<vmem>>[vector<16xi32>], vector<16xf32>,
        %add3A_305 = arith.addi %mul3A_297, %add3A_21 : vector<16xi32>
        tpu.vector_store_idx %arg13[%add3A_305], %gather3A_304 : memref<10240xf32, #tpu.memory_space<vmem>>[vector<16xi32>], vector<16xf32>,
        %add3A_306 = arith.addi %mul3A_290, %add3A_24 : vector<16xi32>
        %gather3A_307 = tpu.vector_load_idx %arg5[%add3A_306] : memref<8192xf32, #tpu.memory_space<vmem>>[vector<16xi32>], vector<16xf32>,
        %add3A_308 = arith.addi %mul3A_297, %add3A_24 : vector<16xi32>
        tpu.vector_store_idx %arg13[%add3A_308], %gather3A_307 : memref<10240xf32, #tpu.memory_space<vmem>>[vector<16xi32>], vector<16xf32>,
        %add3A_309 = arith.addi %mul3A_290, %add3A_27 : vector<16xi32>
        %gather3A_310 = tpu.vector_load_idx %arg5[%add3A_309] : memref<8192xf32, #tpu.memory_space<vmem>>[vector<16xi32>], vector<16xf32>,
        %add3A_311 = arith.addi %mul3A_297, %add3A_27 : vector<16xi32>
        tpu.vector_store_idx %arg13[%add3A_311], %gather3A_310 : memref<10240xf32, #tpu.memory_space<vmem>>[vector<16xi32>], vector<16xf32>,
        %add3A_312 = arith.addi %mul3A_290, %add3A_30 : vector<16xi32>
        %gather3A_313 = tpu.vector_load_idx %arg5[%add3A_312] : memref<8192xf32, #tpu.memory_space<vmem>>[vector<16xi32>], vector<16xf32>,
        %add3A_314 = arith.addi %mul3A_297, %add3A_30 : vector<16xi32>
        tpu.vector_store_idx %arg13[%add3A_314], %gather3A_313 : memref<10240xf32, #tpu.memory_space<vmem>>[vector<16xi32>], vector<16xf32>,
        %add3A_315 = arith.addi %mul3A_290, %add3A_33 : vector<16xi32>
        %gather3A_316 = tpu.vector_load_idx %arg5[%add3A_315] : memref<8192xf32, #tpu.memory_space<vmem>>[vector<16xi32>], vector<16xf32>,
        %add3A_317 = arith.addi %mul3A_297, %add3A_33 : vector<16xi32>
        tpu.vector_store_idx %arg13[%add3A_317], %gather3A_316 : memref<10240xf32, #tpu.memory_space<vmem>>[vector<16xi32>], vector<16xf32>,
        %add3A_318 = arith.addi %mul3A_290, %add3A_36 : vector<16xi32>
        %gather3A_319 = tpu.vector_load_idx %arg5[%add3A_318] : memref<8192xf32, #tpu.memory_space<vmem>>[vector<16xi32>], vector<16xf32>,
        %add3A_320 = arith.addi %mul3A_297, %add3A_36 : vector<16xi32>
        tpu.vector_store_idx %arg13[%add3A_320], %gather3A_319 : memref<10240xf32, #tpu.memory_space<vmem>>[vector<16xi32>], vector<16xf32>,
      }
      %scan3A_276 = arith.constant 5 : i32
      %add3A_277 = arith.constant 3040 : i32
      %add3A_278 = arith.addi %mul3A_9, %add3A_277 : i32
      %mul3A_279 = arith.constant 128 : i32
      %mul3A_280 = arith.muli %add3A_278, %mul3A_279 : i32
      %dma_start3A = tpu.memref_slice %arg4[%mul3A_280] : memref<12800000xf32, #tpu.memory_space<hbm>> -> memref<10240xf32, #tpu.memory_space<hbm>>
      %dma_start3A_281 = tpu.memref_slice %arg4[%mul3A_280] : memref<12800000xf32, #tpu.memory_space<hbm>> -> memref<10240xf32, #tpu.memory_space<hbm>>
      tpu.enqueue_dma source(%arg13 : memref<10240xf32, #tpu.memory_space<vmem>>) target(%dma_start3A_281 : memref<10240xf32, #tpu.memory_space<hbm>>) target_semaphore(%arg21 : memref<!tpu.dma_semaphore, #tpu.memory_space<semaphore_mem>>)
    } else {
    }
    %gt3A_232 = arith.constant 39 : i32
    %gt3A_233 = arith.cmpi sgt, %add3A_3, %gt3A_232 : i32
    %convert_element_type3A_234 = arith.extui %gt3A_233 : i1 to i32
    %cond3A_235 = arith.constant 0 : i32
    %cond3A_236 = arith.cmpi ne, %convert_element_type3A_234, %cond3A_235 : i32
    scf.if %cond3A_236 {
      %dma_wait3A_268 = arith.constant 0 : i32
      %dma_wait3A_269 = tpu.memref_slice %arg4[%dma_wait3A_268] : memref<12800000xf32, #tpu.memory_space<hbm>> -> memref<10240xf32, #tpu.memory_space<hbm>>
      %dma_wait3A_270 = arith.constant 0 : i32
      %dma_wait3A_271 = tpu.memref_slice %arg4[%dma_wait3A_270] : memref<12800000xf32, #tpu.memory_space<hbm>> -> memref<10240xf32, #tpu.memory_space<hbm>>
      tpu.wait_dma2 semaphore(%arg22 : memref<!tpu.dma_semaphore, #tpu.memory_space<semaphore_mem>>) src(%arg14 : memref<10240xf32, #tpu.memory_space<vmem>>) dst(%dma_wait3A_271 : memref<10240xf32, #tpu.memory_space<hbm>>)
      %scan3A = arith.constant 0 : i32
      %scan3A_272 = arith.constant 0 : i32
      %scan3A_273 = arith.constant 5 : i32
      %scan3A_274 = arith.addi %scan3A_272, %scan3A_273 : i32
      %scan3A_275 = arith.constant 1 : i32
      scf.for %scan3A_282 = %scan3A_272 to %scan3A_274 step %scan3A_275  : i32 {
        %mul3A_283 = arith.constant 16 : i32
        %mul3A_284 = arith.muli %scan3A_282, %mul3A_283 : i32
        %add3A_285 = arith.constant 3120 : i32
        %add3A_286 = arith.addi %add3A_285, %mul3A_284 : i32
        %get3A = arith.index_cast %add3A_286 : i32 to index
        %get3A_287 = tpu.vector_load %arg6[%get3A] {strides = array<i32>} : memref<3200xi32, #tpu.memory_space<vmem>>, vector<16xi32>,
        %mul3A_288 = arith.constant 128 : i32
        %mul3A_289 = vector.broadcast %mul3A_288 : i32 to vector<16xi32>
        %mul3A_290 = arith.muli %get3A_287, %mul3A_289 : vector<16xi32>
        %mul3A_291 = arith.constant 16 : i32
        %mul3A_292 = arith.muli %scan3A_282, %mul3A_291 : i32
        %add3A_293 = vector.broadcast %mul3A_292 : i32 to vector<16xi32>
        %add3A_294 = arith.addi %add3A_293, %iota3A : vector<16xi32>
        %mul3A_295 = arith.constant 128 : i32
        %mul3A_296 = vector.broadcast %mul3A_295 : i32 to vector<16xi32>
        %mul3A_297 = arith.muli %add3A_294, %mul3A_296 : vector<16xi32>
        %add3A_298 = arith.addi %mul3A_290, %add3A_15 : vector<16xi32>
        %gather3A = tpu.vector_load_idx %arg5[%add3A_298] : memref<8192xf32, #tpu.memory_space<vmem>>[vector<16xi32>], vector<16xf32>,
        %add3A_299 = arith.addi %mul3A_297, %add3A_15 : vector<16xi32>
        tpu.vector_store_idx %arg14[%add3A_299], %gather3A : memref<10240xf32, #tpu.memory_space<vmem>>[vector<16xi32>], vector<16xf32>,
        %add3A_300 = arith.addi %mul3A_290, %add3A_18 : vector<16xi32>
        %gather3A_301 = tpu.vector_load_idx %arg5[%add3A_300] : memref<8192xf32, #tpu.memory_space<vmem>>[vector<16xi32>], vector<16xf32>,
        %add3A_302 = arith.addi %mul3A_297, %add3A_18 : vector<16xi32>
        tpu.vector_store_idx %arg14[%add3A_302], %gather3A_301 : memref<10240xf32, #tpu.memory_space<vmem>>[vector<16xi32>], vector<16xf32>,
        %add3A_303 = arith.addi %mul3A_290, %add3A_21 : vector<16xi32>
        %gather3A_304 = tpu.vector_load_idx %arg5[%add3A_303] : memref<8192xf32, #tpu.memory_space<vmem>>[vector<16xi32>], vector<16xf32>,
        %add3A_305 = arith.addi %mul3A_297, %add3A_21 : vector<16xi32>
        tpu.vector_store_idx %arg14[%add3A_305], %gather3A_304 : memref<10240xf32, #tpu.memory_space<vmem>>[vector<16xi32>], vector<16xf32>,
        %add3A_306 = arith.addi %mul3A_290, %add3A_24 : vector<16xi32>
        %gather3A_307 = tpu.vector_load_idx %arg5[%add3A_306] : memref<8192xf32, #tpu.memory_space<vmem>>[vector<16xi32>], vector<16xf32>,
        %add3A_308 = arith.addi %mul3A_297, %add3A_24 : vector<16xi32>
        tpu.vector_store_idx %arg14[%add3A_308], %gather3A_307 : memref<10240xf32, #tpu.memory_space<vmem>>[vector<16xi32>], vector<16xf32>,
        %add3A_309 = arith.addi %mul3A_290, %add3A_27 : vector<16xi32>
        %gather3A_310 = tpu.vector_load_idx %arg5[%add3A_309] : memref<8192xf32, #tpu.memory_space<vmem>>[vector<16xi32>], vector<16xf32>,
        %add3A_311 = arith.addi %mul3A_297, %add3A_27 : vector<16xi32>
        tpu.vector_store_idx %arg14[%add3A_311], %gather3A_310 : memref<10240xf32, #tpu.memory_space<vmem>>[vector<16xi32>], vector<16xf32>,
        %add3A_312 = arith.addi %mul3A_290, %add3A_30 : vector<16xi32>
        %gather3A_313 = tpu.vector_load_idx %arg5[%add3A_312] : memref<8192xf32, #tpu.memory_space<vmem>>[vector<16xi32>], vector<16xf32>,
        %add3A_314 = arith.addi %mul3A_297, %add3A_30 : vector<16xi32>
        tpu.vector_store_idx %arg14[%add3A_314], %gather3A_313 : memref<10240xf32, #tpu.memory_space<vmem>>[vector<16xi32>], vector<16xf32>,
        %add3A_315 = arith.addi %mul3A_290, %add3A_33 : vector<16xi32>
        %gather3A_316 = tpu.vector_load_idx %arg5[%add3A_315] : memref<8192xf32, #tpu.memory_space<vmem>>[vector<16xi32>], vector<16xf32>,
        %add3A_317 = arith.addi %mul3A_297, %add3A_33 : vector<16xi32>
        tpu.vector_store_idx %arg14[%add3A_317], %gather3A_316 : memref<10240xf32, #tpu.memory_space<vmem>>[vector<16xi32>], vector<16xf32>,
        %add3A_318 = arith.addi %mul3A_290, %add3A_36 : vector<16xi32>
        %gather3A_319 = tpu.vector_load_idx %arg5[%add3A_318] : memref<8192xf32, #tpu.memory_space<vmem>>[vector<16xi32>], vector<16xf32>,
        %add3A_320 = arith.addi %mul3A_297, %add3A_36 : vector<16xi32>
        tpu.vector_store_idx %arg14[%add3A_320], %gather3A_319 : memref<10240xf32, #tpu.memory_space<vmem>>[vector<16xi32>], vector<16xf32>,
      }
      %scan3A_276 = arith.constant 5 : i32
      %add3A_277 = arith.constant 3120 : i32
      %add3A_278 = arith.addi %mul3A_9, %add3A_277 : i32
      %mul3A_279 = arith.constant 128 : i32
      %mul3A_280 = arith.muli %add3A_278, %mul3A_279 : i32
      %dma_start3A = tpu.memref_slice %arg4[%mul3A_280] : memref<12800000xf32, #tpu.memory_space<hbm>> -> memref<10240xf32, #tpu.memory_space<hbm>>
      %dma_start3A_281 = tpu.memref_slice %arg4[%mul3A_280] : memref<12800000xf32, #tpu.memory_space<hbm>> -> memref<10240xf32, #tpu.memory_space<hbm>>
      tpu.enqueue_dma source(%arg14 : memref<10240xf32, #tpu.memory_space<vmem>>) target(%dma_start3A_281 : memref<10240xf32, #tpu.memory_space<hbm>>) target_semaphore(%arg22 : memref<!tpu.dma_semaphore, #tpu.memory_space<semaphore_mem>>)
    } else {
    }
    %dma_wait3A = arith.constant 0 : i32
    %dma_wait3A_237 = tpu.memref_slice %arg4[%dma_wait3A] : memref<12800000xf32, #tpu.memory_space<hbm>> -> memref<10240xf32, #tpu.memory_space<hbm>>
    %dma_wait3A_238 = arith.constant 0 : i32
    %dma_wait3A_239 = tpu.memref_slice %arg4[%dma_wait3A_238] : memref<12800000xf32, #tpu.memory_space<hbm>> -> memref<10240xf32, #tpu.memory_space<hbm>>
    tpu.wait_dma2 semaphore(%arg15 : memref<!tpu.dma_semaphore, #tpu.memory_space<semaphore_mem>>) src(%arg7 : memref<10240xf32, #tpu.memory_space<vmem>>) dst(%dma_wait3A_239 : memref<10240xf32, #tpu.memory_space<hbm>>)
    %dma_wait3A_240 = arith.constant 0 : i32
    %dma_wait3A_241 = tpu.memref_slice %arg4[%dma_wait3A_240] : memref<12800000xf32, #tpu.memory_space<hbm>> -> memref<10240xf32, #tpu.memory_space<hbm>>
    %dma_wait3A_242 = arith.constant 0 : i32
    %dma_wait3A_243 = tpu.memref_slice %arg4[%dma_wait3A_242] : memref<12800000xf32, #tpu.memory_space<hbm>> -> memref<10240xf32, #tpu.memory_space<hbm>>
    tpu.wait_dma2 semaphore(%arg16 : memref<!tpu.dma_semaphore, #tpu.memory_space<semaphore_mem>>) src(%arg8 : memref<10240xf32, #tpu.memory_space<vmem>>) dst(%dma_wait3A_243 : memref<10240xf32, #tpu.memory_space<hbm>>)
    %dma_wait3A_244 = arith.constant 0 : i32
    %dma_wait3A_245 = tpu.memref_slice %arg4[%dma_wait3A_244] : memref<12800000xf32, #tpu.memory_space<hbm>> -> memref<10240xf32, #tpu.memory_space<hbm>>
    %dma_wait3A_246 = arith.constant 0 : i32
    %dma_wait3A_247 = tpu.memref_slice %arg4[%dma_wait3A_246] : memref<12800000xf32, #tpu.memory_space<hbm>> -> memref<10240xf32, #tpu.memory_space<hbm>>
    tpu.wait_dma2 semaphore(%arg17 : memref<!tpu.dma_semaphore, #tpu.memory_space<semaphore_mem>>) src(%arg9 : memref<10240xf32, #tpu.memory_space<vmem>>) dst(%dma_wait3A_247 : memref<10240xf32, #tpu.memory_space<hbm>>)
    %dma_wait3A_248 = arith.constant 0 : i32
    %dma_wait3A_249 = tpu.memref_slice %arg4[%dma_wait3A_248] : memref<12800000xf32, #tpu.memory_space<hbm>> -> memref<10240xf32, #tpu.memory_space<hbm>>
    %dma_wait3A_250 = arith.constant 0 : i32
    %dma_wait3A_251 = tpu.memref_slice %arg4[%dma_wait3A_250] : memref<12800000xf32, #tpu.memory_space<hbm>> -> memref<10240xf32, #tpu.memory_space<hbm>>
    tpu.wait_dma2 semaphore(%arg18 : memref<!tpu.dma_semaphore, #tpu.memory_space<semaphore_mem>>) src(%arg10 : memref<10240xf32, #tpu.memory_space<vmem>>) dst(%dma_wait3A_251 : memref<10240xf32, #tpu.memory_space<hbm>>)
    %dma_wait3A_252 = arith.constant 0 : i32
    %dma_wait3A_253 = tpu.memref_slice %arg4[%dma_wait3A_252] : memref<12800000xf32, #tpu.memory_space<hbm>> -> memref<10240xf32, #tpu.memory_space<hbm>>
    %dma_wait3A_254 = arith.constant 0 : i32
    %dma_wait3A_255 = tpu.memref_slice %arg4[%dma_wait3A_254] : memref<12800000xf32, #tpu.memory_space<hbm>> -> memref<10240xf32, #tpu.memory_space<hbm>>
    tpu.wait_dma2 semaphore(%arg19 : memref<!tpu.dma_semaphore, #tpu.memory_space<semaphore_mem>>) src(%arg11 : memref<10240xf32, #tpu.memory_space<vmem>>) dst(%dma_wait3A_255 : memref<10240xf32, #tpu.memory_space<hbm>>)
    %dma_wait3A_256 = arith.constant 0 : i32
    %dma_wait3A_257 = tpu.memref_slice %arg4[%dma_wait3A_256] : memref<12800000xf32, #tpu.memory_space<hbm>> -> memref<10240xf32, #tpu.memory_space<hbm>>
    %dma_wait3A_258 = arith.constant 0 : i32
    %dma_wait3A_259 = tpu.memref_slice %arg4[%dma_wait3A_258] : memref<12800000xf32, #tpu.memory_space<hbm>> -> memref<10240xf32, #tpu.memory_space<hbm>>
    tpu.wait_dma2 semaphore(%arg20 : memref<!tpu.dma_semaphore, #tpu.memory_space<semaphore_mem>>) src(%arg12 : memref<10240xf32, #tpu.memory_space<vmem>>) dst(%dma_wait3A_259 : memref<10240xf32, #tpu.memory_space<hbm>>)
    %dma_wait3A_260 = arith.constant 0 : i32
    %dma_wait3A_261 = tpu.memref_slice %arg4[%dma_wait3A_260] : memref<12800000xf32, #tpu.memory_space<hbm>> -> memref<10240xf32, #tpu.memory_space<hbm>>
    %dma_wait3A_262 = arith.constant 0 : i32
    %dma_wait3A_263 = tpu.memref_slice %arg4[%dma_wait3A_262] : memref<12800000xf32, #tpu.memory_space<hbm>> -> memref<10240xf32, #tpu.memory_space<hbm>>
    tpu.wait_dma2 semaphore(%arg21 : memref<!tpu.dma_semaphore, #tpu.memory_space<semaphore_mem>>) src(%arg13 : memref<10240xf32, #tpu.memory_space<vmem>>) dst(%dma_wait3A_263 : memref<10240xf32, #tpu.memory_space<hbm>>)
    %dma_wait3A_264 = arith.constant 0 : i32
    %dma_wait3A_265 = tpu.memref_slice %arg4[%dma_wait3A_264] : memref<12800000xf32, #tpu.memory_space<hbm>> -> memref<10240xf32, #tpu.memory_space<hbm>>
    %dma_wait3A_266 = arith.constant 0 : i32
    %dma_wait3A_267 = tpu.memref_slice %arg4[%dma_wait3A_266] : memref<12800000xf32, #tpu.memory_space<hbm>> -> memref<10240xf32, #tpu.memory_space<hbm>>
    tpu.wait_dma2 semaphore(%arg22 : memref<!tpu.dma_semaphore, #tpu.memory_space<semaphore_mem>>) src(%arg14 : memref<10240xf32, #tpu.memory_space<vmem>>) dst(%dma_wait3A_267 : memref<10240xf32, #tpu.memory_space<hbm>>)
    return
  }
}

module attributes {stable_mosaic.version = 14 : i64} {
  func.func @_project_body(%arg0: memref<64x128xf32, #tpu.memory_space<vmem>>, %arg1: memref<128x128xf32, #tpu.memory_space<vmem>>, %arg2: memref<64x128xf32, #tpu.memory_space<vmem>>) attributes {dimension_semantics = [], scalar_prefetch = 0 : i64, scratch_operands = 0 : i64, tpu.core_type = #tpu.core_type<tc>} {
    %get3A = arith.constant 0 : index
    %get3A_0 = arith.constant 0 : index
    %get3A_1 = vector.load %arg0[%get3A, %get3A_0] : memref<64x128xf32, #tpu.memory_space<vmem>>, vector<64x128xf32>
    %get3A_2 = arith.constant 0 : index
    %get3A_3 = arith.constant 0 : index
    %get3A_4 = vector.load %arg1[%get3A_2, %get3A_3] : memref<128x128xf32, #tpu.memory_space<vmem>>, vector<128x128xf32>
    %dot_general3A = arith.constant dense<0.000000e+00> : vector<64x128xf32>
    %dot_general3A_5 = tpu.matmul %get3A_1, %get3A_4, %dot_general3A {dimension_numbers = #tpu.dot_dimension_numbers<[1], [0], [0], [1], [0, 0, 1, 1], [], []>, transpose_lhs_hint = false} : vector<64x128xf32>, vector<128x128xf32>, vector<64x128xf32> -> vector<64x128xf32>
    %swap3A = arith.constant 0 : index
    %swap3A_6 = arith.constant 0 : index
    %swap3A_7 = vector.load %arg2[%swap3A, %swap3A_6] : memref<64x128xf32, #tpu.memory_space<vmem>>, vector<64x128xf32>
    tpu.vector_store %arg2[%swap3A, %swap3A_6], %dot_general3A_5 {strides = array<i32>} : memref<64x128xf32, #tpu.memory_space<vmem>>, vector<64x128xf32>,
    return
  }
}

</mosaic_0001>

<sc_bundles>
// kernel: kernel.4.cloned.1.call-start
scs
__scs_entry_jumppad:
0x0: {  	(pc) =	sbr.rel $0x88, $3  }
0x1: {  	(tag) =	ssettag $0x0;
	lr =	simm.s32 $0x1  }
0x2: {  	[smem:$0x3F9E] =	sst lr;
	_ =	strace $0xD0000000  }
0x3: {  	_ = 	snop  }
0x4: {  	_ = 	snop  }
0x5: {  	_ = 	snop  }
0x6: {  	_ = 	snop  }
0x7: {  	_ = 	snop  }
__scs_overlays_trampoline_lowered:
0x8: {  	[smem:$0x3FAD] =	sst s0  }
0x9: {  	[smem:$0x3FAE] =	sst s1  }
0xa: {  	[smem:$0x3FAF] =	sst s2  }
0xb: {  	[smem:$0x3FB0] =	sst s3  }
0xc: {  	[smem:$0x3FB1] =	sst s4  }
0xd: {  	[smem:$0x3FB2] =	sst s5  }
0xe: {  	[smem:$0x3FB3] =	sst s6  }
0xf: {  	[smem:$0x3FB4] =	sst s7  }
0x10: {  	[smem:$0x3FB5] =	sst s8  }
0x11: {  	[smem:$0x3FB6] =	sst s9;
	s0 =	simm.s32 @!p0 $0x0  }
0x12: {  	s1 =	sld [smem:$0x3F9C];
	s0 =	simm.s32 @p0 $0x1  }
0x13: {  	[smem:$0x3FB7] =	sst s0;
	s0 =	simm.s32 @!p1 $0x0  }
0x14: {  	s2 =	sld [smem:$0x3F9B];
	s0 =	simm.s32 @p1 $0x1  }
0x15: {  	[smem:$0x3FB8] =	sst s0;
	s0 =	simm.s32 @!p2 $0x0  }
0x16: {  	s3 =	sld [smem:$0x3FDB];
	s0 =	simm.s32 @p2 $0x1  }
0x17: {  	s4 =	simm.s32 $0x1BF5;
	[smem:$0x3FBA] =	sst s0  }
0x18: {  	s0 =	sld [smem:$0x3F9D];
	_ =	swait.ge [sflag:s4], $0x0  }
0x19: {  	s7 =	sld [smem:$0x3F9E]  }
0x1a: {  	s8 =	sadd.s32 $0xFFFFE003, lr  }
0x1b: {  	s9 =	sadd.s32 $0xFFFFFEF7, lr;
	s5 =	simm.s32 $0xFFFFFFFF;
	p2 =	slt.u32 s8, $0xFFFFF086  }
0x1c: {  	p1 =	slt.u32 s9, $0xF7A;
	s5 =	simm.s32 @!p2 $0x0  }
0x1d: {  	s5 =	simm.s32 @p1 $0x1;
	p0 =	seq.s32 s7, s2  }
0x1e: {  	s7 =	smul.u32 @!p0 $0xF7A, s2;
	p2 =	seq.s32 @!p0 s5, $0x0  }
0x1f: {  	s9 =	smul.u32 $0xF7A, s1;
	s8 =	simm.s32 @!p0 $0x1BF5;
	p2 =	por !p2, p0  }
0x20: {  	[sflag:s8] =	ssyncset.s32 @!p0 $0xFFFFF086;
	s6 =	sadd.s32 @!p0 s3, s7;
	s7 =	simm.s32 @!p0 $0x108  }
0x21: {  	s3 =	sadd.s32 s3, s9;
	s6 =	sadd.s32 @!p0 $0x88, s6;
	s7 =	simm.s32 @p2 $0x1082  }
0x22: {  	[simem:s7], [sflag:s8] =	dma.local @!p0 [hbm:s6], $0xF7A  }
0x23: {  	s9 =	sor.u32 $0xD0000000, s2;
	s6 =	simm.s32 $0x108;
	_ =	swait.ge @!p0 [sflag:s8], $0x0  }
0x24: {  	s3 =	sadd.s32 $0x88, s3;
	s6 =	simm.s32 @!p1 $0x1082;
	[sflag:s4] =	ssyncset.s32 $0xFFFFF086  }
0x25: {  	[simem:s6], [sflag:s4] =	dma.local [hbm:s3], $0xF7A  }
0x26: {  	[smem:$0x3F9E] =	sst s1;
	(tag) =	ssettag s2;
	_ =	strace s9  }
0x27: {  	s1 =	sld [smem:$0x3FAE]  }
0x28: {  	s2 =	sld [smem:$0x3FAF]  }
0x29: {  	s4 =	sld [smem:$0x3FB1]  }
0x2a: {  	p0 =	seq.s32 s5, $0x0;
	s5 =	sld [smem:$0x3FB2]  }
0x2b: {  	s6 =	sld [smem:$0x3FB3]  }
0x2c: {  	s7 =	sld [smem:$0x3FB4]  }
0x2d: {  	s3 =	simm.s32 $0x108;
	s8 =	sld [smem:$0x3FB5]  }
0x2e: {  	s3 =	simm.s32 @!p0 $0x1082;
	s9 =	sld [smem:$0x3FB6]  }
0x2f: {  	lr =	sadd.s32 s0, s3;
	s0 =	sld [smem:$0x3FAD]  }
0x30: {  	s3 =	sld [smem:$0x3FB0]  }
0x31: {  	[smem:$0x3FB9] =	sst s10  }
0x32: {  	s10 =	sld [smem:$0x3FB7];
	_ =	sdelay $0x3  }
0x33: {  	p0 =	seq.s32 s10, $0x1;
	s10 =	sld [smem:$0x3FB9];
	_ =	sdelay $0x3  }
0x34: {  	[smem:$0x3FB9] =	sst s10  }
0x35: {  	s10 =	sld [smem:$0x3FB8];
	_ =	sdelay $0x3  }
0x36: {  	p1 =	seq.s32 s10, $0x1;
	s10 =	sld [smem:$0x3FB9];
	_ =	sdelay $0x3  }
0x37: {  	[smem:$0x3FB9] =	sst s10  }
0x38: {  	s10 =	sld [smem:$0x3FBA]  }
0x39: {  	_ = 	snop;
	(pc) =	sbr.ind lr, $3  }
0x3a: {  	_ = 	snop  }
0x3b: {  	_ = 	snop  }
0x3c: {  	p2 =	seq.s32 s10, $0x1;
	s10 =	sld [smem:$0x3FB9]  }
0x3d: {  	_ =	shalt  }
0x3e: {  	_ =	shalt  }
0x3f: {  	_ =	shalt  }
0x40: {  	_ =	shalt  }
0x41: {  	_ =	shalt  }
0x42: {  	_ =	shalt  }
0x43: {  	_ =	shalt  }
0x44: {  	_ =	shalt  }
0x45: {  	_ =	shalt  }
0x46: {  	_ =	shalt  }
0x47: {  	_ =	shalt  }
0x48: {  	_ =	shalt  }
0x49: {  	_ =	shalt  }
0x4a: {  	_ =	shalt  }
0x4b: {  	_ =	shalt  }
0x4c: {  	_ =	shalt  }
0x4d: {  	_ =	shalt  }
0x4e: {  	_ =	shalt  }
0x4f: {  	_ =	shalt  }
0x50: {  	_ =	shalt  }
0x51: {  	_ =	shalt  }
0x52: {  	_ =	shalt  }
0x53: {  	_ =	shalt  }
0x54: {  	_ =	shalt  }
0x55: {  	_ =	shalt  }
0x56: {  	_ =	shalt  }
0x57: {  	_ =	shalt  }
0x58: {  	_ =	shalt  }
0x59: {  	_ =	shalt  }
0x5a: {  	_ =	shalt  }
0x5b: {  	_ =	shalt  }
0x5c: {  	_ =	shalt  }
0x5d: {  	_ =	shalt  }
0x5e: {  	_ =	shalt  }
0x5f: {  	_ =	shalt  }
0x60: {  	_ =	shalt  }
0x61: {  	_ =	shalt  }
0x62: {  	_ =	shalt  }
0x63: {  	_ =	shalt  }
0x64: {  	_ =	shalt  }
0x65: {  	_ =	shalt  }
0x66: {  	_ =	shalt  }
0x67: {  	_ =	shalt  }
0x68: {  	_ =	shalt  }
0x69: {  	_ =	shalt  }
0x6a: {  	_ =	shalt  }
0x6b: {  	_ =	shalt  }
0x6c: {  	_ =	shalt  }
0x6d: {  	_ =	shalt  }
0x6e: {  	_ =	shalt  }
0x6f: {  	_ =	shalt  }
0x70: {  	_ =	shalt  }
0x71: {  	_ =	shalt  }
0x72: {  	_ =	shalt  }
0x73: {  	_ =	shalt  }
0x74: {  	_ =	shalt  }
0x75: {  	_ =	shalt  }
0x76: {  	_ =	shalt  }
0x77: {  	_ =	shalt  }
0x78: {  	_ =	shalt  }
0x79: {  	_ =	shalt  }
0x7a: {  	_ =	shalt  }
0x7b: {  	_ =	shalt  }
0x7c: {  	_ =	shalt  }
0x7d: {  	_ =	shalt  }
0x7e: {  	_ =	shalt  }
0x7f: {  	_ =	shalt  }
0x80: {  	_ =	shalt  }
0x81: {  	_ =	shalt  }
0x82: {  	_ =	shalt  }
0x83: {  	_ =	shalt  }
0x84: {  	_ =	shalt  }
0x85: {  	_ =	shalt  }
0x86: {  	_ =	shalt  }
0x87: {  	_ =	shalt  }
.Lfunc_end0:
.L_simem_size_0:
called_computation_lowered:
.L_overlay_start_0:
0x88: {  	s2 =	sld [smem:$0x3FD9]  }
0x89: {  	s3 =	sld [smem:$0x3FFE];
	_ =	sdelay $0x1  }
0x8a: {  	s1 =	srdreg.scid  }
0x8b: {  	s0 =	sand.u32 $0x1, s1  }
0x8c: {  	s17 =	sshll.u32 s0, $0xA;
	s2 =	sadd.s32 s3, s2  }
0x8d: {  	s2 =	sadd.s32 s2, s17  }
0x8e: {  	[smem:$0x3FC5] =	sst s2  }
0x8f: {  	_ = 	snop  }
0x90: {  	s2 =	sld [smem:$0x3FC9]  }
0x91: {  	s18 =	sld [smem:$0x3FD0];
	(tm) =	ssettm $0x1  }
0x92: {  	s4 =	sld [smem:$0x3FFB];
	_ =	sdelay $0x3  }
0x93: {  	_ =	strace s4  }
0x94: {  	s4 =	sld [smem:$0x3FFC];
	_ =	sdelay $0x3  }
0x95: {  	_ =	strace s4  }
0x96: {  	s4 =	sld [smem:$0x3FFD];
	_ =	sdelay $0x3  }
0x97: {  	_ =	strace s4  }
0x98: {  	_ =	strace $0x8FFFFFFF  }
0x99: {  	s19 =	sld [smem:$0x3FDB];
	_ =	sdelay $0x1  }
0x9a: {  	s5 =	simm.s32 $_scs_section_size  }
0x9b: {  	s6 =	simm.s32 $_size__tile_overlayer_lowered;
	s7 =	simm.s32 $_tile_overlayer_lowered  }
0x9c: {  	s22 =	simm.s32 $0x1BFF;
	s21 =	sshll.u32 s7, $0x1;
	s4 =	sadd.s32 s5, s19  }
0x9d: {  	s8 =	simm.s32 $0x0;
	s20 =	sshll.u32 s6, $0x1;
	s6 =	sadd.s32 s21, s4  }
0x9e: {  	[timem:s8], [sflag:s22] =	dma.local [hbm:s6], s20  }
0x9f: {  	_ =	swait.ge [sflag:s22], s20  }
0xa0: {  	s5 =	ssub.s32 $0x0, s20;
	[sflag:s22] =	ssyncset.done $0x0  }
0xa1: {  	[sflag:s22] =	ssyncadd.s32 s5;
	_ =	sdelay $0x1  }
0xa2: {  	s23 =	simm.s32 $0x1B8B  }
0xa3: {  	_ =	swait.ge [sflag:s23], $0x1  }
0xa4: {  	[sflag:s23] =	ssyncset.done $0x0  }
0xa5: {  	s25 =	simm.s32 $0x1B8E;
	s24 =	sld [smem:$0x3FFE];
	[sflag:s23] =	ssyncadd.s32 $0xFFFFFFFF  }
0xa6: {  	s26 =	simm.s32 $execute0_lowered;
	[smem:$0x3FD2] =	sst s25  }
0xa7: {  	s6 =	sshll.u32 s26, $0x1;
	_ =	strace $0x80000046;
	[dreg:$0x1] =	wrdreg $0xFFFFFFFF  }
0xa8: {  	s28 =	simm.s32 $_size_execute0_lowered;
	s4 =	sadd.s32 s4, s6;
	[dreg:$0x0] =	wrdreg $0x0  }
0xa9: {  	s6 =	sshll.u32 s28, $0x1;
	[dreg:$0x2] =	wrdreg s4  }
0xaa: {  	[dreg:$0x3] =	wrdreg s6  }
0xab: {  	[dreg:$0x4] =	wrdreg $0xC0  }
0xac: {  	_ =	task [dreg:s8], $0x5FFFF  }
0xad: {  	[dreg:$0x1] =	wrdreg $0xFFFFFFFF  }
0xae: {  	[dreg:$0x0] =	wrdreg $0x60  }
0xaf: {  	[dreg:$0x2] =	wrdreg s2  }
0xb0: {  	[dreg:$0x3] =	wrdreg s24  }
0xb1: {  	[dreg:$0x4] =	wrdreg s18  }
0xb2: {  	[dreg:$0x5] =	wrdreg $0x9  }
0xb3: {  	_ =	task.clear_ibuf [dreg:s8], $0x6FFFF;
	_ =	strace $0x90000046  }
0xb4: {  	s29 =	simm.s32 $0x9;
	_ =	strace $0x80000048  }
0xb5: {  	_ =	swait.ge [sflag:s29], $0x1  }
0xb6: {  	[sflag:s29] =	ssyncadd.s32 $0xFFFFFFFF  }
0xb7: {  	_ =	strace $0x90000048  }
0xb8: {  	_ =	sfence  }
0xb9: {  	s30 =	sld [smem:$0x0];
	_ =	sdelay $0x2  }
0xba: {  	s31 =	sshll.u32 s1, $0xD;
	s1 =	sshrl.u32 s1, $0x2  }
0xbb: {  	s3 =	sand.u32 $0x4000, s31;
	s1 =	sadd.s32 s1, s30  }
0xbc: {  	s0 =	sor.u32 s3, s0;
	s1 =	sshll.u32 s1, $0x11  }
0xbd: {  	s0 =	sor.u32 s1, s0  }
0xbe: {  	s0 =	sadd.s32 $0x8F2B, s0  }
0xbf: {  	[sflag:s0] =	ssyncadd.remote.s32 $0x1  }
0xc0: {  	_ =	sfence.sel $0xFFFF  }
0xc1: {  	[dreg:$0x0] =	wrdreg $0xFFFFFFFF;
	(pc) =	sbr.abs _section_cstart, $3  }
0xc2: {  	[dreg:$0x1] =	wrdreg $0xFFFFFFFF  }
0xc3: {  	_ =	task.clear_ibuf [dreg:s8], $0x2FFFF;
	_ =	strace $0x9FFFFFFF  }
0xc4: {  	(tm) =	ssettm $0x7FFFFFFF  }
0xc5: {  	_ =	shalt  }
tec
execute0_lowered:
.L_overlay_start_1:
0x0: {  	(tag) =	ssettag $0x1  }
0x1: {  	s0 =	srdreg.scid;
	s2 =	stileid.u32  }
0x2: {  	s0 =	sand.u32 $0x1, s0;
	s1 =	sshll.u32 s2, $0x1  }
0x3: {  	s5 =	sor.u32 s0, s1  }
0x4: {  	s7 =	smul.u32 $0x27, s5  }
0x5: {  	s5 =	smin.u32 s5, $0x2  }
0x6: {  	s3 =	rddreg [dreg:$0x0];
	s5 =	sadd.s32 s5, s7  }
0x7: {  	s4 =	rddreg [dreg:$0x1];
	s7 =	smul.u32 $0x2800, s5  }
0x8: {  	s6 =	rddreg [dreg:$0x2];
	s1 =	simm.s32 $0x0;
	s12 =	smul.u32 $0x50, s5  }
0x9: {  	[smem:$0x7FF] =	sst s1;
	s5 =	smul.u32 $0x500, s5  }
0xa: {  	s4 =	sadd.s32 $0xA00, s4;
	_ =	strace $0x80000047;
	s7 =	sshrl.u32 s7, $0x3  }
0xb: {  	[dreg:$0x4] =	wrdreg s4;
	s13 =	sadd.s32 s6, s5;
	s14 =	sadd.s32 s6, s7  }
0xc: {  	[dreg:$0x5] =	wrdreg s13;
	s15 =	sadd.s32 $0x500, s14  }
0xd: {  	s16 =	sadd.s32 $0xA00, s14;
	[dreg:$0x6] =	wrdreg s15  }
0xe: {  	s17 =	sadd.s32 $0xF00, s14;
	[dreg:$0x7] =	wrdreg s16  }
0xf: {  	s18 =	sadd.s32 $0x1400, s14;
	[dreg:$0x8] =	wrdreg s17  }
0x10: {  	s19 =	sadd.s32 $0x1900, s14;
	[dreg:$0x9] =	wrdreg s18  }
0x11: {  	s20 =	sadd.s32 $0x1E00, s14;
	[dreg:$0xa] =	wrdreg s19  }
0x12: {  	s21 =	sadd.s32 $0x2300, s14;
	[dreg:$0xb] =	wrdreg s20  }
0x13: {  	s22 =	sadd.s32 $0x2800, s14;
	[dreg:$0xc] =	wrdreg s21  }
0x14: {  	s23 =	sadd.s32 $0x2D00, s14;
	[dreg:$0xd] =	wrdreg s22  }
0x15: {  	s24 =	sadd.s32 $0x3200, s14;
	[dreg:$0xe] =	wrdreg s23  }
0x16: {  	s25 =	sadd.s32 $0x3700, s14;
	[dreg:$0xf] =	wrdreg s24  }
0x17: {  	s26 =	sadd.s32 $0x3C00, s14;
	[dreg:$0x10] =	wrdreg s25  }
0x18: {  	s5 =	sadd.s32 $0x4100, s14;
	[dreg:$0x11] =	wrdreg s26  }
0x19: {  	s0 =	ssub.s32 $0x2, s0;
	s6 =	sadd.s32 $0x4600, s14;
	[dreg:$0x12] =	wrdreg s5  }
0x1a: {  	s8 =	sshrl.u32 s0, $0x1;
	s7 =	sadd.s32 $0x4B00, s14;
	[dreg:$0x13] =	wrdreg s6  }
0x1b: {  	s0 =	ssub.s32 s0, s8;
	s8 =	sadd.s32 $0x5000, s14;
	[dreg:$0x14] =	wrdreg s7  }
0x1c: {  	s9 =	sadd.s32 $0x5500, s14;
	[dreg:$0x15] =	wrdreg s8  }
0x1d: {  	s28 =	simm.s32 $0x3;
	s10 =	sadd.s32 $0x5A00, s14;
	[dreg:$0x16] =	wrdreg s9  }
0x1e: {  	s29 =	simm.s32 $0x4;
	s11 =	sadd.s32 $0x5F00, s14;
	[dreg:$0x17] =	wrdreg s10  }
0x1f: {  	s4 =	sshrl.u32 s12, $0x3;
	s12 =	sadd.s32 $0x6400, s14;
	[dreg:$0x18] =	wrdreg s11  }
0x20: {  	s30 =	simm.s32 $0x5;
	s13 =	sadd.s32 $0x6900, s14;
	[dreg:$0x19] =	wrdreg s12  }
0x21: {  	s31 =	simm.s32 $0x6;
	[dreg:$0x1a] =	wrdreg s13;
	s15 =	sadd.s32 $0x6E00, s14  }
0x22: {  	p0 =	sne.s32 s2, $0x0;
	s16 =	sadd.s32 $0x7300, s14;
	[dreg:$0x1b] =	wrdreg s15  }
0x23: {  	s2 =	simm.s32 $0x8;
	s17 =	sadd.s32 $0x7800, s14;
	[dreg:$0x1c] =	wrdreg s16  }
0x24: {  	s3 =	sadd.s32 s3, s4;
	s18 =	sadd.s32 $0x7D00, s14;
	[dreg:$0x1d] =	wrdreg s17  }
0x25: {  	s4 =	simm.s32 $0x0;
	s19 =	sadd.s32 $0x8200, s14;
	[dreg:$0x1e] =	wrdreg s18  }
0x26: {  	s20 =	sadd.s32 $0x8700, s14;
	s21 =	sadd.s32 $0x8C00, s14;
	[dreg:$0x1f] =	wrdreg s19  }
0x27: {  	s22 =	sadd.s32 $0x9100, s14;
	s23 =	sadd.s32 $0x9600, s14;
	[smem:$0x7F7] =	sst s20  }
0x28: {  	s24 =	sadd.s32 $0x9B00, s14;
	s25 =	sadd.s32 $0xA000, s14;
	[smem:$0x7F8] =	sst s21  }
0x29: {  	s8 =	sadd.s32 $0xA500, s14;
	s9 =	sadd.s32 $0xAA00, s14;
	[smem:$0x7F9] =	sst s22  }
0x2a: {  	s10 =	sadd.s32 $0xAF00, s14;
	s11 =	sadd.s32 $0xB400, s14;
	[smem:$0x7FA] =	sst s23  }
0x2b: {  	s12 =	sadd.s32 $0xB900, s14;
	s13 =	sadd.s32 $0xBE00, s14;
	[smem:$0x7FB] =	sst s24  }
0x2c: {  	s26 =	sadd.s32 $0xC300, s14;
	s14 =	smax.u32 s0, $0x1;
	[smem:$0x7FC] =	sst s25  }
.Ltmp0:
0x2d: {  	s0 =	simm.s32 $0x7;
	[smem:$0x7FD] =	sst s26;
	(pc) =	sbr.rel .LBB2_1-.Ltmp0, $4  }
0x2e: {  	v0 =	vlaneseq.u32;
	s15 =	sadd.s32 $0x186, s3;
	s16 =	simm.s32 $0x9;
	s17 =	simm.s32 $0x2C80  }
0x2f: {  	v1 =	vmul.u32 $0x80, v0;
	v2 =	vor.u32 $0x10, v0;
	s18 =	simm.s32 $0x5480;
	s19 =	simm.s32 $0x7C80;
	s20 =	simm.s32 $0xA480  }
0x30: {  	v3 =	vor.u32 $0x20, v0;
	v4 =	vor.u32 $0x30, v0;
	v5 =	vor.u32 $0x40, v0;
	s21 =	simm.s32 $0xCC80;
	s22 =	simm.s32 $0xF480;
	s23 =	simm.s32 $0x11C80  }
0x31: {  	v6 =	vor.u32 $0x50, v0;
	v7 =	vor.u32 $0x60, v0;
	v8 =	vor.u32 $0x70, v0;
	s24 =	simm.s32 $0x14480;
	s25 =	simm.s32 $0x1;
	s26 =	simm.s32 $0x2  }
.LBB2_82:
0x32: {  	_ =	sdelay $0x1  }
0x33: {  	s5 =	sld [smem:$0x7FD];
	_ =	sdelay $0x1  }
0x34: {  	[tilespmem:v10+s24+$0x0] =	vst.idx.msk $0xffff, v9  }
0x35: {  	[hbm4b:s5+s1] =	stream.linear.scatter [tilespmem:s24], [sflag:$0x8], $0x2800, $0x38;
	[tilespmem:$0x16C80] =	vst v63  }
.LBB2_83:
0x36: {  	_ =	swait.ge [sflag:s25], $0x2800  }
0x37: {  	[sflag:s25] =	ssyncset.done $0x0  }
0x38: {  	[sflag:s25] =	ssyncadd.s32 $0xFFFFD800  }
0x39: {  	_ =	swait.ge [sflag:s26], $0x2800  }
0x3a: {  	[sflag:s26] =	ssyncset.done $0x0  }
0x3b: {  	[sflag:s26] =	ssyncadd.s32 $0xFFFFD800  }
0x3c: {  	_ =	swait.ge [sflag:s28], $0x2800  }
0x3d: {  	[sflag:s28] =	ssyncset.done $0x0  }
0x3e: {  	[sflag:s28] =	ssyncadd.s32 $0xFFFFD800  }
0x3f: {  	_ =	swait.ge [sflag:s29], $0x2800  }
0x40: {  	[sflag:s29] =	ssyncset.done $0x0  }
0x41: {  	[sflag:s29] =	ssyncadd.s32 $0xFFFFD800  }
0x42: {  	_ =	swait.ge [sflag:s30], $0x2800  }
0x43: {  	[sflag:s30] =	ssyncset.done $0x0  }
0x44: {  	[sflag:s30] =	ssyncadd.s32 $0xFFFFD800  }
0x45: {  	_ =	swait.ge [sflag:s31], $0x2800  }
0x46: {  	[sflag:s31] =	ssyncset.done $0x0  }
0x47: {  	s4 =	sadd.s32 $0x1, s4;
	[sflag:s31] =	ssyncadd.s32 $0xFFFFD800  }
0x48: {  	p1 =	sne.s32 s4, s14;
	_ =	swait.ge [sflag:s0], $0x2800  }
.Ltmp1:
0x49: {  	[sflag:s0] =	ssyncset.done $0x0;
	(pc) =	sbr.rel @!p1 .LBB2_84-.Ltmp1, $4  }
0x4a: {  	[sflag:s0] =	ssyncadd.s32 $0xFFFFD800  }
0x4b: {  	_ =	swait.ge [sflag:s2], $0x2800  }
0x4c: {  	[sflag:s2] =	ssyncset.done $0x0  }
0x4d: {  	[sflag:s2] =	ssyncadd.s32 $0xFFFFD800  }
.LBB2_1:
0x4e: {  	s5 =	rddreg [dreg:$0x4]  }
0x4f: {  	[tilespmem:s1], [sflag:$0x9] =	stream.linear.gather [hbm4b:s5+s1], $0x2000, $0x38;
	[tilespmem:$0x16C80] =	vst v63  }
0x50: {  	_ =	swait.ge [sflag:s16], $0x2000  }
0x51: {  	[sflag:s16] =	ssyncset.done $0x0  }
0x52: {  	s7 =	simm.s32 $0x2000;
	[sflag:s16] =	ssyncadd.s32 $0xFFFFE000  }
0x53: {  	[tilespmem:s7], [sflag:$0x9] =	stream.linear.gather [hbm4b:s3+s1], $0xC30, $0x38;
	[tilespmem:$0x16C80] =	vst v63  }
0x54: {  	_ =	swait.ge [sflag:s16], $0xC30  }
0x55: {  	[sflag:s16] =	ssyncset.done $0x0  }
0x56: {  	s6 =	simm.s32 @!p0 $0x2C30;
	s5 =	simm.s32 @!p0 $0x0;
	[sflag:s16] =	ssyncadd.s32 $0xFFFFF3D0  }
0x57: {  	[tilespmem:s6], [sflag:$0x9] =	stream.linear.gather @!p0 [hbm4b:s15+s5], $0x50, $0x38;
	[tilespmem:$0x16C80] =	vst v63  }
0x58: {  	s5 =	simm.s32 @!p0 $0x9  }
0x59: {  	_ =	swait.ge @!p0 [sflag:s5], $0x50  }
0x5a: {  	[sflag:s5] =	ssyncset.done @!p0 $0x0  }
0x5b: {  	[sflag:s5] =	ssyncadd.s32 @!p0 $0xFFFFFFB0  }
0x5c: {  	v9 =	vld [tilespmem:s7+$0x0];
	_ =	sdelay $0x4  }
0x5d: {  	v9 =	vshll.u32 v9, $0x7  }
0x5e: {  	v10 =	vor.u32 v0, v9;
	_ =	sdelay $0x1  }
0x5f: {  	v11 =	vmov s1  }
0x60: {  	v11 =	vshll.u32 v11, $0x7  }
0x61: {  	v11 =	vor.u32 v1, v11  }
0x62: {  	v12 =	vor.u32 v0, v11;
	v10 =	vld.idx.msk [tilespmem:v10+s1+$0x0], $0xffff  }
0x63: {  	v13 =	vor.u32 v2, v9;
	_ =	sdelay $0x3  }
0x64: {  	[tilespmem:v12+s17+$0x0] =	vst.idx.msk $0xffff, v10  }
0x65: {  	v53 =	vor.u32 v2, v11;
	v10 =	vld.idx.msk [tilespmem:v13+s1+$0x0], $0xffff  }
0x66: {  	v54 =	vor.u32 v3, v9;
	_ =	sdelay $0x3  }
0x67: {  	[tilespmem:v53+s17+$0x0] =	vst.idx.msk $0xffff, v10  }
0x68: {  	v55 =	vor.u32 v3, v11;
	v10 =	vld.idx.msk [tilespmem:v54+s1+$0x0], $0xffff  }
0x69: {  	v56 =	vor.u32 v4, v9;
	_ =	sdelay $0x3  }
0x6a: {  	[tilespmem:v55+s17+$0x0] =	vst.idx.msk $0xffff, v10  }
0x6b: {  	v57 =	vor.u32 v4, v11;
	v10 =	vld.idx.msk [tilespmem:v56+s1+$0x0], $0xffff  }
0x6c: {  	v58 =	vor.u32 v5, v9;
	_ =	sdelay $0x3  }
0x6d: {  	[tilespmem:v57+s17+$0x0] =	vst.idx.msk $0xffff, v10  }
0x6e: {  	v59 =	vor.u32 v5, v11;
	v10 =	vld.idx.msk [tilespmem:v58+s1+$0x0], $0xffff  }
0x6f: {  	v60 =	vor.u32 v6, v9;
	_ =	sdelay $0x3  }
0x70: {  	[tilespmem:v59+s17+$0x0] =	vst.idx.msk $0xffff, v10  }
0x71: {  	v61 =	vor.u32 v6, v11;
	v10 =	vld.idx.msk [tilespmem:v60+s1+$0x0], $0xffff  }
0x72: {  	v62 =	vor.u32 v7, v9;
	_ =	sdelay $0x3  }
0x73: {  	[tilespmem:v61+s17+$0x0] =	vst.idx.msk $0xffff, v10  }
0x74: {  	v63 =	vor.u32 v7, v11;
	v10 =	vld.idx.msk [tilespmem:v62+s1+$0x0], $0xffff  }
0x75: {  	v9 =	vor.u32 v8, v9;
	_ =	sdelay $0x3  }
0x76: {  	[tilespmem:v63+s17+$0x0] =	vst.idx.msk $0xffff, v10  }
0x77: {  	s6 =	simm.s32 $0x2000;
	s5 =	simm.s32 $0x10;
	v10 =	vor.u32 v8, v11;
	v9 =	vld.idx.msk [tilespmem:v9+s1+$0x0], $0xffff  }
.LBB2_2:
0x78: {  	_ =	sdelay $0x2  }
0x79: {  	p1 =	sne.s32 s5, $0x40  }
0x7a: {  	s6 =	sadd.s32 $0x10, s6;
	s7 =	smov.u32 s5;
	s5 =	sadd.s32 $0x10, s5;
	[tilespmem:v10+s17+$0x0] =	vst.idx.msk $0xffff, v9  }
0x7b: {  	v9 =	vld [tilespmem:s6+$0x0];
	_ =	sdelay $0x4  }
0x7c: {  	v9 =	vshll.u32 v9, $0x7  }
0x7d: {  	v10 =	vor.u32 v0, v9;
	_ =	sdelay $0x2  }
0x7e: {  	v11 =	vmov s7  }
0x7f: {  	v11 =	vshll.u32 v11, $0x7  }
0x80: {  	v11 =	vor.u32 v1, v11;
	v10 =	vld.idx.msk [tilespmem:v10+s1+$0x0], $0xffff  }
0x81: {  	v12 =	vor.u32 v0, v11  }
0x82: {  	v13 =	vor.u32 v2, v9;
	_ =	sdelay $0x3  }
0x83: {  	[tilespmem:v12+s17+$0x0] =	vst.idx.msk $0xffff, v10  }
0x84: {  	v10 =	vld.idx.msk [tilespmem:v13+s1+$0x0], $0xffff  }
0x85: {  	v12 =	vor.u32 v2, v11  }
0x86: {  	v13 =	vor.u32 v3, v9;
	_ =	sdelay $0x3  }
0x87: {  	[tilespmem:v12+s17+$0x0] =	vst.idx.msk $0xffff, v10  }
0x88: {  	v10 =	vld.idx.msk [tilespmem:v13+s1+$0x0], $0xffff  }
0x89: {  	v12 =	vor.u32 v3, v11  }
0x8a: {  	v13 =	vor.u32 v4, v9;
	_ =	sdelay $0x3  }
0x8b: {  	[tilespmem:v12+s17+$0x0] =	vst.idx.msk $0xffff, v10  }
0x8c: {  	v10 =	vld.idx.msk [tilespmem:v13+s1+$0x0], $0xffff  }
0x8d: {  	v12 =	vor.u32 v4, v11  }
0x8e: {  	v13 =	vor.u32 v5, v9;
	_ =	sdelay $0x3  }
0x8f: {  	[tilespmem:v12+s17+$0x0] =	vst.idx.msk $0xffff, v10  }
0x90: {  	v10 =	vld.idx.msk [tilespmem:v13+s1+$0x0], $0xffff  }
0x91: {  	v12 =	vor.u32 v5, v11  }
0x92: {  	v13 =	vor.u32 v6, v9;
	_ =	sdelay $0x3  }
0x93: {  	[tilespmem:v12+s17+$0x0] =	vst.idx.msk $0xffff, v10  }
0x94: {  	v10 =	vld.idx.msk [tilespmem:v13+s1+$0x0], $0xffff  }
0x95: {  	v12 =	vor.u32 v6, v11  }
0x96: {  	v13 =	vor.u32 v7, v9;
	_ =	sdelay $0x3  }
0x97: {  	[tilespmem:v12+s17+$0x0] =	vst.idx.msk $0xffff, v10  }
0x98: {  	v10 =	vld.idx.msk [tilespmem:v13+s1+$0x0], $0xffff  }
0x99: {  	v12 =	vor.u32 v7, v11  }
0x9a: {  	v9 =	vor.u32 v8, v9;
	_ =	sdelay $0x1  }
.Ltmp2:
0x9b: {  	(pc) =	sbr.rel @p1 .LBB2_2-.Ltmp2, $4  }
0x9c: {  	_ = 	snop  }
0x9d: {  	[tilespmem:v12+s17+$0x0] =	vst.idx.msk $0xffff, v10  }
0x9e: {  	v9 =	vld.idx.msk [tilespmem:v9+s1+$0x0], $0xffff  }
0x9f: {  	v10 =	vor.u32 v8, v11  }
0xa0: {  	_ =	sdelay $0x3  }
0xa1: {  	s6 =	simm.s32 $0x0;
	s5 =	rddreg [dreg:$0x5];
	[tilespmem:v10+s17+$0x0] =	vst.idx.msk $0xffff, v9  }
0xa2: {  	[hbm4b:s5+s6] =	stream.linear.scatter [tilespmem:s17], [sflag:$0x1], $0x2800, $0x38;
	[tilespmem:$0x16C80] =	vst v63  }
0xa3: {  	s5 =	simm.s32 $0x2050  }
0xa4: {  	v9 =	vld [tilespmem:s5+$0x0];
	_ =	sdelay $0x4  }
0xa5: {  	v9 =	vshll.u32 v9, $0x7  }
0xa6: {  	v10 =	vor.u32 v0, v9;
	_ =	sdelay $0x1  }
0xa7: {  	v11 =	vmov s6  }
0xa8: {  	v11 =	vshll.u32 v11, $0x7  }
0xa9: {  	v11 =	vor.u32 v1, v11  }
0xaa: {  	v12 =	vor.u32 v0, v11;
	v10 =	vld.idx.msk [tilespmem:v10+s1+$0x0], $0xffff  }
0xab: {  	v13 =	vor.u32 v2, v9;
	_ =	sdelay $0x3  }
0xac: {  	[tilespmem:v12+s18+$0x0] =	vst.idx.msk $0xffff, v10  }
0xad: {  	v53 =	vor.u32 v2, v11;
	v10 =	vld.idx.msk [tilespmem:v13+s1+$0x0], $0xffff  }
0xae: {  	v54 =	vor.u32 v3, v9;
	_ =	sdelay $0x3  }
0xaf: {  	[tilespmem:v53+s18+$0x0] =	vst.idx.msk $0xffff, v10  }
0xb0: {  	v55 =	vor.u32 v3, v11;
	v10 =	vld.idx.msk [tilespmem:v54+s1+$0x0], $0xffff  }
0xb1: {  	v56 =	vor.u32 v4, v9;
	_ =	sdelay $0x3  }
0xb2: {  	[tilespmem:v55+s18+$0x0] =	vst.idx.msk $0xffff, v10  }
0xb3: {  	v57 =	vor.u32 v4, v11;
	v10 =	vld.idx.msk [tilespmem:v56+s1+$0x0], $0xffff  }
0xb4: {  	v58 =	vor.u32 v5, v9;
	_ =	sdelay $0x3  }
0xb5: {  	[tilespmem:v57+s18+$0x0] =	vst.idx.msk $0xffff, v10  }
0xb6: {  	v59 =	vor.u32 v5, v11;
	v10 =	vld.idx.msk [tilespmem:v58+s1+$0x0], $0xffff  }
0xb7: {  	v60 =	vor.u32 v6, v9;
	_ =	sdelay $0x3  }
0xb8: {  	[tilespmem:v59+s18+$0x0] =	vst.idx.msk $0xffff, v10  }
0xb9: {  	v61 =	vor.u32 v6, v11;
	v10 =	vld.idx.msk [tilespmem:v60+s1+$0x0], $0xffff  }
0xba: {  	v62 =	vor.u32 v7, v9;
	_ =	sdelay $0x3  }
0xbb: {  	[tilespmem:v61+s18+$0x0] =	vst.idx.msk $0xffff, v10  }
0xbc: {  	v63 =	vor.u32 v7, v11;
	v10 =	vld.idx.msk [tilespmem:v62+s1+$0x0], $0xffff  }
0xbd: {  	v9 =	vor.u32 v8, v9;
	_ =	sdelay $0x3  }
0xbe: {  	[tilespmem:v63+s18+$0x0] =	vst.idx.msk $0xffff, v10  }
0xbf: {  	s6 =	simm.s32 $0x10;
	v10 =	vor.u32 v8, v11;
	v9 =	vld.idx.msk [tilespmem:v9+s1+$0x0], $0xffff  }
.LBB2_4:
0xc0: {  	_ =	sdelay $0x2  }
0xc1: {  	p1 =	sne.s32 s6, $0x40  }
0xc2: {  	s5 =	sadd.s32 $0x10, s5;
	s7 =	smov.u32 s6;
	s6 =	sadd.s32 $0x10, s6;
	[tilespmem:v10+s18+$0x0] =	vst.idx.msk $0xffff, v9  }
0xc3: {  	v9 =	vld [tilespmem:s5+$0x0];
	_ =	sdelay $0x4  }
0xc4: {  	v9 =	vshll.u32 v9, $0x7  }
0xc5: {  	v10 =	vor.u32 v0, v9;
	_ =	sdelay $0x2  }
0xc6: {  	v11 =	vmov s7  }
0xc7: {  	v11 =	vshll.u32 v11, $0x7  }
0xc8: {  	v11 =	vor.u32 v1, v11;
	v10 =	vld.idx.msk [tilespmem:v10+s1+$0x0], $0xffff  }
0xc9: {  	v12 =	vor.u32 v0, v11  }
0xca: {  	v13 =	vor.u32 v2, v9;
	_ =	sdelay $0x3  }
0xcb: {  	[tilespmem:v12+s18+$0x0] =	vst.idx.msk $0xffff, v10  }
0xcc: {  	v10 =	vld.idx.msk [tilespmem:v13+s1+$0x0], $0xffff  }
0xcd: {  	v12 =	vor.u32 v2, v11  }
0xce: {  	v13 =	vor.u32 v3, v9;
	_ =	sdelay $0x3  }
0xcf: {  	[tilespmem:v12+s18+$0x0] =	vst.idx.msk $0xffff, v10  }
0xd0: {  	v10 =	vld.idx.msk [tilespmem:v13+s1+$0x0], $0xffff  }
0xd1: {  	v12 =	vor.u32 v3, v11  }
0xd2: {  	v13 =	vor.u32 v4, v9;
	_ =	sdelay $0x3  }
0xd3: {  	[tilespmem:v12+s18+$0x0] =	vst.idx.msk $0xffff, v10  }
0xd4: {  	v10 =	vld.idx.msk [tilespmem:v13+s1+$0x0], $0xffff  }
0xd5: {  	v12 =	vor.u32 v4, v11  }
0xd6: {  	v13 =	vor.u32 v5, v9;
	_ =	sdelay $0x3  }
0xd7: {  	[tilespmem:v12+s18+$0x0] =	vst.idx.msk $0xffff, v10  }
0xd8: {  	v10 =	vld.idx.msk [tilespmem:v13+s1+$0x0], $0xffff  }
0xd9: {  	v12 =	vor.u32 v5, v11  }
0xda: {  	v13 =	vor.u32 v6, v9;
	_ =	sdelay $0x3  }
0xdb: {  	[tilespmem:v12+s18+$0x0] =	vst.idx.msk $0xffff, v10  }
0xdc: {  	v10 =	vld.idx.msk [tilespmem:v13+s1+$0x0], $0xffff  }
0xdd: {  	v12 =	vor.u32 v6, v11  }
0xde: {  	v13 =	vor.u32 v7, v9;
	_ =	sdelay $0x3  }
0xdf: {  	[tilespmem:v12+s18+$0x0] =	vst.idx.msk $0xffff, v10  }
0xe0: {  	v10 =	vld.idx.msk [tilespmem:v13+s1+$0x0], $0xffff  }
0xe1: {  	v12 =	vor.u32 v7, v11  }
0xe2: {  	v9 =	vor.u32 v8, v9;
	_ =	sdelay $0x1  }
.Ltmp3:
0xe3: {  	(pc) =	sbr.rel @p1 .LBB2_4-.Ltmp3, $4  }
0xe4: {  	_ = 	snop  }
0xe5: {  	[tilespmem:v12+s18+$0x0] =	vst.idx.msk $0xffff, v10  }
0xe6: {  	v9 =	vld.idx.msk [tilespmem:v9+s1+$0x0], $0xffff  }
0xe7: {  	v10 =	vor.u32 v8, v11  }
0xe8: {  	_ =	sdelay $0x3  }
0xe9: {  	s6 =	simm.s32 $0x0;
	s5 =	rddreg [dreg:$0x6];
	[tilespmem:v10+s18+$0x0] =	vst.idx.msk $0xffff, v9  }
0xea: {  	[hbm4b:s5+s6] =	stream.linear.scatter [tilespmem:s18], [sflag:$0x2], $0x2800, $0x38;
	[tilespmem:$0x16C80] =	vst v63  }
0xeb: {  	s5 =	simm.s32 $0x20A0  }
0xec: {  	v9 =	vld [tilespmem:s5+$0x0];
	_ =	sdelay $0x4  }
0xed: {  	v9 =	vshll.u32 v9, $0x7  }
0xee: {  	v10 =	vor.u32 v0, v9;
	_ =	sdelay $0x1  }
0xef: {  	v11 =	vmov s6  }
0xf0: {  	v11 =	vshll.u32 v11, $0x7  }
0xf1: {  	v11 =	vor.u32 v1, v11  }
0xf2: {  	v12 =	vor.u32 v0, v11;
	v10 =	vld.idx.msk [tilespmem:v10+s1+$0x0], $0xffff  }
0xf3: {  	v13 =	vor.u32 v2, v9;
	_ =	sdelay $0x3  }
0xf4: {  	[tilespmem:v12+s19+$0x0] =	vst.idx.msk $0xffff, v10  }
0xf5: {  	v53 =	vor.u32 v2, v11;
	v10 =	vld.idx.msk [tilespmem:v13+s1+$0x0], $0xffff  }
0xf6: {  	v54 =	vor.u32 v3, v9;
	_ =	sdelay $0x3  }
0xf7: {  	[tilespmem:v53+s19+$0x0] =	vst.idx.msk $0xffff, v10  }
0xf8: {  	v55 =	vor.u32 v3, v11;
	v10 =	vld.idx.msk [tilespmem:v54+s1+$0x0], $0xffff  }
0xf9: {  	v56 =	vor.u32 v4, v9;
	_ =	sdelay $0x3  }
0xfa: {  	[tilespmem:v55+s19+$0x0] =	vst.idx.msk $0xffff, v10  }
0xfb: {  	v57 =	vor.u32 v4, v11;
	v10 =	vld.idx.msk [tilespmem:v56+s1+$0x0], $0xffff  }
0xfc: {  	v58 =	vor.u32 v5, v9;
	_ =	sdelay $0x3  }
0xfd: {  	[tilespmem:v57+s19+$0x0] =	vst.idx.msk $0xffff, v10  }
0xfe: {  	v59 =	vor.u32 v5, v11;
	v10 =	vld.idx.msk [tilespmem:v58+s1+$0x0], $0xffff  }
0xff: {  	v60 =	vor.u32 v6, v9;
	_ =	sdelay $0x3  }
0x100: {  	[tilespmem:v59+s19+$0x0] =	vst.idx.msk $0xffff, v10  }
0x101: {  	v61 =	vor.u32 v6, v11;
	v10 =	vld.idx.msk [tilespmem:v60+s1+$0x0], $0xffff  }
0x102: {  	v62 =	vor.u32 v7, v9;
	_ =	sdelay $0x3  }
0x103: {  	[tilespmem:v61+s19+$0x0] =	vst.idx.msk $0xffff, v10  }
0x104: {  	v63 =	vor.u32 v7, v11;
	v10 =	vld.idx.msk [tilespmem:v62+s1+$0x0], $0xffff  }
0x105: {  	v9 =	vor.u32 v8, v9;
	_ =	sdelay $0x3  }
0x106: {  	[tilespmem:v63+s19+$0x0] =	vst.idx.msk $0xffff, v10  }
0x107: {  	s6 =	simm.s32 $0x10;
	v10 =	vor.u32 v8, v11;
	v9 =	vld.idx.msk [tilespmem:v9+s1+$0x0], $0xffff  }
.LBB2_6:
0x108: {  	_ =	sdelay $0x2  }
0x109: {  	p1 =	sne.s32 s6, $0x40  }
0x10a: {  	s5 =	sadd.s32 $0x10, s5;
	s7 =	smov.u32 s6;
	s6 =	sadd.s32 $0x10, s6;
	[tilespmem:v10+s19+$0x0] =	vst.idx.msk $0xffff, v9  }
0x10b: {  	v9 =	vld [tilespmem:s5+$0x0];
	_ =	sdelay $0x4  }
0x10c: {  	v9 =	vshll.u32 v9, $0x7  }
0x10d: {  	v10 =	vor.u32 v0, v9;
	_ =	sdelay $0x2  }
0x10e: {  	v11 =	vmov s7  }
0x10f: {  	v11 =	vshll.u32 v11, $0x7  }
0x110: {  	v11 =	vor.u32 v1, v11;
	v10 =	vld.idx.msk [tilespmem:v10+s1+$0x0], $0xffff  }
0x111: {  	v12 =	vor.u32 v0, v11  }
0x112: {  	v13 =	vor.u32 v2, v9;
	_ =	sdelay $0x3  }
0x113: {  	[tilespmem:v12+s19+$0x0] =	vst.idx.msk $0xffff, v10  }
0x114: {  	v10 =	vld.idx.msk [tilespmem:v13+s1+$0x0], $0xffff  }
0x115: {  	v12 =	vor.u32 v2, v11  }
0x116: {  	v13 =	vor.u32 v3, v9;
	_ =	sdelay $0x3  }
0x117: {  	[tilespmem:v12+s19+$0x0] =	vst.idx.msk $0xffff, v10  }
0x118: {  	v10 =	vld.idx.msk [tilespmem:v13+s1+$0x0], $0xffff  }
0x119: {  	v12 =	vor.u32 v3, v11  }
0x11a: {  	v13 =	vor.u32 v4, v9;
	_ =	sdelay $0x3  }
0x11b: {  	[tilespmem:v12+s19+$0x0] =	vst.idx.msk $0xffff, v10  }
0x11c: {  	v10 =	vld.idx.msk [tilespmem:v13+s1+$0x0], $0xffff  }
0x11d: {  	v12 =	vor.u32 v4, v11  }
0x11e: {  	v13 =	vor.u32 v5, v9;
	_ =	sdelay $0x3  }
0x11f: {  	[tilespmem:v12+s19+$0x0] =	vst.idx.msk $0xffff, v10  }
0x120: {  	v10 =	vld.idx.msk [tilespmem:v13+s1+$0x0], $0xffff  }
0x121: {  	v12 =	vor.u32 v5, v11  }
0x122: {  	v13 =	vor.u32 v6, v9;
	_ =	sdelay $0x3  }
0x123: {  	[tilespmem:v12+s19+$0x0] =	vst.idx.msk $0xffff, v10  }
0x124: {  	v10 =	vld.idx.msk [tilespmem:v13+s1+$0x0], $0xffff  }
0x125: {  	v12 =	vor.u32 v6, v11  }
0x126: {  	v13 =	vor.u32 v7, v9;
	_ =	sdelay $0x3  }
0x127: {  	[tilespmem:v12+s19+$0x0] =	vst.idx.msk $0xffff, v10  }
0x128: {  	v10 =	vld.idx.msk [tilespmem:v13+s1+$0x0], $0xffff  }
0x129: {  	v12 =	vor.u32 v7, v11  }
0x12a: {  	v9 =	vor.u32 v8, v9;
	_ =	sdelay $0x1  }
.Ltmp4:
0x12b: {  	(pc) =	sbr.rel @p1 .LBB2_6-.Ltmp4, $4  }
0x12c: {  	_ = 	snop  }
0x12d: {  	[tilespmem:v12+s19+$0x0] =	vst.idx.msk $0xffff, v10  }
0x12e: {  	v9 =	vld.idx.msk [tilespmem:v9+s1+$0x0], $0xffff  }
0x12f: {  	v10 =	vor.u32 v8, v11  }
0x130: {  	_ =	sdelay $0x3  }
0x131: {  	s6 =	simm.s32 $0x0;
	s5 =	rddreg [dreg:$0x7];
	[tilespmem:v10+s19+$0x0] =	vst.idx.msk $0xffff, v9  }
0x132: {  	[hbm4b:s5+s6] =	stream.linear.scatter [tilespmem:s19], [sflag:$0x3], $0x2800, $0x38;
	[tilespmem:$0x16C80] =	vst v63  }
0x133: {  	s5 =	simm.s32 $0x20F0  }
0x134: {  	v9 =	vld [tilespmem:s5+$0x0];
	_ =	sdelay $0x4  }
0x135: {  	v9 =	vshll.u32 v9, $0x7  }
0x136: {  	v10 =	vor.u32 v0, v9;
	_ =	sdelay $0x1  }
0x137: {  	v11 =	vmov s6  }
0x138: {  	v11 =	vshll.u32 v11, $0x7  }
0x139: {  	v11 =	vor.u32 v1, v11  }
0x13a: {  	v12 =	vor.u32 v0, v11;
	v10 =	vld.idx.msk [tilespmem:v10+s1+$0x0], $0xffff  }
0x13b: {  	v13 =	vor.u32 v2, v9;
	_ =	sdelay $0x3  }
0x13c: {  	[tilespmem:v12+s20+$0x0] =	vst.idx.msk $0xffff, v10  }
0x13d: {  	v53 =	vor.u32 v2, v11;
	v10 =	vld.idx.msk [tilespmem:v13+s1+$0x0], $0xffff  }
0x13e: {  	v54 =	vor.u32 v3, v9;
	_ =	sdelay $0x3  }
0x13f: {  	[tilespmem:v53+s20+$0x0] =	vst.idx.msk $0xffff, v10  }
0x140: {  	v55 =	vor.u32 v3, v11;
	v10 =	vld.idx.msk [tilespmem:v54+s1+$0x0], $0xffff  }
0x141: {  	v56 =	vor.u32 v4, v9;
	_ =	sdelay $0x3  }
0x142: {  	[tilespmem:v55+s20+$0x0] =	vst.idx.msk $0xffff, v10  }
0x143: {  	v57 =	vor.u32 v4, v11;
	v10 =	vld.idx.msk [tilespmem:v56+s1+$0x0], $0xffff  }
0x144: {  	v58 =	vor.u32 v5, v9;
	_ =	sdelay $0x3  }
0x145: {  	[tilespmem:v57+s20+$0x0] =	vst.idx.msk $0xffff, v10  }
0x146: {  	v59 =	vor.u32 v5, v11;
	v10 =	vld.idx.msk [tilespmem:v58+s1+$0x0], $0xffff  }
0x147: {  	v60 =	vor.u32 v6, v9;
	_ =	sdelay $0x3  }
0x148: {  	[tilespmem:v59+s20+$0x0] =	vst.idx.msk $0xffff, v10  }
0x149: {  	v61 =	vor.u32 v6, v11;
	v10 =	vld.idx.msk [tilespmem:v60+s1+$0x0], $0xffff  }
0x14a: {  	v62 =	vor.u32 v7, v9;
	_ =	sdelay $0x3  }
0x14b: {  	[tilespmem:v61+s20+$0x0] =	vst.idx.msk $0xffff, v10  }
0x14c: {  	v63 =	vor.u32 v7, v11;
	v10 =	vld.idx.msk [tilespmem:v62+s1+$0x0], $0xffff  }
0x14d: {  	v9 =	vor.u32 v8, v9;
	_ =	sdelay $0x3  }
0x14e: {  	[tilespmem:v63+s20+$0x0] =	vst.idx.msk $0xffff, v10  }
0x14f: {  	s6 =	simm.s32 $0x10;
	v10 =	vor.u32 v8, v11;
	v9 =	vld.idx.msk [tilespmem:v9+s1+$0x0], $0xffff  }
.LBB2_8:
0x150: {  	_ =	sdelay $0x2  }
0x151: {  	p1 =	sne.s32 s6, $0x40  }
0x152: {  	s5 =	sadd.s32 $0x10, s5;
	s7 =	smov.u32 s6;
	s6 =	sadd.s32 $0x10, s6;
	[tilespmem:v10+s20+$0x0] =	vst.idx.msk $0xffff, v9  }
0x153: {  	v9 =	vld [tilespmem:s5+$0x0];
	_ =	sdelay $0x4  }
0x154: {  	v9 =	vshll.u32 v9, $0x7  }
0x155: {  	v10 =	vor.u32 v0, v9;
	_ =	sdelay $0x2  }
0x156: {  	v11 =	vmov s7  }
0x157: {  	v11 =	vshll.u32 v11, $0x7  }
0x158: {  	v11 =	vor.u32 v1, v11;
	v10 =	vld.idx.msk [tilespmem:v10+s1+$0x0], $0xffff  }
0x159: {  	v12 =	vor.u32 v0, v11  }
0x15a: {  	v13 =	vor.u32 v2, v9;
	_ =	sdelay $0x3  }
0x15b: {  	[tilespmem:v12+s20+$0x0] =	vst.idx.msk $0xffff, v10  }
0x15c: {  	v10 =	vld.idx.msk [tilespmem:v13+s1+$0x0], $0xffff  }
0x15d: {  	v12 =	vor.u32 v2, v11  }
0x15e: {  	v13 =	vor.u32 v3, v9;
	_ =	sdelay $0x3  }
0x15f: {  	[tilespmem:v12+s20+$0x0] =	vst.idx.msk $0xffff, v10  }
0x160: {  	v10 =	vld.idx.msk [tilespmem:v13+s1+$0x0], $0xffff  }
0x161: {  	v12 =	vor.u32 v3, v11  }
0x162: {  	v13 =	vor.u32 v4, v9;
	_ =	sdelay $0x3  }
0x163: {  	[tilespmem:v12+s20+$0x0] =	vst.idx.msk $0xffff, v10  }
0x164: {  	v10 =	vld.idx.msk [tilespmem:v13+s1+$0x0], $0xffff  }
0x165: {  	v12 =	vor.u32 v4, v11  }
0x166: {  	v13 =	vor.u32 v5, v9;
	_ =	sdelay $0x3  }
0x167: {  	[tilespmem:v12+s20+$0x0] =	vst.idx.msk $0xffff, v10  }
0x168: {  	v10 =	vld.idx.msk [tilespmem:v13+s1+$0x0], $0xffff  }
0x169: {  	v12 =	vor.u32 v5, v11  }
0x16a: {  	v13 =	vor.u32 v6, v9;
	_ =	sdelay $0x3  }
0x16b: {  	[tilespmem:v12+s20+$0x0] =	vst.idx.msk $0xffff, v10  }
0x16c: {  	v10 =	vld.idx.msk [tilespmem:v13+s1+$0x0], $0xffff  }
0x16d: {  	v12 =	vor.u32 v6, v11  }
0x16e: {  	v13 =	vor.u32 v7, v9;
	_ =	sdelay $0x3  }
0x16f: {  	[tilespmem:v12+s20+$0x0] =	vst.idx.msk $0xffff, v10  }
0x170: {  	v10 =	vld.idx.msk [tilespmem:v13+s1+$0x0], $0xffff  }
0x171: {  	v12 =	vor.u32 v7, v11  }
0x172: {  	v9 =	vor.u32 v8, v9;
	_ =	sdelay $0x1  }
.Ltmp5:
0x173: {  	(pc) =	sbr.rel @p1 .LBB2_8-.Ltmp5, $4  }
0x174: {  	_ = 	snop  }
0x175: {  	[tilespmem:v12+s20+$0x0] =	vst.idx.msk $0xffff, v10  }
0x176: {  	v9 =	vld.idx.msk [tilespmem:v9+s1+$0x0], $0xffff  }
0x177: {  	v10 =	vor.u32 v8, v11  }
0x178: {  	_ =	sdelay $0x3  }
0x179: {  	s6 =	simm.s32 $0x0;
	s5 =	rddreg [dreg:$0x8];
	[tilespmem:v10+s20+$0x0] =	vst.idx.msk $0xffff, v9  }
0x17a: {  	[hbm4b:s5+s6] =	stream.linear.scatter [tilespmem:s20], [sflag:$0x4], $0x2800, $0x38;
	[tilespmem:$0x16C80] =	vst v63  }
0x17b: {  	s5 =	simm.s32 $0x2140  }
0x17c: {  	v9 =	vld [tilespmem:s5+$0x0];
	_ =	sdelay $0x4  }
0x17d: {  	v9 =	vshll.u32 v9, $0x7  }
0x17e: {  	v10 =	vor.u32 v0, v9;
	_ =	sdelay $0x1  }
0x17f: {  	v11 =	vmov s6  }
0x180: {  	v11 =	vshll.u32 v11, $0x7  }
0x181: {  	v11 =	vor.u32 v1, v11  }
0x182: {  	v12 =	vor.u32 v0, v11;
	v10 =	vld.idx.msk [tilespmem:v10+s1+$0x0], $0xffff  }
0x183: {  	v13 =	vor.u32 v2, v9;
	_ =	sdelay $0x3  }
0x184: {  	[tilespmem:v12+s21+$0x0] =	vst.idx.msk $0xffff, v10  }
0x185: {  	v53 =	vor.u32 v2, v11;
	v10 =	vld.idx.msk [tilespmem:v13+s1+$0x0], $0xffff  }
0x186: {  	v54 =	vor.u32 v3, v9;
	_ =	sdelay $0x3  }
0x187: {  	[tilespmem:v53+s21+$0x0] =	vst.idx.msk $0xffff, v10  }
0x188: {  	v55 =	vor.u32 v3, v11;
	v10 =	vld.idx.msk [tilespmem:v54+s1+$0x0], $0xffff  }
0x189: {  	v56 =	vor.u32 v4, v9;
	_ =	sdelay $0x3  }
0x18a: {  	[tilespmem:v55+s21+$0x0] =	vst.idx.msk $0xffff, v10  }
0x18b: {  	v57 =	vor.u32 v4, v11;
	v10 =	vld.idx.msk [tilespmem:v56+s1+$0x0], $0xffff  }
0x18c: {  	v58 =	vor.u32 v5, v9;
	_ =	sdelay $0x3  }
0x18d: {  	[tilespmem:v57+s21+$0x0] =	vst.idx.msk $0xffff, v10  }
0x18e: {  	v59 =	vor.u32 v5, v11;
	v10 =	vld.idx.msk [tilespmem:v58+s1+$0x0], $0xffff  }
0x18f: {  	v60 =	vor.u32 v6, v9;
	_ =	sdelay $0x3  }
0x190: {  	[tilespmem:v59+s21+$0x0] =	vst.idx.msk $0xffff, v10  }
0x191: {  	v61 =	vor.u32 v6, v11;
	v10 =	vld.idx.msk [tilespmem:v60+s1+$0x0], $0xffff  }
0x192: {  	v62 =	vor.u32 v7, v9;
	_ =	sdelay $0x3  }
0x193: {  	[tilespmem:v61+s21+$0x0] =	vst.idx.msk $0xffff, v10  }
0x194: {  	v63 =	vor.u32 v7, v11;
	v10 =	vld.idx.msk [tilespmem:v62+s1+$0x0], $0xffff  }
0x195: {  	v9 =	vor.u32 v8, v9;
	_ =	sdelay $0x3  }
0x196: {  	[tilespmem:v63+s21+$0x0] =	vst.idx.msk $0xffff, v10  }
0x197: {  	s6 =	simm.s32 $0x10;
	v10 =	vor.u32 v8, v11;
	v9 =	vld.idx.msk [tilespmem:v9+s1+$0x0], $0xffff  }
.LBB2_10:
0x198: {  	_ =	sdelay $0x2  }
0x199: {  	p1 =	sne.s32 s6, $0x40  }
0x19a: {  	s5 =	sadd.s32 $0x10, s5;
	s7 =	smov.u32 s6;
	s6 =	sadd.s32 $0x10, s6;
	[tilespmem:v10+s21+$0x0] =	vst.idx.msk $0xffff, v9  }
0x19b: {  	v9 =	vld [tilespmem:s5+$0x0];
	_ =	sdelay $0x4  }
0x19c: {  	v9 =	vshll.u32 v9, $0x7  }
0x19d: {  	v10 =	vor.u32 v0, v9;
	_ =	sdelay $0x2  }
0x19e: {  	v11 =	vmov s7  }
0x19f: {  	v11 =	vshll.u32 v11, $0x7  }
0x1a0: {  	v11 =	vor.u32 v1, v11;
	v10 =	vld.idx.msk [tilespmem:v10+s1+$0x0], $0xffff  }
0x1a1: {  	v12 =	vor.u32 v0, v11  }
0x1a2: {  	v13 =	vor.u32 v2, v9;
	_ =	sdelay $0x3  }
0x1a3: {  	[tilespmem:v12+s21+$0x0] =	vst.idx.msk $0xffff, v10  }
0x1a4: {  	v10 =	vld.idx.msk [tilespmem:v13+s1+$0x0], $0xffff  }
0x1a5: {  	v12 =	vor.u32 v2, v11  }
0x1a6: {  	v13 =	vor.u32 v3, v9;
	_ =	sdelay $0x3  }
0x1a7: {  	[tilespmem:v12+s21+$0x0] =	vst.idx.msk $0xffff, v10  }
0x1a8: {  	v10 =	vld.idx.msk [tilespmem:v13+s1+$0x0], $0xffff  }
0x1a9: {  	v12 =	vor.u32 v3, v11  }
0x1aa: {  	v13 =	vor.u32 v4, v9;
	_ =	sdelay $0x3  }
0x1ab: {  	[tilespmem:v12+s21+$0x0] =	vst.idx.msk $0xffff, v10  }
0x1ac: {  	v10 =	vld.idx.msk [tilespmem:v13+s1+$0x0], $0xffff  }
0x1ad: {  	v12 =	vor.u32 v4, v11  }
0x1ae: {  	v13 =	vor.u32 v5, v9;
	_ =	sdelay $0x3  }
0x1af: {  	[tilespmem:v12+s21+$0x0] =	vst.idx.msk $0xffff, v10  }
0x1b0: {  	v10 =	vld.idx.msk [tilespmem:v13+s1+$0x0], $0xffff  }
0x1b1: {  	v12 =	vor.u32 v5, v11  }
0x1b2: {  	v13 =	vor.u32 v6, v9;
	_ =	sdelay $0x3  }
0x1b3: {  	[tilespmem:v12+s21+$0x0] =	vst.idx.msk $0xffff, v10  }
0x1b4: {  	v10 =	vld.idx.msk [tilespmem:v13+s1+$0x0], $0xffff  }
0x1b5: {  	v12 =	vor.u32 v6, v11  }
0x1b6: {  	v13 =	vor.u32 v7, v9;
	_ =	sdelay $0x3  }
0x1b7: {  	[tilespmem:v12+s21+$0x0] =	vst.idx.msk $0xffff, v10  }
0x1b8: {  	v10 =	vld.idx.msk [tilespmem:v13+s1+$0x0], $0xffff  }
0x1b9: {  	v12 =	vor.u32 v7, v11  }
0x1ba: {  	v9 =	vor.u32 v8, v9;
	_ =	sdelay $0x1  }
.Ltmp6:
0x1bb: {  	(pc) =	sbr.rel @p1 .LBB2_10-.Ltmp6, $4  }
0x1bc: {  	_ = 	snop  }
0x1bd: {  	[tilespmem:v12+s21+$0x0] =	vst.idx.msk $0xffff, v10  }
0x1be: {  	v9 =	vld.idx.msk [tilespmem:v9+s1+$0x0], $0xffff  }
0x1bf: {  	v10 =	vor.u32 v8, v11  }
0x1c0: {  	_ =	sdelay $0x3  }
0x1c1: {  	s6 =	simm.s32 $0x0;
	s5 =	rddreg [dreg:$0x9];
	[tilespmem:v10+s21+$0x0] =	vst.idx.msk $0xffff, v9  }
0x1c2: {  	[hbm4b:s5+s6] =	stream.linear.scatter [tilespmem:s21], [sflag:$0x5], $0x2800, $0x38;
	[tilespmem:$0x16C80] =	vst v63  }
0x1c3: {  	s5 =	simm.s32 $0x2190  }
0x1c4: {  	v9 =	vld [tilespmem:s5+$0x0];
	_ =	sdelay $0x4  }
0x1c5: {  	v9 =	vshll.u32 v9, $0x7  }
0x1c6: {  	v10 =	vor.u32 v0, v9;
	_ =	sdelay $0x1  }
0x1c7: {  	v11 =	vmov s6  }
0x1c8: {  	v11 =	vshll.u32 v11, $0x7  }
0x1c9: {  	v11 =	vor.u32 v1, v11  }
0x1ca: {  	v12 =	vor.u32 v0, v11;
	v10 =	vld.idx.msk [tilespmem:v10+s1+$0x0], $0xffff  }
0x1cb: {  	v13 =	vor.u32 v2, v9;
	_ =	sdelay $0x3  }
0x1cc: {  	[tilespmem:v12+s22+$0x0] =	vst.idx.msk $0xffff, v10  }
0x1cd: {  	v53 =	vor.u32 v2, v11;
	v10 =	vld.idx.msk [tilespmem:v13+s1+$0x0], $0xffff  }
0x1ce: {  	v54 =	vor.u32 v3, v9;
	_ =	sdelay $0x3  }
0x1cf: {  	[tilespmem:v53+s22+$0x0] =	vst.idx.msk $0xffff, v10  }
0x1d0: {  	v55 =	vor.u32 v3, v11;
	v10 =	vld.idx.msk [tilespmem:v54+s1+$0x0], $0xffff  }
0x1d1: {  	v56 =	vor.u32 v4, v9;
	_ =	sdelay $0x3  }
0x1d2: {  	[tilespmem:v55+s22+$0x0] =	vst.idx.msk $0xffff, v10  }
0x1d3: {  	v57 =	vor.u32 v4, v11;
	v10 =	vld.idx.msk [tilespmem:v56+s1+$0x0], $0xffff  }
0x1d4: {  	v58 =	vor.u32 v5, v9;
	_ =	sdelay $0x3  }
0x1d5: {  	[tilespmem:v57+s22+$0x0] =	vst.idx.msk $0xffff, v10  }
0x1d6: {  	v59 =	vor.u32 v5, v11;
	v10 =	vld.idx.msk [tilespmem:v58+s1+$0x0], $0xffff  }
0x1d7: {  	v60 =	vor.u32 v6, v9;
	_ =	sdelay $0x3  }
0x1d8: {  	[tilespmem:v59+s22+$0x0] =	vst.idx.msk $0xffff, v10  }
0x1d9: {  	v61 =	vor.u32 v6, v11;
	v10 =	vld.idx.msk [tilespmem:v60+s1+$0x0], $0xffff  }
0x1da: {  	v62 =	vor.u32 v7, v9;
	_ =	sdelay $0x3  }
0x1db: {  	[tilespmem:v61+s22+$0x0] =	vst.idx.msk $0xffff, v10  }
0x1dc: {  	v63 =	vor.u32 v7, v11;
	v10 =	vld.idx.msk [tilespmem:v62+s1+$0x0], $0xffff  }
0x1dd: {  	v9 =	vor.u32 v8, v9;
	_ =	sdelay $0x3  }
0x1de: {  	[tilespmem:v63+s22+$0x0] =	vst.idx.msk $0xffff, v10  }
0x1df: {  	s6 =	simm.s32 $0x10;
	v10 =	vor.u32 v8, v11;
	v9 =	vld.idx.msk [tilespmem:v9+s1+$0x0], $0xffff  }
.LBB2_12:
0x1e0: {  	_ =	sdelay $0x2  }
0x1e1: {  	p1 =	sne.s32 s6, $0x40  }
0x1e2: {  	s5 =	sadd.s32 $0x10, s5;
	s7 =	smov.u32 s6;
	s6 =	sadd.s32 $0x10, s6;
	[tilespmem:v10+s22+$0x0] =	vst.idx.msk $0xffff, v9  }
0x1e3: {  	v9 =	vld [tilespmem:s5+$0x0];
	_ =	sdelay $0x4  }
0x1e4: {  	v9 =	vshll.u32 v9, $0x7  }
0x1e5: {  	v10 =	vor.u32 v0, v9;
	_ =	sdelay $0x2  }
0x1e6: {  	v11 =	vmov s7  }
0x1e7: {  	v11 =	vshll.u32 v11, $0x7  }
0x1e8: {  	v11 =	vor.u32 v1, v11;
	v10 =	vld.idx.msk [tilespmem:v10+s1+$0x0], $0xffff  }
0x1e9: {  	v12 =	vor.u32 v0, v11  }
0x1ea: {  	v13 =	vor.u32 v2, v9;
	_ =	sdelay $0x3  }
0x1eb: {  	[tilespmem:v12+s22+$0x0] =	vst.idx.msk $0xffff, v10  }
0x1ec: {  	v10 =	vld.idx.msk [tilespmem:v13+s1+$0x0], $0xffff  }
0x1ed: {  	v12 =	vor.u32 v2, v11  }
0x1ee: {  	v13 =	vor.u32 v3, v9;
	_ =	sdelay $0x3  }
0x1ef: {  	[tilespmem:v12+s22+$0x0] =	vst.idx.msk $0xffff, v10  }
0x1f0: {  	v10 =	vld.idx.msk [tilespmem:v13+s1+$0x0], $0xffff  }
0x1f1: {  	v12 =	vor.u32 v3, v11  }
0x1f2: {  	v13 =	vor.u32 v4, v9;
	_ =	sdelay $0x3  }
0x1f3: {  	[tilespmem:v12+s22+$0x0] =	vst.idx.msk $0xffff, v10  }
0x1f4: {  	v10 =	vld.idx.msk [tilespmem:v13+s1+$0x0], $0xffff  }
0x1f5: {  	v12 =	vor.u32 v4, v11  }
0x1f6: {  	v13 =	vor.u32 v5, v9;
	_ =	sdelay $0x3  }
0x1f7: {  	[tilespmem:v12+s22+$0x0] =	vst.idx.msk $0xffff, v10  }
0x1f8: {  	v10 =	vld.idx.msk [tilespmem:v13+s1+$0x0], $0xffff  }
0x1f9: {  	v12 =	vor.u32 v5, v11  }
0x1fa: {  	v13 =	vor.u32 v6, v9;
	_ =	sdelay $0x3  }
0x1fb: {  	[tilespmem:v12+s22+$0x0] =	vst.idx.msk $0xffff, v10  }
0x1fc: {  	v10 =	vld.idx.msk [tilespmem:v13+s1+$0x0], $0xffff  }
0x1fd: {  	v12 =	vor.u32 v6, v11  }
0x1fe: {  	v13 =	vor.u32 v7, v9;
	_ =	sdelay $0x3  }
0x1ff: {  	[tilespmem:v12+s22+$0x0] =	vst.idx.msk $0xffff, v10  }
0x200: {  	v10 =	vld.idx.msk [tilespmem:v13+s1+$0x0], $0xffff  }
0x201: {  	v12 =	vor.u32 v7, v11  }
0x202: {  	v9 =	vor.u32 v8, v9;
	_ =	sdelay $0x1  }
.Ltmp7:
0x203: {  	(pc) =	sbr.rel @p1 .LBB2_12-.Ltmp7, $4  }
0x204: {  	_ = 	snop  }
0x205: {  	[tilespmem:v12+s22+$0x0] =	vst.idx.msk $0xffff, v10  }
0x206: {  	v9 =	vld.idx.msk [tilespmem:v9+s1+$0x0], $0xffff  }
0x207: {  	v10 =	vor.u32 v8, v11  }
0x208: {  	_ =	sdelay $0x3  }
0x209: {  	s6 =	simm.s32 $0x0;
	s5 =	rddreg [dreg:$0xa];
	[tilespmem:v10+s22+$0x0] =	vst.idx.msk $0xffff, v9  }
0x20a: {  	[hbm4b:s5+s6] =	stream.linear.scatter [tilespmem:s22], [sflag:$0x6], $0x2800, $0x38;
	[tilespmem:$0x16C80] =	vst v63  }
0x20b: {  	s5 =	simm.s32 $0x21E0  }
0x20c: {  	v9 =	vld [tilespmem:s5+$0x0];
	_ =	sdelay $0x4  }
0x20d: {  	v9 =	vshll.u32 v9, $0x7  }
0x20e: {  	v10 =	vor.u32 v0, v9;
	_ =	sdelay $0x1  }
0x20f: {  	v11 =	vmov s6  }
0x210: {  	v11 =	vshll.u32 v11, $0x7  }
0x211: {  	v11 =	vor.u32 v1, v11  }
0x212: {  	v12 =	vor.u32 v0, v11;
	v10 =	vld.idx.msk [tilespmem:v10+s1+$0x0], $0xffff  }
0x213: {  	v13 =	vor.u32 v2, v9;
	_ =	sdelay $0x3  }
0x214: {  	[tilespmem:v12+s23+$0x0] =	vst.idx.msk $0xffff, v10  }
0x215: {  	v53 =	vor.u32 v2, v11;
	v10 =	vld.idx.msk [tilespmem:v13+s1+$0x0], $0xffff  }
0x216: {  	v54 =	vor.u32 v3, v9;
	_ =	sdelay $0x3  }
0x217: {  	[tilespmem:v53+s23+$0x0] =	vst.idx.msk $0xffff, v10  }
0x218: {  	v55 =	vor.u32 v3, v11;
	v10 =	vld.idx.msk [tilespmem:v54+s1+$0x0], $0xffff  }
0x219: {  	v56 =	vor.u32 v4, v9;
	_ =	sdelay $0x3  }
0x21a: {  	[tilespmem:v55+s23+$0x0] =	vst.idx.msk $0xffff, v10  }
0x21b: {  	v57 =	vor.u32 v4, v11;
	v10 =	vld.idx.msk [tilespmem:v56+s1+$0x0], $0xffff  }
0x21c: {  	v58 =	vor.u32 v5, v9;
	_ =	sdelay $0x3  }
0x21d: {  	[tilespmem:v57+s23+$0x0] =	vst.idx.msk $0xffff, v10  }
0x21e: {  	v59 =	vor.u32 v5, v11;
	v10 =	vld.idx.msk [tilespmem:v58+s1+$0x0], $0xffff  }
0x21f: {  	v60 =	vor.u32 v6, v9;
	_ =	sdelay $0x3  }
0x220: {  	[tilespmem:v59+s23+$0x0] =	vst.idx.msk $0xffff, v10  }
0x221: {  	v61 =	vor.u32 v6, v11;
	v10 =	vld.idx.msk [tilespmem:v60+s1+$0x0], $0xffff  }
0x222: {  	v62 =	vor.u32 v7, v9;
	_ =	sdelay $0x3  }
0x223: {  	[tilespmem:v61+s23+$0x0] =	vst.idx.msk $0xffff, v10  }
0x224: {  	v63 =	vor.u32 v7, v11;
	v10 =	vld.idx.msk [tilespmem:v62+s1+$0x0], $0xffff  }
0x225: {  	v9 =	vor.u32 v8, v9;
	_ =	sdelay $0x3  }
0x226: {  	[tilespmem:v63+s23+$0x0] =	vst.idx.msk $0xffff, v10  }
0x227: {  	s6 =	simm.s32 $0x10;
	v10 =	vor.u32 v8, v11;
	v9 =	vld.idx.msk [tilespmem:v9+s1+$0x0], $0xffff  }
.LBB2_14:
0x228: {  	_ =	sdelay $0x2  }
0x229: {  	p1 =	sne.s32 s6, $0x40  }
0x22a: {  	s5 =	sadd.s32 $0x10, s5;
	s7 =	smov.u32 s6;
	s6 =	sadd.s32 $0x10, s6;
	[tilespmem:v10+s23+$0x0] =	vst.idx.msk $0xffff, v9  }
0x22b: {  	v9 =	vld [tilespmem:s5+$0x0];
	_ =	sdelay $0x4  }
0x22c: {  	v9 =	vshll.u32 v9, $0x7  }
0x22d: {  	v10 =	vor.u32 v0, v9;
	_ =	sdelay $0x2  }
0x22e: {  	v11 =	vmov s7  }
0x22f: {  	v11 =	vshll.u32 v11, $0x7  }
0x230: {  	v11 =	vor.u32 v1, v11;
	v10 =	vld.idx.msk [tilespmem:v10+s1+$0x0], $0xffff  }
0x231: {  	v12 =	vor.u32 v0, v11  }
0x232: {  	v13 =	vor.u32 v2, v9;
	_ =	sdelay $0x3  }
0x233: {  	[tilespmem:v12+s23+$0x0] =	vst.idx.msk $0xffff, v10  }
0x234: {  	v10 =	vld.idx.msk [tilespmem:v13+s1+$0x0], $0xffff  }
0x235: {  	v12 =	vor.u32 v2, v11  }
0x236: {  	v13 =	vor.u32 v3, v9;
	_ =	sdelay $0x3  }
0x237: {  	[tilespmem:v12+s23+$0x0] =	vst.idx.msk $0xffff, v10  }
0x238: {  	v10 =	vld.idx.msk [tilespmem:v13+s1+$0x0], $0xffff  }
0x239: {  	v12 =	vor.u32 v3, v11  }
0x23a: {  	v13 =	vor.u32 v4, v9;
	_ =	sdelay $0x3  }
0x23b: {  	[tilespmem:v12+s23+$0x0] =	vst.idx.msk $0xffff, v10  }
0x23c: {  	v10 =	vld.idx.msk [tilespmem:v13+s1+$0x0], $0xffff  }
0x23d: {  	v12 =	vor.u32 v4, v11  }
0x23e: {  	v13 =	vor.u32 v5, v9;
	_ =	sdelay $0x3  }
0x23f: {  	[tilespmem:v12+s23+$0x0] =	vst.idx.msk $0xffff, v10  }
0x240: {  	v10 =	vld.idx.msk [tilespmem:v13+s1+$0x0], $0xffff  }
0x241: {  	v12 =	vor.u32 v5, v11  }
0x242: {  	v13 =	vor.u32 v6, v9;
	_ =	sdelay $0x3  }
0x243: {  	[tilespmem:v12+s23+$0x0] =	vst.idx.msk $0xffff, v10  }
0x244: {  	v10 =	vld.idx.msk [tilespmem:v13+s1+$0x0], $0xffff  }
0x245: {  	v12 =	vor.u32 v6, v11  }
0x246: {  	v13 =	vor.u32 v7, v9;
	_ =	sdelay $0x3  }
0x247: {  	[tilespmem:v12+s23+$0x0] =	vst.idx.msk $0xffff, v10  }
0x248: {  	v10 =	vld.idx.msk [tilespmem:v13+s1+$0x0], $0xffff  }
0x249: {  	v12 =	vor.u32 v7, v11  }
0x24a: {  	v9 =	vor.u32 v8, v9;
	_ =	sdelay $0x1  }
.Ltmp8:
0x24b: {  	(pc) =	sbr.rel @p1 .LBB2_14-.Ltmp8, $4  }
0x24c: {  	_ = 	snop  }
0x24d: {  	[tilespmem:v12+s23+$0x0] =	vst.idx.msk $0xffff, v10  }
0x24e: {  	v9 =	vld.idx.msk [tilespmem:v9+s1+$0x0], $0xffff  }
0x24f: {  	v10 =	vor.u32 v8, v11  }
0x250: {  	_ =	sdelay $0x3  }
0x251: {  	s6 =	simm.s32 $0x0;
	s5 =	rddreg [dreg:$0xb];
	[tilespmem:v10+s23+$0x0] =	vst.idx.msk $0xffff, v9  }
0x252: {  	[hbm4b:s5+s6] =	stream.linear.scatter [tilespmem:s23], [sflag:$0x7], $0x2800, $0x38;
	[tilespmem:$0x16C80] =	vst v63  }
0x253: {  	s5 =	simm.s32 $0x2230  }
0x254: {  	v9 =	vld [tilespmem:s5+$0x0];
	_ =	sdelay $0x4  }
0x255: {  	v9 =	vshll.u32 v9, $0x7  }
0x256: {  	v10 =	vor.u32 v0, v9;
	_ =	sdelay $0x1  }
0x257: {  	v11 =	vmov s6  }
0x258: {  	v11 =	vshll.u32 v11, $0x7  }
0x259: {  	v11 =	vor.u32 v1, v11  }
0x25a: {  	v12 =	vor.u32 v0, v11;
	v10 =	vld.idx.msk [tilespmem:v10+s1+$0x0], $0xffff  }
0x25b: {  	v13 =	vor.u32 v2, v9;
	_ =	sdelay $0x3  }
0x25c: {  	[tilespmem:v12+s24+$0x0] =	vst.idx.msk $0xffff, v10  }
0x25d: {  	v53 =	vor.u32 v2, v11;
	v10 =	vld.idx.msk [tilespmem:v13+s1+$0x0], $0xffff  }
0x25e: {  	v54 =	vor.u32 v3, v9;
	_ =	sdelay $0x3  }
0x25f: {  	[tilespmem:v53+s24+$0x0] =	vst.idx.msk $0xffff, v10  }
0x260: {  	v55 =	vor.u32 v3, v11;
	v10 =	vld.idx.msk [tilespmem:v54+s1+$0x0], $0xffff  }
0x261: {  	v56 =	vor.u32 v4, v9;
	_ =	sdelay $0x3  }
0x262: {  	[tilespmem:v55+s24+$0x0] =	vst.idx.msk $0xffff, v10  }
0x263: {  	v57 =	vor.u32 v4, v11;
	v10 =	vld.idx.msk [tilespmem:v56+s1+$0x0], $0xffff  }
0x264: {  	v58 =	vor.u32 v5, v9;
	_ =	sdelay $0x3  }
0x265: {  	[tilespmem:v57+s24+$0x0] =	vst.idx.msk $0xffff, v10  }
0x266: {  	v59 =	vor.u32 v5, v11;
	v10 =	vld.idx.msk [tilespmem:v58+s1+$0x0], $0xffff  }
0x267: {  	v60 =	vor.u32 v6, v9;
	_ =	sdelay $0x3  }
0x268: {  	[tilespmem:v59+s24+$0x0] =	vst.idx.msk $0xffff, v10  }
0x269: {  	v61 =	vor.u32 v6, v11;
	v10 =	vld.idx.msk [tilespmem:v60+s1+$0x0], $0xffff  }
0x26a: {  	v62 =	vor.u32 v7, v9;
	_ =	sdelay $0x3  }
0x26b: {  	[tilespmem:v61+s24+$0x0] =	vst.idx.msk $0xffff, v10  }
0x26c: {  	v63 =	vor.u32 v7, v11;
	v10 =	vld.idx.msk [tilespmem:v62+s1+$0x0], $0xffff  }
0x26d: {  	v9 =	vor.u32 v8, v9;
	_ =	sdelay $0x3  }
0x26e: {  	[tilespmem:v63+s24+$0x0] =	vst.idx.msk $0xffff, v10  }
0x26f: {  	s6 =	simm.s32 $0x10;
	v10 =	vor.u32 v8, v11;
	v9 =	vld.idx.msk [tilespmem:v9+s1+$0x0], $0xffff  }
.LBB2_16:
0x270: {  	_ =	sdelay $0x2  }
0x271: {  	p1 =	sne.s32 s6, $0x40  }
0x272: {  	s5 =	sadd.s32 $0x10, s5;
	s7 =	smov.u32 s6;
	s6 =	sadd.s32 $0x10, s6;
	[tilespmem:v10+s24+$0x0] =	vst.idx.msk $0xffff, v9  }
0x273: {  	v9 =	vld [tilespmem:s5+$0x0];
	_ =	sdelay $0x4  }
0x274: {  	v9 =	vshll.u32 v9, $0x7  }
0x275: {  	v10 =	vor.u32 v0, v9;
	_ =	sdelay $0x2  }
0x276: {  	v11 =	vmov s7  }
0x277: {  	v11 =	vshll.u32 v11, $0x7  }
0x278: {  	v11 =	vor.u32 v1, v11;
	v10 =	vld.idx.msk [tilespmem:v10+s1+$0x0], $0xffff  }
0x279: {  	v12 =	vor.u32 v0, v11  }
0x27a: {  	v13 =	vor.u32 v2, v9;
	_ =	sdelay $0x3  }
0x27b: {  	[tilespmem:v12+s24+$0x0] =	vst.idx.msk $0xffff, v10  }
0x27c: {  	v10 =	vld.idx.msk [tilespmem:v13+s1+$0x0], $0xffff  }
0x27d: {  	v12 =	vor.u32 v2, v11  }
0x27e: {  	v13 =	vor.u32 v3, v9;
	_ =	sdelay $0x3  }
0x27f: {  	[tilespmem:v12+s24+$0x0] =	vst.idx.msk $0xffff, v10  }
0x280: {  	v10 =	vld.idx.msk [tilespmem:v13+s1+$0x0], $0xffff  }
0x281: {  	v12 =	vor.u32 v3, v11  }
0x282: {  	v13 =	vor.u32 v4, v9;
	_ =	sdelay $0x3  }
0x283: {  	[tilespmem:v12+s24+$0x0] =	vst.idx.msk $0xffff, v10  }
0x284: {  	v10 =	vld.idx.msk [tilespmem:v13+s1+$0x0], $0xffff  }
0x285: {  	v12 =	vor.u32 v4, v11  }
0x286: {  	v13 =	vor.u32 v5, v9;
	_ =	sdelay $0x3  }
0x287: {  	[tilespmem:v12+s24+$0x0] =	vst.idx.msk $0xffff, v10  }
0x288: {  	v10 =	vld.idx.msk [tilespmem:v13+s1+$0x0], $0xffff  }
0x289: {  	v12 =	vor.u32 v5, v11  }
0x28a: {  	v13 =	vor.u32 v6, v9;
	_ =	sdelay $0x3  }
0x28b: {  	[tilespmem:v12+s24+$0x0] =	vst.idx.msk $0xffff, v10  }
0x28c: {  	v10 =	vld.idx.msk [tilespmem:v13+s1+$0x0], $0xffff  }
0x28d: {  	v12 =	vor.u32 v6, v11  }
0x28e: {  	v13 =	vor.u32 v7, v9;
	_ =	sdelay $0x3  }
0x28f: {  	[tilespmem:v12+s24+$0x0] =	vst.idx.msk $0xffff, v10  }
0x290: {  	v10 =	vld.idx.msk [tilespmem:v13+s1+$0x0], $0xffff  }
0x291: {  	v12 =	vor.u32 v7, v11  }
0x292: {  	v9 =	vor.u32 v8, v9;
	_ =	sdelay $0x1  }
.Ltmp9:
0x293: {  	(pc) =	sbr.rel @p1 .LBB2_16-.Ltmp9, $4  }
0x294: {  	_ = 	snop  }
0x295: {  	[tilespmem:v12+s24+$0x0] =	vst.idx.msk $0xffff, v10  }
0x296: {  	v9 =	vld.idx.msk [tilespmem:v9+s1+$0x0], $0xffff  }
0x297: {  	v10 =	vor.u32 v8, v11  }
0x298: {  	_ =	sdelay $0x3  }
0x299: {  	s6 =	simm.s32 $0x0;
	s5 =	rddreg [dreg:$0xc];
	[tilespmem:v10+s24+$0x0] =	vst.idx.msk $0xffff, v9  }
0x29a: {  	[hbm4b:s5+s6] =	stream.linear.scatter [tilespmem:s24], [sflag:$0x8], $0x2800, $0x38;
	[tilespmem:$0x16C80] =	vst v63  }
0x29b: {  	_ =	swait.ge [sflag:s25], $0x2800  }
0x29c: {  	[sflag:s25] =	ssyncset.done $0x0  }
0x29d: {  	s5 =	simm.s32 $0x2280;
	[sflag:s25] =	ssyncadd.s32 $0xFFFFD800  }
0x29e: {  	v9 =	vld [tilespmem:s5+$0x0];
	_ =	sdelay $0x4  }
0x29f: {  	v9 =	vshll.u32 v9, $0x7  }
0x2a0: {  	v10 =	vor.u32 v0, v9;
	_ =	sdelay $0x1  }
0x2a1: {  	v11 =	vmov s6  }
0x2a2: {  	v11 =	vshll.u32 v11, $0x7  }
0x2a3: {  	v11 =	vor.u32 v1, v11  }
0x2a4: {  	v12 =	vor.u32 v0, v11;
	v10 =	vld.idx.msk [tilespmem:v10+s1+$0x0], $0xffff  }
0x2a5: {  	v13 =	vor.u32 v2, v9;
	_ =	sdelay $0x3  }
0x2a6: {  	[tilespmem:v12+s17+$0x0] =	vst.idx.msk $0xffff, v10  }
0x2a7: {  	v53 =	vor.u32 v2, v11;
	v10 =	vld.idx.msk [tilespmem:v13+s1+$0x0], $0xffff  }
0x2a8: {  	v54 =	vor.u32 v3, v9;
	_ =	sdelay $0x3  }
0x2a9: {  	[tilespmem:v53+s17+$0x0] =	vst.idx.msk $0xffff, v10  }
0x2aa: {  	v55 =	vor.u32 v3, v11;
	v10 =	vld.idx.msk [tilespmem:v54+s1+$0x0], $0xffff  }
0x2ab: {  	v56 =	vor.u32 v4, v9;
	_ =	sdelay $0x3  }
0x2ac: {  	[tilespmem:v55+s17+$0x0] =	vst.idx.msk $0xffff, v10  }
0x2ad: {  	v57 =	vor.u32 v4, v11;
	v10 =	vld.idx.msk [tilespmem:v56+s1+$0x0], $0xffff  }
0x2ae: {  	v58 =	vor.u32 v5, v9;
	_ =	sdelay $0x3  }
0x2af: {  	[tilespmem:v57+s17+$0x0] =	vst.idx.msk $0xffff, v10  }
0x2b0: {  	v59 =	vor.u32 v5, v11;
	v10 =	vld.idx.msk [tilespmem:v58+s1+$0x0], $0xffff  }
0x2b1: {  	v60 =	vor.u32 v6, v9;
	_ =	sdelay $0x3  }
0x2b2: {  	[tilespmem:v59+s17+$0x0] =	vst.idx.msk $0xffff, v10  }
0x2b3: {  	v61 =	vor.u32 v6, v11;
	v10 =	vld.idx.msk [tilespmem:v60+s1+$0x0], $0xffff  }
0x2b4: {  	v62 =	vor.u32 v7, v9;
	_ =	sdelay $0x3  }
0x2b5: {  	[tilespmem:v61+s17+$0x0] =	vst.idx.msk $0xffff, v10  }
0x2b6: {  	v63 =	vor.u32 v7, v11;
	v10 =	vld.idx.msk [tilespmem:v62+s1+$0x0], $0xffff  }
0x2b7: {  	v9 =	vor.u32 v8, v9;
	_ =	sdelay $0x3  }
0x2b8: {  	[tilespmem:v63+s17+$0x0] =	vst.idx.msk $0xffff, v10  }
0x2b9: {  	s6 =	simm.s32 $0x10;
	v10 =	vor.u32 v8, v11;
	v9 =	vld.idx.msk [tilespmem:v9+s1+$0x0], $0xffff  }
.LBB2_18:
0x2ba: {  	_ =	sdelay $0x2  }
0x2bb: {  	p1 =	sne.s32 s6, $0x40  }
0x2bc: {  	s5 =	sadd.s32 $0x10, s5;
	s7 =	smov.u32 s6;
	s6 =	sadd.s32 $0x10, s6;
	[tilespmem:v10+s17+$0x0] =	vst.idx.msk $0xffff, v9  }
0x2bd: {  	v9 =	vld [tilespmem:s5+$0x0];
	_ =	sdelay $0x4  }
0x2be: {  	v9 =	vshll.u32 v9, $0x7  }
0x2bf: {  	v10 =	vor.u32 v0, v9;
	_ =	sdelay $0x2  }
0x2c0: {  	v11 =	vmov s7  }
0x2c1: {  	v11 =	vshll.u32 v11, $0x7  }
0x2c2: {  	v11 =	vor.u32 v1, v11;
	v10 =	vld.idx.msk [tilespmem:v10+s1+$0x0], $0xffff  }
0x2c3: {  	v12 =	vor.u32 v0, v11  }
0x2c4: {  	v13 =	vor.u32 v2, v9;
	_ =	sdelay $0x3  }
0x2c5: {  	[tilespmem:v12+s17+$0x0] =	vst.idx.msk $0xffff, v10  }
0x2c6: {  	v10 =	vld.idx.msk [tilespmem:v13+s1+$0x0], $0xffff  }
0x2c7: {  	v12 =	vor.u32 v2, v11  }
0x2c8: {  	v13 =	vor.u32 v3, v9;
	_ =	sdelay $0x3  }
0x2c9: {  	[tilespmem:v12+s17+$0x0] =	vst.idx.msk $0xffff, v10  }
0x2ca: {  	v10 =	vld.idx.msk [tilespmem:v13+s1+$0x0], $0xffff  }
0x2cb: {  	v12 =	vor.u32 v3, v11  }
0x2cc: {  	v13 =	vor.u32 v4, v9;
	_ =	sdelay $0x3  }
0x2cd: {  	[tilespmem:v12+s17+$0x0] =	vst.idx.msk $0xffff, v10  }
0x2ce: {  	v10 =	vld.idx.msk [tilespmem:v13+s1+$0x0], $0xffff  }
0x2cf: {  	v12 =	vor.u32 v4, v11  }
0x2d0: {  	v13 =	vor.u32 v5, v9;
	_ =	sdelay $0x3  }
0x2d1: {  	[tilespmem:v12+s17+$0x0] =	vst.idx.msk $0xffff, v10  }
0x2d2: {  	v10 =	vld.idx.msk [tilespmem:v13+s1+$0x0], $0xffff  }
0x2d3: {  	v12 =	vor.u32 v5, v11  }
0x2d4: {  	v13 =	vor.u32 v6, v9;
	_ =	sdelay $0x3  }
0x2d5: {  	[tilespmem:v12+s17+$0x0] =	vst.idx.msk $0xffff, v10  }
0x2d6: {  	v10 =	vld.idx.msk [tilespmem:v13+s1+$0x0], $0xffff  }
0x2d7: {  	v12 =	vor.u32 v6, v11  }
0x2d8: {  	v13 =	vor.u32 v7, v9;
	_ =	sdelay $0x3  }
0x2d9: {  	[tilespmem:v12+s17+$0x0] =	vst.idx.msk $0xffff, v10  }
0x2da: {  	v10 =	vld.idx.msk [tilespmem:v13+s1+$0x0], $0xffff  }
0x2db: {  	v12 =	vor.u32 v7, v11  }
0x2dc: {  	v9 =	vor.u32 v8, v9;
	_ =	sdelay $0x1  }
.Ltmp10:
0x2dd: {  	(pc) =	sbr.rel @p1 .LBB2_18-.Ltmp10, $4  }
0x2de: {  	_ = 	snop  }
0x2df: {  	[tilespmem:v12+s17+$0x0] =	vst.idx.msk $0xffff, v10  }
0x2e0: {  	v9 =	vld.idx.msk [tilespmem:v9+s1+$0x0], $0xffff  }
0x2e1: {  	v10 =	vor.u32 v8, v11  }
0x2e2: {  	_ =	sdelay $0x3  }
0x2e3: {  	s6 =	simm.s32 $0x0;
	s5 =	rddreg [dreg:$0xd];
	[tilespmem:v10+s17+$0x0] =	vst.idx.msk $0xffff, v9  }
0x2e4: {  	[hbm4b:s5+s6] =	stream.linear.scatter [tilespmem:s17], [sflag:$0x1], $0x2800, $0x38;
	[tilespmem:$0x16C80] =	vst v63  }
0x2e5: {  	_ =	swait.ge [sflag:s26], $0x2800  }
0x2e6: {  	[sflag:s26] =	ssyncset.done $0x0  }
0x2e7: {  	s5 =	simm.s32 $0x22D0;
	[sflag:s26] =	ssyncadd.s32 $0xFFFFD800  }
0x2e8: {  	v9 =	vld [tilespmem:s5+$0x0];
	_ =	sdelay $0x4  }
0x2e9: {  	v9 =	vshll.u32 v9, $0x7  }
0x2ea: {  	v10 =	vor.u32 v0, v9;
	_ =	sdelay $0x1  }
0x2eb: {  	v11 =	vmov s6  }
0x2ec: {  	v11 =	vshll.u32 v11, $0x7  }
0x2ed: {  	v11 =	vor.u32 v1, v11  }
0x2ee: {  	v12 =	vor.u32 v0, v11;
	v10 =	vld.idx.msk [tilespmem:v10+s1+$0x0], $0xffff  }
0x2ef: {  	v13 =	vor.u32 v2, v9;
	_ =	sdelay $0x3  }
0x2f0: {  	[tilespmem:v12+s18+$0x0] =	vst.idx.msk $0xffff, v10  }
0x2f1: {  	v53 =	vor.u32 v2, v11;
	v10 =	vld.idx.msk [tilespmem:v13+s1+$0x0], $0xffff  }
0x2f2: {  	v54 =	vor.u32 v3, v9;
	_ =	sdelay $0x3  }
0x2f3: {  	[tilespmem:v53+s18+$0x0] =	vst.idx.msk $0xffff, v10  }
0x2f4: {  	v55 =	vor.u32 v3, v11;
	v10 =	vld.idx.msk [tilespmem:v54+s1+$0x0], $0xffff  }
0x2f5: {  	v56 =	vor.u32 v4, v9;
	_ =	sdelay $0x3  }
0x2f6: {  	[tilespmem:v55+s18+$0x0] =	vst.idx.msk $0xffff, v10  }
0x2f7: {  	v57 =	vor.u32 v4, v11;
	v10 =	vld.idx.msk [tilespmem:v56+s1+$0x0], $0xffff  }
0x2f8: {  	v58 =	vor.u32 v5, v9;
	_ =	sdelay $0x3  }
0x2f9: {  	[tilespmem:v57+s18+$0x0] =	vst.idx.msk $0xffff, v10  }
0x2fa: {  	v59 =	vor.u32 v5, v11;
	v10 =	vld.idx.msk [tilespmem:v58+s1+$0x0], $0xffff  }
0x2fb: {  	v60 =	vor.u32 v6, v9;
	_ =	sdelay $0x3  }
0x2fc: {  	[tilespmem:v59+s18+$0x0] =	vst.idx.msk $0xffff, v10  }
0x2fd: {  	v61 =	vor.u32 v6, v11;
	v10 =	vld.idx.msk [tilespmem:v60+s1+$0x0], $0xffff  }
0x2fe: {  	v62 =	vor.u32 v7, v9;
	_ =	sdelay $0x3  }
0x2ff: {  	[tilespmem:v61+s18+$0x0] =	vst.idx.msk $0xffff, v10  }
0x300: {  	v63 =	vor.u32 v7, v11;
	v10 =	vld.idx.msk [tilespmem:v62+s1+$0x0], $0xffff  }
0x301: {  	v9 =	vor.u32 v8, v9;
	_ =	sdelay $0x3  }
0x302: {  	[tilespmem:v63+s18+$0x0] =	vst.idx.msk $0xffff, v10  }
0x303: {  	s6 =	simm.s32 $0x10;
	v10 =	vor.u32 v8, v11;
	v9 =	vld.idx.msk [tilespmem:v9+s1+$0x0], $0xffff  }
.LBB2_20:
0x304: {  	_ =	sdelay $0x2  }
0x305: {  	p1 =	sne.s32 s6, $0x40  }
0x306: {  	s5 =	sadd.s32 $0x10, s5;
	s7 =	smov.u32 s6;
	s6 =	sadd.s32 $0x10, s6;
	[tilespmem:v10+s18+$0x0] =	vst.idx.msk $0xffff, v9  }
0x307: {  	v9 =	vld [tilespmem:s5+$0x0];
	_ =	sdelay $0x4  }
0x308: {  	v9 =	vshll.u32 v9, $0x7  }
0x309: {  	v10 =	vor.u32 v0, v9;
	_ =	sdelay $0x2  }
0x30a: {  	v11 =	vmov s7  }
0x30b: {  	v11 =	vshll.u32 v11, $0x7  }
0x30c: {  	v11 =	vor.u32 v1, v11;
	v10 =	vld.idx.msk [tilespmem:v10+s1+$0x0], $0xffff  }
0x30d: {  	v12 =	vor.u32 v0, v11  }
0x30e: {  	v13 =	vor.u32 v2, v9;
	_ =	sdelay $0x3  }
0x30f: {  	[tilespmem:v12+s18+$0x0] =	vst.idx.msk $0xffff, v10  }
0x310: {  	v10 =	vld.idx.msk [tilespmem:v13+s1+$0x0], $0xffff  }
0x311: {  	v12 =	vor.u32 v2, v11  }
0x312: {  	v13 =	vor.u32 v3, v9;
	_ =	sdelay $0x3  }
0x313: {  	[tilespmem:v12+s18+$0x0] =	vst.idx.msk $0xffff, v10  }
0x314: {  	v10 =	vld.idx.msk [tilespmem:v13+s1+$0x0], $0xffff  }
0x315: {  	v12 =	vor.u32 v3, v11  }
0x316: {  	v13 =	vor.u32 v4, v9;
	_ =	sdelay $0x3  }
0x317: {  	[tilespmem:v12+s18+$0x0] =	vst.idx.msk $0xffff, v10  }
0x318: {  	v10 =	vld.idx.msk [tilespmem:v13+s1+$0x0], $0xffff  }
0x319: {  	v12 =	vor.u32 v4, v11  }
0x31a: {  	v13 =	vor.u32 v5, v9;
	_ =	sdelay $0x3  }
0x31b: {  	[tilespmem:v12+s18+$0x0] =	vst.idx.msk $0xffff, v10  }
0x31c: {  	v10 =	vld.idx.msk [tilespmem:v13+s1+$0x0], $0xffff  }
0x31d: {  	v12 =	vor.u32 v5, v11  }
0x31e: {  	v13 =	vor.u32 v6, v9;
	_ =	sdelay $0x3  }
0x31f: {  	[tilespmem:v12+s18+$0x0] =	vst.idx.msk $0xffff, v10  }
0x320: {  	v10 =	vld.idx.msk [tilespmem:v13+s1+$0x0], $0xffff  }
0x321: {  	v12 =	vor.u32 v6, v11  }
0x322: {  	v13 =	vor.u32 v7, v9;
	_ =	sdelay $0x3  }
0x323: {  	[tilespmem:v12+s18+$0x0] =	vst.idx.msk $0xffff, v10  }
0x324: {  	v10 =	vld.idx.msk [tilespmem:v13+s1+$0x0], $0xffff  }
0x325: {  	v12 =	vor.u32 v7, v11  }
0x326: {  	v9 =	vor.u32 v8, v9;
	_ =	sdelay $0x1  }
.Ltmp11:
0x327: {  	(pc) =	sbr.rel @p1 .LBB2_20-.Ltmp11, $4  }
0x328: {  	_ = 	snop  }
0x329: {  	[tilespmem:v12+s18+$0x0] =	vst.idx.msk $0xffff, v10  }
0x32a: {  	v9 =	vld.idx.msk [tilespmem:v9+s1+$0x0], $0xffff  }
0x32b: {  	v10 =	vor.u32 v8, v11  }
0x32c: {  	_ =	sdelay $0x3  }
0x32d: {  	s6 =	simm.s32 $0x0;
	s5 =	rddreg [dreg:$0xe];
	[tilespmem:v10+s18+$0x0] =	vst.idx.msk $0xffff, v9  }
0x32e: {  	[hbm4b:s5+s6] =	stream.linear.scatter [tilespmem:s18], [sflag:$0x2], $0x2800, $0x38;
	[tilespmem:$0x16C80] =	vst v63  }
0x32f: {  	_ =	swait.ge [sflag:s28], $0x2800  }
0x330: {  	[sflag:s28] =	ssyncset.done $0x0  }
0x331: {  	s5 =	simm.s32 $0x2320;
	[sflag:s28] =	ssyncadd.s32 $0xFFFFD800  }
0x332: {  	v9 =	vld [tilespmem:s5+$0x0];
	_ =	sdelay $0x4  }
0x333: {  	v9 =	vshll.u32 v9, $0x7  }
0x334: {  	v10 =	vor.u32 v0, v9;
	_ =	sdelay $0x1  }
0x335: {  	v11 =	vmov s6  }
0x336: {  	v11 =	vshll.u32 v11, $0x7  }
0x337: {  	v11 =	vor.u32 v1, v11  }
0x338: {  	v12 =	vor.u32 v0, v11;
	v10 =	vld.idx.msk [tilespmem:v10+s1+$0x0], $0xffff  }
0x339: {  	v13 =	vor.u32 v2, v9;
	_ =	sdelay $0x3  }
0x33a: {  	[tilespmem:v12+s19+$0x0] =	vst.idx.msk $0xffff, v10  }
0x33b: {  	v53 =	vor.u32 v2, v11;
	v10 =	vld.idx.msk [tilespmem:v13+s1+$0x0], $0xffff  }
0x33c: {  	v54 =	vor.u32 v3, v9;
	_ =	sdelay $0x3  }
0x33d: {  	[tilespmem:v53+s19+$0x0] =	vst.idx.msk $0xffff, v10  }
0x33e: {  	v55 =	vor.u32 v3, v11;
	v10 =	vld.idx.msk [tilespmem:v54+s1+$0x0], $0xffff  }
0x33f: {  	v56 =	vor.u32 v4, v9;
	_ =	sdelay $0x3  }
0x340: {  	[tilespmem:v55+s19+$0x0] =	vst.idx.msk $0xffff, v10  }
0x341: {  	v57 =	vor.u32 v4, v11;
	v10 =	vld.idx.msk [tilespmem:v56+s1+$0x0], $0xffff  }
0x342: {  	v58 =	vor.u32 v5, v9;
	_ =	sdelay $0x3  }
0x343: {  	[tilespmem:v57+s19+$0x0] =	vst.idx.msk $0xffff, v10  }
0x344: {  	v59 =	vor.u32 v5, v11;
	v10 =	vld.idx.msk [tilespmem:v58+s1+$0x0], $0xffff  }
0x345: {  	v60 =	vor.u32 v6, v9;
	_ =	sdelay $0x3  }
0x346: {  	[tilespmem:v59+s19+$0x0] =	vst.idx.msk $0xffff, v10  }
0x347: {  	v61 =	vor.u32 v6, v11;
	v10 =	vld.idx.msk [tilespmem:v60+s1+$0x0], $0xffff  }
0x348: {  	v62 =	vor.u32 v7, v9;
	_ =	sdelay $0x3  }
0x349: {  	[tilespmem:v61+s19+$0x0] =	vst.idx.msk $0xffff, v10  }
0x34a: {  	v63 =	vor.u32 v7, v11;
	v10 =	vld.idx.msk [tilespmem:v62+s1+$0x0], $0xffff  }
0x34b: {  	v9 =	vor.u32 v8, v9;
	_ =	sdelay $0x3  }
0x34c: {  	[tilespmem:v63+s19+$0x0] =	vst.idx.msk $0xffff, v10  }
0x34d: {  	s6 =	simm.s32 $0x10;
	v10 =	vor.u32 v8, v11;
	v9 =	vld.idx.msk [tilespmem:v9+s1+$0x0], $0xffff  }
.LBB2_22:
0x34e: {  	_ =	sdelay $0x2  }
0x34f: {  	p1 =	sne.s32 s6, $0x40  }
0x350: {  	s5 =	sadd.s32 $0x10, s5;
	s7 =	smov.u32 s6;
	s6 =	sadd.s32 $0x10, s6;
	[tilespmem:v10+s19+$0x0] =	vst.idx.msk $0xffff, v9  }
0x351: {  	v9 =	vld [tilespmem:s5+$0x0];
	_ =	sdelay $0x4  }
0x352: {  	v9 =	vshll.u32 v9, $0x7  }
0x353: {  	v10 =	vor.u32 v0, v9;
	_ =	sdelay $0x2  }
0x354: {  	v11 =	vmov s7  }
0x355: {  	v11 =	vshll.u32 v11, $0x7  }
0x356: {  	v11 =	vor.u32 v1, v11;
	v10 =	vld.idx.msk [tilespmem:v10+s1+$0x0], $0xffff  }
0x357: {  	v12 =	vor.u32 v0, v11  }
0x358: {  	v13 =	vor.u32 v2, v9;
	_ =	sdelay $0x3  }
0x359: {  	[tilespmem:v12+s19+$0x0] =	vst.idx.msk $0xffff, v10  }
0x35a: {  	v10 =	vld.idx.msk [tilespmem:v13+s1+$0x0], $0xffff  }
0x35b: {  	v12 =	vor.u32 v2, v11  }
0x35c: {  	v13 =	vor.u32 v3, v9;
	_ =	sdelay $0x3  }
0x35d: {  	[tilespmem:v12+s19+$0x0] =	vst.idx.msk $0xffff, v10  }
0x35e: {  	v10 =	vld.idx.msk [tilespmem:v13+s1+$0x0], $0xffff  }
0x35f: {  	v12 =	vor.u32 v3, v11  }
0x360: {  	v13 =	vor.u32 v4, v9;
	_ =	sdelay $0x3  }
0x361: {  	[tilespmem:v12+s19+$0x0] =	vst.idx.msk $0xffff, v10  }
0x362: {  	v10 =	vld.idx.msk [tilespmem:v13+s1+$0x0], $0xffff  }
0x363: {  	v12 =	vor.u32 v4, v11  }
0x364: {  	v13 =	vor.u32 v5, v9;
	_ =	sdelay $0x3  }
0x365: {  	[tilespmem:v12+s19+$0x0] =	vst.idx.msk $0xffff, v10  }
0x366: {  	v10 =	vld.idx.msk [tilespmem:v13+s1+$0x0], $0xffff  }
0x367: {  	v12 =	vor.u32 v5, v11  }
0x368: {  	v13 =	vor.u32 v6, v9;
	_ =	sdelay $0x3  }
0x369: {  	[tilespmem:v12+s19+$0x0] =	vst.idx.msk $0xffff, v10  }
0x36a: {  	v10 =	vld.idx.msk [tilespmem:v13+s1+$0x0], $0xffff  }
0x36b: {  	v12 =	vor.u32 v6, v11  }
0x36c: {  	v13 =	vor.u32 v7, v9;
	_ =	sdelay $0x3  }
0x36d: {  	[tilespmem:v12+s19+$0x0] =	vst.idx.msk $0xffff, v10  }
0x36e: {  	v10 =	vld.idx.msk [tilespmem:v13+s1+$0x0], $0xffff  }
0x36f: {  	v12 =	vor.u32 v7, v11  }
0x370: {  	v9 =	vor.u32 v8, v9;
	_ =	sdelay $0x1  }
.Ltmp12:
0x371: {  	(pc) =	sbr.rel @p1 .LBB2_22-.Ltmp12, $4  }
0x372: {  	_ = 	snop  }
0x373: {  	[tilespmem:v12+s19+$0x0] =	vst.idx.msk $0xffff, v10  }
0x374: {  	v9 =	vld.idx.msk [tilespmem:v9+s1+$0x0], $0xffff  }
0x375: {  	v10 =	vor.u32 v8, v11  }
0x376: {  	_ =	sdelay $0x3  }
0x377: {  	s6 =	simm.s32 $0x0;
	s5 =	rddreg [dreg:$0xf];
	[tilespmem:v10+s19+$0x0] =	vst.idx.msk $0xffff, v9  }
0x378: {  	[hbm4b:s5+s6] =	stream.linear.scatter [tilespmem:s19], [sflag:$0x3], $0x2800, $0x38;
	[tilespmem:$0x16C80] =	vst v63  }
0x379: {  	_ =	swait.ge [sflag:s29], $0x2800  }
0x37a: {  	[sflag:s29] =	ssyncset.done $0x0  }
0x37b: {  	s5 =	simm.s32 $0x2370;
	[sflag:s29] =	ssyncadd.s32 $0xFFFFD800  }
0x37c: {  	v9 =	vld [tilespmem:s5+$0x0];
	_ =	sdelay $0x4  }
0x37d: {  	v9 =	vshll.u32 v9, $0x7  }
0x37e: {  	v10 =	vor.u32 v0, v9;
	_ =	sdelay $0x1  }
0x37f: {  	v11 =	vmov s6  }
0x380: {  	v11 =	vshll.u32 v11, $0x7  }
0x381: {  	v11 =	vor.u32 v1, v11  }
0x382: {  	v12 =	vor.u32 v0, v11;
	v10 =	vld.idx.msk [tilespmem:v10+s1+$0x0], $0xffff  }
0x383: {  	v13 =	vor.u32 v2, v9;
	_ =	sdelay $0x3  }
0x384: {  	[tilespmem:v12+s20+$0x0] =	vst.idx.msk $0xffff, v10  }
0x385: {  	v53 =	vor.u32 v2, v11;
	v10 =	vld.idx.msk [tilespmem:v13+s1+$0x0], $0xffff  }
0x386: {  	v54 =	vor.u32 v3, v9;
	_ =	sdelay $0x3  }
0x387: {  	[tilespmem:v53+s20+$0x0] =	vst.idx.msk $0xffff, v10  }
0x388: {  	v55 =	vor.u32 v3, v11;
	v10 =	vld.idx.msk [tilespmem:v54+s1+$0x0], $0xffff  }
0x389: {  	v56 =	vor.u32 v4, v9;
	_ =	sdelay $0x3  }
0x38a: {  	[tilespmem:v55+s20+$0x0] =	vst.idx.msk $0xffff, v10  }
0x38b: {  	v57 =	vor.u32 v4, v11;
	v10 =	vld.idx.msk [tilespmem:v56+s1+$0x0], $0xffff  }
0x38c: {  	v58 =	vor.u32 v5, v9;
	_ =	sdelay $0x3  }
0x38d: {  	[tilespmem:v57+s20+$0x0] =	vst.idx.msk $0xffff, v10  }
0x38e: {  	v59 =	vor.u32 v5, v11;
	v10 =	vld.idx.msk [tilespmem:v58+s1+$0x0], $0xffff  }
0x38f: {  	v60 =	vor.u32 v6, v9;
	_ =	sdelay $0x3  }
0x390: {  	[tilespmem:v59+s20+$0x0] =	vst.idx.msk $0xffff, v10  }
0x391: {  	v61 =	vor.u32 v6, v11;
	v10 =	vld.idx.msk [tilespmem:v60+s1+$0x0], $0xffff  }
0x392: {  	v62 =	vor.u32 v7, v9;
	_ =	sdelay $0x3  }
0x393: {  	[tilespmem:v61+s20+$0x0] =	vst.idx.msk $0xffff, v10  }
0x394: {  	v63 =	vor.u32 v7, v11;
	v10 =	vld.idx.msk [tilespmem:v62+s1+$0x0], $0xffff  }
0x395: {  	v9 =	vor.u32 v8, v9;
	_ =	sdelay $0x3  }
0x396: {  	[tilespmem:v63+s20+$0x0] =	vst.idx.msk $0xffff, v10  }
0x397: {  	s6 =	simm.s32 $0x10;
	v10 =	vor.u32 v8, v11;
	v9 =	vld.idx.msk [tilespmem:v9+s1+$0x0], $0xffff  }
.LBB2_24:
0x398: {  	_ =	sdelay $0x2  }
0x399: {  	p1 =	sne.s32 s6, $0x40  }
0x39a: {  	s5 =	sadd.s32 $0x10, s5;
	s7 =	smov.u32 s6;
	s6 =	sadd.s32 $0x10, s6;
	[tilespmem:v10+s20+$0x0] =	vst.idx.msk $0xffff, v9  }
0x39b: {  	v9 =	vld [tilespmem:s5+$0x0];
	_ =	sdelay $0x4  }
0x39c: {  	v9 =	vshll.u32 v9, $0x7  }
0x39d: {  	v10 =	vor.u32 v0, v9;
	_ =	sdelay $0x2  }
0x39e: {  	v11 =	vmov s7  }
0x39f: {  	v11 =	vshll.u32 v11, $0x7  }
0x3a0: {  	v11 =	vor.u32 v1, v11;
	v10 =	vld.idx.msk [tilespmem:v10+s1+$0x0], $0xffff  }
0x3a1: {  	v12 =	vor.u32 v0, v11  }
0x3a2: {  	v13 =	vor.u32 v2, v9;
	_ =	sdelay $0x3  }
0x3a3: {  	[tilespmem:v12+s20+$0x0] =	vst.idx.msk $0xffff, v10  }
0x3a4: {  	v10 =	vld.idx.msk [tilespmem:v13+s1+$0x0], $0xffff  }
0x3a5: {  	v12 =	vor.u32 v2, v11  }
0x3a6: {  	v13 =	vor.u32 v3, v9;
	_ =	sdelay $0x3  }
0x3a7: {  	[tilespmem:v12+s20+$0x0] =	vst.idx.msk $0xffff, v10  }
0x3a8: {  	v10 =	vld.idx.msk [tilespmem:v13+s1+$0x0], $0xffff  }
0x3a9: {  	v12 =	vor.u32 v3, v11  }
0x3aa: {  	v13 =	vor.u32 v4, v9;
	_ =	sdelay $0x3  }
0x3ab: {  	[tilespmem:v12+s20+$0x0] =	vst.idx.msk $0xffff, v10  }
0x3ac: {  	v10 =	vld.idx.msk [tilespmem:v13+s1+$0x0], $0xffff  }
0x3ad: {  	v12 =	vor.u32 v4, v11  }
0x3ae: {  	v13 =	vor.u32 v5, v9;
	_ =	sdelay $0x3  }
0x3af: {  	[tilespmem:v12+s20+$0x0] =	vst.idx.msk $0xffff, v10  }
0x3b0: {  	v10 =	vld.idx.msk [tilespmem:v13+s1+$0x0], $0xffff  }
0x3b1: {  	v12 =	vor.u32 v5, v11  }
0x3b2: {  	v13 =	vor.u32 v6, v9;
	_ =	sdelay $0x3  }
0x3b3: {  	[tilespmem:v12+s20+$0x0] =	vst.idx.msk $0xffff, v10  }
0x3b4: {  	v10 =	vld.idx.msk [tilespmem:v13+s1+$0x0], $0xffff  }
0x3b5: {  	v12 =	vor.u32 v6, v11  }
0x3b6: {  	v13 =	vor.u32 v7, v9;
	_ =	sdelay $0x3  }
0x3b7: {  	[tilespmem:v12+s20+$0x0] =	vst.idx.msk $0xffff, v10  }
0x3b8: {  	v10 =	vld.idx.msk [tilespmem:v13+s1+$0x0], $0xffff  }
0x3b9: {  	v12 =	vor.u32 v7, v11  }
0x3ba: {  	v9 =	vor.u32 v8, v9;
	_ =	sdelay $0x1  }
.Ltmp13:
0x3bb: {  	(pc) =	sbr.rel @p1 .LBB2_24-.Ltmp13, $4  }
0x3bc: {  	_ = 	snop  }
0x3bd: {  	[tilespmem:v12+s20+$0x0] =	vst.idx.msk $0xffff, v10  }
0x3be: {  	v9 =	vld.idx.msk [tilespmem:v9+s1+$0x0], $0xffff  }
0x3bf: {  	v10 =	vor.u32 v8, v11  }
0x3c0: {  	_ =	sdelay $0x3  }
0x3c1: {  	s6 =	simm.s32 $0x0;
	s5 =	rddreg [dreg:$0x10];
	[tilespmem:v10+s20+$0x0] =	vst.idx.msk $0xffff, v9  }
0x3c2: {  	[hbm4b:s5+s6] =	stream.linear.scatter [tilespmem:s20], [sflag:$0x4], $0x2800, $0x38;
	[tilespmem:$0x16C80] =	vst v63  }
0x3c3: {  	_ =	swait.ge [sflag:s30], $0x2800  }
0x3c4: {  	[sflag:s30] =	ssyncset.done $0x0  }
0x3c5: {  	s5 =	simm.s32 $0x23C0;
	[sflag:s30] =	ssyncadd.s32 $0xFFFFD800  }
0x3c6: {  	v9 =	vld [tilespmem:s5+$0x0];
	_ =	sdelay $0x4  }
0x3c7: {  	v9 =	vshll.u32 v9, $0x7  }
0x3c8: {  	v10 =	vor.u32 v0, v9;
	_ =	sdelay $0x1  }
0x3c9: {  	v11 =	vmov s6  }
0x3ca: {  	v11 =	vshll.u32 v11, $0x7  }
0x3cb: {  	v11 =	vor.u32 v1, v11  }
0x3cc: {  	v12 =	vor.u32 v0, v11;
	v10 =	vld.idx.msk [tilespmem:v10+s1+$0x0], $0xffff  }
0x3cd: {  	v13 =	vor.u32 v2, v9;
	_ =	sdelay $0x3  }
0x3ce: {  	[tilespmem:v12+s21+$0x0] =	vst.idx.msk $0xffff, v10  }
0x3cf: {  	v53 =	vor.u32 v2, v11;
	v10 =	vld.idx.msk [tilespmem:v13+s1+$0x0], $0xffff  }
0x3d0: {  	v54 =	vor.u32 v3, v9;
	_ =	sdelay $0x3  }
0x3d1: {  	[tilespmem:v53+s21+$0x0] =	vst.idx.msk $0xffff, v10  }
0x3d2: {  	v55 =	vor.u32 v3, v11;
	v10 =	vld.idx.msk [tilespmem:v54+s1+$0x0], $0xffff  }
0x3d3: {  	v56 =	vor.u32 v4, v9;
	_ =	sdelay $0x3  }
0x3d4: {  	[tilespmem:v55+s21+$0x0] =	vst.idx.msk $0xffff, v10  }
0x3d5: {  	v57 =	vor.u32 v4, v11;
	v10 =	vld.idx.msk [tilespmem:v56+s1+$0x0], $0xffff  }
0x3d6: {  	v58 =	vor.u32 v5, v9;
	_ =	sdelay $0x3  }
0x3d7: {  	[tilespmem:v57+s21+$0x0] =	vst.idx.msk $0xffff, v10  }
0x3d8: {  	v59 =	vor.u32 v5, v11;
	v10 =	vld.idx.msk [tilespmem:v58+s1+$0x0], $0xffff  }
0x3d9: {  	v60 =	vor.u32 v6, v9;
	_ =	sdelay $0x3  }
0x3da: {  	[tilespmem:v59+s21+$0x0] =	vst.idx.msk $0xffff, v10  }
0x3db: {  	v61 =	vor.u32 v6, v11;
	v10 =	vld.idx.msk [tilespmem:v60+s1+$0x0], $0xffff  }
0x3dc: {  	v62 =	vor.u32 v7, v9;
	_ =	sdelay $0x3  }
0x3dd: {  	[tilespmem:v61+s21+$0x0] =	vst.idx.msk $0xffff, v10  }
0x3de: {  	v63 =	vor.u32 v7, v11;
	v10 =	vld.idx.msk [tilespmem:v62+s1+$0x0], $0xffff  }
0x3df: {  	v9 =	vor.u32 v8, v9;
	_ =	sdelay $0x3  }
0x3e0: {  	[tilespmem:v63+s21+$0x0] =	vst.idx.msk $0xffff, v10  }
0x3e1: {  	s6 =	simm.s32 $0x10;
	v10 =	vor.u32 v8, v11;
	v9 =	vld.idx.msk [tilespmem:v9+s1+$0x0], $0xffff  }
.LBB2_26:
0x3e2: {  	_ =	sdelay $0x2  }
0x3e3: {  	p1 =	sne.s32 s6, $0x40  }
0x3e4: {  	s5 =	sadd.s32 $0x10, s5;
	s7 =	smov.u32 s6;
	s6 =	sadd.s32 $0x10, s6;
	[tilespmem:v10+s21+$0x0] =	vst.idx.msk $0xffff, v9  }
0x3e5: {  	v9 =	vld [tilespmem:s5+$0x0];
	_ =	sdelay $0x4  }
0x3e6: {  	v9 =	vshll.u32 v9, $0x7  }
0x3e7: {  	v10 =	vor.u32 v0, v9;
	_ =	sdelay $0x2  }
0x3e8: {  	v11 =	vmov s7  }
0x3e9: {  	v11 =	vshll.u32 v11, $0x7  }
0x3ea: {  	v11 =	vor.u32 v1, v11;
	v10 =	vld.idx.msk [tilespmem:v10+s1+$0x0], $0xffff  }
0x3eb: {  	v12 =	vor.u32 v0, v11  }
0x3ec: {  	v13 =	vor.u32 v2, v9;
	_ =	sdelay $0x3  }
0x3ed: {  	[tilespmem:v12+s21+$0x0] =	vst.idx.msk $0xffff, v10  }
0x3ee: {  	v10 =	vld.idx.msk [tilespmem:v13+s1+$0x0], $0xffff  }
0x3ef: {  	v12 =	vor.u32 v2, v11  }
0x3f0: {  	v13 =	vor.u32 v3, v9;
	_ =	sdelay $0x3  }
0x3f1: {  	[tilespmem:v12+s21+$0x0] =	vst.idx.msk $0xffff, v10  }
0x3f2: {  	v10 =	vld.idx.msk [tilespmem:v13+s1+$0x0], $0xffff  }
0x3f3: {  	v12 =	vor.u32 v3, v11  }
0x3f4: {  	v13 =	vor.u32 v4, v9;
	_ =	sdelay $0x3  }
0x3f5: {  	[tilespmem:v12+s21+$0x0] =	vst.idx.msk $0xffff, v10  }
0x3f6: {  	v10 =	vld.idx.msk [tilespmem:v13+s1+$0x0], $0xffff  }
0x3f7: {  	v12 =	vor.u32 v4, v11  }
0x3f8: {  	v13 =	vor.u32 v5, v9;
	_ =	sdelay $0x3  }
0x3f9: {  	[tilespmem:v12+s21+$0x0] =	vst.idx.msk $0xffff, v10  }
0x3fa: {  	v10 =	vld.idx.msk [tilespmem:v13+s1+$0x0], $0xffff  }
0x3fb: {  	v12 =	vor.u32 v5, v11  }
0x3fc: {  	v13 =	vor.u32 v6, v9;
	_ =	sdelay $0x3  }
0x3fd: {  	[tilespmem:v12+s21+$0x0] =	vst.idx.msk $0xffff, v10  }
0x3fe: {  	v10 =	vld.idx.msk [tilespmem:v13+s1+$0x0], $0xffff  }
0x3ff: {  	v12 =	vor.u32 v6, v11  }
0x400: {  	v13 =	vor.u32 v7, v9;
	_ =	sdelay $0x3  }
0x401: {  	[tilespmem:v12+s21+$0x0] =	vst.idx.msk $0xffff, v10  }
0x402: {  	v10 =	vld.idx.msk [tilespmem:v13+s1+$0x0], $0xffff  }
0x403: {  	v12 =	vor.u32 v7, v11  }
0x404: {  	v9 =	vor.u32 v8, v9;
	_ =	sdelay $0x1  }
.Ltmp14:
0x405: {  	(pc) =	sbr.rel @p1 .LBB2_26-.Ltmp14, $4  }
0x406: {  	_ = 	snop  }
0x407: {  	[tilespmem:v12+s21+$0x0] =	vst.idx.msk $0xffff, v10  }
0x408: {  	v9 =	vld.idx.msk [tilespmem:v9+s1+$0x0], $0xffff  }
0x409: {  	v10 =	vor.u32 v8, v11  }
0x40a: {  	_ =	sdelay $0x3  }
0x40b: {  	s6 =	simm.s32 $0x0;
	s5 =	rddreg [dreg:$0x11];
	[tilespmem:v10+s21+$0x0] =	vst.idx.msk $0xffff, v9  }
0x40c: {  	[hbm4b:s5+s6] =	stream.linear.scatter [tilespmem:s21], [sflag:$0x5], $0x2800, $0x38;
	[tilespmem:$0x16C80] =	vst v63  }
0x40d: {  	_ =	swait.ge [sflag:s31], $0x2800  }
0x40e: {  	[sflag:s31] =	ssyncset.done $0x0  }
0x40f: {  	s5 =	simm.s32 $0x2410;
	[sflag:s31] =	ssyncadd.s32 $0xFFFFD800  }
0x410: {  	v9 =	vld [tilespmem:s5+$0x0];
	_ =	sdelay $0x4  }
0x411: {  	v9 =	vshll.u32 v9, $0x7  }
0x412: {  	v10 =	vor.u32 v0, v9;
	_ =	sdelay $0x1  }
0x413: {  	v11 =	vmov s6  }
0x414: {  	v11 =	vshll.u32 v11, $0x7  }
0x415: {  	v11 =	vor.u32 v1, v11  }
0x416: {  	v12 =	vor.u32 v0, v11;
	v10 =	vld.idx.msk [tilespmem:v10+s1+$0x0], $0xffff  }
0x417: {  	v13 =	vor.u32 v2, v9;
	_ =	sdelay $0x3  }
0x418: {  	[tilespmem:v12+s22+$0x0] =	vst.idx.msk $0xffff, v10  }
0x419: {  	v53 =	vor.u32 v2, v11;
	v10 =	vld.idx.msk [tilespmem:v13+s1+$0x0], $0xffff  }
0x41a: {  	v54 =	vor.u32 v3, v9;
	_ =	sdelay $0x3  }
0x41b: {  	[tilespmem:v53+s22+$0x0] =	vst.idx.msk $0xffff, v10  }
0x41c: {  	v55 =	vor.u32 v3, v11;
	v10 =	vld.idx.msk [tilespmem:v54+s1+$0x0], $0xffff  }
0x41d: {  	v56 =	vor.u32 v4, v9;
	_ =	sdelay $0x3  }
0x41e: {  	[tilespmem:v55+s22+$0x0] =	vst.idx.msk $0xffff, v10  }
0x41f: {  	v57 =	vor.u32 v4, v11;
	v10 =	vld.idx.msk [tilespmem:v56+s1+$0x0], $0xffff  }
0x420: {  	v58 =	vor.u32 v5, v9;
	_ =	sdelay $0x3  }
0x421: {  	[tilespmem:v57+s22+$0x0] =	vst.idx.msk $0xffff, v10  }
0x422: {  	v59 =	vor.u32 v5, v11;
	v10 =	vld.idx.msk [tilespmem:v58+s1+$0x0], $0xffff  }
0x423: {  	v60 =	vor.u32 v6, v9;
	_ =	sdelay $0x3  }
0x424: {  	[tilespmem:v59+s22+$0x0] =	vst.idx.msk $0xffff, v10  }
0x425: {  	v61 =	vor.u32 v6, v11;
	v10 =	vld.idx.msk [tilespmem:v60+s1+$0x0], $0xffff  }
0x426: {  	v62 =	vor.u32 v7, v9;
	_ =	sdelay $0x3  }
0x427: {  	[tilespmem:v61+s22+$0x0] =	vst.idx.msk $0xffff, v10  }
0x428: {  	v63 =	vor.u32 v7, v11;
	v10 =	vld.idx.msk [tilespmem:v62+s1+$0x0], $0xffff  }
0x429: {  	v9 =	vor.u32 v8, v9;
	_ =	sdelay $0x3  }
0x42a: {  	[tilespmem:v63+s22+$0x0] =	vst.idx.msk $0xffff, v10  }
0x42b: {  	s6 =	simm.s32 $0x10;
	v10 =	vor.u32 v8, v11;
	v9 =	vld.idx.msk [tilespmem:v9+s1+$0x0], $0xffff  }
.LBB2_28:
0x42c: {  	_ =	sdelay $0x2  }
0x42d: {  	p1 =	sne.s32 s6, $0x40  }
0x42e: {  	s5 =	sadd.s32 $0x10, s5;
	s7 =	smov.u32 s6;
	s6 =	sadd.s32 $0x10, s6;
	[tilespmem:v10+s22+$0x0] =	vst.idx.msk $0xffff, v9  }
0x42f: {  	v9 =	vld [tilespmem:s5+$0x0];
	_ =	sdelay $0x4  }
0x430: {  	v9 =	vshll.u32 v9, $0x7  }
0x431: {  	v10 =	vor.u32 v0, v9;
	_ =	sdelay $0x2  }
0x432: {  	v11 =	vmov s7  }
0x433: {  	v11 =	vshll.u32 v11, $0x7  }
0x434: {  	v11 =	vor.u32 v1, v11;
	v10 =	vld.idx.msk [tilespmem:v10+s1+$0x0], $0xffff  }
0x435: {  	v12 =	vor.u32 v0, v11  }
0x436: {  	v13 =	vor.u32 v2, v9;
	_ =	sdelay $0x3  }
0x437: {  	[tilespmem:v12+s22+$0x0] =	vst.idx.msk $0xffff, v10  }
0x438: {  	v10 =	vld.idx.msk [tilespmem:v13+s1+$0x0], $0xffff  }
0x439: {  	v12 =	vor.u32 v2, v11  }
0x43a: {  	v13 =	vor.u32 v3, v9;
	_ =	sdelay $0x3  }
0x43b: {  	[tilespmem:v12+s22+$0x0] =	vst.idx.msk $0xffff, v10  }
0x43c: {  	v10 =	vld.idx.msk [tilespmem:v13+s1+$0x0], $0xffff  }
0x43d: {  	v12 =	vor.u32 v3, v11  }
0x43e: {  	v13 =	vor.u32 v4, v9;
	_ =	sdelay $0x3  }
0x43f: {  	[tilespmem:v12+s22+$0x0] =	vst.idx.msk $0xffff, v10  }
0x440: {  	v10 =	vld.idx.msk [tilespmem:v13+s1+$0x0], $0xffff  }
0x441: {  	v12 =	vor.u32 v4, v11  }
0x442: {  	v13 =	vor.u32 v5, v9;
	_ =	sdelay $0x3  }
0x443: {  	[tilespmem:v12+s22+$0x0] =	vst.idx.msk $0xffff, v10  }
0x444: {  	v10 =	vld.idx.msk [tilespmem:v13+s1+$0x0], $0xffff  }
0x445: {  	v12 =	vor.u32 v5, v11  }
0x446: {  	v13 =	vor.u32 v6, v9;
	_ =	sdelay $0x3  }
0x447: {  	[tilespmem:v12+s22+$0x0] =	vst.idx.msk $0xffff, v10  }
0x448: {  	v10 =	vld.idx.msk [tilespmem:v13+s1+$0x0], $0xffff  }
0x449: {  	v12 =	vor.u32 v6, v11  }
0x44a: {  	v13 =	vor.u32 v7, v9;
	_ =	sdelay $0x3  }
0x44b: {  	[tilespmem:v12+s22+$0x0] =	vst.idx.msk $0xffff, v10  }
0x44c: {  	v10 =	vld.idx.msk [tilespmem:v13+s1+$0x0], $0xffff  }
0x44d: {  	v12 =	vor.u32 v7, v11  }
0x44e: {  	v9 =	vor.u32 v8, v9;
	_ =	sdelay $0x1  }
.Ltmp15:
0x44f: {  	(pc) =	sbr.rel @p1 .LBB2_28-.Ltmp15, $4  }
0x450: {  	_ = 	snop  }
0x451: {  	[tilespmem:v12+s22+$0x0] =	vst.idx.msk $0xffff, v10  }
0x452: {  	v9 =	vld.idx.msk [tilespmem:v9+s1+$0x0], $0xffff  }
0x453: {  	v10 =	vor.u32 v8, v11  }
0x454: {  	_ =	sdelay $0x3  }
0x455: {  	s6 =	simm.s32 $0x0;
	s5 =	rddreg [dreg:$0x12];
	[tilespmem:v10+s22+$0x0] =	vst.idx.msk $0xffff, v9  }
0x456: {  	[hbm4b:s5+s6] =	stream.linear.scatter [tilespmem:s22], [sflag:$0x6], $0x2800, $0x38;
	[tilespmem:$0x16C80] =	vst v63  }
0x457: {  	_ =	swait.ge [sflag:s0], $0x2800  }
0x458: {  	[sflag:s0] =	ssyncset.done $0x0  }
0x459: {  	s5 =	simm.s32 $0x2460;
	[sflag:s0] =	ssyncadd.s32 $0xFFFFD800  }
0x45a: {  	v9 =	vld [tilespmem:s5+$0x0];
	_ =	sdelay $0x4  }
0x45b: {  	v9 =	vshll.u32 v9, $0x7  }
0x45c: {  	v10 =	vor.u32 v0, v9;
	_ =	sdelay $0x1  }
0x45d: {  	v11 =	vmov s6  }
0x45e: {  	v11 =	vshll.u32 v11, $0x7  }
0x45f: {  	v11 =	vor.u32 v1, v11  }
0x460: {  	v12 =	vor.u32 v0, v11;
	v10 =	vld.idx.msk [tilespmem:v10+s1+$0x0], $0xffff  }
0x461: {  	v13 =	vor.u32 v2, v9;
	_ =	sdelay $0x3  }
0x462: {  	[tilespmem:v12+s23+$0x0] =	vst.idx.msk $0xffff, v10  }
0x463: {  	v53 =	vor.u32 v2, v11;
	v10 =	vld.idx.msk [tilespmem:v13+s1+$0x0], $0xffff  }
0x464: {  	v54 =	vor.u32 v3, v9;
	_ =	sdelay $0x3  }
0x465: {  	[tilespmem:v53+s23+$0x0] =	vst.idx.msk $0xffff, v10  }
0x466: {  	v55 =	vor.u32 v3, v11;
	v10 =	vld.idx.msk [tilespmem:v54+s1+$0x0], $0xffff  }
0x467: {  	v56 =	vor.u32 v4, v9;
	_ =	sdelay $0x3  }
0x468: {  	[tilespmem:v55+s23+$0x0] =	vst.idx.msk $0xffff, v10  }
0x469: {  	v57 =	vor.u32 v4, v11;
	v10 =	vld.idx.msk [tilespmem:v56+s1+$0x0], $0xffff  }
0x46a: {  	v58 =	vor.u32 v5, v9;
	_ =	sdelay $0x3  }
0x46b: {  	[tilespmem:v57+s23+$0x0] =	vst.idx.msk $0xffff, v10  }
0x46c: {  	v59 =	vor.u32 v5, v11;
	v10 =	vld.idx.msk [tilespmem:v58+s1+$0x0], $0xffff  }
0x46d: {  	v60 =	vor.u32 v6, v9;
	_ =	sdelay $0x3  }
0x46e: {  	[tilespmem:v59+s23+$0x0] =	vst.idx.msk $0xffff, v10  }
0x46f: {  	v61 =	vor.u32 v6, v11;
	v10 =	vld.idx.msk [tilespmem:v60+s1+$0x0], $0xffff  }
0x470: {  	v62 =	vor.u32 v7, v9;
	_ =	sdelay $0x3  }
0x471: {  	[tilespmem:v61+s23+$0x0] =	vst.idx.msk $0xffff, v10  }
0x472: {  	v63 =	vor.u32 v7, v11;
	v10 =	vld.idx.msk [tilespmem:v62+s1+$0x0], $0xffff  }
0x473: {  	v9 =	vor.u32 v8, v9;
	_ =	sdelay $0x3  }
0x474: {  	[tilespmem:v63+s23+$0x0] =	vst.idx.msk $0xffff, v10  }
0x475: {  	s6 =	simm.s32 $0x10;
	v10 =	vor.u32 v8, v11;
	v9 =	vld.idx.msk [tilespmem:v9+s1+$0x0], $0xffff  }
.LBB2_30:
0x476: {  	_ =	sdelay $0x2  }
0x477: {  	p1 =	sne.s32 s6, $0x40  }
0x478: {  	s5 =	sadd.s32 $0x10, s5;
	s7 =	smov.u32 s6;
	s6 =	sadd.s32 $0x10, s6;
	[tilespmem:v10+s23+$0x0] =	vst.idx.msk $0xffff, v9  }
0x479: {  	v9 =	vld [tilespmem:s5+$0x0];
	_ =	sdelay $0x4  }
0x47a: {  	v9 =	vshll.u32 v9, $0x7  }
0x47b: {  	v10 =	vor.u32 v0, v9;
	_ =	sdelay $0x2  }
0x47c: {  	v11 =	vmov s7  }
0x47d: {  	v11 =	vshll.u32 v11, $0x7  }
0x47e: {  	v11 =	vor.u32 v1, v11;
	v10 =	vld.idx.msk [tilespmem:v10+s1+$0x0], $0xffff  }
0x47f: {  	v12 =	vor.u32 v0, v11  }
0x480: {  	v13 =	vor.u32 v2, v9;
	_ =	sdelay $0x3  }
0x481: {  	[tilespmem:v12+s23+$0x0] =	vst.idx.msk $0xffff, v10  }
0x482: {  	v10 =	vld.idx.msk [tilespmem:v13+s1+$0x0], $0xffff  }
0x483: {  	v12 =	vor.u32 v2, v11  }
0x484: {  	v13 =	vor.u32 v3, v9;
	_ =	sdelay $0x3  }
0x485: {  	[tilespmem:v12+s23+$0x0] =	vst.idx.msk $0xffff, v10  }
0x486: {  	v10 =	vld.idx.msk [tilespmem:v13+s1+$0x0], $0xffff  }
0x487: {  	v12 =	vor.u32 v3, v11  }
0x488: {  	v13 =	vor.u32 v4, v9;
	_ =	sdelay $0x3  }
0x489: {  	[tilespmem:v12+s23+$0x0] =	vst.idx.msk $0xffff, v10  }
0x48a: {  	v10 =	vld.idx.msk [tilespmem:v13+s1+$0x0], $0xffff  }
0x48b: {  	v12 =	vor.u32 v4, v11  }
0x48c: {  	v13 =	vor.u32 v5, v9;
	_ =	sdelay $0x3  }
0x48d: {  	[tilespmem:v12+s23+$0x0] =	vst.idx.msk $0xffff, v10  }
0x48e: {  	v10 =	vld.idx.msk [tilespmem:v13+s1+$0x0], $0xffff  }
0x48f: {  	v12 =	vor.u32 v5, v11  }
0x490: {  	v13 =	vor.u32 v6, v9;
	_ =	sdelay $0x3  }
0x491: {  	[tilespmem:v12+s23+$0x0] =	vst.idx.msk $0xffff, v10  }
0x492: {  	v10 =	vld.idx.msk [tilespmem:v13+s1+$0x0], $0xffff  }
0x493: {  	v12 =	vor.u32 v6, v11  }
0x494: {  	v13 =	vor.u32 v7, v9;
	_ =	sdelay $0x3  }
0x495: {  	[tilespmem:v12+s23+$0x0] =	vst.idx.msk $0xffff, v10  }
0x496: {  	v10 =	vld.idx.msk [tilespmem:v13+s1+$0x0], $0xffff  }
0x497: {  	v12 =	vor.u32 v7, v11  }
0x498: {  	v9 =	vor.u32 v8, v9;
	_ =	sdelay $0x1  }
.Ltmp16:
0x499: {  	(pc) =	sbr.rel @p1 .LBB2_30-.Ltmp16, $4  }
0x49a: {  	_ = 	snop  }
0x49b: {  	[tilespmem:v12+s23+$0x0] =	vst.idx.msk $0xffff, v10  }
0x49c: {  	v9 =	vld.idx.msk [tilespmem:v9+s1+$0x0], $0xffff  }
0x49d: {  	v10 =	vor.u32 v8, v11  }
0x49e: {  	_ =	sdelay $0x3  }
0x49f: {  	s6 =	simm.s32 $0x0;
	s5 =	rddreg [dreg:$0x13];
	[tilespmem:v10+s23+$0x0] =	vst.idx.msk $0xffff, v9  }
0x4a0: {  	[hbm4b:s5+s6] =	stream.linear.scatter [tilespmem:s23], [sflag:$0x7], $0x2800, $0x38;
	[tilespmem:$0x16C80] =	vst v63  }
0x4a1: {  	_ =	swait.ge [sflag:s2], $0x2800  }
0x4a2: {  	[sflag:s2] =	ssyncset.done $0x0  }
0x4a3: {  	s5 =	simm.s32 $0x24B0;
	[sflag:s2] =	ssyncadd.s32 $0xFFFFD800  }
0x4a4: {  	v9 =	vld [tilespmem:s5+$0x0];
	_ =	sdelay $0x4  }
0x4a5: {  	v9 =	vshll.u32 v9, $0x7  }
0x4a6: {  	v10 =	vor.u32 v0, v9;
	_ =	sdelay $0x1  }
0x4a7: {  	v11 =	vmov s6  }
0x4a8: {  	v11 =	vshll.u32 v11, $0x7  }
0x4a9: {  	v11 =	vor.u32 v1, v11  }
0x4aa: {  	v12 =	vor.u32 v0, v11;
	v10 =	vld.idx.msk [tilespmem:v10+s1+$0x0], $0xffff  }
0x4ab: {  	v13 =	vor.u32 v2, v9;
	_ =	sdelay $0x3  }
0x4ac: {  	[tilespmem:v12+s24+$0x0] =	vst.idx.msk $0xffff, v10  }
0x4ad: {  	v53 =	vor.u32 v2, v11;
	v10 =	vld.idx.msk [tilespmem:v13+s1+$0x0], $0xffff  }
0x4ae: {  	v54 =	vor.u32 v3, v9;
	_ =	sdelay $0x3  }
0x4af: {  	[tilespmem:v53+s24+$0x0] =	vst.idx.msk $0xffff, v10  }
0x4b0: {  	v55 =	vor.u32 v3, v11;
	v10 =	vld.idx.msk [tilespmem:v54+s1+$0x0], $0xffff  }
0x4b1: {  	v56 =	vor.u32 v4, v9;
	_ =	sdelay $0x3  }
0x4b2: {  	[tilespmem:v55+s24+$0x0] =	vst.idx.msk $0xffff, v10  }
0x4b3: {  	v57 =	vor.u32 v4, v11;
	v10 =	vld.idx.msk [tilespmem:v56+s1+$0x0], $0xffff  }
0x4b4: {  	v58 =	vor.u32 v5, v9;
	_ =	sdelay $0x3  }
0x4b5: {  	[tilespmem:v57+s24+$0x0] =	vst.idx.msk $0xffff, v10  }
0x4b6: {  	v59 =	vor.u32 v5, v11;
	v10 =	vld.idx.msk [tilespmem:v58+s1+$0x0], $0xffff  }
0x4b7: {  	v60 =	vor.u32 v6, v9;
	_ =	sdelay $0x3  }
0x4b8: {  	[tilespmem:v59+s24+$0x0] =	vst.idx.msk $0xffff, v10  }
0x4b9: {  	v61 =	vor.u32 v6, v11;
	v10 =	vld.idx.msk [tilespmem:v60+s1+$0x0], $0xffff  }
0x4ba: {  	v62 =	vor.u32 v7, v9;
	_ =	sdelay $0x3  }
0x4bb: {  	[tilespmem:v61+s24+$0x0] =	vst.idx.msk $0xffff, v10  }
0x4bc: {  	v63 =	vor.u32 v7, v11;
	v10 =	vld.idx.msk [tilespmem:v62+s1+$0x0], $0xffff  }
0x4bd: {  	v9 =	vor.u32 v8, v9;
	_ =	sdelay $0x3  }
0x4be: {  	[tilespmem:v63+s24+$0x0] =	vst.idx.msk $0xffff, v10  }
0x4bf: {  	s6 =	simm.s32 $0x10;
	v10 =	vor.u32 v8, v11;
	v9 =	vld.idx.msk [tilespmem:v9+s1+$0x0], $0xffff  }
.LBB2_32:
0x4c0: {  	_ =	sdelay $0x2  }
0x4c1: {  	p1 =	sne.s32 s6, $0x40  }
0x4c2: {  	s5 =	sadd.s32 $0x10, s5;
	s7 =	smov.u32 s6;
	s6 =	sadd.s32 $0x10, s6;
	[tilespmem:v10+s24+$0x0] =	vst.idx.msk $0xffff, v9  }
0x4c3: {  	v9 =	vld [tilespmem:s5+$0x0];
	_ =	sdelay $0x4  }
0x4c4: {  	v9 =	vshll.u32 v9, $0x7  }
0x4c5: {  	v10 =	vor.u32 v0, v9;
	_ =	sdelay $0x2  }
0x4c6: {  	v11 =	vmov s7  }
0x4c7: {  	v11 =	vshll.u32 v11, $0x7  }
0x4c8: {  	v11 =	vor.u32 v1, v11;
	v10 =	vld.idx.msk [tilespmem:v10+s1+$0x0], $0xffff  }
0x4c9: {  	v12 =	vor.u32 v0, v11  }
0x4ca: {  	v13 =	vor.u32 v2, v9;
	_ =	sdelay $0x3  }
0x4cb: {  	[tilespmem:v12+s24+$0x0] =	vst.idx.msk $0xffff, v10  }
0x4cc: {  	v10 =	vld.idx.msk [tilespmem:v13+s1+$0x0], $0xffff  }
0x4cd: {  	v12 =	vor.u32 v2, v11  }
0x4ce: {  	v13 =	vor.u32 v3, v9;
	_ =	sdelay $0x3  }
0x4cf: {  	[tilespmem:v12+s24+$0x0] =	vst.idx.msk $0xffff, v10  }
0x4d0: {  	v10 =	vld.idx.msk [tilespmem:v13+s1+$0x0], $0xffff  }
0x4d1: {  	v12 =	vor.u32 v3, v11  }
0x4d2: {  	v13 =	vor.u32 v4, v9;
	_ =	sdelay $0x3  }
0x4d3: {  	[tilespmem:v12+s24+$0x0] =	vst.idx.msk $0xffff, v10  }
0x4d4: {  	v10 =	vld.idx.msk [tilespmem:v13+s1+$0x0], $0xffff  }
0x4d5: {  	v12 =	vor.u32 v4, v11  }
0x4d6: {  	v13 =	vor.u32 v5, v9;
	_ =	sdelay $0x3  }
0x4d7: {  	[tilespmem:v12+s24+$0x0] =	vst.idx.msk $0xffff, v10  }
0x4d8: {  	v10 =	vld.idx.msk [tilespmem:v13+s1+$0x0], $0xffff  }
0x4d9: {  	v12 =	vor.u32 v5, v11  }
0x4da: {  	v13 =	vor.u32 v6, v9;
	_ =	sdelay $0x3  }
0x4db: {  	[tilespmem:v12+s24+$0x0] =	vst.idx.msk $0xffff, v10  }
0x4dc: {  	v10 =	vld.idx.msk [tilespmem:v13+s1+$0x0], $0xffff  }
0x4dd: {  	v12 =	vor.u32 v6, v11  }
0x4de: {  	v13 =	vor.u32 v7, v9;
	_ =	sdelay $0x3  }
0x4df: {  	[tilespmem:v12+s24+$0x0] =	vst.idx.msk $0xffff, v10  }
0x4e0: {  	v10 =	vld.idx.msk [tilespmem:v13+s1+$0x0], $0xffff  }
0x4e1: {  	v12 =	vor.u32 v7, v11  }
0x4e2: {  	v9 =	vor.u32 v8, v9;
	_ =	sdelay $0x1  }
.Ltmp17:
0x4e3: {  	(pc) =	sbr.rel @p1 .LBB2_32-.Ltmp17, $4  }
0x4e4: {  	_ = 	snop  }
0x4e5: {  	[tilespmem:v12+s24+$0x0] =	vst.idx.msk $0xffff, v10  }
0x4e6: {  	v9 =	vld.idx.msk [tilespmem:v9+s1+$0x0], $0xffff  }
0x4e7: {  	v10 =	vor.u32 v8, v11  }
0x4e8: {  	_ =	sdelay $0x3  }
0x4e9: {  	s6 =	simm.s32 $0x0;
	s5 =	rddreg [dreg:$0x14];
	[tilespmem:v10+s24+$0x0] =	vst.idx.msk $0xffff, v9  }
0x4ea: {  	[hbm4b:s5+s6] =	stream.linear.scatter [tilespmem:s24], [sflag:$0x8], $0x2800, $0x38;
	[tilespmem:$0x16C80] =	vst v63  }
0x4eb: {  	_ =	swait.ge [sflag:s25], $0x2800  }
0x4ec: {  	[sflag:s25] =	ssyncset.done $0x0  }
0x4ed: {  	s5 =	simm.s32 $0x2500;
	[sflag:s25] =	ssyncadd.s32 $0xFFFFD800  }
0x4ee: {  	v9 =	vld [tilespmem:s5+$0x0];
	_ =	sdelay $0x4  }
0x4ef: {  	v9 =	vshll.u32 v9, $0x7  }
0x4f0: {  	v10 =	vor.u32 v0, v9;
	_ =	sdelay $0x1  }
0x4f1: {  	v11 =	vmov s6  }
0x4f2: {  	v11 =	vshll.u32 v11, $0x7  }
0x4f3: {  	v11 =	vor.u32 v1, v11  }
0x4f4: {  	v12 =	vor.u32 v0, v11;
	v10 =	vld.idx.msk [tilespmem:v10+s1+$0x0], $0xffff  }
0x4f5: {  	v13 =	vor.u32 v2, v9;
	_ =	sdelay $0x3  }
0x4f6: {  	[tilespmem:v12+s17+$0x0] =	vst.idx.msk $0xffff, v10  }
0x4f7: {  	v53 =	vor.u32 v2, v11;
	v10 =	vld.idx.msk [tilespmem:v13+s1+$0x0], $0xffff  }
0x4f8: {  	v54 =	vor.u32 v3, v9;
	_ =	sdelay $0x3  }
0x4f9: {  	[tilespmem:v53+s17+$0x0] =	vst.idx.msk $0xffff, v10  }
0x4fa: {  	v55 =	vor.u32 v3, v11;
	v10 =	vld.idx.msk [tilespmem:v54+s1+$0x0], $0xffff  }
0x4fb: {  	v56 =	vor.u32 v4, v9;
	_ =	sdelay $0x3  }
0x4fc: {  	[tilespmem:v55+s17+$0x0] =	vst.idx.msk $0xffff, v10  }
0x4fd: {  	v57 =	vor.u32 v4, v11;
	v10 =	vld.idx.msk [tilespmem:v56+s1+$0x0], $0xffff  }
0x4fe: {  	v58 =	vor.u32 v5, v9;
	_ =	sdelay $0x3  }
0x4ff: {  	[tilespmem:v57+s17+$0x0] =	vst.idx.msk $0xffff, v10  }
0x500: {  	v59 =	vor.u32 v5, v11;
	v10 =	vld.idx.msk [tilespmem:v58+s1+$0x0], $0xffff  }
0x501: {  	v60 =	vor.u32 v6, v9;
	_ =	sdelay $0x3  }
0x502: {  	[tilespmem:v59+s17+$0x0] =	vst.idx.msk $0xffff, v10  }
0x503: {  	v61 =	vor.u32 v6, v11;
	v10 =	vld.idx.msk [tilespmem:v60+s1+$0x0], $0xffff  }
0x504: {  	v62 =	vor.u32 v7, v9;
	_ =	sdelay $0x3  }
0x505: {  	[tilespmem:v61+s17+$0x0] =	vst.idx.msk $0xffff, v10  }
0x506: {  	v63 =	vor.u32 v7, v11;
	v10 =	vld.idx.msk [tilespmem:v62+s1+$0x0], $0xffff  }
0x507: {  	v9 =	vor.u32 v8, v9;
	_ =	sdelay $0x3  }
0x508: {  	[tilespmem:v63+s17+$0x0] =	vst.idx.msk $0xffff, v10  }
0x509: {  	s6 =	simm.s32 $0x10;
	v10 =	vor.u32 v8, v11;
	v9 =	vld.idx.msk [tilespmem:v9+s1+$0x0], $0xffff  }
.LBB2_34:
0x50a: {  	_ =	sdelay $0x2  }
0x50b: {  	p1 =	sne.s32 s6, $0x40  }
0x50c: {  	s5 =	sadd.s32 $0x10, s5;
	s7 =	smov.u32 s6;
	s6 =	sadd.s32 $0x10, s6;
	[tilespmem:v10+s17+$0x0] =	vst.idx.msk $0xffff, v9  }
0x50d: {  	v9 =	vld [tilespmem:s5+$0x0];
	_ =	sdelay $0x4  }
0x50e: {  	v9 =	vshll.u32 v9, $0x7  }
0x50f: {  	v10 =	vor.u32 v0, v9;
	_ =	sdelay $0x2  }
0x510: {  	v11 =	vmov s7  }
0x511: {  	v11 =	vshll.u32 v11, $0x7  }
0x512: {  	v11 =	vor.u32 v1, v11;
	v10 =	vld.idx.msk [tilespmem:v10+s1+$0x0], $0xffff  }
0x513: {  	v12 =	vor.u32 v0, v11  }
0x514: {  	v13 =	vor.u32 v2, v9;
	_ =	sdelay $0x3  }
0x515: {  	[tilespmem:v12+s17+$0x0] =	vst.idx.msk $0xffff, v10  }
0x516: {  	v10 =	vld.idx.msk [tilespmem:v13+s1+$0x0], $0xffff  }
0x517: {  	v12 =	vor.u32 v2, v11  }
0x518: {  	v13 =	vor.u32 v3, v9;
	_ =	sdelay $0x3  }
0x519: {  	[tilespmem:v12+s17+$0x0] =	vst.idx.msk $0xffff, v10  }
0x51a: {  	v10 =	vld.idx.msk [tilespmem:v13+s1+$0x0], $0xffff  }
0x51b: {  	v12 =	vor.u32 v3, v11  }
0x51c: {  	v13 =	vor.u32 v4, v9;
	_ =	sdelay $0x3  }
0x51d: {  	[tilespmem:v12+s17+$0x0] =	vst.idx.msk $0xffff, v10  }
0x51e: {  	v10 =	vld.idx.msk [tilespmem:v13+s1+$0x0], $0xffff  }
0x51f: {  	v12 =	vor.u32 v4, v11  }
0x520: {  	v13 =	vor.u32 v5, v9;
	_ =	sdelay $0x3  }
0x521: {  	[tilespmem:v12+s17+$0x0] =	vst.idx.msk $0xffff, v10  }
0x522: {  	v10 =	vld.idx.msk [tilespmem:v13+s1+$0x0], $0xffff  }
0x523: {  	v12 =	vor.u32 v5, v11  }
0x524: {  	v13 =	vor.u32 v6, v9;
	_ =	sdelay $0x3  }
0x525: {  	[tilespmem:v12+s17+$0x0] =	vst.idx.msk $0xffff, v10  }
0x526: {  	v10 =	vld.idx.msk [tilespmem:v13+s1+$0x0], $0xffff  }
0x527: {  	v12 =	vor.u32 v6, v11  }
0x528: {  	v13 =	vor.u32 v7, v9;
	_ =	sdelay $0x3  }
0x529: {  	[tilespmem:v12+s17+$0x0] =	vst.idx.msk $0xffff, v10  }
0x52a: {  	v10 =	vld.idx.msk [tilespmem:v13+s1+$0x0], $0xffff  }
0x52b: {  	v12 =	vor.u32 v7, v11  }
0x52c: {  	v9 =	vor.u32 v8, v9;
	_ =	sdelay $0x1  }
.Ltmp18:
0x52d: {  	(pc) =	sbr.rel @p1 .LBB2_34-.Ltmp18, $4  }
0x52e: {  	_ = 	snop  }
0x52f: {  	[tilespmem:v12+s17+$0x0] =	vst.idx.msk $0xffff, v10  }
0x530: {  	v9 =	vld.idx.msk [tilespmem:v9+s1+$0x0], $0xffff  }
0x531: {  	v10 =	vor.u32 v8, v11  }
0x532: {  	_ =	sdelay $0x3  }
0x533: {  	s6 =	simm.s32 $0x0;
	s5 =	rddreg [dreg:$0x15];
	[tilespmem:v10+s17+$0x0] =	vst.idx.msk $0xffff, v9  }
0x534: {  	[hbm4b:s5+s6] =	stream.linear.scatter [tilespmem:s17], [sflag:$0x1], $0x2800, $0x38;
	[tilespmem:$0x16C80] =	vst v63  }
0x535: {  	_ =	swait.ge [sflag:s26], $0x2800  }
0x536: {  	[sflag:s26] =	ssyncset.done $0x0  }
0x537: {  	s5 =	simm.s32 $0x2550;
	[sflag:s26] =	ssyncadd.s32 $0xFFFFD800  }
0x538: {  	v9 =	vld [tilespmem:s5+$0x0];
	_ =	sdelay $0x4  }
0x539: {  	v9 =	vshll.u32 v9, $0x7  }
0x53a: {  	v10 =	vor.u32 v0, v9;
	_ =	sdelay $0x1  }
0x53b: {  	v11 =	vmov s6  }
0x53c: {  	v11 =	vshll.u32 v11, $0x7  }
0x53d: {  	v11 =	vor.u32 v1, v11  }
0x53e: {  	v12 =	vor.u32 v0, v11;
	v10 =	vld.idx.msk [tilespmem:v10+s1+$0x0], $0xffff  }
0x53f: {  	v13 =	vor.u32 v2, v9;
	_ =	sdelay $0x3  }
0x540: {  	[tilespmem:v12+s18+$0x0] =	vst.idx.msk $0xffff, v10  }
0x541: {  	v53 =	vor.u32 v2, v11;
	v10 =	vld.idx.msk [tilespmem:v13+s1+$0x0], $0xffff  }
0x542: {  	v54 =	vor.u32 v3, v9;
	_ =	sdelay $0x3  }
0x543: {  	[tilespmem:v53+s18+$0x0] =	vst.idx.msk $0xffff, v10  }
0x544: {  	v55 =	vor.u32 v3, v11;
	v10 =	vld.idx.msk [tilespmem:v54+s1+$0x0], $0xffff  }
0x545: {  	v56 =	vor.u32 v4, v9;
	_ =	sdelay $0x3  }
0x546: {  	[tilespmem:v55+s18+$0x0] =	vst.idx.msk $0xffff, v10  }
0x547: {  	v57 =	vor.u32 v4, v11;
	v10 =	vld.idx.msk [tilespmem:v56+s1+$0x0], $0xffff  }
0x548: {  	v58 =	vor.u32 v5, v9;
	_ =	sdelay $0x3  }
0x549: {  	[tilespmem:v57+s18+$0x0] =	vst.idx.msk $0xffff, v10  }
0x54a: {  	v59 =	vor.u32 v5, v11;
	v10 =	vld.idx.msk [tilespmem:v58+s1+$0x0], $0xffff  }
0x54b: {  	v60 =	vor.u32 v6, v9;
	_ =	sdelay $0x3  }
0x54c: {  	[tilespmem:v59+s18+$0x0] =	vst.idx.msk $0xffff, v10  }
0x54d: {  	v61 =	vor.u32 v6, v11;
	v10 =	vld.idx.msk [tilespmem:v60+s1+$0x0], $0xffff  }
0x54e: {  	v62 =	vor.u32 v7, v9;
	_ =	sdelay $0x3  }
0x54f: {  	[tilespmem:v61+s18+$0x0] =	vst.idx.msk $0xffff, v10  }
0x550: {  	v63 =	vor.u32 v7, v11;
	v10 =	vld.idx.msk [tilespmem:v62+s1+$0x0], $0xffff  }
0x551: {  	v9 =	vor.u32 v8, v9;
	_ =	sdelay $0x3  }
0x552: {  	[tilespmem:v63+s18+$0x0] =	vst.idx.msk $0xffff, v10  }
0x553: {  	s6 =	simm.s32 $0x10;
	v10 =	vor.u32 v8, v11;
	v9 =	vld.idx.msk [tilespmem:v9+s1+$0x0], $0xffff  }
.LBB2_36:
0x554: {  	_ =	sdelay $0x2  }
0x555: {  	p1 =	sne.s32 s6, $0x40  }
0x556: {  	s5 =	sadd.s32 $0x10, s5;
	s7 =	smov.u32 s6;
	s6 =	sadd.s32 $0x10, s6;
	[tilespmem:v10+s18+$0x0] =	vst.idx.msk $0xffff, v9  }
0x557: {  	v9 =	vld [tilespmem:s5+$0x0];
	_ =	sdelay $0x4  }
0x558: {  	v9 =	vshll.u32 v9, $0x7  }
0x559: {  	v10 =	vor.u32 v0, v9;
	_ =	sdelay $0x2  }
0x55a: {  	v11 =	vmov s7  }
0x55b: {  	v11 =	vshll.u32 v11, $0x7  }
0x55c: {  	v11 =	vor.u32 v1, v11;
	v10 =	vld.idx.msk [tilespmem:v10+s1+$0x0], $0xffff  }
0x55d: {  	v12 =	vor.u32 v0, v11  }
0x55e: {  	v13 =	vor.u32 v2, v9;
	_ =	sdelay $0x3  }
0x55f: {  	[tilespmem:v12+s18+$0x0] =	vst.idx.msk $0xffff, v10  }
0x560: {  	v10 =	vld.idx.msk [tilespmem:v13+s1+$0x0], $0xffff  }
0x561: {  	v12 =	vor.u32 v2, v11  }
0x562: {  	v13 =	vor.u32 v3, v9;
	_ =	sdelay $0x3  }
0x563: {  	[tilespmem:v12+s18+$0x0] =	vst.idx.msk $0xffff, v10  }
0x564: {  	v10 =	vld.idx.msk [tilespmem:v13+s1+$0x0], $0xffff  }
0x565: {  	v12 =	vor.u32 v3, v11  }
0x566: {  	v13 =	vor.u32 v4, v9;
	_ =	sdelay $0x3  }
0x567: {  	[tilespmem:v12+s18+$0x0] =	vst.idx.msk $0xffff, v10  }
0x568: {  	v10 =	vld.idx.msk [tilespmem:v13+s1+$0x0], $0xffff  }
0x569: {  	v12 =	vor.u32 v4, v11  }
0x56a: {  	v13 =	vor.u32 v5, v9;
	_ =	sdelay $0x3  }
0x56b: {  	[tilespmem:v12+s18+$0x0] =	vst.idx.msk $0xffff, v10  }
0x56c: {  	v10 =	vld.idx.msk [tilespmem:v13+s1+$0x0], $0xffff  }
0x56d: {  	v12 =	vor.u32 v5, v11  }
0x56e: {  	v13 =	vor.u32 v6, v9;
	_ =	sdelay $0x3  }
0x56f: {  	[tilespmem:v12+s18+$0x0] =	vst.idx.msk $0xffff, v10  }
0x570: {  	v10 =	vld.idx.msk [tilespmem:v13+s1+$0x0], $0xffff  }
0x571: {  	v12 =	vor.u32 v6, v11  }
0x572: {  	v13 =	vor.u32 v7, v9;
	_ =	sdelay $0x3  }
0x573: {  	[tilespmem:v12+s18+$0x0] =	vst.idx.msk $0xffff, v10  }
0x574: {  	v10 =	vld.idx.msk [tilespmem:v13+s1+$0x0], $0xffff  }
0x575: {  	v12 =	vor.u32 v7, v11  }
0x576: {  	v9 =	vor.u32 v8, v9;
	_ =	sdelay $0x1  }
.Ltmp19:
0x577: {  	(pc) =	sbr.rel @p1 .LBB2_36-.Ltmp19, $4  }
0x578: {  	_ = 	snop  }
0x579: {  	[tilespmem:v12+s18+$0x0] =	vst.idx.msk $0xffff, v10  }
0x57a: {  	v9 =	vld.idx.msk [tilespmem:v9+s1+$0x0], $0xffff  }
0x57b: {  	v10 =	vor.u32 v8, v11  }
0x57c: {  	_ =	sdelay $0x3  }
0x57d: {  	s6 =	simm.s32 $0x0;
	s5 =	rddreg [dreg:$0x16];
	[tilespmem:v10+s18+$0x0] =	vst.idx.msk $0xffff, v9  }
0x57e: {  	[hbm4b:s5+s6] =	stream.linear.scatter [tilespmem:s18], [sflag:$0x2], $0x2800, $0x38;
	[tilespmem:$0x16C80] =	vst v63  }
0x57f: {  	_ =	swait.ge [sflag:s28], $0x2800  }
0x580: {  	[sflag:s28] =	ssyncset.done $0x0  }
0x581: {  	s5 =	simm.s32 $0x25A0;
	[sflag:s28] =	ssyncadd.s32 $0xFFFFD800  }
0x582: {  	v9 =	vld [tilespmem:s5+$0x0];
	_ =	sdelay $0x4  }
0x583: {  	v9 =	vshll.u32 v9, $0x7  }
0x584: {  	v10 =	vor.u32 v0, v9;
	_ =	sdelay $0x1  }
0x585: {  	v11 =	vmov s6  }
0x586: {  	v11 =	vshll.u32 v11, $0x7  }
0x587: {  	v11 =	vor.u32 v1, v11  }
0x588: {  	v12 =	vor.u32 v0, v11;
	v10 =	vld.idx.msk [tilespmem:v10+s1+$0x0], $0xffff  }
0x589: {  	v13 =	vor.u32 v2, v9;
	_ =	sdelay $0x3  }
0x58a: {  	[tilespmem:v12+s19+$0x0] =	vst.idx.msk $0xffff, v10  }
0x58b: {  	v53 =	vor.u32 v2, v11;
	v10 =	vld.idx.msk [tilespmem:v13+s1+$0x0], $0xffff  }
0x58c: {  	v54 =	vor.u32 v3, v9;
	_ =	sdelay $0x3  }
0x58d: {  	[tilespmem:v53+s19+$0x0] =	vst.idx.msk $0xffff, v10  }
0x58e: {  	v55 =	vor.u32 v3, v11;
	v10 =	vld.idx.msk [tilespmem:v54+s1+$0x0], $0xffff  }
0x58f: {  	v56 =	vor.u32 v4, v9;
	_ =	sdelay $0x3  }
0x590: {  	[tilespmem:v55+s19+$0x0] =	vst.idx.msk $0xffff, v10  }
0x591: {  	v57 =	vor.u32 v4, v11;
	v10 =	vld.idx.msk [tilespmem:v56+s1+$0x0], $0xffff  }
0x592: {  	v58 =	vor.u32 v5, v9;
	_ =	sdelay $0x3  }
0x593: {  	[tilespmem:v57+s19+$0x0] =	vst.idx.msk $0xffff, v10  }
0x594: {  	v59 =	vor.u32 v5, v11;
	v10 =	vld.idx.msk [tilespmem:v58+s1+$0x0], $0xffff  }
0x595: {  	v60 =	vor.u32 v6, v9;
	_ =	sdelay $0x3  }
0x596: {  	[tilespmem:v59+s19+$0x0] =	vst.idx.msk $0xffff, v10  }
0x597: {  	v61 =	vor.u32 v6, v11;
	v10 =	vld.idx.msk [tilespmem:v60+s1+$0x0], $0xffff  }
0x598: {  	v62 =	vor.u32 v7, v9;
	_ =	sdelay $0x3  }
0x599: {  	[tilespmem:v61+s19+$0x0] =	vst.idx.msk $0xffff, v10  }
0x59a: {  	v63 =	vor.u32 v7, v11;
	v10 =	vld.idx.msk [tilespmem:v62+s1+$0x0], $0xffff  }
0x59b: {  	v9 =	vor.u32 v8, v9;
	_ =	sdelay $0x3  }
0x59c: {  	[tilespmem:v63+s19+$0x0] =	vst.idx.msk $0xffff, v10  }
0x59d: {  	s6 =	simm.s32 $0x10;
	v10 =	vor.u32 v8, v11;
	v9 =	vld.idx.msk [tilespmem:v9+s1+$0x0], $0xffff  }
.LBB2_38:
0x59e: {  	_ =	sdelay $0x2  }
0x59f: {  	p1 =	sne.s32 s6, $0x40  }
0x5a0: {  	s5 =	sadd.s32 $0x10, s5;
	s7 =	smov.u32 s6;
	s6 =	sadd.s32 $0x10, s6;
	[tilespmem:v10+s19+$0x0] =	vst.idx.msk $0xffff, v9  }
0x5a1: {  	v9 =	vld [tilespmem:s5+$0x0];
	_ =	sdelay $0x4  }
0x5a2: {  	v9 =	vshll.u32 v9, $0x7  }
0x5a3: {  	v10 =	vor.u32 v0, v9;
	_ =	sdelay $0x2  }
0x5a4: {  	v11 =	vmov s7  }
0x5a5: {  	v11 =	vshll.u32 v11, $0x7  }
0x5a6: {  	v11 =	vor.u32 v1, v11;
	v10 =	vld.idx.msk [tilespmem:v10+s1+$0x0], $0xffff  }
0x5a7: {  	v12 =	vor.u32 v0, v11  }
0x5a8: {  	v13 =	vor.u32 v2, v9;
	_ =	sdelay $0x3  }
0x5a9: {  	[tilespmem:v12+s19+$0x0] =	vst.idx.msk $0xffff, v10  }
0x5aa: {  	v10 =	vld.idx.msk [tilespmem:v13+s1+$0x0], $0xffff  }
0x5ab: {  	v12 =	vor.u32 v2, v11  }
0x5ac: {  	v13 =	vor.u32 v3, v9;
	_ =	sdelay $0x3  }
0x5ad: {  	[tilespmem:v12+s19+$0x0] =	vst.idx.msk $0xffff, v10  }
0x5ae: {  	v10 =	vld.idx.msk [tilespmem:v13+s1+$0x0], $0xffff  }
0x5af: {  	v12 =	vor.u32 v3, v11  }
0x5b0: {  	v13 =	vor.u32 v4, v9;
	_ =	sdelay $0x3  }
0x5b1: {  	[tilespmem:v12+s19+$0x0] =	vst.idx.msk $0xffff, v10  }
0x5b2: {  	v10 =	vld.idx.msk [tilespmem:v13+s1+$0x0], $0xffff  }
0x5b3: {  	v12 =	vor.u32 v4, v11  }
0x5b4: {  	v13 =	vor.u32 v5, v9;
	_ =	sdelay $0x3  }
0x5b5: {  	[tilespmem:v12+s19+$0x0] =	vst.idx.msk $0xffff, v10  }
0x5b6: {  	v10 =	vld.idx.msk [tilespmem:v13+s1+$0x0], $0xffff  }
0x5b7: {  	v12 =	vor.u32 v5, v11  }
0x5b8: {  	v13 =	vor.u32 v6, v9;
	_ =	sdelay $0x3  }
0x5b9: {  	[tilespmem:v12+s19+$0x0] =	vst.idx.msk $0xffff, v10  }
0x5ba: {  	v10 =	vld.idx.msk [tilespmem:v13+s1+$0x0], $0xffff  }
0x5bb: {  	v12 =	vor.u32 v6, v11  }
0x5bc: {  	v13 =	vor.u32 v7, v9;
	_ =	sdelay $0x3  }
0x5bd: {  	[tilespmem:v12+s19+$0x0] =	vst.idx.msk $0xffff, v10  }
0x5be: {  	v10 =	vld.idx.msk [tilespmem:v13+s1+$0x0], $0xffff  }
0x5bf: {  	v12 =	vor.u32 v7, v11  }
0x5c0: {  	v9 =	vor.u32 v8, v9;
	_ =	sdelay $0x1  }
.Ltmp20:
0x5c1: {  	(pc) =	sbr.rel @p1 .LBB2_38-.Ltmp20, $4  }
0x5c2: {  	_ = 	snop  }
0x5c3: {  	[tilespmem:v12+s19+$0x0] =	vst.idx.msk $0xffff, v10  }
0x5c4: {  	v9 =	vld.idx.msk [tilespmem:v9+s1+$0x0], $0xffff  }
0x5c5: {  	v10 =	vor.u32 v8, v11  }
0x5c6: {  	_ =	sdelay $0x3  }
0x5c7: {  	s6 =	simm.s32 $0x0;
	s5 =	rddreg [dreg:$0x17];
	[tilespmem:v10+s19+$0x0] =	vst.idx.msk $0xffff, v9  }
0x5c8: {  	[hbm4b:s5+s6] =	stream.linear.scatter [tilespmem:s19], [sflag:$0x3], $0x2800, $0x38;
	[tilespmem:$0x16C80] =	vst v63  }
0x5c9: {  	_ =	swait.ge [sflag:s29], $0x2800  }
0x5ca: {  	[sflag:s29] =	ssyncset.done $0x0  }
0x5cb: {  	s5 =	simm.s32 $0x25F0;
	[sflag:s29] =	ssyncadd.s32 $0xFFFFD800  }
0x5cc: {  	v9 =	vld [tilespmem:s5+$0x0];
	_ =	sdelay $0x4  }
0x5cd: {  	v9 =	vshll.u32 v9, $0x7  }
0x5ce: {  	v10 =	vor.u32 v0, v9;
	_ =	sdelay $0x1  }
0x5cf: {  	v11 =	vmov s6  }
0x5d0: {  	v11 =	vshll.u32 v11, $0x7  }
0x5d1: {  	v11 =	vor.u32 v1, v11  }
0x5d2: {  	v12 =	vor.u32 v0, v11;
	v10 =	vld.idx.msk [tilespmem:v10+s1+$0x0], $0xffff  }
0x5d3: {  	v13 =	vor.u32 v2, v9;
	_ =	sdelay $0x3  }
0x5d4: {  	[tilespmem:v12+s20+$0x0] =	vst.idx.msk $0xffff, v10  }
0x5d5: {  	v53 =	vor.u32 v2, v11;
	v10 =	vld.idx.msk [tilespmem:v13+s1+$0x0], $0xffff  }
0x5d6: {  	v54 =	vor.u32 v3, v9;
	_ =	sdelay $0x3  }
0x5d7: {  	[tilespmem:v53+s20+$0x0] =	vst.idx.msk $0xffff, v10  }
0x5d8: {  	v55 =	vor.u32 v3, v11;
	v10 =	vld.idx.msk [tilespmem:v54+s1+$0x0], $0xffff  }
0x5d9: {  	v56 =	vor.u32 v4, v9;
	_ =	sdelay $0x3  }
0x5da: {  	[tilespmem:v55+s20+$0x0] =	vst.idx.msk $0xffff, v10  }
0x5db: {  	v57 =	vor.u32 v4, v11;
	v10 =	vld.idx.msk [tilespmem:v56+s1+$0x0], $0xffff  }
0x5dc: {  	v58 =	vor.u32 v5, v9;
	_ =	sdelay $0x3  }
0x5dd: {  	[tilespmem:v57+s20+$0x0] =	vst.idx.msk $0xffff, v10  }
0x5de: {  	v59 =	vor.u32 v5, v11;
	v10 =	vld.idx.msk [tilespmem:v58+s1+$0x0], $0xffff  }
0x5df: {  	v60 =	vor.u32 v6, v9;
	_ =	sdelay $0x3  }
0x5e0: {  	[tilespmem:v59+s20+$0x0] =	vst.idx.msk $0xffff, v10  }
0x5e1: {  	v61 =	vor.u32 v6, v11;
	v10 =	vld.idx.msk [tilespmem:v60+s1+$0x0], $0xffff  }
0x5e2: {  	v62 =	vor.u32 v7, v9;
	_ =	sdelay $0x3  }
0x5e3: {  	[tilespmem:v61+s20+$0x0] =	vst.idx.msk $0xffff, v10  }
0x5e4: {  	v63 =	vor.u32 v7, v11;
	v10 =	vld.idx.msk [tilespmem:v62+s1+$0x0], $0xffff  }
0x5e5: {  	v9 =	vor.u32 v8, v9;
	_ =	sdelay $0x3  }
0x5e6: {  	[tilespmem:v63+s20+$0x0] =	vst.idx.msk $0xffff, v10  }
0x5e7: {  	s6 =	simm.s32 $0x10;
	v10 =	vor.u32 v8, v11;
	v9 =	vld.idx.msk [tilespmem:v9+s1+$0x0], $0xffff  }
.LBB2_40:
0x5e8: {  	_ =	sdelay $0x2  }
0x5e9: {  	p1 =	sne.s32 s6, $0x40  }
0x5ea: {  	s5 =	sadd.s32 $0x10, s5;
	s7 =	smov.u32 s6;
	s6 =	sadd.s32 $0x10, s6;
	[tilespmem:v10+s20+$0x0] =	vst.idx.msk $0xffff, v9  }
0x5eb: {  	v9 =	vld [tilespmem:s5+$0x0];
	_ =	sdelay $0x4  }
0x5ec: {  	v9 =	vshll.u32 v9, $0x7  }
0x5ed: {  	v10 =	vor.u32 v0, v9;
	_ =	sdelay $0x2  }
0x5ee: {  	v11 =	vmov s7  }
0x5ef: {  	v11 =	vshll.u32 v11, $0x7  }
0x5f0: {  	v11 =	vor.u32 v1, v11;
	v10 =	vld.idx.msk [tilespmem:v10+s1+$0x0], $0xffff  }
0x5f1: {  	v12 =	vor.u32 v0, v11  }
0x5f2: {  	v13 =	vor.u32 v2, v9;
	_ =	sdelay $0x3  }
0x5f3: {  	[tilespmem:v12+s20+$0x0] =	vst.idx.msk $0xffff, v10  }
0x5f4: {  	v10 =	vld.idx.msk [tilespmem:v13+s1+$0x0], $0xffff  }
0x5f5: {  	v12 =	vor.u32 v2, v11  }
0x5f6: {  	v13 =	vor.u32 v3, v9;
	_ =	sdelay $0x3  }
0x5f7: {  	[tilespmem:v12+s20+$0x0] =	vst.idx.msk $0xffff, v10  }
0x5f8: {  	v10 =	vld.idx.msk [tilespmem:v13+s1+$0x0], $0xffff  }
0x5f9: {  	v12 =	vor.u32 v3, v11  }
0x5fa: {  	v13 =	vor.u32 v4, v9;
	_ =	sdelay $0x3  }
0x5fb: {  	[tilespmem:v12+s20+$0x0] =	vst.idx.msk $0xffff, v10  }
0x5fc: {  	v10 =	vld.idx.msk [tilespmem:v13+s1+$0x0], $0xffff  }
0x5fd: {  	v12 =	vor.u32 v4, v11  }
0x5fe: {  	v13 =	vor.u32 v5, v9;
	_ =	sdelay $0x3  }
0x5ff: {  	[tilespmem:v12+s20+$0x0] =	vst.idx.msk $0xffff, v10  }
0x600: {  	v10 =	vld.idx.msk [tilespmem:v13+s1+$0x0], $0xffff  }
0x601: {  	v12 =	vor.u32 v5, v11  }
0x602: {  	v13 =	vor.u32 v6, v9;
	_ =	sdelay $0x3  }
0x603: {  	[tilespmem:v12+s20+$0x0] =	vst.idx.msk $0xffff, v10  }
0x604: {  	v10 =	vld.idx.msk [tilespmem:v13+s1+$0x0], $0xffff  }
0x605: {  	v12 =	vor.u32 v6, v11  }
0x606: {  	v13 =	vor.u32 v7, v9;
	_ =	sdelay $0x3  }
0x607: {  	[tilespmem:v12+s20+$0x0] =	vst.idx.msk $0xffff, v10  }
0x608: {  	v10 =	vld.idx.msk [tilespmem:v13+s1+$0x0], $0xffff  }
0x609: {  	v12 =	vor.u32 v7, v11  }
0x60a: {  	v9 =	vor.u32 v8, v9;
	_ =	sdelay $0x1  }
.Ltmp21:
0x60b: {  	(pc) =	sbr.rel @p1 .LBB2_40-.Ltmp21, $4  }
0x60c: {  	_ = 	snop  }
0x60d: {  	[tilespmem:v12+s20+$0x0] =	vst.idx.msk $0xffff, v10  }
0x60e: {  	v9 =	vld.idx.msk [tilespmem:v9+s1+$0x0], $0xffff  }
0x60f: {  	v10 =	vor.u32 v8, v11  }
0x610: {  	_ =	sdelay $0x3  }
0x611: {  	s6 =	simm.s32 $0x0;
	s5 =	rddreg [dreg:$0x18];
	[tilespmem:v10+s20+$0x0] =	vst.idx.msk $0xffff, v9  }
0x612: {  	[hbm4b:s5+s6] =	stream.linear.scatter [tilespmem:s20], [sflag:$0x4], $0x2800, $0x38;
	[tilespmem:$0x16C80] =	vst v63  }
0x613: {  	_ =	swait.ge [sflag:s30], $0x2800  }
0x614: {  	[sflag:s30] =	ssyncset.done $0x0  }
0x615: {  	s5 =	simm.s32 $0x2640;
	[sflag:s30] =	ssyncadd.s32 $0xFFFFD800  }
0x616: {  	v9 =	vld [tilespmem:s5+$0x0];
	_ =	sdelay $0x4  }
0x617: {  	v9 =	vshll.u32 v9, $0x7  }
0x618: {  	v10 =	vor.u32 v0, v9;
	_ =	sdelay $0x1  }
0x619: {  	v11 =	vmov s6  }
0x61a: {  	v11 =	vshll.u32 v11, $0x7  }
0x61b: {  	v11 =	vor.u32 v1, v11  }
0x61c: {  	v12 =	vor.u32 v0, v11;
	v10 =	vld.idx.msk [tilespmem:v10+s1+$0x0], $0xffff  }
0x61d: {  	v13 =	vor.u32 v2, v9;
	_ =	sdelay $0x3  }
0x61e: {  	[tilespmem:v12+s21+$0x0] =	vst.idx.msk $0xffff, v10  }
0x61f: {  	v53 =	vor.u32 v2, v11;
	v10 =	vld.idx.msk [tilespmem:v13+s1+$0x0], $0xffff  }
0x620: {  	v54 =	vor.u32 v3, v9;
	_ =	sdelay $0x3  }
0x621: {  	[tilespmem:v53+s21+$0x0] =	vst.idx.msk $0xffff, v10  }
0x622: {  	v55 =	vor.u32 v3, v11;
	v10 =	vld.idx.msk [tilespmem:v54+s1+$0x0], $0xffff  }
0x623: {  	v56 =	vor.u32 v4, v9;
	_ =	sdelay $0x3  }
0x624: {  	[tilespmem:v55+s21+$0x0] =	vst.idx.msk $0xffff, v10  }
0x625: {  	v57 =	vor.u32 v4, v11;
	v10 =	vld.idx.msk [tilespmem:v56+s1+$0x0], $0xffff  }
0x626: {  	v58 =	vor.u32 v5, v9;
	_ =	sdelay $0x3  }
0x627: {  	[tilespmem:v57+s21+$0x0] =	vst.idx.msk $0xffff, v10  }
0x628: {  	v59 =	vor.u32 v5, v11;
	v10 =	vld.idx.msk [tilespmem:v58+s1+$0x0], $0xffff  }
0x629: {  	v60 =	vor.u32 v6, v9;
	_ =	sdelay $0x3  }
0x62a: {  	[tilespmem:v59+s21+$0x0] =	vst.idx.msk $0xffff, v10  }
0x62b: {  	v61 =	vor.u32 v6, v11;
	v10 =	vld.idx.msk [tilespmem:v60+s1+$0x0], $0xffff  }
0x62c: {  	v62 =	vor.u32 v7, v9;
	_ =	sdelay $0x3  }
0x62d: {  	[tilespmem:v61+s21+$0x0] =	vst.idx.msk $0xffff, v10  }
0x62e: {  	v63 =	vor.u32 v7, v11;
	v10 =	vld.idx.msk [tilespmem:v62+s1+$0x0], $0xffff  }
0x62f: {  	v9 =	vor.u32 v8, v9;
	_ =	sdelay $0x3  }
0x630: {  	[tilespmem:v63+s21+$0x0] =	vst.idx.msk $0xffff, v10  }
0x631: {  	s6 =	simm.s32 $0x10;
	v10 =	vor.u32 v8, v11;
	v9 =	vld.idx.msk [tilespmem:v9+s1+$0x0], $0xffff  }
.LBB2_42:
0x632: {  	_ =	sdelay $0x2  }
0x633: {  	p1 =	sne.s32 s6, $0x40  }
0x634: {  	s5 =	sadd.s32 $0x10, s5;
	s7 =	smov.u32 s6;
	s6 =	sadd.s32 $0x10, s6;
	[tilespmem:v10+s21+$0x0] =	vst.idx.msk $0xffff, v9  }
0x635: {  	v9 =	vld [tilespmem:s5+$0x0];
	_ =	sdelay $0x4  }
0x636: {  	v9 =	vshll.u32 v9, $0x7  }
0x637: {  	v10 =	vor.u32 v0, v9;
	_ =	sdelay $0x2  }
0x638: {  	v11 =	vmov s7  }
0x639: {  	v11 =	vshll.u32 v11, $0x7  }
0x63a: {  	v11 =	vor.u32 v1, v11;
	v10 =	vld.idx.msk [tilespmem:v10+s1+$0x0], $0xffff  }
0x63b: {  	v12 =	vor.u32 v0, v11  }
0x63c: {  	v13 =	vor.u32 v2, v9;
	_ =	sdelay $0x3  }
0x63d: {  	[tilespmem:v12+s21+$0x0] =	vst.idx.msk $0xffff, v10  }
0x63e: {  	v10 =	vld.idx.msk [tilespmem:v13+s1+$0x0], $0xffff  }
0x63f: {  	v12 =	vor.u32 v2, v11  }
0x640: {  	v13 =	vor.u32 v3, v9;
	_ =	sdelay $0x3  }
0x641: {  	[tilespmem:v12+s21+$0x0] =	vst.idx.msk $0xffff, v10  }
0x642: {  	v10 =	vld.idx.msk [tilespmem:v13+s1+$0x0], $0xffff  }
0x643: {  	v12 =	vor.u32 v3, v11  }
0x644: {  	v13 =	vor.u32 v4, v9;
	_ =	sdelay $0x3  }
0x645: {  	[tilespmem:v12+s21+$0x0] =	vst.idx.msk $0xffff, v10  }
0x646: {  	v10 =	vld.idx.msk [tilespmem:v13+s1+$0x0], $0xffff  }
0x647: {  	v12 =	vor.u32 v4, v11  }
0x648: {  	v13 =	vor.u32 v5, v9;
	_ =	sdelay $0x3  }
0x649: {  	[tilespmem:v12+s21+$0x0] =	vst.idx.msk $0xffff, v10  }
0x64a: {  	v10 =	vld.idx.msk [tilespmem:v13+s1+$0x0], $0xffff  }
0x64b: {  	v12 =	vor.u32 v5, v11  }
0x64c: {  	v13 =	vor.u32 v6, v9;
	_ =	sdelay $0x3  }
0x64d: {  	[tilespmem:v12+s21+$0x0] =	vst.idx.msk $0xffff, v10  }
0x64e: {  	v10 =	vld.idx.msk [tilespmem:v13+s1+$0x0], $0xffff  }
0x64f: {  	v12 =	vor.u32 v6, v11  }
0x650: {  	v13 =	vor.u32 v7, v9;
	_ =	sdelay $0x3  }
0x651: {  	[tilespmem:v12+s21+$0x0] =	vst.idx.msk $0xffff, v10  }
0x652: {  	v10 =	vld.idx.msk [tilespmem:v13+s1+$0x0], $0xffff  }
0x653: {  	v12 =	vor.u32 v7, v11  }
0x654: {  	v9 =	vor.u32 v8, v9;
	_ =	sdelay $0x1  }
.Ltmp22:
0x655: {  	(pc) =	sbr.rel @p1 .LBB2_42-.Ltmp22, $4  }
0x656: {  	_ = 	snop  }
0x657: {  	[tilespmem:v12+s21+$0x0] =	vst.idx.msk $0xffff, v10  }
0x658: {  	v9 =	vld.idx.msk [tilespmem:v9+s1+$0x0], $0xffff  }
0x659: {  	v10 =	vor.u32 v8, v11  }
0x65a: {  	_ =	sdelay $0x3  }
0x65b: {  	s6 =	simm.s32 $0x0;
	s5 =	rddreg [dreg:$0x19];
	[tilespmem:v10+s21+$0x0] =	vst.idx.msk $0xffff, v9  }
0x65c: {  	[hbm4b:s5+s6] =	stream.linear.scatter [tilespmem:s21], [sflag:$0x5], $0x2800, $0x38;
	[tilespmem:$0x16C80] =	vst v63  }
0x65d: {  	_ =	swait.ge [sflag:s31], $0x2800  }
0x65e: {  	[sflag:s31] =	ssyncset.done $0x0  }
0x65f: {  	s5 =	simm.s32 $0x2690;
	[sflag:s31] =	ssyncadd.s32 $0xFFFFD800  }
0x660: {  	v9 =	vld [tilespmem:s5+$0x0];
	_ =	sdelay $0x4  }
0x661: {  	v9 =	vshll.u32 v9, $0x7  }
0x662: {  	v10 =	vor.u32 v0, v9;
	_ =	sdelay $0x1  }
0x663: {  	v11 =	vmov s6  }
0x664: {  	v11 =	vshll.u32 v11, $0x7  }
0x665: {  	v11 =	vor.u32 v1, v11  }
0x666: {  	v12 =	vor.u32 v0, v11;
	v10 =	vld.idx.msk [tilespmem:v10+s1+$0x0], $0xffff  }
0x667: {  	v13 =	vor.u32 v2, v9;
	_ =	sdelay $0x3  }
0x668: {  	[tilespmem:v12+s22+$0x0] =	vst.idx.msk $0xffff, v10  }
0x669: {  	v53 =	vor.u32 v2, v11;
	v10 =	vld.idx.msk [tilespmem:v13+s1+$0x0], $0xffff  }
0x66a: {  	v54 =	vor.u32 v3, v9;
	_ =	sdelay $0x3  }
0x66b: {  	[tilespmem:v53+s22+$0x0] =	vst.idx.msk $0xffff, v10  }
0x66c: {  	v55 =	vor.u32 v3, v11;
	v10 =	vld.idx.msk [tilespmem:v54+s1+$0x0], $0xffff  }
0x66d: {  	v56 =	vor.u32 v4, v9;
	_ =	sdelay $0x3  }
0x66e: {  	[tilespmem:v55+s22+$0x0] =	vst.idx.msk $0xffff, v10  }
0x66f: {  	v57 =	vor.u32 v4, v11;
	v10 =	vld.idx.msk [tilespmem:v56+s1+$0x0], $0xffff  }
0x670: {  	v58 =	vor.u32 v5, v9;
	_ =	sdelay $0x3  }
0x671: {  	[tilespmem:v57+s22+$0x0] =	vst.idx.msk $0xffff, v10  }
0x672: {  	v59 =	vor.u32 v5, v11;
	v10 =	vld.idx.msk [tilespmem:v58+s1+$0x0], $0xffff  }
0x673: {  	v60 =	vor.u32 v6, v9;
	_ =	sdelay $0x3  }
0x674: {  	[tilespmem:v59+s22+$0x0] =	vst.idx.msk $0xffff, v10  }
0x675: {  	v61 =	vor.u32 v6, v11;
	v10 =	vld.idx.msk [tilespmem:v60+s1+$0x0], $0xffff  }
0x676: {  	v62 =	vor.u32 v7, v9;
	_ =	sdelay $0x3  }
0x677: {  	[tilespmem:v61+s22+$0x0] =	vst.idx.msk $0xffff, v10  }
0x678: {  	v63 =	vor.u32 v7, v11;
	v10 =	vld.idx.msk [tilespmem:v62+s1+$0x0], $0xffff  }
0x679: {  	v9 =	vor.u32 v8, v9;
	_ =	sdelay $0x3  }
0x67a: {  	[tilespmem:v63+s22+$0x0] =	vst.idx.msk $0xffff, v10  }
0x67b: {  	s6 =	simm.s32 $0x10;
	v10 =	vor.u32 v8, v11;
	v9 =	vld.idx.msk [tilespmem:v9+s1+$0x0], $0xffff  }
.LBB2_44:
0x67c: {  	_ =	sdelay $0x2  }
0x67d: {  	p1 =	sne.s32 s6, $0x40  }
0x67e: {  	s5 =	sadd.s32 $0x10, s5;
	s7 =	smov.u32 s6;
	s6 =	sadd.s32 $0x10, s6;
	[tilespmem:v10+s22+$0x0] =	vst.idx.msk $0xffff, v9  }
0x67f: {  	v9 =	vld [tilespmem:s5+$0x0];
	_ =	sdelay $0x4  }
0x680: {  	v9 =	vshll.u32 v9, $0x7  }
0x681: {  	v10 =	vor.u32 v0, v9;
	_ =	sdelay $0x2  }
0x682: {  	v11 =	vmov s7  }
0x683: {  	v11 =	vshll.u32 v11, $0x7  }
0x684: {  	v11 =	vor.u32 v1, v11;
	v10 =	vld.idx.msk [tilespmem:v10+s1+$0x0], $0xffff  }
0x685: {  	v12 =	vor.u32 v0, v11  }
0x686: {  	v13 =	vor.u32 v2, v9;
	_ =	sdelay $0x3  }
0x687: {  	[tilespmem:v12+s22+$0x0] =	vst.idx.msk $0xffff, v10  }
0x688: {  	v10 =	vld.idx.msk [tilespmem:v13+s1+$0x0], $0xffff  }
0x689: {  	v12 =	vor.u32 v2, v11  }
0x68a: {  	v13 =	vor.u32 v3, v9;
	_ =	sdelay $0x3  }
0x68b: {  	[tilespmem:v12+s22+$0x0] =	vst.idx.msk $0xffff, v10  }
0x68c: {  	v10 =	vld.idx.msk [tilespmem:v13+s1+$0x0], $0xffff  }
0x68d: {  	v12 =	vor.u32 v3, v11  }
0x68e: {  	v13 =	vor.u32 v4, v9;
	_ =	sdelay $0x3  }
0x68f: {  	[tilespmem:v12+s22+$0x0] =	vst.idx.msk $0xffff, v10  }
0x690: {  	v10 =	vld.idx.msk [tilespmem:v13+s1+$0x0], $0xffff  }
0x691: {  	v12 =	vor.u32 v4, v11  }
0x692: {  	v13 =	vor.u32 v5, v9;
	_ =	sdelay $0x3  }
0x693: {  	[tilespmem:v12+s22+$0x0] =	vst.idx.msk $0xffff, v10  }
0x694: {  	v10 =	vld.idx.msk [tilespmem:v13+s1+$0x0], $0xffff  }
0x695: {  	v12 =	vor.u32 v5, v11  }
0x696: {  	v13 =	vor.u32 v6, v9;
	_ =	sdelay $0x3  }
0x697: {  	[tilespmem:v12+s22+$0x0] =	vst.idx.msk $0xffff, v10  }
0x698: {  	v10 =	vld.idx.msk [tilespmem:v13+s1+$0x0], $0xffff  }
0x699: {  	v12 =	vor.u32 v6, v11  }
0x69a: {  	v13 =	vor.u32 v7, v9;
	_ =	sdelay $0x3  }
0x69b: {  	[tilespmem:v12+s22+$0x0] =	vst.idx.msk $0xffff, v10  }
0x69c: {  	v10 =	vld.idx.msk [tilespmem:v13+s1+$0x0], $0xffff  }
0x69d: {  	v12 =	vor.u32 v7, v11  }
0x69e: {  	v9 =	vor.u32 v8, v9;
	_ =	sdelay $0x1  }
.Ltmp23:
0x69f: {  	(pc) =	sbr.rel @p1 .LBB2_44-.Ltmp23, $4  }
0x6a0: {  	_ = 	snop  }
0x6a1: {  	[tilespmem:v12+s22+$0x0] =	vst.idx.msk $0xffff, v10  }
0x6a2: {  	v9 =	vld.idx.msk [tilespmem:v9+s1+$0x0], $0xffff  }
0x6a3: {  	v10 =	vor.u32 v8, v11  }
0x6a4: {  	_ =	sdelay $0x3  }
0x6a5: {  	s6 =	simm.s32 $0x0;
	s5 =	rddreg [dreg:$0x1a];
	[tilespmem:v10+s22+$0x0] =	vst.idx.msk $0xffff, v9  }
0x6a6: {  	[hbm4b:s5+s6] =	stream.linear.scatter [tilespmem:s22], [sflag:$0x6], $0x2800, $0x38;
	[tilespmem:$0x16C80] =	vst v63  }
0x6a7: {  	_ =	swait.ge [sflag:s0], $0x2800  }
0x6a8: {  	[sflag:s0] =	ssyncset.done $0x0  }
0x6a9: {  	s5 =	simm.s32 $0x26E0;
	[sflag:s0] =	ssyncadd.s32 $0xFFFFD800  }
0x6aa: {  	v9 =	vld [tilespmem:s5+$0x0];
	_ =	sdelay $0x4  }
0x6ab: {  	v9 =	vshll.u32 v9, $0x7  }
0x6ac: {  	v10 =	vor.u32 v0, v9;
	_ =	sdelay $0x1  }
0x6ad: {  	v11 =	vmov s6  }
0x6ae: {  	v11 =	vshll.u32 v11, $0x7  }
0x6af: {  	v11 =	vor.u32 v1, v11  }
0x6b0: {  	v12 =	vor.u32 v0, v11;
	v10 =	vld.idx.msk [tilespmem:v10+s1+$0x0], $0xffff  }
0x6b1: {  	v13 =	vor.u32 v2, v9;
	_ =	sdelay $0x3  }
0x6b2: {  	[tilespmem:v12+s23+$0x0] =	vst.idx.msk $0xffff, v10  }
0x6b3: {  	v53 =	vor.u32 v2, v11;
	v10 =	vld.idx.msk [tilespmem:v13+s1+$0x0], $0xffff  }
0x6b4: {  	v54 =	vor.u32 v3, v9;
	_ =	sdelay $0x3  }
0x6b5: {  	[tilespmem:v53+s23+$0x0] =	vst.idx.msk $0xffff, v10  }
0x6b6: {  	v55 =	vor.u32 v3, v11;
	v10 =	vld.idx.msk [tilespmem:v54+s1+$0x0], $0xffff  }
0x6b7: {  	v56 =	vor.u32 v4, v9;
	_ =	sdelay $0x3  }
0x6b8: {  	[tilespmem:v55+s23+$0x0] =	vst.idx.msk $0xffff, v10  }
0x6b9: {  	v57 =	vor.u32 v4, v11;
	v10 =	vld.idx.msk [tilespmem:v56+s1+$0x0], $0xffff  }
0x6ba: {  	v58 =	vor.u32 v5, v9;
	_ =	sdelay $0x3  }
0x6bb: {  	[tilespmem:v57+s23+$0x0] =	vst.idx.msk $0xffff, v10  }
0x6bc: {  	v59 =	vor.u32 v5, v11;
	v10 =	vld.idx.msk [tilespmem:v58+s1+$0x0], $0xffff  }
0x6bd: {  	v60 =	vor.u32 v6, v9;
	_ =	sdelay $0x3  }
0x6be: {  	[tilespmem:v59+s23+$0x0] =	vst.idx.msk $0xffff, v10  }
0x6bf: {  	v61 =	vor.u32 v6, v11;
	v10 =	vld.idx.msk [tilespmem:v60+s1+$0x0], $0xffff  }
0x6c0: {  	v62 =	vor.u32 v7, v9;
	_ =	sdelay $0x3  }
0x6c1: {  	[tilespmem:v61+s23+$0x0] =	vst.idx.msk $0xffff, v10  }
0x6c2: {  	v63 =	vor.u32 v7, v11;
	v10 =	vld.idx.msk [tilespmem:v62+s1+$0x0], $0xffff  }
0x6c3: {  	v9 =	vor.u32 v8, v9;
	_ =	sdelay $0x3  }
0x6c4: {  	[tilespmem:v63+s23+$0x0] =	vst.idx.msk $0xffff, v10  }
0x6c5: {  	s6 =	simm.s32 $0x10;
	v10 =	vor.u32 v8, v11;
	v9 =	vld.idx.msk [tilespmem:v9+s1+$0x0], $0xffff  }
.LBB2_46:
0x6c6: {  	_ =	sdelay $0x2  }
0x6c7: {  	p1 =	sne.s32 s6, $0x40  }
0x6c8: {  	s5 =	sadd.s32 $0x10, s5;
	s7 =	smov.u32 s6;
	s6 =	sadd.s32 $0x10, s6;
	[tilespmem:v10+s23+$0x0] =	vst.idx.msk $0xffff, v9  }
0x6c9: {  	v9 =	vld [tilespmem:s5+$0x0];
	_ =	sdelay $0x4  }
0x6ca: {  	v9 =	vshll.u32 v9, $0x7  }
0x6cb: {  	v10 =	vor.u32 v0, v9;
	_ =	sdelay $0x2  }
0x6cc: {  	v11 =	vmov s7  }
0x6cd: {  	v11 =	vshll.u32 v11, $0x7  }
0x6ce: {  	v11 =	vor.u32 v1, v11;
	v10 =	vld.idx.msk [tilespmem:v10+s1+$0x0], $0xffff  }
0x6cf: {  	v12 =	vor.u32 v0, v11  }
0x6d0: {  	v13 =	vor.u32 v2, v9;
	_ =	sdelay $0x3  }
0x6d1: {  	[tilespmem:v12+s23+$0x0] =	vst.idx.msk $0xffff, v10  }
0x6d2: {  	v10 =	vld.idx.msk [tilespmem:v13+s1+$0x0], $0xffff  }
0x6d3: {  	v12 =	vor.u32 v2, v11  }
0x6d4: {  	v13 =	vor.u32 v3, v9;
	_ =	sdelay $0x3  }
0x6d5: {  	[tilespmem:v12+s23+$0x0] =	vst.idx.msk $0xffff, v10  }
0x6d6: {  	v10 =	vld.idx.msk [tilespmem:v13+s1+$0x0], $0xffff  }
0x6d7: {  	v12 =	vor.u32 v3, v11  }
0x6d8: {  	v13 =	vor.u32 v4, v9;
	_ =	sdelay $0x3  }
0x6d9: {  	[tilespmem:v12+s23+$0x0] =	vst.idx.msk $0xffff, v10  }
0x6da: {  	v10 =	vld.idx.msk [tilespmem:v13+s1+$0x0], $0xffff  }
0x6db: {  	v12 =	vor.u32 v4, v11  }
0x6dc: {  	v13 =	vor.u32 v5, v9;
	_ =	sdelay $0x3  }
0x6dd: {  	[tilespmem:v12+s23+$0x0] =	vst.idx.msk $0xffff, v10  }
0x6de: {  	v10 =	vld.idx.msk [tilespmem:v13+s1+$0x0], $0xffff  }
0x6df: {  	v12 =	vor.u32 v5, v11  }
0x6e0: {  	v13 =	vor.u32 v6, v9;
	_ =	sdelay $0x3  }
0x6e1: {  	[tilespmem:v12+s23+$0x0] =	vst.idx.msk $0xffff, v10  }
0x6e2: {  	v10 =	vld.idx.msk [tilespmem:v13+s1+$0x0], $0xffff  }
0x6e3: {  	v12 =	vor.u32 v6, v11  }
0x6e4: {  	v13 =	vor.u32 v7, v9;
	_ =	sdelay $0x3  }
0x6e5: {  	[tilespmem:v12+s23+$0x0] =	vst.idx.msk $0xffff, v10  }
0x6e6: {  	v10 =	vld.idx.msk [tilespmem:v13+s1+$0x0], $0xffff  }
0x6e7: {  	v12 =	vor.u32 v7, v11  }
0x6e8: {  	v9 =	vor.u32 v8, v9;
	_ =	sdelay $0x1  }
.Ltmp24:
0x6e9: {  	(pc) =	sbr.rel @p1 .LBB2_46-.Ltmp24, $4  }
0x6ea: {  	_ = 	snop  }
0x6eb: {  	[tilespmem:v12+s23+$0x0] =	vst.idx.msk $0xffff, v10  }
0x6ec: {  	v9 =	vld.idx.msk [tilespmem:v9+s1+$0x0], $0xffff  }
0x6ed: {  	v10 =	vor.u32 v8, v11  }
0x6ee: {  	_ =	sdelay $0x3  }
0x6ef: {  	s6 =	simm.s32 $0x0;
	s5 =	rddreg [dreg:$0x1b];
	[tilespmem:v10+s23+$0x0] =	vst.idx.msk $0xffff, v9  }
0x6f0: {  	[hbm4b:s5+s6] =	stream.linear.scatter [tilespmem:s23], [sflag:$0x7], $0x2800, $0x38;
	[tilespmem:$0x16C80] =	vst v63  }
0x6f1: {  	_ =	swait.ge [sflag:s2], $0x2800  }
0x6f2: {  	[sflag:s2] =	ssyncset.done $0x0  }
0x6f3: {  	s5 =	simm.s32 $0x2730;
	[sflag:s2] =	ssyncadd.s32 $0xFFFFD800  }
0x6f4: {  	v9 =	vld [tilespmem:s5+$0x0];
	_ =	sdelay $0x4  }
0x6f5: {  	v9 =	vshll.u32 v9, $0x7  }
0x6f6: {  	v10 =	vor.u32 v0, v9;
	_ =	sdelay $0x1  }
0x6f7: {  	v11 =	vmov s6  }
0x6f8: {  	v11 =	vshll.u32 v11, $0x7  }
0x6f9: {  	v11 =	vor.u32 v1, v11  }
0x6fa: {  	v12 =	vor.u32 v0, v11;
	v10 =	vld.idx.msk [tilespmem:v10+s1+$0x0], $0xffff  }
0x6fb: {  	v13 =	vor.u32 v2, v9;
	_ =	sdelay $0x3  }
0x6fc: {  	[tilespmem:v12+s24+$0x0] =	vst.idx.msk $0xffff, v10  }
0x6fd: {  	v53 =	vor.u32 v2, v11;
	v10 =	vld.idx.msk [tilespmem:v13+s1+$0x0], $0xffff  }
0x6fe: {  	v54 =	vor.u32 v3, v9;
	_ =	sdelay $0x3  }
0x6ff: {  	[tilespmem:v53+s24+$0x0] =	vst.idx.msk $0xffff, v10  }
0x700: {  	v55 =	vor.u32 v3, v11;
	v10 =	vld.idx.msk [tilespmem:v54+s1+$0x0], $0xffff  }
0x701: {  	v56 =	vor.u32 v4, v9;
	_ =	sdelay $0x3  }
0x702: {  	[tilespmem:v55+s24+$0x0] =	vst.idx.msk $0xffff, v10  }
0x703: {  	v57 =	vor.u32 v4, v11;
	v10 =	vld.idx.msk [tilespmem:v56+s1+$0x0], $0xffff  }
0x704: {  	v58 =	vor.u32 v5, v9;
	_ =	sdelay $0x3  }
0x705: {  	[tilespmem:v57+s24+$0x0] =	vst.idx.msk $0xffff, v10  }
0x706: {  	v59 =	vor.u32 v5, v11;
	v10 =	vld.idx.msk [tilespmem:v58+s1+$0x0], $0xffff  }
0x707: {  	v60 =	vor.u32 v6, v9;
	_ =	sdelay $0x3  }
0x708: {  	[tilespmem:v59+s24+$0x0] =	vst.idx.msk $0xffff, v10  }
0x709: {  	v61 =	vor.u32 v6, v11;
	v10 =	vld.idx.msk [tilespmem:v60+s1+$0x0], $0xffff  }
0x70a: {  	v62 =	vor.u32 v7, v9;
	_ =	sdelay $0x3  }
0x70b: {  	[tilespmem:v61+s24+$0x0] =	vst.idx.msk $0xffff, v10  }
0x70c: {  	v63 =	vor.u32 v7, v11;
	v10 =	vld.idx.msk [tilespmem:v62+s1+$0x0], $0xffff  }
0x70d: {  	v9 =	vor.u32 v8, v9;
	_ =	sdelay $0x3  }
0x70e: {  	[tilespmem:v63+s24+$0x0] =	vst.idx.msk $0xffff, v10  }
0x70f: {  	s6 =	simm.s32 $0x10;
	v10 =	vor.u32 v8, v11;
	v9 =	vld.idx.msk [tilespmem:v9+s1+$0x0], $0xffff  }
.LBB2_48:
0x710: {  	_ =	sdelay $0x2  }
0x711: {  	p1 =	sne.s32 s6, $0x40  }
0x712: {  	s5 =	sadd.s32 $0x10, s5;
	s7 =	smov.u32 s6;
	s6 =	sadd.s32 $0x10, s6;
	[tilespmem:v10+s24+$0x0] =	vst.idx.msk $0xffff, v9  }
0x713: {  	v9 =	vld [tilespmem:s5+$0x0];
	_ =	sdelay $0x4  }
0x714: {  	v9 =	vshll.u32 v9, $0x7  }
0x715: {  	v10 =	vor.u32 v0, v9;
	_ =	sdelay $0x2  }
0x716: {  	v11 =	vmov s7  }
0x717: {  	v11 =	vshll.u32 v11, $0x7  }
0x718: {  	v11 =	vor.u32 v1, v11;
	v10 =	vld.idx.msk [tilespmem:v10+s1+$0x0], $0xffff  }
0x719: {  	v12 =	vor.u32 v0, v11  }
0x71a: {  	v13 =	vor.u32 v2, v9;
	_ =	sdelay $0x3  }
0x71b: {  	[tilespmem:v12+s24+$0x0] =	vst.idx.msk $0xffff, v10  }
0x71c: {  	v10 =	vld.idx.msk [tilespmem:v13+s1+$0x0], $0xffff  }
0x71d: {  	v12 =	vor.u32 v2, v11  }
0x71e: {  	v13 =	vor.u32 v3, v9;
	_ =	sdelay $0x3  }
0x71f: {  	[tilespmem:v12+s24+$0x0] =	vst.idx.msk $0xffff, v10  }
0x720: {  	v10 =	vld.idx.msk [tilespmem:v13+s1+$0x0], $0xffff  }
0x721: {  	v12 =	vor.u32 v3, v11  }
0x722: {  	v13 =	vor.u32 v4, v9;
	_ =	sdelay $0x3  }
0x723: {  	[tilespmem:v12+s24+$0x0] =	vst.idx.msk $0xffff, v10  }
0x724: {  	v10 =	vld.idx.msk [tilespmem:v13+s1+$0x0], $0xffff  }
0x725: {  	v12 =	vor.u32 v4, v11  }
0x726: {  	v13 =	vor.u32 v5, v9;
	_ =	sdelay $0x3  }
0x727: {  	[tilespmem:v12+s24+$0x0] =	vst.idx.msk $0xffff, v10  }
0x728: {  	v10 =	vld.idx.msk [tilespmem:v13+s1+$0x0], $0xffff  }
0x729: {  	v12 =	vor.u32 v5, v11  }
0x72a: {  	v13 =	vor.u32 v6, v9;
	_ =	sdelay $0x3  }
0x72b: {  	[tilespmem:v12+s24+$0x0] =	vst.idx.msk $0xffff, v10  }
0x72c: {  	v10 =	vld.idx.msk [tilespmem:v13+s1+$0x0], $0xffff  }
0x72d: {  	v12 =	vor.u32 v6, v11  }
0x72e: {  	v13 =	vor.u32 v7, v9;
	_ =	sdelay $0x3  }
0x72f: {  	[tilespmem:v12+s24+$0x0] =	vst.idx.msk $0xffff, v10  }
0x730: {  	v10 =	vld.idx.msk [tilespmem:v13+s1+$0x0], $0xffff  }
0x731: {  	v12 =	vor.u32 v7, v11  }
0x732: {  	v9 =	vor.u32 v8, v9;
	_ =	sdelay $0x1  }
.Ltmp25:
0x733: {  	(pc) =	sbr.rel @p1 .LBB2_48-.Ltmp25, $4  }
0x734: {  	_ = 	snop  }
0x735: {  	[tilespmem:v12+s24+$0x0] =	vst.idx.msk $0xffff, v10  }
0x736: {  	v9 =	vld.idx.msk [tilespmem:v9+s1+$0x0], $0xffff  }
0x737: {  	v10 =	vor.u32 v8, v11  }
0x738: {  	_ =	sdelay $0x3  }
0x739: {  	s6 =	simm.s32 $0x0;
	s5 =	rddreg [dreg:$0x1c];
	[tilespmem:v10+s24+$0x0] =	vst.idx.msk $0xffff, v9  }
0x73a: {  	[hbm4b:s5+s6] =	stream.linear.scatter [tilespmem:s24], [sflag:$0x8], $0x2800, $0x38;
	[tilespmem:$0x16C80] =	vst v63  }
0x73b: {  	_ =	swait.ge [sflag:s25], $0x2800  }
0x73c: {  	[sflag:s25] =	ssyncset.done $0x0  }
0x73d: {  	s5 =	simm.s32 $0x2780;
	[sflag:s25] =	ssyncadd.s32 $0xFFFFD800  }
0x73e: {  	v9 =	vld [tilespmem:s5+$0x0];
	_ =	sdelay $0x4  }
0x73f: {  	v9 =	vshll.u32 v9, $0x7  }
0x740: {  	v10 =	vor.u32 v0, v9;
	_ =	sdelay $0x1  }
0x741: {  	v11 =	vmov s6  }
0x742: {  	v11 =	vshll.u32 v11, $0x7  }
0x743: {  	v11 =	vor.u32 v1, v11  }
0x744: {  	v12 =	vor.u32 v0, v11;
	v10 =	vld.idx.msk [tilespmem:v10+s1+$0x0], $0xffff  }
0x745: {  	v13 =	vor.u32 v2, v9;
	_ =	sdelay $0x3  }
0x746: {  	[tilespmem:v12+s17+$0x0] =	vst.idx.msk $0xffff, v10  }
0x747: {  	v53 =	vor.u32 v2, v11;
	v10 =	vld.idx.msk [tilespmem:v13+s1+$0x0], $0xffff  }
0x748: {  	v54 =	vor.u32 v3, v9;
	_ =	sdelay $0x3  }
0x749: {  	[tilespmem:v53+s17+$0x0] =	vst.idx.msk $0xffff, v10  }
0x74a: {  	v55 =	vor.u32 v3, v11;
	v10 =	vld.idx.msk [tilespmem:v54+s1+$0x0], $0xffff  }
0x74b: {  	v56 =	vor.u32 v4, v9;
	_ =	sdelay $0x3  }
0x74c: {  	[tilespmem:v55+s17+$0x0] =	vst.idx.msk $0xffff, v10  }
0x74d: {  	v57 =	vor.u32 v4, v11;
	v10 =	vld.idx.msk [tilespmem:v56+s1+$0x0], $0xffff  }
0x74e: {  	v58 =	vor.u32 v5, v9;
	_ =	sdelay $0x3  }
0x74f: {  	[tilespmem:v57+s17+$0x0] =	vst.idx.msk $0xffff, v10  }
0x750: {  	v59 =	vor.u32 v5, v11;
	v10 =	vld.idx.msk [tilespmem:v58+s1+$0x0], $0xffff  }
0x751: {  	v60 =	vor.u32 v6, v9;
	_ =	sdelay $0x3  }
0x752: {  	[tilespmem:v59+s17+$0x0] =	vst.idx.msk $0xffff, v10  }
0x753: {  	v61 =	vor.u32 v6, v11;
	v10 =	vld.idx.msk [tilespmem:v60+s1+$0x0], $0xffff  }
0x754: {  	v62 =	vor.u32 v7, v9;
	_ =	sdelay $0x3  }
0x755: {  	[tilespmem:v61+s17+$0x0] =	vst.idx.msk $0xffff, v10  }
0x756: {  	v63 =	vor.u32 v7, v11;
	v10 =	vld.idx.msk [tilespmem:v62+s1+$0x0], $0xffff  }
0x757: {  	v9 =	vor.u32 v8, v9;
	_ =	sdelay $0x3  }
0x758: {  	[tilespmem:v63+s17+$0x0] =	vst.idx.msk $0xffff, v10  }
0x759: {  	s6 =	simm.s32 $0x10;
	v10 =	vor.u32 v8, v11;
	v9 =	vld.idx.msk [tilespmem:v9+s1+$0x0], $0xffff  }
.LBB2_50:
0x75a: {  	_ =	sdelay $0x2  }
0x75b: {  	p1 =	sne.s32 s6, $0x40  }
0x75c: {  	s5 =	sadd.s32 $0x10, s5;
	s7 =	smov.u32 s6;
	s6 =	sadd.s32 $0x10, s6;
	[tilespmem:v10+s17+$0x0] =	vst.idx.msk $0xffff, v9  }
0x75d: {  	v9 =	vld [tilespmem:s5+$0x0];
	_ =	sdelay $0x4  }
0x75e: {  	v9 =	vshll.u32 v9, $0x7  }
0x75f: {  	v10 =	vor.u32 v0, v9;
	_ =	sdelay $0x2  }
0x760: {  	v11 =	vmov s7  }
0x761: {  	v11 =	vshll.u32 v11, $0x7  }
0x762: {  	v11 =	vor.u32 v1, v11;
	v10 =	vld.idx.msk [tilespmem:v10+s1+$0x0], $0xffff  }
0x763: {  	v12 =	vor.u32 v0, v11  }
0x764: {  	v13 =	vor.u32 v2, v9;
	_ =	sdelay $0x3  }
0x765: {  	[tilespmem:v12+s17+$0x0] =	vst.idx.msk $0xffff, v10  }
0x766: {  	v10 =	vld.idx.msk [tilespmem:v13+s1+$0x0], $0xffff  }
0x767: {  	v12 =	vor.u32 v2, v11  }
0x768: {  	v13 =	vor.u32 v3, v9;
	_ =	sdelay $0x3  }
0x769: {  	[tilespmem:v12+s17+$0x0] =	vst.idx.msk $0xffff, v10  }
0x76a: {  	v10 =	vld.idx.msk [tilespmem:v13+s1+$0x0], $0xffff  }
0x76b: {  	v12 =	vor.u32 v3, v11  }
0x76c: {  	v13 =	vor.u32 v4, v9;
	_ =	sdelay $0x3  }
0x76d: {  	[tilespmem:v12+s17+$0x0] =	vst.idx.msk $0xffff, v10  }
0x76e: {  	v10 =	vld.idx.msk [tilespmem:v13+s1+$0x0], $0xffff  }
0x76f: {  	v12 =	vor.u32 v4, v11  }
0x770: {  	v13 =	vor.u32 v5, v9;
	_ =	sdelay $0x3  }
0x771: {  	[tilespmem:v12+s17+$0x0] =	vst.idx.msk $0xffff, v10  }
0x772: {  	v10 =	vld.idx.msk [tilespmem:v13+s1+$0x0], $0xffff  }
0x773: {  	v12 =	vor.u32 v5, v11  }
0x774: {  	v13 =	vor.u32 v6, v9;
	_ =	sdelay $0x3  }
0x775: {  	[tilespmem:v12+s17+$0x0] =	vst.idx.msk $0xffff, v10  }
0x776: {  	v10 =	vld.idx.msk [tilespmem:v13+s1+$0x0], $0xffff  }
0x777: {  	v12 =	vor.u32 v6, v11  }
0x778: {  	v13 =	vor.u32 v7, v9;
	_ =	sdelay $0x3  }
0x779: {  	[tilespmem:v12+s17+$0x0] =	vst.idx.msk $0xffff, v10  }
0x77a: {  	v10 =	vld.idx.msk [tilespmem:v13+s1+$0x0], $0xffff  }
0x77b: {  	v12 =	vor.u32 v7, v11  }
0x77c: {  	v9 =	vor.u32 v8, v9;
	_ =	sdelay $0x1  }
.Ltmp26:
0x77d: {  	(pc) =	sbr.rel @p1 .LBB2_50-.Ltmp26, $4  }
0x77e: {  	_ = 	snop  }
0x77f: {  	[tilespmem:v12+s17+$0x0] =	vst.idx.msk $0xffff, v10  }
0x780: {  	v9 =	vld.idx.msk [tilespmem:v9+s1+$0x0], $0xffff  }
0x781: {  	v10 =	vor.u32 v8, v11  }
0x782: {  	_ =	sdelay $0x3  }
0x783: {  	s6 =	simm.s32 $0x0;
	s5 =	rddreg [dreg:$0x1d];
	[tilespmem:v10+s17+$0x0] =	vst.idx.msk $0xffff, v9  }
0x784: {  	[hbm4b:s5+s6] =	stream.linear.scatter [tilespmem:s17], [sflag:$0x1], $0x2800, $0x38;
	[tilespmem:$0x16C80] =	vst v63  }
0x785: {  	_ =	swait.ge [sflag:s26], $0x2800  }
0x786: {  	[sflag:s26] =	ssyncset.done $0x0  }
0x787: {  	s5 =	simm.s32 $0x27D0;
	[sflag:s26] =	ssyncadd.s32 $0xFFFFD800  }
0x788: {  	v9 =	vld [tilespmem:s5+$0x0];
	_ =	sdelay $0x4  }
0x789: {  	v9 =	vshll.u32 v9, $0x7  }
0x78a: {  	v10 =	vor.u32 v0, v9;
	_ =	sdelay $0x1  }
0x78b: {  	v11 =	vmov s6  }
0x78c: {  	v11 =	vshll.u32 v11, $0x7  }
0x78d: {  	v11 =	vor.u32 v1, v11  }
0x78e: {  	v12 =	vor.u32 v0, v11;
	v10 =	vld.idx.msk [tilespmem:v10+s1+$0x0], $0xffff  }
0x78f: {  	v13 =	vor.u32 v2, v9;
	_ =	sdelay $0x3  }
0x790: {  	[tilespmem:v12+s18+$0x0] =	vst.idx.msk $0xffff, v10  }
0x791: {  	v53 =	vor.u32 v2, v11;
	v10 =	vld.idx.msk [tilespmem:v13+s1+$0x0], $0xffff  }
0x792: {  	v54 =	vor.u32 v3, v9;
	_ =	sdelay $0x3  }
0x793: {  	[tilespmem:v53+s18+$0x0] =	vst.idx.msk $0xffff, v10  }
0x794: {  	v55 =	vor.u32 v3, v11;
	v10 =	vld.idx.msk [tilespmem:v54+s1+$0x0], $0xffff  }
0x795: {  	v56 =	vor.u32 v4, v9;
	_ =	sdelay $0x3  }
0x796: {  	[tilespmem:v55+s18+$0x0] =	vst.idx.msk $0xffff, v10  }
0x797: {  	v57 =	vor.u32 v4, v11;
	v10 =	vld.idx.msk [tilespmem:v56+s1+$0x0], $0xffff  }
0x798: {  	v58 =	vor.u32 v5, v9;
	_ =	sdelay $0x3  }
0x799: {  	[tilespmem:v57+s18+$0x0] =	vst.idx.msk $0xffff, v10  }
0x79a: {  	v59 =	vor.u32 v5, v11;
	v10 =	vld.idx.msk [tilespmem:v58+s1+$0x0], $0xffff  }
0x79b: {  	v60 =	vor.u32 v6, v9;
	_ =	sdelay $0x3  }
0x79c: {  	[tilespmem:v59+s18+$0x0] =	vst.idx.msk $0xffff, v10  }
0x79d: {  	v61 =	vor.u32 v6, v11;
	v10 =	vld.idx.msk [tilespmem:v60+s1+$0x0], $0xffff  }
0x79e: {  	v62 =	vor.u32 v7, v9;
	_ =	sdelay $0x3  }
0x79f: {  	[tilespmem:v61+s18+$0x0] =	vst.idx.msk $0xffff, v10  }
0x7a0: {  	v63 =	vor.u32 v7, v11;
	v10 =	vld.idx.msk [tilespmem:v62+s1+$0x0], $0xffff  }
0x7a1: {  	v9 =	vor.u32 v8, v9;
	_ =	sdelay $0x3  }
0x7a2: {  	[tilespmem:v63+s18+$0x0] =	vst.idx.msk $0xffff, v10  }
0x7a3: {  	s6 =	simm.s32 $0x10;
	v10 =	vor.u32 v8, v11;
	v9 =	vld.idx.msk [tilespmem:v9+s1+$0x0], $0xffff  }
.LBB2_52:
0x7a4: {  	_ =	sdelay $0x2  }
0x7a5: {  	p1 =	sne.s32 s6, $0x40  }
0x7a6: {  	s5 =	sadd.s32 $0x10, s5;
	s7 =	smov.u32 s6;
	s6 =	sadd.s32 $0x10, s6;
	[tilespmem:v10+s18+$0x0] =	vst.idx.msk $0xffff, v9  }
0x7a7: {  	v9 =	vld [tilespmem:s5+$0x0];
	_ =	sdelay $0x4  }
0x7a8: {  	v9 =	vshll.u32 v9, $0x7  }
0x7a9: {  	v10 =	vor.u32 v0, v9;
	_ =	sdelay $0x2  }
0x7aa: {  	v11 =	vmov s7  }
0x7ab: {  	v11 =	vshll.u32 v11, $0x7  }
0x7ac: {  	v11 =	vor.u32 v1, v11;
	v10 =	vld.idx.msk [tilespmem:v10+s1+$0x0], $0xffff  }
0x7ad: {  	v12 =	vor.u32 v0, v11  }
0x7ae: {  	v13 =	vor.u32 v2, v9;
	_ =	sdelay $0x3  }
0x7af: {  	[tilespmem:v12+s18+$0x0] =	vst.idx.msk $0xffff, v10  }
0x7b0: {  	v10 =	vld.idx.msk [tilespmem:v13+s1+$0x0], $0xffff  }
0x7b1: {  	v12 =	vor.u32 v2, v11  }
0x7b2: {  	v13 =	vor.u32 v3, v9;
	_ =	sdelay $0x3  }
0x7b3: {  	[tilespmem:v12+s18+$0x0] =	vst.idx.msk $0xffff, v10  }
0x7b4: {  	v10 =	vld.idx.msk [tilespmem:v13+s1+$0x0], $0xffff  }
0x7b5: {  	v12 =	vor.u32 v3, v11  }
0x7b6: {  	v13 =	vor.u32 v4, v9;
	_ =	sdelay $0x3  }
0x7b7: {  	[tilespmem:v12+s18+$0x0] =	vst.idx.msk $0xffff, v10  }
0x7b8: {  	v10 =	vld.idx.msk [tilespmem:v13+s1+$0x0], $0xffff  }
0x7b9: {  	v12 =	vor.u32 v4, v11  }
0x7ba: {  	v13 =	vor.u32 v5, v9;
	_ =	sdelay $0x3  }
0x7bb: {  	[tilespmem:v12+s18+$0x0] =	vst.idx.msk $0xffff, v10  }
0x7bc: {  	v10 =	vld.idx.msk [tilespmem:v13+s1+$0x0], $0xffff  }
0x7bd: {  	v12 =	vor.u32 v5, v11  }
0x7be: {  	v13 =	vor.u32 v6, v9;
	_ =	sdelay $0x3  }
0x7bf: {  	[tilespmem:v12+s18+$0x0] =	vst.idx.msk $0xffff, v10  }
0x7c0: {  	v10 =	vld.idx.msk [tilespmem:v13+s1+$0x0], $0xffff  }
0x7c1: {  	v12 =	vor.u32 v6, v11  }
0x7c2: {  	v13 =	vor.u32 v7, v9;
	_ =	sdelay $0x3  }
0x7c3: {  	[tilespmem:v12+s18+$0x0] =	vst.idx.msk $0xffff, v10  }
0x7c4: {  	v10 =	vld.idx.msk [tilespmem:v13+s1+$0x0], $0xffff  }
0x7c5: {  	v12 =	vor.u32 v7, v11  }
0x7c6: {  	v9 =	vor.u32 v8, v9;
	_ =	sdelay $0x1  }
.Ltmp27:
0x7c7: {  	(pc) =	sbr.rel @p1 .LBB2_52-.Ltmp27, $4  }
0x7c8: {  	_ = 	snop  }
0x7c9: {  	[tilespmem:v12+s18+$0x0] =	vst.idx.msk $0xffff, v10  }
0x7ca: {  	v9 =	vld.idx.msk [tilespmem:v9+s1+$0x0], $0xffff  }
0x7cb: {  	v10 =	vor.u32 v8, v11  }
0x7cc: {  	_ =	sdelay $0x3  }
0x7cd: {  	s6 =	simm.s32 $0x0;
	s5 =	rddreg [dreg:$0x1e];
	[tilespmem:v10+s18+$0x0] =	vst.idx.msk $0xffff, v9  }
0x7ce: {  	[hbm4b:s5+s6] =	stream.linear.scatter [tilespmem:s18], [sflag:$0x2], $0x2800, $0x38;
	[tilespmem:$0x16C80] =	vst v63  }
0x7cf: {  	_ =	swait.ge [sflag:s28], $0x2800  }
0x7d0: {  	[sflag:s28] =	ssyncset.done $0x0  }
0x7d1: {  	s5 =	simm.s32 $0x2820;
	[sflag:s28] =	ssyncadd.s32 $0xFFFFD800  }
0x7d2: {  	v9 =	vld [tilespmem:s5+$0x0];
	_ =	sdelay $0x4  }
0x7d3: {  	v9 =	vshll.u32 v9, $0x7  }
0x7d4: {  	v10 =	vor.u32 v0, v9;
	_ =	sdelay $0x1  }
0x7d5: {  	v11 =	vmov s6  }
0x7d6: {  	v11 =	vshll.u32 v11, $0x7  }
0x7d7: {  	v11 =	vor.u32 v1, v11  }
0x7d8: {  	v12 =	vor.u32 v0, v11;
	v10 =	vld.idx.msk [tilespmem:v10+s1+$0x0], $0xffff  }
0x7d9: {  	v13 =	vor.u32 v2, v9;
	_ =	sdelay $0x3  }
0x7da: {  	[tilespmem:v12+s19+$0x0] =	vst.idx.msk $0xffff, v10  }
0x7db: {  	v53 =	vor.u32 v2, v11;
	v10 =	vld.idx.msk [tilespmem:v13+s1+$0x0], $0xffff  }
0x7dc: {  	v54 =	vor.u32 v3, v9;
	_ =	sdelay $0x3  }
0x7dd: {  	[tilespmem:v53+s19+$0x0] =	vst.idx.msk $0xffff, v10  }
0x7de: {  	v55 =	vor.u32 v3, v11;
	v10 =	vld.idx.msk [tilespmem:v54+s1+$0x0], $0xffff  }
0x7df: {  	v56 =	vor.u32 v4, v9;
	_ =	sdelay $0x3  }
0x7e0: {  	[tilespmem:v55+s19+$0x0] =	vst.idx.msk $0xffff, v10  }
0x7e1: {  	v57 =	vor.u32 v4, v11;
	v10 =	vld.idx.msk [tilespmem:v56+s1+$0x0], $0xffff  }
0x7e2: {  	v58 =	vor.u32 v5, v9;
	_ =	sdelay $0x3  }
0x7e3: {  	[tilespmem:v57+s19+$0x0] =	vst.idx.msk $0xffff, v10  }
0x7e4: {  	v59 =	vor.u32 v5, v11;
	v10 =	vld.idx.msk [tilespmem:v58+s1+$0x0], $0xffff  }
0x7e5: {  	v60 =	vor.u32 v6, v9;
	_ =	sdelay $0x3  }
0x7e6: {  	[tilespmem:v59+s19+$0x0] =	vst.idx.msk $0xffff, v10  }
0x7e7: {  	v61 =	vor.u32 v6, v11;
	v10 =	vld.idx.msk [tilespmem:v60+s1+$0x0], $0xffff  }
0x7e8: {  	v62 =	vor.u32 v7, v9;
	_ =	sdelay $0x3  }
0x7e9: {  	[tilespmem:v61+s19+$0x0] =	vst.idx.msk $0xffff, v10  }
0x7ea: {  	v63 =	vor.u32 v7, v11;
	v10 =	vld.idx.msk [tilespmem:v62+s1+$0x0], $0xffff  }
0x7eb: {  	v9 =	vor.u32 v8, v9;
	_ =	sdelay $0x3  }
0x7ec: {  	[tilespmem:v63+s19+$0x0] =	vst.idx.msk $0xffff, v10  }
0x7ed: {  	s6 =	simm.s32 $0x10;
	v10 =	vor.u32 v8, v11;
	v9 =	vld.idx.msk [tilespmem:v9+s1+$0x0], $0xffff  }
.LBB2_54:
0x7ee: {  	_ =	sdelay $0x2  }
0x7ef: {  	p1 =	sne.s32 s6, $0x40  }
0x7f0: {  	s5 =	sadd.s32 $0x10, s5;
	s7 =	smov.u32 s6;
	s6 =	sadd.s32 $0x10, s6;
	[tilespmem:v10+s19+$0x0] =	vst.idx.msk $0xffff, v9  }
0x7f1: {  	v9 =	vld [tilespmem:s5+$0x0];
	_ =	sdelay $0x4  }
0x7f2: {  	v9 =	vshll.u32 v9, $0x7  }
0x7f3: {  	v10 =	vor.u32 v0, v9;
	_ =	sdelay $0x2  }
0x7f4: {  	v11 =	vmov s7  }
0x7f5: {  	v11 =	vshll.u32 v11, $0x7  }
0x7f6: {  	v11 =	vor.u32 v1, v11;
	v10 =	vld.idx.msk [tilespmem:v10+s1+$0x0], $0xffff  }
0x7f7: {  	v12 =	vor.u32 v0, v11  }
0x7f8: {  	v13 =	vor.u32 v2, v9;
	_ =	sdelay $0x3  }
0x7f9: {  	[tilespmem:v12+s19+$0x0] =	vst.idx.msk $0xffff, v10  }
0x7fa: {  	v10 =	vld.idx.msk [tilespmem:v13+s1+$0x0], $0xffff  }
0x7fb: {  	v12 =	vor.u32 v2, v11  }
0x7fc: {  	v13 =	vor.u32 v3, v9;
	_ =	sdelay $0x3  }
0x7fd: {  	[tilespmem:v12+s19+$0x0] =	vst.idx.msk $0xffff, v10  }
0x7fe: {  	v10 =	vld.idx.msk [tilespmem:v13+s1+$0x0], $0xffff  }
0x7ff: {  	v12 =	vor.u32 v3, v11  }
0x800: {  	v13 =	vor.u32 v4, v9;
	_ =	sdelay $0x3  }
0x801: {  	[tilespmem:v12+s19+$0x0] =	vst.idx.msk $0xffff, v10  }
0x802: {  	v10 =	vld.idx.msk [tilespmem:v13+s1+$0x0], $0xffff  }
0x803: {  	v12 =	vor.u32 v4, v11  }
0x804: {  	v13 =	vor.u32 v5, v9;
	_ =	sdelay $0x3  }
0x805: {  	[tilespmem:v12+s19+$0x0] =	vst.idx.msk $0xffff, v10  }
0x806: {  	v10 =	vld.idx.msk [tilespmem:v13+s1+$0x0], $0xffff  }
0x807: {  	v12 =	vor.u32 v5, v11  }
0x808: {  	v13 =	vor.u32 v6, v9;
	_ =	sdelay $0x3  }
0x809: {  	[tilespmem:v12+s19+$0x0] =	vst.idx.msk $0xffff, v10  }
0x80a: {  	v10 =	vld.idx.msk [tilespmem:v13+s1+$0x0], $0xffff  }
0x80b: {  	v12 =	vor.u32 v6, v11  }
0x80c: {  	v13 =	vor.u32 v7, v9;
	_ =	sdelay $0x3  }
0x80d: {  	[tilespmem:v12+s19+$0x0] =	vst.idx.msk $0xffff, v10  }
0x80e: {  	v10 =	vld.idx.msk [tilespmem:v13+s1+$0x0], $0xffff  }
0x80f: {  	v12 =	vor.u32 v7, v11  }
0x810: {  	v9 =	vor.u32 v8, v9;
	_ =	sdelay $0x1  }
.Ltmp28:
0x811: {  	(pc) =	sbr.rel @p1 .LBB2_54-.Ltmp28, $4  }
0x812: {  	_ = 	snop  }
0x813: {  	[tilespmem:v12+s19+$0x0] =	vst.idx.msk $0xffff, v10  }
0x814: {  	v9 =	vld.idx.msk [tilespmem:v9+s1+$0x0], $0xffff  }
0x815: {  	v10 =	vor.u32 v8, v11  }
0x816: {  	_ =	sdelay $0x3  }
0x817: {  	s6 =	simm.s32 $0x0;
	s5 =	rddreg [dreg:$0x1f];
	[tilespmem:v10+s19+$0x0] =	vst.idx.msk $0xffff, v9  }
0x818: {  	[hbm4b:s5+s6] =	stream.linear.scatter [tilespmem:s19], [sflag:$0x3], $0x2800, $0x38;
	[tilespmem:$0x16C80] =	vst v63  }
0x819: {  	_ =	swait.ge [sflag:s29], $0x2800  }
0x81a: {  	[sflag:s29] =	ssyncset.done $0x0  }
0x81b: {  	s5 =	simm.s32 $0x2870;
	[sflag:s29] =	ssyncadd.s32 $0xFFFFD800  }
0x81c: {  	v9 =	vld [tilespmem:s5+$0x0];
	_ =	sdelay $0x4  }
0x81d: {  	v9 =	vshll.u32 v9, $0x7  }
0x81e: {  	v10 =	vor.u32 v0, v9;
	_ =	sdelay $0x1  }
0x81f: {  	v11 =	vmov s6  }
0x820: {  	v11 =	vshll.u32 v11, $0x7  }
0x821: {  	v11 =	vor.u32 v1, v11  }
0x822: {  	v12 =	vor.u32 v0, v11;
	v10 =	vld.idx.msk [tilespmem:v10+s1+$0x0], $0xffff  }
0x823: {  	v13 =	vor.u32 v2, v9;
	_ =	sdelay $0x3  }
0x824: {  	[tilespmem:v12+s20+$0x0] =	vst.idx.msk $0xffff, v10  }
0x825: {  	v53 =	vor.u32 v2, v11;
	v10 =	vld.idx.msk [tilespmem:v13+s1+$0x0], $0xffff  }
0x826: {  	v54 =	vor.u32 v3, v9;
	_ =	sdelay $0x3  }
0x827: {  	[tilespmem:v53+s20+$0x0] =	vst.idx.msk $0xffff, v10  }
0x828: {  	v55 =	vor.u32 v3, v11;
	v10 =	vld.idx.msk [tilespmem:v54+s1+$0x0], $0xffff  }
0x829: {  	v56 =	vor.u32 v4, v9;
	_ =	sdelay $0x3  }
0x82a: {  	[tilespmem:v55+s20+$0x0] =	vst.idx.msk $0xffff, v10  }
0x82b: {  	v57 =	vor.u32 v4, v11;
	v10 =	vld.idx.msk [tilespmem:v56+s1+$0x0], $0xffff  }
0x82c: {  	v58 =	vor.u32 v5, v9;
	_ =	sdelay $0x3  }
0x82d: {  	[tilespmem:v57+s20+$0x0] =	vst.idx.msk $0xffff, v10  }
0x82e: {  	v59 =	vor.u32 v5, v11;
	v10 =	vld.idx.msk [tilespmem:v58+s1+$0x0], $0xffff  }
0x82f: {  	v60 =	vor.u32 v6, v9;
	_ =	sdelay $0x3  }
0x830: {  	[tilespmem:v59+s20+$0x0] =	vst.idx.msk $0xffff, v10  }
0x831: {  	v61 =	vor.u32 v6, v11;
	v10 =	vld.idx.msk [tilespmem:v60+s1+$0x0], $0xffff  }
0x832: {  	v62 =	vor.u32 v7, v9;
	_ =	sdelay $0x3  }
0x833: {  	[tilespmem:v61+s20+$0x0] =	vst.idx.msk $0xffff, v10  }
0x834: {  	v63 =	vor.u32 v7, v11;
	v10 =	vld.idx.msk [tilespmem:v62+s1+$0x0], $0xffff  }
0x835: {  	v9 =	vor.u32 v8, v9;
	_ =	sdelay $0x3  }
0x836: {  	[tilespmem:v63+s20+$0x0] =	vst.idx.msk $0xffff, v10  }
0x837: {  	s6 =	simm.s32 $0x10;
	v10 =	vor.u32 v8, v11;
	v9 =	vld.idx.msk [tilespmem:v9+s1+$0x0], $0xffff  }
.LBB2_56:
0x838: {  	_ =	sdelay $0x2  }
0x839: {  	p1 =	sne.s32 s6, $0x40  }
0x83a: {  	s5 =	sadd.s32 $0x10, s5;
	s7 =	smov.u32 s6;
	s6 =	sadd.s32 $0x10, s6;
	[tilespmem:v10+s20+$0x0] =	vst.idx.msk $0xffff, v9  }
0x83b: {  	v9 =	vld [tilespmem:s5+$0x0];
	_ =	sdelay $0x4  }
0x83c: {  	v9 =	vshll.u32 v9, $0x7  }
0x83d: {  	v10 =	vor.u32 v0, v9;
	_ =	sdelay $0x2  }
0x83e: {  	v11 =	vmov s7  }
0x83f: {  	v11 =	vshll.u32 v11, $0x7  }
0x840: {  	v11 =	vor.u32 v1, v11;
	v10 =	vld.idx.msk [tilespmem:v10+s1+$0x0], $0xffff  }
0x841: {  	v12 =	vor.u32 v0, v11  }
0x842: {  	v13 =	vor.u32 v2, v9;
	_ =	sdelay $0x3  }
0x843: {  	[tilespmem:v12+s20+$0x0] =	vst.idx.msk $0xffff, v10  }
0x844: {  	v10 =	vld.idx.msk [tilespmem:v13+s1+$0x0], $0xffff  }
0x845: {  	v12 =	vor.u32 v2, v11  }
0x846: {  	v13 =	vor.u32 v3, v9;
	_ =	sdelay $0x3  }
0x847: {  	[tilespmem:v12+s20+$0x0] =	vst.idx.msk $0xffff, v10  }
0x848: {  	v10 =	vld.idx.msk [tilespmem:v13+s1+$0x0], $0xffff  }
0x849: {  	v12 =	vor.u32 v3, v11  }
0x84a: {  	v13 =	vor.u32 v4, v9;
	_ =	sdelay $0x3  }
0x84b: {  	[tilespmem:v12+s20+$0x0] =	vst.idx.msk $0xffff, v10  }
0x84c: {  	v10 =	vld.idx.msk [tilespmem:v13+s1+$0x0], $0xffff  }
0x84d: {  	v12 =	vor.u32 v4, v11  }
0x84e: {  	v13 =	vor.u32 v5, v9;
	_ =	sdelay $0x3  }
0x84f: {  	[tilespmem:v12+s20+$0x0] =	vst.idx.msk $0xffff, v10  }
0x850: {  	v10 =	vld.idx.msk [tilespmem:v13+s1+$0x0], $0xffff  }
0x851: {  	v12 =	vor.u32 v5, v11  }
0x852: {  	v13 =	vor.u32 v6, v9;
	_ =	sdelay $0x3  }
0x853: {  	[tilespmem:v12+s20+$0x0] =	vst.idx.msk $0xffff, v10  }
0x854: {  	v10 =	vld.idx.msk [tilespmem:v13+s1+$0x0], $0xffff  }
0x855: {  	v12 =	vor.u32 v6, v11  }
0x856: {  	v13 =	vor.u32 v7, v9;
	_ =	sdelay $0x3  }
0x857: {  	[tilespmem:v12+s20+$0x0] =	vst.idx.msk $0xffff, v10  }
0x858: {  	v10 =	vld.idx.msk [tilespmem:v13+s1+$0x0], $0xffff  }
0x859: {  	v12 =	vor.u32 v7, v11  }
0x85a: {  	v9 =	vor.u32 v8, v9;
	_ =	sdelay $0x1  }
.Ltmp29:
0x85b: {  	(pc) =	sbr.rel @p1 .LBB2_56-.Ltmp29, $4  }
0x85c: {  	_ = 	snop  }
0x85d: {  	[tilespmem:v12+s20+$0x0] =	vst.idx.msk $0xffff, v10  }
0x85e: {  	v9 =	vld.idx.msk [tilespmem:v9+s1+$0x0], $0xffff  }
0x85f: {  	v10 =	vor.u32 v8, v11  }
0x860: {  	_ =	sdelay $0x1  }
0x861: {  	s5 =	sld [smem:$0x7F7];
	_ =	sdelay $0x1  }
0x862: {  	s6 =	simm.s32 $0x0;
	[tilespmem:v10+s20+$0x0] =	vst.idx.msk $0xffff, v9  }
0x863: {  	[hbm4b:s5+s6] =	stream.linear.scatter [tilespmem:s20], [sflag:$0x4], $0x2800, $0x38;
	[tilespmem:$0x16C80] =	vst v63  }
0x864: {  	_ =	swait.ge [sflag:s30], $0x2800  }
0x865: {  	[sflag:s30] =	ssyncset.done $0x0  }
0x866: {  	s5 =	simm.s32 $0x28C0;
	[sflag:s30] =	ssyncadd.s32 $0xFFFFD800  }
0x867: {  	v9 =	vld [tilespmem:s5+$0x0];
	_ =	sdelay $0x4  }
0x868: {  	v9 =	vshll.u32 v9, $0x7  }
0x869: {  	v10 =	vor.u32 v0, v9;
	_ =	sdelay $0x1  }
0x86a: {  	v11 =	vmov s6  }
0x86b: {  	v11 =	vshll.u32 v11, $0x7  }
0x86c: {  	v11 =	vor.u32 v1, v11  }
0x86d: {  	v12 =	vor.u32 v0, v11;
	v10 =	vld.idx.msk [tilespmem:v10+s1+$0x0], $0xffff  }
0x86e: {  	v13 =	vor.u32 v2, v9;
	_ =	sdelay $0x3  }
0x86f: {  	[tilespmem:v12+s21+$0x0] =	vst.idx.msk $0xffff, v10  }
0x870: {  	v53 =	vor.u32 v2, v11;
	v10 =	vld.idx.msk [tilespmem:v13+s1+$0x0], $0xffff  }
0x871: {  	v54 =	vor.u32 v3, v9;
	_ =	sdelay $0x3  }
0x872: {  	[tilespmem:v53+s21+$0x0] =	vst.idx.msk $0xffff, v10  }
0x873: {  	v55 =	vor.u32 v3, v11;
	v10 =	vld.idx.msk [tilespmem:v54+s1+$0x0], $0xffff  }
0x874: {  	v56 =	vor.u32 v4, v9;
	_ =	sdelay $0x3  }
0x875: {  	[tilespmem:v55+s21+$0x0] =	vst.idx.msk $0xffff, v10  }
0x876: {  	v57 =	vor.u32 v4, v11;
	v10 =	vld.idx.msk [tilespmem:v56+s1+$0x0], $0xffff  }
0x877: {  	v58 =	vor.u32 v5, v9;
	_ =	sdelay $0x3  }
0x878: {  	[tilespmem:v57+s21+$0x0] =	vst.idx.msk $0xffff, v10  }
0x879: {  	v59 =	vor.u32 v5, v11;
	v10 =	vld.idx.msk [tilespmem:v58+s1+$0x0], $0xffff  }
0x87a: {  	v60 =	vor.u32 v6, v9;
	_ =	sdelay $0x3  }
0x87b: {  	[tilespmem:v59+s21+$0x0] =	vst.idx.msk $0xffff, v10  }
0x87c: {  	v61 =	vor.u32 v6, v11;
	v10 =	vld.idx.msk [tilespmem:v60+s1+$0x0], $0xffff  }
0x87d: {  	v62 =	vor.u32 v7, v9;
	_ =	sdelay $0x3  }
0x87e: {  	[tilespmem:v61+s21+$0x0] =	vst.idx.msk $0xffff, v10  }
0x87f: {  	v63 =	vor.u32 v7, v11;
	v10 =	vld.idx.msk [tilespmem:v62+s1+$0x0], $0xffff  }
0x880: {  	v9 =	vor.u32 v8, v9;
	_ =	sdelay $0x3  }
0x881: {  	[tilespmem:v63+s21+$0x0] =	vst.idx.msk $0xffff, v10  }
0x882: {  	s6 =	simm.s32 $0x10;
	v10 =	vor.u32 v8, v11;
	v9 =	vld.idx.msk [tilespmem:v9+s1+$0x0], $0xffff  }
.LBB2_58:
0x883: {  	_ =	sdelay $0x2  }
0x884: {  	p1 =	sne.s32 s6, $0x40  }
0x885: {  	s5 =	sadd.s32 $0x10, s5;
	s7 =	smov.u32 s6;
	s6 =	sadd.s32 $0x10, s6;
	[tilespmem:v10+s21+$0x0] =	vst.idx.msk $0xffff, v9  }
0x886: {  	v9 =	vld [tilespmem:s5+$0x0];
	_ =	sdelay $0x4  }
0x887: {  	v9 =	vshll.u32 v9, $0x7  }
0x888: {  	v10 =	vor.u32 v0, v9;
	_ =	sdelay $0x2  }
0x889: {  	v11 =	vmov s7  }
0x88a: {  	v11 =	vshll.u32 v11, $0x7  }
0x88b: {  	v11 =	vor.u32 v1, v11;
	v10 =	vld.idx.msk [tilespmem:v10+s1+$0x0], $0xffff  }
0x88c: {  	v12 =	vor.u32 v0, v11  }
0x88d: {  	v13 =	vor.u32 v2, v9;
	_ =	sdelay $0x3  }
0x88e: {  	[tilespmem:v12+s21+$0x0] =	vst.idx.msk $0xffff, v10  }
0x88f: {  	v10 =	vld.idx.msk [tilespmem:v13+s1+$0x0], $0xffff  }
0x890: {  	v12 =	vor.u32 v2, v11  }
0x891: {  	v13 =	vor.u32 v3, v9;
	_ =	sdelay $0x3  }
0x892: {  	[tilespmem:v12+s21+$0x0] =	vst.idx.msk $0xffff, v10  }
0x893: {  	v10 =	vld.idx.msk [tilespmem:v13+s1+$0x0], $0xffff  }
0x894: {  	v12 =	vor.u32 v3, v11  }
0x895: {  	v13 =	vor.u32 v4, v9;
	_ =	sdelay $0x3  }
0x896: {  	[tilespmem:v12+s21+$0x0] =	vst.idx.msk $0xffff, v10  }
0x897: {  	v10 =	vld.idx.msk [tilespmem:v13+s1+$0x0], $0xffff  }
0x898: {  	v12 =	vor.u32 v4, v11  }
0x899: {  	v13 =	vor.u32 v5, v9;
	_ =	sdelay $0x3  }
0x89a: {  	[tilespmem:v12+s21+$0x0] =	vst.idx.msk $0xffff, v10  }
0x89b: {  	v10 =	vld.idx.msk [tilespmem:v13+s1+$0x0], $0xffff  }
0x89c: {  	v12 =	vor.u32 v5, v11  }
0x89d: {  	v13 =	vor.u32 v6, v9;
	_ =	sdelay $0x3  }
0x89e: {  	[tilespmem:v12+s21+$0x0] =	vst.idx.msk $0xffff, v10  }
0x89f: {  	v10 =	vld.idx.msk [tilespmem:v13+s1+$0x0], $0xffff  }
0x8a0: {  	v12 =	vor.u32 v6, v11  }
0x8a1: {  	v13 =	vor.u32 v7, v9;
	_ =	sdelay $0x3  }
0x8a2: {  	[tilespmem:v12+s21+$0x0] =	vst.idx.msk $0xffff, v10  }
0x8a3: {  	v10 =	vld.idx.msk [tilespmem:v13+s1+$0x0], $0xffff  }
0x8a4: {  	v12 =	vor.u32 v7, v11  }
0x8a5: {  	v9 =	vor.u32 v8, v9;
	_ =	sdelay $0x1  }
.Ltmp30:
0x8a6: {  	(pc) =	sbr.rel @p1 .LBB2_58-.Ltmp30, $4  }
0x8a7: {  	_ = 	snop  }
0x8a8: {  	[tilespmem:v12+s21+$0x0] =	vst.idx.msk $0xffff, v10  }
0x8a9: {  	v9 =	vld.idx.msk [tilespmem:v9+s1+$0x0], $0xffff  }
0x8aa: {  	v10 =	vor.u32 v8, v11  }
0x8ab: {  	_ =	sdelay $0x1  }
0x8ac: {  	s5 =	sld [smem:$0x7F8];
	_ =	sdelay $0x1  }
0x8ad: {  	s6 =	simm.s32 $0x0;
	[tilespmem:v10+s21+$0x0] =	vst.idx.msk $0xffff, v9  }
0x8ae: {  	[hbm4b:s5+s6] =	stream.linear.scatter [tilespmem:s21], [sflag:$0x5], $0x2800, $0x38;
	[tilespmem:$0x16C80] =	vst v63  }
0x8af: {  	_ =	swait.ge [sflag:s31], $0x2800  }
0x8b0: {  	[sflag:s31] =	ssyncset.done $0x0  }
0x8b1: {  	s5 =	simm.s32 $0x2910;
	[sflag:s31] =	ssyncadd.s32 $0xFFFFD800  }
0x8b2: {  	v9 =	vld [tilespmem:s5+$0x0];
	_ =	sdelay $0x4  }
0x8b3: {  	v9 =	vshll.u32 v9, $0x7  }
0x8b4: {  	v10 =	vor.u32 v0, v9;
	_ =	sdelay $0x1  }
0x8b5: {  	v11 =	vmov s6  }
0x8b6: {  	v11 =	vshll.u32 v11, $0x7  }
0x8b7: {  	v11 =	vor.u32 v1, v11  }
0x8b8: {  	v12 =	vor.u32 v0, v11;
	v10 =	vld.idx.msk [tilespmem:v10+s1+$0x0], $0xffff  }
0x8b9: {  	v13 =	vor.u32 v2, v9;
	_ =	sdelay $0x3  }
0x8ba: {  	[tilespmem:v12+s22+$0x0] =	vst.idx.msk $0xffff, v10  }
0x8bb: {  	v53 =	vor.u32 v2, v11;
	v10 =	vld.idx.msk [tilespmem:v13+s1+$0x0], $0xffff  }
0x8bc: {  	v54 =	vor.u32 v3, v9;
	_ =	sdelay $0x3  }
0x8bd: {  	[tilespmem:v53+s22+$0x0] =	vst.idx.msk $0xffff, v10  }
0x8be: {  	v55 =	vor.u32 v3, v11;
	v10 =	vld.idx.msk [tilespmem:v54+s1+$0x0], $0xffff  }
0x8bf: {  	v56 =	vor.u32 v4, v9;
	_ =	sdelay $0x3  }
0x8c0: {  	[tilespmem:v55+s22+$0x0] =	vst.idx.msk $0xffff, v10  }
0x8c1: {  	v57 =	vor.u32 v4, v11;
	v10 =	vld.idx.msk [tilespmem:v56+s1+$0x0], $0xffff  }
0x8c2: {  	v58 =	vor.u32 v5, v9;
	_ =	sdelay $0x3  }
0x8c3: {  	[tilespmem:v57+s22+$0x0] =	vst.idx.msk $0xffff, v10  }
0x8c4: {  	v59 =	vor.u32 v5, v11;
	v10 =	vld.idx.msk [tilespmem:v58+s1+$0x0], $0xffff  }
0x8c5: {  	v60 =	vor.u32 v6, v9;
	_ =	sdelay $0x3  }
0x8c6: {  	[tilespmem:v59+s22+$0x0] =	vst.idx.msk $0xffff, v10  }
0x8c7: {  	v61 =	vor.u32 v6, v11;
	v10 =	vld.idx.msk [tilespmem:v60+s1+$0x0], $0xffff  }
0x8c8: {  	v62 =	vor.u32 v7, v9;
	_ =	sdelay $0x3  }
0x8c9: {  	[tilespmem:v61+s22+$0x0] =	vst.idx.msk $0xffff, v10  }
0x8ca: {  	v63 =	vor.u32 v7, v11;
	v10 =	vld.idx.msk [tilespmem:v62+s1+$0x0], $0xffff  }
0x8cb: {  	v9 =	vor.u32 v8, v9;
	_ =	sdelay $0x3  }
0x8cc: {  	[tilespmem:v63+s22+$0x0] =	vst.idx.msk $0xffff, v10  }
0x8cd: {  	s6 =	simm.s32 $0x10;
	v10 =	vor.u32 v8, v11;
	v9 =	vld.idx.msk [tilespmem:v9+s1+$0x0], $0xffff  }
.LBB2_60:
0x8ce: {  	_ =	sdelay $0x2  }
0x8cf: {  	p1 =	sne.s32 s6, $0x40  }
0x8d0: {  	s5 =	sadd.s32 $0x10, s5;
	s7 =	smov.u32 s6;
	s6 =	sadd.s32 $0x10, s6;
	[tilespmem:v10+s22+$0x0] =	vst.idx.msk $0xffff, v9  }
0x8d1: {  	v9 =	vld [tilespmem:s5+$0x0];
	_ =	sdelay $0x4  }
0x8d2: {  	v9 =	vshll.u32 v9, $0x7  }
0x8d3: {  	v10 =	vor.u32 v0, v9;
	_ =	sdelay $0x2  }
0x8d4: {  	v11 =	vmov s7  }
0x8d5: {  	v11 =	vshll.u32 v11, $0x7  }
0x8d6: {  	v11 =	vor.u32 v1, v11;
	v10 =	vld.idx.msk [tilespmem:v10+s1+$0x0], $0xffff  }
0x8d7: {  	v12 =	vor.u32 v0, v11  }
0x8d8: {  	v13 =	vor.u32 v2, v9;
	_ =	sdelay $0x3  }
0x8d9: {  	[tilespmem:v12+s22+$0x0] =	vst.idx.msk $0xffff, v10  }
0x8da: {  	v10 =	vld.idx.msk [tilespmem:v13+s1+$0x0], $0xffff  }
0x8db: {  	v12 =	vor.u32 v2, v11  }
0x8dc: {  	v13 =	vor.u32 v3, v9;
	_ =	sdelay $0x3  }
0x8dd: {  	[tilespmem:v12+s22+$0x0] =	vst.idx.msk $0xffff, v10  }
0x8de: {  	v10 =	vld.idx.msk [tilespmem:v13+s1+$0x0], $0xffff  }
0x8df: {  	v12 =	vor.u32 v3, v11  }
0x8e0: {  	v13 =	vor.u32 v4, v9;
	_ =	sdelay $0x3  }
0x8e1: {  	[tilespmem:v12+s22+$0x0] =	vst.idx.msk $0xffff, v10  }
0x8e2: {  	v10 =	vld.idx.msk [tilespmem:v13+s1+$0x0], $0xffff  }
0x8e3: {  	v12 =	vor.u32 v4, v11  }
0x8e4: {  	v13 =	vor.u32 v5, v9;
	_ =	sdelay $0x3  }
0x8e5: {  	[tilespmem:v12+s22+$0x0] =	vst.idx.msk $0xffff, v10  }
0x8e6: {  	v10 =	vld.idx.msk [tilespmem:v13+s1+$0x0], $0xffff  }
0x8e7: {  	v12 =	vor.u32 v5, v11  }
0x8e8: {  	v13 =	vor.u32 v6, v9;
	_ =	sdelay $0x3  }
0x8e9: {  	[tilespmem:v12+s22+$0x0] =	vst.idx.msk $0xffff, v10  }
0x8ea: {  	v10 =	vld.idx.msk [tilespmem:v13+s1+$0x0], $0xffff  }
0x8eb: {  	v12 =	vor.u32 v6, v11  }
0x8ec: {  	v13 =	vor.u32 v7, v9;
	_ =	sdelay $0x3  }
0x8ed: {  	[tilespmem:v12+s22+$0x0] =	vst.idx.msk $0xffff, v10  }
0x8ee: {  	v10 =	vld.idx.msk [tilespmem:v13+s1+$0x0], $0xffff  }
0x8ef: {  	v12 =	vor.u32 v7, v11  }
0x8f0: {  	v9 =	vor.u32 v8, v9;
	_ =	sdelay $0x1  }
.Ltmp31:
0x8f1: {  	(pc) =	sbr.rel @p1 .LBB2_60-.Ltmp31, $4  }
0x8f2: {  	_ = 	snop  }
0x8f3: {  	[tilespmem:v12+s22+$0x0] =	vst.idx.msk $0xffff, v10  }
0x8f4: {  	v9 =	vld.idx.msk [tilespmem:v9+s1+$0x0], $0xffff  }
0x8f5: {  	v10 =	vor.u32 v8, v11  }
0x8f6: {  	_ =	sdelay $0x1  }
0x8f7: {  	s5 =	sld [smem:$0x7F9];
	_ =	sdelay $0x1  }
0x8f8: {  	s6 =	simm.s32 $0x0;
	[tilespmem:v10+s22+$0x0] =	vst.idx.msk $0xffff, v9  }
0x8f9: {  	[hbm4b:s5+s6] =	stream.linear.scatter [tilespmem:s22], [sflag:$0x6], $0x2800, $0x38;
	[tilespmem:$0x16C80] =	vst v63  }
0x8fa: {  	_ =	swait.ge [sflag:s0], $0x2800  }
0x8fb: {  	[sflag:s0] =	ssyncset.done $0x0  }
0x8fc: {  	s5 =	simm.s32 $0x2960;
	[sflag:s0] =	ssyncadd.s32 $0xFFFFD800  }
0x8fd: {  	v9 =	vld [tilespmem:s5+$0x0];
	_ =	sdelay $0x4  }
0x8fe: {  	v9 =	vshll.u32 v9, $0x7  }
0x8ff: {  	v10 =	vor.u32 v0, v9;
	_ =	sdelay $0x1  }
0x900: {  	v11 =	vmov s6  }
0x901: {  	v11 =	vshll.u32 v11, $0x7  }
0x902: {  	v11 =	vor.u32 v1, v11  }
0x903: {  	v12 =	vor.u32 v0, v11;
	v10 =	vld.idx.msk [tilespmem:v10+s1+$0x0], $0xffff  }
0x904: {  	v13 =	vor.u32 v2, v9;
	_ =	sdelay $0x3  }
0x905: {  	[tilespmem:v12+s23+$0x0] =	vst.idx.msk $0xffff, v10  }
0x906: {  	v53 =	vor.u32 v2, v11;
	v10 =	vld.idx.msk [tilespmem:v13+s1+$0x0], $0xffff  }
0x907: {  	v54 =	vor.u32 v3, v9;
	_ =	sdelay $0x3  }
0x908: {  	[tilespmem:v53+s23+$0x0] =	vst.idx.msk $0xffff, v10  }
0x909: {  	v55 =	vor.u32 v3, v11;
	v10 =	vld.idx.msk [tilespmem:v54+s1+$0x0], $0xffff  }
0x90a: {  	v56 =	vor.u32 v4, v9;
	_ =	sdelay $0x3  }
0x90b: {  	[tilespmem:v55+s23+$0x0] =	vst.idx.msk $0xffff, v10  }
0x90c: {  	v57 =	vor.u32 v4, v11;
	v10 =	vld.idx.msk [tilespmem:v56+s1+$0x0], $0xffff  }
0x90d: {  	v58 =	vor.u32 v5, v9;
	_ =	sdelay $0x3  }
0x90e: {  	[tilespmem:v57+s23+$0x0] =	vst.idx.msk $0xffff, v10  }
0x90f: {  	v59 =	vor.u32 v5, v11;
	v10 =	vld.idx.msk [tilespmem:v58+s1+$0x0], $0xffff  }
0x910: {  	v60 =	vor.u32 v6, v9;
	_ =	sdelay $0x3  }
0x911: {  	[tilespmem:v59+s23+$0x0] =	vst.idx.msk $0xffff, v10  }
0x912: {  	v61 =	vor.u32 v6, v11;
	v10 =	vld.idx.msk [tilespmem:v60+s1+$0x0], $0xffff  }
0x913: {  	v62 =	vor.u32 v7, v9;
	_ =	sdelay $0x3  }
0x914: {  	[tilespmem:v61+s23+$0x0] =	vst.idx.msk $0xffff, v10  }
0x915: {  	v63 =	vor.u32 v7, v11;
	v10 =	vld.idx.msk [tilespmem:v62+s1+$0x0], $0xffff  }
0x916: {  	v9 =	vor.u32 v8, v9;
	_ =	sdelay $0x3  }
0x917: {  	[tilespmem:v63+s23+$0x0] =	vst.idx.msk $0xffff, v10  }
0x918: {  	s6 =	simm.s32 $0x10;
	v10 =	vor.u32 v8, v11;
	v9 =	vld.idx.msk [tilespmem:v9+s1+$0x0], $0xffff  }
.LBB2_62:
0x919: {  	_ =	sdelay $0x2  }
0x91a: {  	p1 =	sne.s32 s6, $0x40  }
0x91b: {  	s5 =	sadd.s32 $0x10, s5;
	s7 =	smov.u32 s6;
	s6 =	sadd.s32 $0x10, s6;
	[tilespmem:v10+s23+$0x0] =	vst.idx.msk $0xffff, v9  }
0x91c: {  	v9 =	vld [tilespmem:s5+$0x0];
	_ =	sdelay $0x4  }
0x91d: {  	v9 =	vshll.u32 v9, $0x7  }
0x91e: {  	v10 =	vor.u32 v0, v9;
	_ =	sdelay $0x2  }
0x91f: {  	v11 =	vmov s7  }
0x920: {  	v11 =	vshll.u32 v11, $0x7  }
0x921: {  	v11 =	vor.u32 v1, v11;
	v10 =	vld.idx.msk [tilespmem:v10+s1+$0x0], $0xffff  }
0x922: {  	v12 =	vor.u32 v0, v11  }
0x923: {  	v13 =	vor.u32 v2, v9;
	_ =	sdelay $0x3  }
0x924: {  	[tilespmem:v12+s23+$0x0] =	vst.idx.msk $0xffff, v10  }
0x925: {  	v10 =	vld.idx.msk [tilespmem:v13+s1+$0x0], $0xffff  }
0x926: {  	v12 =	vor.u32 v2, v11  }
0x927: {  	v13 =	vor.u32 v3, v9;
	_ =	sdelay $0x3  }
0x928: {  	[tilespmem:v12+s23+$0x0] =	vst.idx.msk $0xffff, v10  }
0x929: {  	v10 =	vld.idx.msk [tilespmem:v13+s1+$0x0], $0xffff  }
0x92a: {  	v12 =	vor.u32 v3, v11  }
0x92b: {  	v13 =	vor.u32 v4, v9;
	_ =	sdelay $0x3  }
0x92c: {  	[tilespmem:v12+s23+$0x0] =	vst.idx.msk $0xffff, v10  }
0x92d: {  	v10 =	vld.idx.msk [tilespmem:v13+s1+$0x0], $0xffff  }
0x92e: {  	v12 =	vor.u32 v4, v11  }
0x92f: {  	v13 =	vor.u32 v5, v9;
	_ =	sdelay $0x3  }
0x930: {  	[tilespmem:v12+s23+$0x0] =	vst.idx.msk $0xffff, v10  }
0x931: {  	v10 =	vld.idx.msk [tilespmem:v13+s1+$0x0], $0xffff  }
0x932: {  	v12 =	vor.u32 v5, v11  }
0x933: {  	v13 =	vor.u32 v6, v9;
	_ =	sdelay $0x3  }
0x934: {  	[tilespmem:v12+s23+$0x0] =	vst.idx.msk $0xffff, v10  }
0x935: {  	v10 =	vld.idx.msk [tilespmem:v13+s1+$0x0], $0xffff  }
0x936: {  	v12 =	vor.u32 v6, v11  }
0x937: {  	v13 =	vor.u32 v7, v9;
	_ =	sdelay $0x3  }
0x938: {  	[tilespmem:v12+s23+$0x0] =	vst.idx.msk $0xffff, v10  }
0x939: {  	v10 =	vld.idx.msk [tilespmem:v13+s1+$0x0], $0xffff  }
0x93a: {  	v12 =	vor.u32 v7, v11  }
0x93b: {  	v9 =	vor.u32 v8, v9;
	_ =	sdelay $0x1  }
.Ltmp32:
0x93c: {  	(pc) =	sbr.rel @p1 .LBB2_62-.Ltmp32, $4  }
0x93d: {  	_ = 	snop  }
0x93e: {  	[tilespmem:v12+s23+$0x0] =	vst.idx.msk $0xffff, v10  }
0x93f: {  	v9 =	vld.idx.msk [tilespmem:v9+s1+$0x0], $0xffff  }
0x940: {  	v10 =	vor.u32 v8, v11  }
0x941: {  	_ =	sdelay $0x1  }
0x942: {  	s5 =	sld [smem:$0x7FA];
	_ =	sdelay $0x1  }
0x943: {  	s6 =	simm.s32 $0x0;
	[tilespmem:v10+s23+$0x0] =	vst.idx.msk $0xffff, v9  }
0x944: {  	[hbm4b:s5+s6] =	stream.linear.scatter [tilespmem:s23], [sflag:$0x7], $0x2800, $0x38;
	[tilespmem:$0x16C80] =	vst v63  }
0x945: {  	_ =	swait.ge [sflag:s2], $0x2800  }
0x946: {  	[sflag:s2] =	ssyncset.done $0x0  }
0x947: {  	s5 =	simm.s32 $0x29B0;
	[sflag:s2] =	ssyncadd.s32 $0xFFFFD800  }
0x948: {  	v9 =	vld [tilespmem:s5+$0x0];
	_ =	sdelay $0x4  }
0x949: {  	v9 =	vshll.u32 v9, $0x7  }
0x94a: {  	v10 =	vor.u32 v0, v9;
	_ =	sdelay $0x1  }
0x94b: {  	v11 =	vmov s6  }
0x94c: {  	v11 =	vshll.u32 v11, $0x7  }
0x94d: {  	v11 =	vor.u32 v1, v11  }
0x94e: {  	v12 =	vor.u32 v0, v11;
	v10 =	vld.idx.msk [tilespmem:v10+s1+$0x0], $0xffff  }
0x94f: {  	v13 =	vor.u32 v2, v9;
	_ =	sdelay $0x3  }
0x950: {  	[tilespmem:v12+s24+$0x0] =	vst.idx.msk $0xffff, v10  }
0x951: {  	v53 =	vor.u32 v2, v11;
	v10 =	vld.idx.msk [tilespmem:v13+s1+$0x0], $0xffff  }
0x952: {  	v54 =	vor.u32 v3, v9;
	_ =	sdelay $0x3  }
0x953: {  	[tilespmem:v53+s24+$0x0] =	vst.idx.msk $0xffff, v10  }
0x954: {  	v55 =	vor.u32 v3, v11;
	v10 =	vld.idx.msk [tilespmem:v54+s1+$0x0], $0xffff  }
0x955: {  	v56 =	vor.u32 v4, v9;
	_ =	sdelay $0x3  }
0x956: {  	[tilespmem:v55+s24+$0x0] =	vst.idx.msk $0xffff, v10  }
0x957: {  	v57 =	vor.u32 v4, v11;
	v10 =	vld.idx.msk [tilespmem:v56+s1+$0x0], $0xffff  }
0x958: {  	v58 =	vor.u32 v5, v9;
	_ =	sdelay $0x3  }
0x959: {  	[tilespmem:v57+s24+$0x0] =	vst.idx.msk $0xffff, v10  }
0x95a: {  	v59 =	vor.u32 v5, v11;
	v10 =	vld.idx.msk [tilespmem:v58+s1+$0x0], $0xffff  }
0x95b: {  	v60 =	vor.u32 v6, v9;
	_ =	sdelay $0x3  }
0x95c: {  	[tilespmem:v59+s24+$0x0] =	vst.idx.msk $0xffff, v10  }
0x95d: {  	v61 =	vor.u32 v6, v11;
	v10 =	vld.idx.msk [tilespmem:v60+s1+$0x0], $0xffff  }
0x95e: {  	v62 =	vor.u32 v7, v9;
	_ =	sdelay $0x3  }
0x95f: {  	[tilespmem:v61+s24+$0x0] =	vst.idx.msk $0xffff, v10  }
0x960: {  	v63 =	vor.u32 v7, v11;
	v10 =	vld.idx.msk [tilespmem:v62+s1+$0x0], $0xffff  }
0x961: {  	v9 =	vor.u32 v8, v9;
	_ =	sdelay $0x3  }
0x962: {  	[tilespmem:v63+s24+$0x0] =	vst.idx.msk $0xffff, v10  }
0x963: {  	s6 =	simm.s32 $0x10;
	v10 =	vor.u32 v8, v11;
	v9 =	vld.idx.msk [tilespmem:v9+s1+$0x0], $0xffff  }
.LBB2_64:
0x964: {  	_ =	sdelay $0x2  }
0x965: {  	p1 =	sne.s32 s6, $0x40  }
0x966: {  	s5 =	sadd.s32 $0x10, s5;
	s7 =	smov.u32 s6;
	s6 =	sadd.s32 $0x10, s6;
	[tilespmem:v10+s24+$0x0] =	vst.idx.msk $0xffff, v9  }
0x967: {  	v9 =	vld [tilespmem:s5+$0x0];
	_ =	sdelay $0x4  }
0x968: {  	v9 =	vshll.u32 v9, $0x7  }
0x969: {  	v10 =	vor.u32 v0, v9;
	_ =	sdelay $0x2  }
0x96a: {  	v11 =	vmov s7  }
0x96b: {  	v11 =	vshll.u32 v11, $0x7  }
0x96c: {  	v11 =	vor.u32 v1, v11;
	v10 =	vld.idx.msk [tilespmem:v10+s1+$0x0], $0xffff  }
0x96d: {  	v12 =	vor.u32 v0, v11  }
0x96e: {  	v13 =	vor.u32 v2, v9;
	_ =	sdelay $0x3  }
0x96f: {  	[tilespmem:v12+s24+$0x0] =	vst.idx.msk $0xffff, v10  }
0x970: {  	v10 =	vld.idx.msk [tilespmem:v13+s1+$0x0], $0xffff  }
0x971: {  	v12 =	vor.u32 v2, v11  }
0x972: {  	v13 =	vor.u32 v3, v9;
	_ =	sdelay $0x3  }
0x973: {  	[tilespmem:v12+s24+$0x0] =	vst.idx.msk $0xffff, v10  }
0x974: {  	v10 =	vld.idx.msk [tilespmem:v13+s1+$0x0], $0xffff  }
0x975: {  	v12 =	vor.u32 v3, v11  }
0x976: {  	v13 =	vor.u32 v4, v9;
	_ =	sdelay $0x3  }
0x977: {  	[tilespmem:v12+s24+$0x0] =	vst.idx.msk $0xffff, v10  }
0x978: {  	v10 =	vld.idx.msk [tilespmem:v13+s1+$0x0], $0xffff  }
0x979: {  	v12 =	vor.u32 v4, v11  }
0x97a: {  	v13 =	vor.u32 v5, v9;
	_ =	sdelay $0x3  }
0x97b: {  	[tilespmem:v12+s24+$0x0] =	vst.idx.msk $0xffff, v10  }
0x97c: {  	v10 =	vld.idx.msk [tilespmem:v13+s1+$0x0], $0xffff  }
0x97d: {  	v12 =	vor.u32 v5, v11  }
0x97e: {  	v13 =	vor.u32 v6, v9;
	_ =	sdelay $0x3  }
0x97f: {  	[tilespmem:v12+s24+$0x0] =	vst.idx.msk $0xffff, v10  }
0x980: {  	v10 =	vld.idx.msk [tilespmem:v13+s1+$0x0], $0xffff  }
0x981: {  	v12 =	vor.u32 v6, v11  }
0x982: {  	v13 =	vor.u32 v7, v9;
	_ =	sdelay $0x3  }
0x983: {  	[tilespmem:v12+s24+$0x0] =	vst.idx.msk $0xffff, v10  }
0x984: {  	v10 =	vld.idx.msk [tilespmem:v13+s1+$0x0], $0xffff  }
0x985: {  	v12 =	vor.u32 v7, v11  }
0x986: {  	v9 =	vor.u32 v8, v9;
	_ =	sdelay $0x1  }
.Ltmp33:
0x987: {  	(pc) =	sbr.rel @p1 .LBB2_64-.Ltmp33, $4  }
0x988: {  	_ = 	snop  }
0x989: {  	[tilespmem:v12+s24+$0x0] =	vst.idx.msk $0xffff, v10  }
0x98a: {  	v9 =	vld.idx.msk [tilespmem:v9+s1+$0x0], $0xffff  }
0x98b: {  	v10 =	vor.u32 v8, v11  }
0x98c: {  	_ =	sdelay $0x1  }
0x98d: {  	s5 =	sld [smem:$0x7FB];
	_ =	sdelay $0x1  }
0x98e: {  	s6 =	simm.s32 $0x0;
	[tilespmem:v10+s24+$0x0] =	vst.idx.msk $0xffff, v9  }
0x98f: {  	[hbm4b:s5+s6] =	stream.linear.scatter [tilespmem:s24], [sflag:$0x8], $0x2800, $0x38;
	[tilespmem:$0x16C80] =	vst v63  }
0x990: {  	_ =	swait.ge [sflag:s25], $0x2800  }
0x991: {  	[sflag:s25] =	ssyncset.done $0x0  }
0x992: {  	s5 =	simm.s32 $0x2A00;
	[sflag:s25] =	ssyncadd.s32 $0xFFFFD800  }
0x993: {  	v9 =	vld [tilespmem:s5+$0x0];
	_ =	sdelay $0x4  }
0x994: {  	v9 =	vshll.u32 v9, $0x7  }
0x995: {  	v10 =	vor.u32 v0, v9;
	_ =	sdelay $0x1  }
0x996: {  	v11 =	vmov s6  }
0x997: {  	v11 =	vshll.u32 v11, $0x7  }
0x998: {  	v11 =	vor.u32 v1, v11  }
0x999: {  	v12 =	vor.u32 v0, v11;
	v10 =	vld.idx.msk [tilespmem:v10+s1+$0x0], $0xffff  }
0x99a: {  	v13 =	vor.u32 v2, v9;
	_ =	sdelay $0x3  }
0x99b: {  	[tilespmem:v12+s17+$0x0] =	vst.idx.msk $0xffff, v10  }
0x99c: {  	v53 =	vor.u32 v2, v11;
	v10 =	vld.idx.msk [tilespmem:v13+s1+$0x0], $0xffff  }
0x99d: {  	v54 =	vor.u32 v3, v9;
	_ =	sdelay $0x3  }
0x99e: {  	[tilespmem:v53+s17+$0x0] =	vst.idx.msk $0xffff, v10  }
0x99f: {  	v55 =	vor.u32 v3, v11;
	v10 =	vld.idx.msk [tilespmem:v54+s1+$0x0], $0xffff  }
0x9a0: {  	v56 =	vor.u32 v4, v9;
	_ =	sdelay $0x3  }
0x9a1: {  	[tilespmem:v55+s17+$0x0] =	vst.idx.msk $0xffff, v10  }
0x9a2: {  	v57 =	vor.u32 v4, v11;
	v10 =	vld.idx.msk [tilespmem:v56+s1+$0x0], $0xffff  }
0x9a3: {  	v58 =	vor.u32 v5, v9;
	_ =	sdelay $0x3  }
0x9a4: {  	[tilespmem:v57+s17+$0x0] =	vst.idx.msk $0xffff, v10  }
0x9a5: {  	v59 =	vor.u32 v5, v11;
	v10 =	vld.idx.msk [tilespmem:v58+s1+$0x0], $0xffff  }
0x9a6: {  	v60 =	vor.u32 v6, v9;
	_ =	sdelay $0x3  }
0x9a7: {  	[tilespmem:v59+s17+$0x0] =	vst.idx.msk $0xffff, v10  }
0x9a8: {  	v61 =	vor.u32 v6, v11;
	v10 =	vld.idx.msk [tilespmem:v60+s1+$0x0], $0xffff  }
0x9a9: {  	v62 =	vor.u32 v7, v9;
	_ =	sdelay $0x3  }
0x9aa: {  	[tilespmem:v61+s17+$0x0] =	vst.idx.msk $0xffff, v10  }
0x9ab: {  	v63 =	vor.u32 v7, v11;
	v10 =	vld.idx.msk [tilespmem:v62+s1+$0x0], $0xffff  }
0x9ac: {  	v9 =	vor.u32 v8, v9;
	_ =	sdelay $0x3  }
0x9ad: {  	[tilespmem:v63+s17+$0x0] =	vst.idx.msk $0xffff, v10  }
0x9ae: {  	s6 =	simm.s32 $0x10;
	v10 =	vor.u32 v8, v11;
	v9 =	vld.idx.msk [tilespmem:v9+s1+$0x0], $0xffff  }
.LBB2_66:
0x9af: {  	_ =	sdelay $0x2  }
0x9b0: {  	p1 =	sne.s32 s6, $0x40  }
0x9b1: {  	s5 =	sadd.s32 $0x10, s5;
	s7 =	smov.u32 s6;
	s6 =	sadd.s32 $0x10, s6;
	[tilespmem:v10+s17+$0x0] =	vst.idx.msk $0xffff, v9  }
0x9b2: {  	v9 =	vld [tilespmem:s5+$0x0];
	_ =	sdelay $0x4  }
0x9b3: {  	v9 =	vshll.u32 v9, $0x7  }
0x9b4: {  	v10 =	vor.u32 v0, v9;
	_ =	sdelay $0x2  }
0x9b5: {  	v11 =	vmov s7  }
0x9b6: {  	v11 =	vshll.u32 v11, $0x7  }
0x9b7: {  	v11 =	vor.u32 v1, v11;
	v10 =	vld.idx.msk [tilespmem:v10+s1+$0x0], $0xffff  }
0x9b8: {  	v12 =	vor.u32 v0, v11  }
0x9b9: {  	v13 =	vor.u32 v2, v9;
	_ =	sdelay $0x3  }
0x9ba: {  	[tilespmem:v12+s17+$0x0] =	vst.idx.msk $0xffff, v10  }
0x9bb: {  	v10 =	vld.idx.msk [tilespmem:v13+s1+$0x0], $0xffff  }
0x9bc: {  	v12 =	vor.u32 v2, v11  }
0x9bd: {  	v13 =	vor.u32 v3, v9;
	_ =	sdelay $0x3  }
0x9be: {  	[tilespmem:v12+s17+$0x0] =	vst.idx.msk $0xffff, v10  }
0x9bf: {  	v10 =	vld.idx.msk [tilespmem:v13+s1+$0x0], $0xffff  }
0x9c0: {  	v12 =	vor.u32 v3, v11  }
0x9c1: {  	v13 =	vor.u32 v4, v9;
	_ =	sdelay $0x3  }
0x9c2: {  	[tilespmem:v12+s17+$0x0] =	vst.idx.msk $0xffff, v10  }
0x9c3: {  	v10 =	vld.idx.msk [tilespmem:v13+s1+$0x0], $0xffff  }
0x9c4: {  	v12 =	vor.u32 v4, v11  }
0x9c5: {  	v13 =	vor.u32 v5, v9;
	_ =	sdelay $0x3  }
0x9c6: {  	[tilespmem:v12+s17+$0x0] =	vst.idx.msk $0xffff, v10  }
0x9c7: {  	v10 =	vld.idx.msk [tilespmem:v13+s1+$0x0], $0xffff  }
0x9c8: {  	v12 =	vor.u32 v5, v11  }
0x9c9: {  	v13 =	vor.u32 v6, v9;
	_ =	sdelay $0x3  }
0x9ca: {  	[tilespmem:v12+s17+$0x0] =	vst.idx.msk $0xffff, v10  }
0x9cb: {  	v10 =	vld.idx.msk [tilespmem:v13+s1+$0x0], $0xffff  }
0x9cc: {  	v12 =	vor.u32 v6, v11  }
0x9cd: {  	v13 =	vor.u32 v7, v9;
	_ =	sdelay $0x3  }
0x9ce: {  	[tilespmem:v12+s17+$0x0] =	vst.idx.msk $0xffff, v10  }
0x9cf: {  	v10 =	vld.idx.msk [tilespmem:v13+s1+$0x0], $0xffff  }
0x9d0: {  	v12 =	vor.u32 v7, v11  }
0x9d1: {  	v9 =	vor.u32 v8, v9;
	_ =	sdelay $0x1  }
.Ltmp34:
0x9d2: {  	(pc) =	sbr.rel @p1 .LBB2_66-.Ltmp34, $4  }
0x9d3: {  	_ = 	snop  }
0x9d4: {  	[tilespmem:v12+s17+$0x0] =	vst.idx.msk $0xffff, v10  }
0x9d5: {  	v9 =	vld.idx.msk [tilespmem:v9+s1+$0x0], $0xffff  }
0x9d6: {  	v10 =	vor.u32 v8, v11  }
0x9d7: {  	_ =	sdelay $0x1  }
0x9d8: {  	s5 =	sld [smem:$0x7FC];
	_ =	sdelay $0x1  }
0x9d9: {  	s6 =	simm.s32 $0x0;
	[tilespmem:v10+s17+$0x0] =	vst.idx.msk $0xffff, v9  }
0x9da: {  	[hbm4b:s5+s6] =	stream.linear.scatter [tilespmem:s17], [sflag:$0x1], $0x2800, $0x38;
	[tilespmem:$0x16C80] =	vst v63  }
0x9db: {  	_ =	swait.ge [sflag:s26], $0x2800  }
0x9dc: {  	[sflag:s26] =	ssyncset.done $0x0  }
0x9dd: {  	s5 =	simm.s32 $0x2A50;
	[sflag:s26] =	ssyncadd.s32 $0xFFFFD800  }
0x9de: {  	v9 =	vld [tilespmem:s5+$0x0];
	_ =	sdelay $0x4  }
0x9df: {  	v9 =	vshll.u32 v9, $0x7  }
0x9e0: {  	v10 =	vor.u32 v0, v9;
	_ =	sdelay $0x1  }
0x9e1: {  	v11 =	vmov s6  }
0x9e2: {  	v11 =	vshll.u32 v11, $0x7  }
0x9e3: {  	v11 =	vor.u32 v1, v11  }
0x9e4: {  	v12 =	vor.u32 v0, v11;
	v10 =	vld.idx.msk [tilespmem:v10+s1+$0x0], $0xffff  }
0x9e5: {  	v13 =	vor.u32 v2, v9;
	_ =	sdelay $0x3  }
0x9e6: {  	[tilespmem:v12+s18+$0x0] =	vst.idx.msk $0xffff, v10  }
0x9e7: {  	v53 =	vor.u32 v2, v11;
	v10 =	vld.idx.msk [tilespmem:v13+s1+$0x0], $0xffff  }
0x9e8: {  	v54 =	vor.u32 v3, v9;
	_ =	sdelay $0x3  }
0x9e9: {  	[tilespmem:v53+s18+$0x0] =	vst.idx.msk $0xffff, v10  }
0x9ea: {  	v55 =	vor.u32 v3, v11;
	v10 =	vld.idx.msk [tilespmem:v54+s1+$0x0], $0xffff  }
0x9eb: {  	v56 =	vor.u32 v4, v9;
	_ =	sdelay $0x3  }
0x9ec: {  	[tilespmem:v55+s18+$0x0] =	vst.idx.msk $0xffff, v10  }
0x9ed: {  	v57 =	vor.u32 v4, v11;
	v10 =	vld.idx.msk [tilespmem:v56+s1+$0x0], $0xffff  }
0x9ee: {  	v58 =	vor.u32 v5, v9;
	_ =	sdelay $0x3  }
0x9ef: {  	[tilespmem:v57+s18+$0x0] =	vst.idx.msk $0xffff, v10  }
0x9f0: {  	v59 =	vor.u32 v5, v11;
	v10 =	vld.idx.msk [tilespmem:v58+s1+$0x0], $0xffff  }
0x9f1: {  	v60 =	vor.u32 v6, v9;
	_ =	sdelay $0x3  }
0x9f2: {  	[tilespmem:v59+s18+$0x0] =	vst.idx.msk $0xffff, v10  }
0x9f3: {  	v61 =	vor.u32 v6, v11;
	v10 =	vld.idx.msk [tilespmem:v60+s1+$0x0], $0xffff  }
0x9f4: {  	v62 =	vor.u32 v7, v9;
	_ =	sdelay $0x3  }
0x9f5: {  	[tilespmem:v61+s18+$0x0] =	vst.idx.msk $0xffff, v10  }
0x9f6: {  	v63 =	vor.u32 v7, v11;
	v10 =	vld.idx.msk [tilespmem:v62+s1+$0x0], $0xffff  }
0x9f7: {  	v9 =	vor.u32 v8, v9;
	_ =	sdelay $0x3  }
0x9f8: {  	[tilespmem:v63+s18+$0x0] =	vst.idx.msk $0xffff, v10  }
0x9f9: {  	s6 =	simm.s32 $0x10;
	v10 =	vor.u32 v8, v11;
	v9 =	vld.idx.msk [tilespmem:v9+s1+$0x0], $0xffff  }
.LBB2_68:
0x9fa: {  	_ =	sdelay $0x2  }
0x9fb: {  	p1 =	sne.s32 s6, $0x40  }
0x9fc: {  	s5 =	sadd.s32 $0x10, s5;
	s7 =	smov.u32 s6;
	s6 =	sadd.s32 $0x10, s6;
	[tilespmem:v10+s18+$0x0] =	vst.idx.msk $0xffff, v9  }
0x9fd: {  	v9 =	vld [tilespmem:s5+$0x0];
	_ =	sdelay $0x4  }
0x9fe: {  	v9 =	vshll.u32 v9, $0x7  }
0x9ff: {  	v10 =	vor.u32 v0, v9;
	_ =	sdelay $0x2  }
0xa00: {  	v11 =	vmov s7  }
0xa01: {  	v11 =	vshll.u32 v11, $0x7  }
0xa02: {  	v11 =	vor.u32 v1, v11;
	v10 =	vld.idx.msk [tilespmem:v10+s1+$0x0], $0xffff  }
0xa03: {  	v12 =	vor.u32 v0, v11  }
0xa04: {  	v13 =	vor.u32 v2, v9;
	_ =	sdelay $0x3  }
0xa05: {  	[tilespmem:v12+s18+$0x0] =	vst.idx.msk $0xffff, v10  }
0xa06: {  	v10 =	vld.idx.msk [tilespmem:v13+s1+$0x0], $0xffff  }
0xa07: {  	v12 =	vor.u32 v2, v11  }
0xa08: {  	v13 =	vor.u32 v3, v9;
	_ =	sdelay $0x3  }
0xa09: {  	[tilespmem:v12+s18+$0x0] =	vst.idx.msk $0xffff, v10  }
0xa0a: {  	v10 =	vld.idx.msk [tilespmem:v13+s1+$0x0], $0xffff  }
0xa0b: {  	v12 =	vor.u32 v3, v11  }
0xa0c: {  	v13 =	vor.u32 v4, v9;
	_ =	sdelay $0x3  }
0xa0d: {  	[tilespmem:v12+s18+$0x0] =	vst.idx.msk $0xffff, v10  }
0xa0e: {  	v10 =	vld.idx.msk [tilespmem:v13+s1+$0x0], $0xffff  }
0xa0f: {  	v12 =	vor.u32 v4, v11  }
0xa10: {  	v13 =	vor.u32 v5, v9;
	_ =	sdelay $0x3  }
0xa11: {  	[tilespmem:v12+s18+$0x0] =	vst.idx.msk $0xffff, v10  }
0xa12: {  	v10 =	vld.idx.msk [tilespmem:v13+s1+$0x0], $0xffff  }
0xa13: {  	v12 =	vor.u32 v5, v11  }
0xa14: {  	v13 =	vor.u32 v6, v9;
	_ =	sdelay $0x3  }
0xa15: {  	[tilespmem:v12+s18+$0x0] =	vst.idx.msk $0xffff, v10  }
0xa16: {  	v10 =	vld.idx.msk [tilespmem:v13+s1+$0x0], $0xffff  }
0xa17: {  	v12 =	vor.u32 v6, v11  }
0xa18: {  	v13 =	vor.u32 v7, v9;
	_ =	sdelay $0x3  }
0xa19: {  	[tilespmem:v12+s18+$0x0] =	vst.idx.msk $0xffff, v10  }
0xa1a: {  	v10 =	vld.idx.msk [tilespmem:v13+s1+$0x0], $0xffff  }
0xa1b: {  	v12 =	vor.u32 v7, v11  }
0xa1c: {  	v9 =	vor.u32 v8, v9;
	_ =	sdelay $0x1  }
.Ltmp35:
0xa1d: {  	(pc) =	sbr.rel @p1 .LBB2_68-.Ltmp35, $4  }
0xa1e: {  	_ = 	snop  }
0xa1f: {  	[tilespmem:v12+s18+$0x0] =	vst.idx.msk $0xffff, v10  }
0xa20: {  	v9 =	vld.idx.msk [tilespmem:v9+s1+$0x0], $0xffff  }
0xa21: {  	v10 =	vor.u32 v8, v11  }
0xa22: {  	_ =	sdelay $0x3  }
0xa23: {  	s6 =	simm.s32 $0x0;
	[tilespmem:v10+s18+$0x0] =	vst.idx.msk $0xffff, v9  }
0xa24: {  	[hbm4b:s8+s6] =	stream.linear.scatter [tilespmem:s18], [sflag:$0x2], $0x2800, $0x38;
	[tilespmem:$0x16C80] =	vst v63  }
0xa25: {  	_ =	swait.ge [sflag:s28], $0x2800  }
0xa26: {  	[sflag:s28] =	ssyncset.done $0x0  }
0xa27: {  	s5 =	simm.s32 $0x2AA0;
	[sflag:s28] =	ssyncadd.s32 $0xFFFFD800  }
0xa28: {  	v9 =	vld [tilespmem:s5+$0x0];
	_ =	sdelay $0x4  }
0xa29: {  	v9 =	vshll.u32 v9, $0x7  }
0xa2a: {  	v10 =	vor.u32 v0, v9;
	_ =	sdelay $0x1  }
0xa2b: {  	v11 =	vmov s6  }
0xa2c: {  	v11 =	vshll.u32 v11, $0x7  }
0xa2d: {  	v11 =	vor.u32 v1, v11  }
0xa2e: {  	v12 =	vor.u32 v0, v11;
	v10 =	vld.idx.msk [tilespmem:v10+s1+$0x0], $0xffff  }
0xa2f: {  	v13 =	vor.u32 v2, v9;
	_ =	sdelay $0x3  }
0xa30: {  	[tilespmem:v12+s19+$0x0] =	vst.idx.msk $0xffff, v10  }
0xa31: {  	v53 =	vor.u32 v2, v11;
	v10 =	vld.idx.msk [tilespmem:v13+s1+$0x0], $0xffff  }
0xa32: {  	v54 =	vor.u32 v3, v9;
	_ =	sdelay $0x3  }
0xa33: {  	[tilespmem:v53+s19+$0x0] =	vst.idx.msk $0xffff, v10  }
0xa34: {  	v55 =	vor.u32 v3, v11;
	v10 =	vld.idx.msk [tilespmem:v54+s1+$0x0], $0xffff  }
0xa35: {  	v56 =	vor.u32 v4, v9;
	_ =	sdelay $0x3  }
0xa36: {  	[tilespmem:v55+s19+$0x0] =	vst.idx.msk $0xffff, v10  }
0xa37: {  	v57 =	vor.u32 v4, v11;
	v10 =	vld.idx.msk [tilespmem:v56+s1+$0x0], $0xffff  }
0xa38: {  	v58 =	vor.u32 v5, v9;
	_ =	sdelay $0x3  }
0xa39: {  	[tilespmem:v57+s19+$0x0] =	vst.idx.msk $0xffff, v10  }
0xa3a: {  	v59 =	vor.u32 v5, v11;
	v10 =	vld.idx.msk [tilespmem:v58+s1+$0x0], $0xffff  }
0xa3b: {  	v60 =	vor.u32 v6, v9;
	_ =	sdelay $0x3  }
0xa3c: {  	[tilespmem:v59+s19+$0x0] =	vst.idx.msk $0xffff, v10  }
0xa3d: {  	v61 =	vor.u32 v6, v11;
	v10 =	vld.idx.msk [tilespmem:v60+s1+$0x0], $0xffff  }
0xa3e: {  	v62 =	vor.u32 v7, v9;
	_ =	sdelay $0x3  }
0xa3f: {  	[tilespmem:v61+s19+$0x0] =	vst.idx.msk $0xffff, v10  }
0xa40: {  	v63 =	vor.u32 v7, v11;
	v10 =	vld.idx.msk [tilespmem:v62+s1+$0x0], $0xffff  }
0xa41: {  	v9 =	vor.u32 v8, v9;
	_ =	sdelay $0x3  }
0xa42: {  	[tilespmem:v63+s19+$0x0] =	vst.idx.msk $0xffff, v10  }
0xa43: {  	s6 =	simm.s32 $0x10;
	v10 =	vor.u32 v8, v11;
	v9 =	vld.idx.msk [tilespmem:v9+s1+$0x0], $0xffff  }
.LBB2_70:
0xa44: {  	_ =	sdelay $0x2  }
0xa45: {  	p1 =	sne.s32 s6, $0x40  }
0xa46: {  	s5 =	sadd.s32 $0x10, s5;
	s7 =	smov.u32 s6;
	s6 =	sadd.s32 $0x10, s6;
	[tilespmem:v10+s19+$0x0] =	vst.idx.msk $0xffff, v9  }
0xa47: {  	v9 =	vld [tilespmem:s5+$0x0];
	_ =	sdelay $0x4  }
0xa48: {  	v9 =	vshll.u32 v9, $0x7  }
0xa49: {  	v10 =	vor.u32 v0, v9;
	_ =	sdelay $0x2  }
0xa4a: {  	v11 =	vmov s7  }
0xa4b: {  	v11 =	vshll.u32 v11, $0x7  }
0xa4c: {  	v11 =	vor.u32 v1, v11;
	v10 =	vld.idx.msk [tilespmem:v10+s1+$0x0], $0xffff  }
0xa4d: {  	v12 =	vor.u32 v0, v11  }
0xa4e: {  	v13 =	vor.u32 v2, v9;
	_ =	sdelay $0x3  }
0xa4f: {  	[tilespmem:v12+s19+$0x0] =	vst.idx.msk $0xffff, v10  }
0xa50: {  	v10 =	vld.idx.msk [tilespmem:v13+s1+$0x0], $0xffff  }
0xa51: {  	v12 =	vor.u32 v2, v11  }
0xa52: {  	v13 =	vor.u32 v3, v9;
	_ =	sdelay $0x3  }
0xa53: {  	[tilespmem:v12+s19+$0x0] =	vst.idx.msk $0xffff, v10  }
0xa54: {  	v10 =	vld.idx.msk [tilespmem:v13+s1+$0x0], $0xffff  }
0xa55: {  	v12 =	vor.u32 v3, v11  }
0xa56: {  	v13 =	vor.u32 v4, v9;
	_ =	sdelay $0x3  }
0xa57: {  	[tilespmem:v12+s19+$0x0] =	vst.idx.msk $0xffff, v10  }
0xa58: {  	v10 =	vld.idx.msk [tilespmem:v13+s1+$0x0], $0xffff  }
0xa59: {  	v12 =	vor.u32 v4, v11  }
0xa5a: {  	v13 =	vor.u32 v5, v9;
	_ =	sdelay $0x3  }
0xa5b: {  	[tilespmem:v12+s19+$0x0] =	vst.idx.msk $0xffff, v10  }
0xa5c: {  	v10 =	vld.idx.msk [tilespmem:v13+s1+$0x0], $0xffff  }
0xa5d: {  	v12 =	vor.u32 v5, v11  }
0xa5e: {  	v13 =	vor.u32 v6, v9;
	_ =	sdelay $0x3  }
0xa5f: {  	[tilespmem:v12+s19+$0x0] =	vst.idx.msk $0xffff, v10  }
0xa60: {  	v10 =	vld.idx.msk [tilespmem:v13+s1+$0x0], $0xffff  }
0xa61: {  	v12 =	vor.u32 v6, v11  }
0xa62: {  	v13 =	vor.u32 v7, v9;
	_ =	sdelay $0x3  }
0xa63: {  	[tilespmem:v12+s19+$0x0] =	vst.idx.msk $0xffff, v10  }
0xa64: {  	v10 =	vld.idx.msk [tilespmem:v13+s1+$0x0], $0xffff  }
0xa65: {  	v12 =	vor.u32 v7, v11  }
0xa66: {  	v9 =	vor.u32 v8, v9;
	_ =	sdelay $0x1  }
.Ltmp36:
0xa67: {  	(pc) =	sbr.rel @p1 .LBB2_70-.Ltmp36, $4  }
0xa68: {  	_ = 	snop  }
0xa69: {  	[tilespmem:v12+s19+$0x0] =	vst.idx.msk $0xffff, v10  }
0xa6a: {  	v9 =	vld.idx.msk [tilespmem:v9+s1+$0x0], $0xffff  }
0xa6b: {  	v10 =	vor.u32 v8, v11  }
0xa6c: {  	_ =	sdelay $0x3  }
0xa6d: {  	s6 =	simm.s32 $0x0;
	[tilespmem:v10+s19+$0x0] =	vst.idx.msk $0xffff, v9  }
0xa6e: {  	[hbm4b:s9+s6] =	stream.linear.scatter [tilespmem:s19], [sflag:$0x3], $0x2800, $0x38;
	[tilespmem:$0x16C80] =	vst v63  }
0xa6f: {  	_ =	swait.ge [sflag:s29], $0x2800  }
0xa70: {  	[sflag:s29] =	ssyncset.done $0x0  }
0xa71: {  	s5 =	simm.s32 $0x2AF0;
	[sflag:s29] =	ssyncadd.s32 $0xFFFFD800  }
0xa72: {  	v9 =	vld [tilespmem:s5+$0x0];
	_ =	sdelay $0x4  }
0xa73: {  	v9 =	vshll.u32 v9, $0x7  }
0xa74: {  	v10 =	vor.u32 v0, v9;
	_ =	sdelay $0x1  }
0xa75: {  	v11 =	vmov s6  }
0xa76: {  	v11 =	vshll.u32 v11, $0x7  }
0xa77: {  	v11 =	vor.u32 v1, v11  }
0xa78: {  	v12 =	vor.u32 v0, v11;
	v10 =	vld.idx.msk [tilespmem:v10+s1+$0x0], $0xffff  }
0xa79: {  	v13 =	vor.u32 v2, v9;
	_ =	sdelay $0x3  }
0xa7a: {  	[tilespmem:v12+s20+$0x0] =	vst.idx.msk $0xffff, v10  }
0xa7b: {  	v53 =	vor.u32 v2, v11;
	v10 =	vld.idx.msk [tilespmem:v13+s1+$0x0], $0xffff  }
0xa7c: {  	v54 =	vor.u32 v3, v9;
	_ =	sdelay $0x3  }
0xa7d: {  	[tilespmem:v53+s20+$0x0] =	vst.idx.msk $0xffff, v10  }
0xa7e: {  	v55 =	vor.u32 v3, v11;
	v10 =	vld.idx.msk [tilespmem:v54+s1+$0x0], $0xffff  }
0xa7f: {  	v56 =	vor.u32 v4, v9;
	_ =	sdelay $0x3  }
0xa80: {  	[tilespmem:v55+s20+$0x0] =	vst.idx.msk $0xffff, v10  }
0xa81: {  	v57 =	vor.u32 v4, v11;
	v10 =	vld.idx.msk [tilespmem:v56+s1+$0x0], $0xffff  }
0xa82: {  	v58 =	vor.u32 v5, v9;
	_ =	sdelay $0x3  }
0xa83: {  	[tilespmem:v57+s20+$0x0] =	vst.idx.msk $0xffff, v10  }
0xa84: {  	v59 =	vor.u32 v5, v11;
	v10 =	vld.idx.msk [tilespmem:v58+s1+$0x0], $0xffff  }
0xa85: {  	v60 =	vor.u32 v6, v9;
	_ =	sdelay $0x3  }
0xa86: {  	[tilespmem:v59+s20+$0x0] =	vst.idx.msk $0xffff, v10  }
0xa87: {  	v61 =	vor.u32 v6, v11;
	v10 =	vld.idx.msk [tilespmem:v60+s1+$0x0], $0xffff  }
0xa88: {  	v62 =	vor.u32 v7, v9;
	_ =	sdelay $0x3  }
0xa89: {  	[tilespmem:v61+s20+$0x0] =	vst.idx.msk $0xffff, v10  }
0xa8a: {  	v63 =	vor.u32 v7, v11;
	v10 =	vld.idx.msk [tilespmem:v62+s1+$0x0], $0xffff  }
0xa8b: {  	v9 =	vor.u32 v8, v9;
	_ =	sdelay $0x3  }
0xa8c: {  	[tilespmem:v63+s20+$0x0] =	vst.idx.msk $0xffff, v10  }
0xa8d: {  	s6 =	simm.s32 $0x10;
	v10 =	vor.u32 v8, v11;
	v9 =	vld.idx.msk [tilespmem:v9+s1+$0x0], $0xffff  }
.LBB2_72:
0xa8e: {  	_ =	sdelay $0x2  }
0xa8f: {  	p1 =	sne.s32 s6, $0x40  }
0xa90: {  	s5 =	sadd.s32 $0x10, s5;
	s7 =	smov.u32 s6;
	s6 =	sadd.s32 $0x10, s6;
	[tilespmem:v10+s20+$0x0] =	vst.idx.msk $0xffff, v9  }
0xa91: {  	v9 =	vld [tilespmem:s5+$0x0];
	_ =	sdelay $0x4  }
0xa92: {  	v9 =	vshll.u32 v9, $0x7  }
0xa93: {  	v10 =	vor.u32 v0, v9;
	_ =	sdelay $0x2  }
0xa94: {  	v11 =	vmov s7  }
0xa95: {  	v11 =	vshll.u32 v11, $0x7  }
0xa96: {  	v11 =	vor.u32 v1, v11;
	v10 =	vld.idx.msk [tilespmem:v10+s1+$0x0], $0xffff  }
0xa97: {  	v12 =	vor.u32 v0, v11  }
0xa98: {  	v13 =	vor.u32 v2, v9;
	_ =	sdelay $0x3  }
0xa99: {  	[tilespmem:v12+s20+$0x0] =	vst.idx.msk $0xffff, v10  }
0xa9a: {  	v10 =	vld.idx.msk [tilespmem:v13+s1+$0x0], $0xffff  }
0xa9b: {  	v12 =	vor.u32 v2, v11  }
0xa9c: {  	v13 =	vor.u32 v3, v9;
	_ =	sdelay $0x3  }
0xa9d: {  	[tilespmem:v12+s20+$0x0] =	vst.idx.msk $0xffff, v10  }
0xa9e: {  	v10 =	vld.idx.msk [tilespmem:v13+s1+$0x0], $0xffff  }
0xa9f: {  	v12 =	vor.u32 v3, v11  }
0xaa0: {  	v13 =	vor.u32 v4, v9;
	_ =	sdelay $0x3  }
0xaa1: {  	[tilespmem:v12+s20+$0x0] =	vst.idx.msk $0xffff, v10  }
0xaa2: {  	v10 =	vld.idx.msk [tilespmem:v13+s1+$0x0], $0xffff  }
0xaa3: {  	v12 =	vor.u32 v4, v11  }
0xaa4: {  	v13 =	vor.u32 v5, v9;
	_ =	sdelay $0x3  }
0xaa5: {  	[tilespmem:v12+s20+$0x0] =	vst.idx.msk $0xffff, v10  }
0xaa6: {  	v10 =	vld.idx.msk [tilespmem:v13+s1+$0x0], $0xffff  }
0xaa7: {  	v12 =	vor.u32 v5, v11  }
0xaa8: {  	v13 =	vor.u32 v6, v9;
	_ =	sdelay $0x3  }
0xaa9: {  	[tilespmem:v12+s20+$0x0] =	vst.idx.msk $0xffff, v10  }
0xaaa: {  	v10 =	vld.idx.msk [tilespmem:v13+s1+$0x0], $0xffff  }
0xaab: {  	v12 =	vor.u32 v6, v11  }
0xaac: {  	v13 =	vor.u32 v7, v9;
	_ =	sdelay $0x3  }
0xaad: {  	[tilespmem:v12+s20+$0x0] =	vst.idx.msk $0xffff, v10  }
0xaae: {  	v10 =	vld.idx.msk [tilespmem:v13+s1+$0x0], $0xffff  }
0xaaf: {  	v12 =	vor.u32 v7, v11  }
0xab0: {  	v9 =	vor.u32 v8, v9;
	_ =	sdelay $0x1  }
.Ltmp37:
0xab1: {  	(pc) =	sbr.rel @p1 .LBB2_72-.Ltmp37, $4  }
0xab2: {  	_ = 	snop  }
0xab3: {  	[tilespmem:v12+s20+$0x0] =	vst.idx.msk $0xffff, v10  }
0xab4: {  	v9 =	vld.idx.msk [tilespmem:v9+s1+$0x0], $0xffff  }
0xab5: {  	v10 =	vor.u32 v8, v11  }
0xab6: {  	_ =	sdelay $0x3  }
0xab7: {  	s6 =	simm.s32 $0x0;
	[tilespmem:v10+s20+$0x0] =	vst.idx.msk $0xffff, v9  }
0xab8: {  	[hbm4b:s10+s6] =	stream.linear.scatter [tilespmem:s20], [sflag:$0x4], $0x2800, $0x38;
	[tilespmem:$0x16C80] =	vst v63  }
0xab9: {  	_ =	swait.ge [sflag:s30], $0x2800  }
0xaba: {  	[sflag:s30] =	ssyncset.done $0x0  }
0xabb: {  	s5 =	simm.s32 $0x2B40;
	[sflag:s30] =	ssyncadd.s32 $0xFFFFD800  }
0xabc: {  	v9 =	vld [tilespmem:s5+$0x0];
	_ =	sdelay $0x4  }
0xabd: {  	v9 =	vshll.u32 v9, $0x7  }
0xabe: {  	v10 =	vor.u32 v0, v9;
	_ =	sdelay $0x1  }
0xabf: {  	v11 =	vmov s6  }
0xac0: {  	v11 =	vshll.u32 v11, $0x7  }
0xac1: {  	v11 =	vor.u32 v1, v11  }
0xac2: {  	v12 =	vor.u32 v0, v11;
	v10 =	vld.idx.msk [tilespmem:v10+s1+$0x0], $0xffff  }
0xac3: {  	v13 =	vor.u32 v2, v9;
	_ =	sdelay $0x3  }
0xac4: {  	[tilespmem:v12+s21+$0x0] =	vst.idx.msk $0xffff, v10  }
0xac5: {  	v53 =	vor.u32 v2, v11;
	v10 =	vld.idx.msk [tilespmem:v13+s1+$0x0], $0xffff  }
0xac6: {  	v54 =	vor.u32 v3, v9;
	_ =	sdelay $0x3  }
0xac7: {  	[tilespmem:v53+s21+$0x0] =	vst.idx.msk $0xffff, v10  }
0xac8: {  	v55 =	vor.u32 v3, v11;
	v10 =	vld.idx.msk [tilespmem:v54+s1+$0x0], $0xffff  }
0xac9: {  	v56 =	vor.u32 v4, v9;
	_ =	sdelay $0x3  }
0xaca: {  	[tilespmem:v55+s21+$0x0] =	vst.idx.msk $0xffff, v10  }
0xacb: {  	v57 =	vor.u32 v4, v11;
	v10 =	vld.idx.msk [tilespmem:v56+s1+$0x0], $0xffff  }
0xacc: {  	v58 =	vor.u32 v5, v9;
	_ =	sdelay $0x3  }
0xacd: {  	[tilespmem:v57+s21+$0x0] =	vst.idx.msk $0xffff, v10  }
0xace: {  	v59 =	vor.u32 v5, v11;
	v10 =	vld.idx.msk [tilespmem:v58+s1+$0x0], $0xffff  }
0xacf: {  	v60 =	vor.u32 v6, v9;
	_ =	sdelay $0x3  }
0xad0: {  	[tilespmem:v59+s21+$0x0] =	vst.idx.msk $0xffff, v10  }
0xad1: {  	v61 =	vor.u32 v6, v11;
	v10 =	vld.idx.msk [tilespmem:v60+s1+$0x0], $0xffff  }
0xad2: {  	v62 =	vor.u32 v7, v9;
	_ =	sdelay $0x3  }
0xad3: {  	[tilespmem:v61+s21+$0x0] =	vst.idx.msk $0xffff, v10  }
0xad4: {  	v63 =	vor.u32 v7, v11;
	v10 =	vld.idx.msk [tilespmem:v62+s1+$0x0], $0xffff  }
0xad5: {  	v9 =	vor.u32 v8, v9;
	_ =	sdelay $0x3  }
0xad6: {  	[tilespmem:v63+s21+$0x0] =	vst.idx.msk $0xffff, v10  }
0xad7: {  	s6 =	simm.s32 $0x10;
	v10 =	vor.u32 v8, v11;
	v9 =	vld.idx.msk [tilespmem:v9+s1+$0x0], $0xffff  }
.LBB2_74:
0xad8: {  	_ =	sdelay $0x2  }
0xad9: {  	p1 =	sne.s32 s6, $0x40  }
0xada: {  	s5 =	sadd.s32 $0x10, s5;
	s7 =	smov.u32 s6;
	s6 =	sadd.s32 $0x10, s6;
	[tilespmem:v10+s21+$0x0] =	vst.idx.msk $0xffff, v9  }
0xadb: {  	v9 =	vld [tilespmem:s5+$0x0];
	_ =	sdelay $0x4  }
0xadc: {  	v9 =	vshll.u32 v9, $0x7  }
0xadd: {  	v10 =	vor.u32 v0, v9;
	_ =	sdelay $0x2  }
0xade: {  	v11 =	vmov s7  }
0xadf: {  	v11 =	vshll.u32 v11, $0x7  }
0xae0: {  	v11 =	vor.u32 v1, v11;
	v10 =	vld.idx.msk [tilespmem:v10+s1+$0x0], $0xffff  }
0xae1: {  	v12 =	vor.u32 v0, v11  }
0xae2: {  	v13 =	vor.u32 v2, v9;
	_ =	sdelay $0x3  }
0xae3: {  	[tilespmem:v12+s21+$0x0] =	vst.idx.msk $0xffff, v10  }
0xae4: {  	v10 =	vld.idx.msk [tilespmem:v13+s1+$0x0], $0xffff  }
0xae5: {  	v12 =	vor.u32 v2, v11  }
0xae6: {  	v13 =	vor.u32 v3, v9;
	_ =	sdelay $0x3  }
0xae7: {  	[tilespmem:v12+s21+$0x0] =	vst.idx.msk $0xffff, v10  }
0xae8: {  	v10 =	vld.idx.msk [tilespmem:v13+s1+$0x0], $0xffff  }
0xae9: {  	v12 =	vor.u32 v3, v11  }
0xaea: {  	v13 =	vor.u32 v4, v9;
	_ =	sdelay $0x3  }
0xaeb: {  	[tilespmem:v12+s21+$0x0] =	vst.idx.msk $0xffff, v10  }
0xaec: {  	v10 =	vld.idx.msk [tilespmem:v13+s1+$0x0], $0xffff  }
0xaed: {  	v12 =	vor.u32 v4, v11  }
0xaee: {  	v13 =	vor.u32 v5, v9;
	_ =	sdelay $0x3  }
0xaef: {  	[tilespmem:v12+s21+$0x0] =	vst.idx.msk $0xffff, v10  }
0xaf0: {  	v10 =	vld.idx.msk [tilespmem:v13+s1+$0x0], $0xffff  }
0xaf1: {  	v12 =	vor.u32 v5, v11  }
0xaf2: {  	v13 =	vor.u32 v6, v9;
	_ =	sdelay $0x3  }
0xaf3: {  	[tilespmem:v12+s21+$0x0] =	vst.idx.msk $0xffff, v10  }
0xaf4: {  	v10 =	vld.idx.msk [tilespmem:v13+s1+$0x0], $0xffff  }
0xaf5: {  	v12 =	vor.u32 v6, v11  }
0xaf6: {  	v13 =	vor.u32 v7, v9;
	_ =	sdelay $0x3  }
0xaf7: {  	[tilespmem:v12+s21+$0x0] =	vst.idx.msk $0xffff, v10  }
0xaf8: {  	v10 =	vld.idx.msk [tilespmem:v13+s1+$0x0], $0xffff  }
0xaf9: {  	v12 =	vor.u32 v7, v11  }
0xafa: {  	v9 =	vor.u32 v8, v9;
	_ =	sdelay $0x1  }
.Ltmp38:
0xafb: {  	(pc) =	sbr.rel @p1 .LBB2_74-.Ltmp38, $4  }
0xafc: {  	_ = 	snop  }
0xafd: {  	[tilespmem:v12+s21+$0x0] =	vst.idx.msk $0xffff, v10  }
0xafe: {  	v9 =	vld.idx.msk [tilespmem:v9+s1+$0x0], $0xffff  }
0xaff: {  	v10 =	vor.u32 v8, v11  }
0xb00: {  	_ =	sdelay $0x3  }
0xb01: {  	s6 =	simm.s32 $0x0;
	[tilespmem:v10+s21+$0x0] =	vst.idx.msk $0xffff, v9  }
0xb02: {  	[hbm4b:s11+s6] =	stream.linear.scatter [tilespmem:s21], [sflag:$0x5], $0x2800, $0x38;
	[tilespmem:$0x16C80] =	vst v63  }
0xb03: {  	_ =	swait.ge [sflag:s31], $0x2800  }
0xb04: {  	[sflag:s31] =	ssyncset.done $0x0  }
0xb05: {  	s5 =	simm.s32 $0x2B90;
	[sflag:s31] =	ssyncadd.s32 $0xFFFFD800  }
0xb06: {  	v9 =	vld [tilespmem:s5+$0x0];
	_ =	sdelay $0x4  }
0xb07: {  	v9 =	vshll.u32 v9, $0x7  }
0xb08: {  	v10 =	vor.u32 v0, v9;
	_ =	sdelay $0x1  }
0xb09: {  	v11 =	vmov s6  }
0xb0a: {  	v11 =	vshll.u32 v11, $0x7  }
0xb0b: {  	v11 =	vor.u32 v1, v11  }
0xb0c: {  	v12 =	vor.u32 v0, v11;
	v10 =	vld.idx.msk [tilespmem:v10+s1+$0x0], $0xffff  }
0xb0d: {  	v13 =	vor.u32 v2, v9;
	_ =	sdelay $0x3  }
0xb0e: {  	[tilespmem:v12+s22+$0x0] =	vst.idx.msk $0xffff, v10  }
0xb0f: {  	v53 =	vor.u32 v2, v11;
	v10 =	vld.idx.msk [tilespmem:v13+s1+$0x0], $0xffff  }
0xb10: {  	v54 =	vor.u32 v3, v9;
	_ =	sdelay $0x3  }
0xb11: {  	[tilespmem:v53+s22+$0x0] =	vst.idx.msk $0xffff, v10  }
0xb12: {  	v55 =	vor.u32 v3, v11;
	v10 =	vld.idx.msk [tilespmem:v54+s1+$0x0], $0xffff  }
0xb13: {  	v56 =	vor.u32 v4, v9;
	_ =	sdelay $0x3  }
0xb14: {  	[tilespmem:v55+s22+$0x0] =	vst.idx.msk $0xffff, v10  }
0xb15: {  	v57 =	vor.u32 v4, v11;
	v10 =	vld.idx.msk [tilespmem:v56+s1+$0x0], $0xffff  }
0xb16: {  	v58 =	vor.u32 v5, v9;
	_ =	sdelay $0x3  }
0xb17: {  	[tilespmem:v57+s22+$0x0] =	vst.idx.msk $0xffff, v10  }
0xb18: {  	v59 =	vor.u32 v5, v11;
	v10 =	vld.idx.msk [tilespmem:v58+s1+$0x0], $0xffff  }
0xb19: {  	v60 =	vor.u32 v6, v9;
	_ =	sdelay $0x3  }
0xb1a: {  	[tilespmem:v59+s22+$0x0] =	vst.idx.msk $0xffff, v10  }
0xb1b: {  	v61 =	vor.u32 v6, v11;
	v10 =	vld.idx.msk [tilespmem:v60+s1+$0x0], $0xffff  }
0xb1c: {  	v62 =	vor.u32 v7, v9;
	_ =	sdelay $0x3  }
0xb1d: {  	[tilespmem:v61+s22+$0x0] =	vst.idx.msk $0xffff, v10  }
0xb1e: {  	v63 =	vor.u32 v7, v11;
	v10 =	vld.idx.msk [tilespmem:v62+s1+$0x0], $0xffff  }
0xb1f: {  	v9 =	vor.u32 v8, v9;
	_ =	sdelay $0x3  }
0xb20: {  	[tilespmem:v63+s22+$0x0] =	vst.idx.msk $0xffff, v10  }
0xb21: {  	s6 =	simm.s32 $0x10;
	v10 =	vor.u32 v8, v11;
	v9 =	vld.idx.msk [tilespmem:v9+s1+$0x0], $0xffff  }
.LBB2_76:
0xb22: {  	_ =	sdelay $0x2  }
0xb23: {  	p1 =	sne.s32 s6, $0x40  }
0xb24: {  	s5 =	sadd.s32 $0x10, s5;
	s7 =	smov.u32 s6;
	s6 =	sadd.s32 $0x10, s6;
	[tilespmem:v10+s22+$0x0] =	vst.idx.msk $0xffff, v9  }
0xb25: {  	v9 =	vld [tilespmem:s5+$0x0];
	_ =	sdelay $0x4  }
0xb26: {  	v9 =	vshll.u32 v9, $0x7  }
0xb27: {  	v10 =	vor.u32 v0, v9;
	_ =	sdelay $0x2  }
0xb28: {  	v11 =	vmov s7  }
0xb29: {  	v11 =	vshll.u32 v11, $0x7  }
0xb2a: {  	v11 =	vor.u32 v1, v11;
	v10 =	vld.idx.msk [tilespmem:v10+s1+$0x0], $0xffff  }
0xb2b: {  	v12 =	vor.u32 v0, v11  }
0xb2c: {  	v13 =	vor.u32 v2, v9;
	_ =	sdelay $0x3  }
0xb2d: {  	[tilespmem:v12+s22+$0x0] =	vst.idx.msk $0xffff, v10  }
0xb2e: {  	v10 =	vld.idx.msk [tilespmem:v13+s1+$0x0], $0xffff  }
0xb2f: {  	v12 =	vor.u32 v2, v11  }
0xb30: {  	v13 =	vor.u32 v3, v9;
	_ =	sdelay $0x3  }
0xb31: {  	[tilespmem:v12+s22+$0x0] =	vst.idx.msk $0xffff, v10  }
0xb32: {  	v10 =	vld.idx.msk [tilespmem:v13+s1+$0x0], $0xffff  }
0xb33: {  	v12 =	vor.u32 v3, v11  }
0xb34: {  	v13 =	vor.u32 v4, v9;
	_ =	sdelay $0x3  }
0xb35: {  	[tilespmem:v12+s22+$0x0] =	vst.idx.msk $0xffff, v10  }
0xb36: {  	v10 =	vld.idx.msk [tilespmem:v13+s1+$0x0], $0xffff  }
0xb37: {  	v12 =	vor.u32 v4, v11  }
0xb38: {  	v13 =	vor.u32 v5, v9;
	_ =	sdelay $0x3  }
0xb39: {  	[tilespmem:v12+s22+$0x0] =	vst.idx.msk $0xffff, v10  }
0xb3a: {  	v10 =	vld.idx.msk [tilespmem:v13+s1+$0x0], $0xffff  }
0xb3b: {  	v12 =	vor.u32 v5, v11  }
0xb3c: {  	v13 =	vor.u32 v6, v9;
	_ =	sdelay $0x3  }
0xb3d: {  	[tilespmem:v12+s22+$0x0] =	vst.idx.msk $0xffff, v10  }
0xb3e: {  	v10 =	vld.idx.msk [tilespmem:v13+s1+$0x0], $0xffff  }
0xb3f: {  	v12 =	vor.u32 v6, v11  }
0xb40: {  	v13 =	vor.u32 v7, v9;
	_ =	sdelay $0x3  }
0xb41: {  	[tilespmem:v12+s22+$0x0] =	vst.idx.msk $0xffff, v10  }
0xb42: {  	v10 =	vld.idx.msk [tilespmem:v13+s1+$0x0], $0xffff  }
0xb43: {  	v12 =	vor.u32 v7, v11  }
0xb44: {  	v9 =	vor.u32 v8, v9;
	_ =	sdelay $0x1  }
.Ltmp39:
0xb45: {  	(pc) =	sbr.rel @p1 .LBB2_76-.Ltmp39, $4  }
0xb46: {  	_ = 	snop  }
0xb47: {  	[tilespmem:v12+s22+$0x0] =	vst.idx.msk $0xffff, v10  }
0xb48: {  	v9 =	vld.idx.msk [tilespmem:v9+s1+$0x0], $0xffff  }
0xb49: {  	v10 =	vor.u32 v8, v11  }
0xb4a: {  	_ =	sdelay $0x3  }
0xb4b: {  	s6 =	simm.s32 $0x0;
	[tilespmem:v10+s22+$0x0] =	vst.idx.msk $0xffff, v9  }
0xb4c: {  	[hbm4b:s12+s6] =	stream.linear.scatter [tilespmem:s22], [sflag:$0x6], $0x2800, $0x38;
	[tilespmem:$0x16C80] =	vst v63  }
0xb4d: {  	_ =	swait.ge [sflag:s0], $0x2800  }
0xb4e: {  	[sflag:s0] =	ssyncset.done $0x0  }
0xb4f: {  	s5 =	simm.s32 $0x2BE0;
	[sflag:s0] =	ssyncadd.s32 $0xFFFFD800  }
0xb50: {  	v9 =	vld [tilespmem:s5+$0x0];
	_ =	sdelay $0x4  }
0xb51: {  	v9 =	vshll.u32 v9, $0x7  }
0xb52: {  	v10 =	vor.u32 v0, v9;
	_ =	sdelay $0x1  }
0xb53: {  	v11 =	vmov s6  }
0xb54: {  	v11 =	vshll.u32 v11, $0x7  }
0xb55: {  	v11 =	vor.u32 v1, v11  }
0xb56: {  	v12 =	vor.u32 v0, v11;
	v10 =	vld.idx.msk [tilespmem:v10+s1+$0x0], $0xffff  }
0xb57: {  	v13 =	vor.u32 v2, v9;
	_ =	sdelay $0x3  }
0xb58: {  	[tilespmem:v12+s23+$0x0] =	vst.idx.msk $0xffff, v10  }
0xb59: {  	v53 =	vor.u32 v2, v11;
	v10 =	vld.idx.msk [tilespmem:v13+s1+$0x0], $0xffff  }
0xb5a: {  	v54 =	vor.u32 v3, v9;
	_ =	sdelay $0x3  }
0xb5b: {  	[tilespmem:v53+s23+$0x0] =	vst.idx.msk $0xffff, v10  }
0xb5c: {  	v55 =	vor.u32 v3, v11;
	v10 =	vld.idx.msk [tilespmem:v54+s1+$0x0], $0xffff  }
0xb5d: {  	v56 =	vor.u32 v4, v9;
	_ =	sdelay $0x3  }
0xb5e: {  	[tilespmem:v55+s23+$0x0] =	vst.idx.msk $0xffff, v10  }
0xb5f: {  	v57 =	vor.u32 v4, v11;
	v10 =	vld.idx.msk [tilespmem:v56+s1+$0x0], $0xffff  }
0xb60: {  	v58 =	vor.u32 v5, v9;
	_ =	sdelay $0x3  }
0xb61: {  	[tilespmem:v57+s23+$0x0] =	vst.idx.msk $0xffff, v10  }
0xb62: {  	v59 =	vor.u32 v5, v11;
	v10 =	vld.idx.msk [tilespmem:v58+s1+$0x0], $0xffff  }
0xb63: {  	v60 =	vor.u32 v6, v9;
	_ =	sdelay $0x3  }
0xb64: {  	[tilespmem:v59+s23+$0x0] =	vst.idx.msk $0xffff, v10  }
0xb65: {  	v61 =	vor.u32 v6, v11;
	v10 =	vld.idx.msk [tilespmem:v60+s1+$0x0], $0xffff  }
0xb66: {  	v62 =	vor.u32 v7, v9;
	_ =	sdelay $0x3  }
0xb67: {  	[tilespmem:v61+s23+$0x0] =	vst.idx.msk $0xffff, v10  }
0xb68: {  	v63 =	vor.u32 v7, v11;
	v10 =	vld.idx.msk [tilespmem:v62+s1+$0x0], $0xffff  }
0xb69: {  	v9 =	vor.u32 v8, v9;
	_ =	sdelay $0x3  }
0xb6a: {  	[tilespmem:v63+s23+$0x0] =	vst.idx.msk $0xffff, v10  }
0xb6b: {  	s6 =	simm.s32 $0x10;
	v10 =	vor.u32 v8, v11;
	v9 =	vld.idx.msk [tilespmem:v9+s1+$0x0], $0xffff  }
.LBB2_78:
0xb6c: {  	_ =	sdelay $0x2  }
0xb6d: {  	p1 =	sne.s32 s6, $0x40  }
0xb6e: {  	s5 =	sadd.s32 $0x10, s5;
	s7 =	smov.u32 s6;
	s6 =	sadd.s32 $0x10, s6;
	[tilespmem:v10+s23+$0x0] =	vst.idx.msk $0xffff, v9  }
0xb6f: {  	v9 =	vld [tilespmem:s5+$0x0];
	_ =	sdelay $0x4  }
0xb70: {  	v9 =	vshll.u32 v9, $0x7  }
0xb71: {  	v10 =	vor.u32 v0, v9;
	_ =	sdelay $0x2  }
0xb72: {  	v11 =	vmov s7  }
0xb73: {  	v11 =	vshll.u32 v11, $0x7  }
0xb74: {  	v11 =	vor.u32 v1, v11;
	v10 =	vld.idx.msk [tilespmem:v10+s1+$0x0], $0xffff  }
0xb75: {  	v12 =	vor.u32 v0, v11  }
0xb76: {  	v13 =	vor.u32 v2, v9;
	_ =	sdelay $0x3  }
0xb77: {  	[tilespmem:v12+s23+$0x0] =	vst.idx.msk $0xffff, v10  }
0xb78: {  	v10 =	vld.idx.msk [tilespmem:v13+s1+$0x0], $0xffff  }
0xb79: {  	v12 =	vor.u32 v2, v11  }
0xb7a: {  	v13 =	vor.u32 v3, v9;
	_ =	sdelay $0x3  }
0xb7b: {  	[tilespmem:v12+s23+$0x0] =	vst.idx.msk $0xffff, v10  }
0xb7c: {  	v10 =	vld.idx.msk [tilespmem:v13+s1+$0x0], $0xffff  }
0xb7d: {  	v12 =	vor.u32 v3, v11  }
0xb7e: {  	v13 =	vor.u32 v4, v9;
	_ =	sdelay $0x3  }
0xb7f: {  	[tilespmem:v12+s23+$0x0] =	vst.idx.msk $0xffff, v10  }
0xb80: {  	v10 =	vld.idx.msk [tilespmem:v13+s1+$0x0], $0xffff  }
0xb81: {  	v12 =	vor.u32 v4, v11  }
0xb82: {  	v13 =	vor.u32 v5, v9;
	_ =	sdelay $0x3  }
0xb83: {  	[tilespmem:v12+s23+$0x0] =	vst.idx.msk $0xffff, v10  }
0xb84: {  	v10 =	vld.idx.msk [tilespmem:v13+s1+$0x0], $0xffff  }
0xb85: {  	v12 =	vor.u32 v5, v11  }
0xb86: {  	v13 =	vor.u32 v6, v9;
	_ =	sdelay $0x3  }
0xb87: {  	[tilespmem:v12+s23+$0x0] =	vst.idx.msk $0xffff, v10  }
0xb88: {  	v10 =	vld.idx.msk [tilespmem:v13+s1+$0x0], $0xffff  }
0xb89: {  	v12 =	vor.u32 v6, v11  }
0xb8a: {  	v13 =	vor.u32 v7, v9;
	_ =	sdelay $0x3  }
0xb8b: {  	[tilespmem:v12+s23+$0x0] =	vst.idx.msk $0xffff, v10  }
0xb8c: {  	v10 =	vld.idx.msk [tilespmem:v13+s1+$0x0], $0xffff  }
0xb8d: {  	v12 =	vor.u32 v7, v11  }
0xb8e: {  	v9 =	vor.u32 v8, v9;
	_ =	sdelay $0x1  }
.Ltmp40:
0xb8f: {  	(pc) =	sbr.rel @p1 .LBB2_78-.Ltmp40, $4  }
0xb90: {  	_ = 	snop  }
0xb91: {  	[tilespmem:v12+s23+$0x0] =	vst.idx.msk $0xffff, v10  }
0xb92: {  	v9 =	vld.idx.msk [tilespmem:v9+s1+$0x0], $0xffff  }
0xb93: {  	v10 =	vor.u32 v8, v11  }
0xb94: {  	_ = 	snop  }
.Ltmp41:
0xb95: {  	_ = 	snop;
	(pc) =	sbr.rel @p0 .LBB2_83-.Ltmp41, $3  }
0xb96: {  	_ =	sdelay $0x1  }
0xb97: {  	[tilespmem:v10+s23+$0x0] =	vst.idx.msk $0xffff, v9  }
0xb98: {  	[hbm4b:s13+s1] =	stream.linear.scatter [tilespmem:s23], [sflag:$0x7], $0x2800, $0x38;
	[tilespmem:$0x16C80] =	vst v63  }
0xb99: {  	_ =	swait.ge [sflag:s2], $0x2800  }
0xb9a: {  	[sflag:s2] =	ssyncset.done $0x0  }
0xb9b: {  	s5 =	simm.s32 $0x2C30;
	[sflag:s2] =	ssyncadd.s32 $0xFFFFD800  }
0xb9c: {  	v9 =	vld [tilespmem:s5+$0x0];
	_ =	sdelay $0x4  }
0xb9d: {  	v9 =	vshll.u32 v9, $0x7  }
0xb9e: {  	v10 =	vor.u32 v0, v9  }
0xb9f: {  	s6 =	simm.s32 $0x0  }
0xba0: {  	v11 =	vmov s6  }
0xba1: {  	v11 =	vshll.u32 v11, $0x7  }
0xba2: {  	v11 =	vor.u32 v1, v11  }
0xba3: {  	v12 =	vor.u32 v0, v11;
	v10 =	vld.idx.msk [tilespmem:v10+s1+$0x0], $0xffff  }
0xba4: {  	v13 =	vor.u32 v2, v9;
	_ =	sdelay $0x3  }
0xba5: {  	[tilespmem:v12+s24+$0x0] =	vst.idx.msk $0xffff, v10  }
0xba6: {  	v53 =	vor.u32 v2, v11;
	v10 =	vld.idx.msk [tilespmem:v13+s1+$0x0], $0xffff  }
0xba7: {  	v54 =	vor.u32 v3, v9;
	_ =	sdelay $0x3  }
0xba8: {  	[tilespmem:v53+s24+$0x0] =	vst.idx.msk $0xffff, v10  }
0xba9: {  	v55 =	vor.u32 v3, v11;
	v10 =	vld.idx.msk [tilespmem:v54+s1+$0x0], $0xffff  }
0xbaa: {  	v56 =	vor.u32 v4, v9;
	_ =	sdelay $0x3  }
0xbab: {  	[tilespmem:v55+s24+$0x0] =	vst.idx.msk $0xffff, v10  }
0xbac: {  	v57 =	vor.u32 v4, v11;
	v10 =	vld.idx.msk [tilespmem:v56+s1+$0x0], $0xffff  }
0xbad: {  	v58 =	vor.u32 v5, v9;
	_ =	sdelay $0x3  }
0xbae: {  	[tilespmem:v57+s24+$0x0] =	vst.idx.msk $0xffff, v10  }
0xbaf: {  	v59 =	vor.u32 v5, v11;
	v10 =	vld.idx.msk [tilespmem:v58+s1+$0x0], $0xffff  }
0xbb0: {  	v60 =	vor.u32 v6, v9;
	_ =	sdelay $0x3  }
0xbb1: {  	[tilespmem:v59+s24+$0x0] =	vst.idx.msk $0xffff, v10  }
0xbb2: {  	v61 =	vor.u32 v6, v11;
	v10 =	vld.idx.msk [tilespmem:v60+s1+$0x0], $0xffff  }
0xbb3: {  	v62 =	vor.u32 v7, v9;
	_ =	sdelay $0x3  }
0xbb4: {  	[tilespmem:v61+s24+$0x0] =	vst.idx.msk $0xffff, v10  }
0xbb5: {  	v63 =	vor.u32 v7, v11;
	v10 =	vld.idx.msk [tilespmem:v62+s1+$0x0], $0xffff  }
0xbb6: {  	v9 =	vor.u32 v8, v9;
	_ =	sdelay $0x3  }
0xbb7: {  	[tilespmem:v63+s24+$0x0] =	vst.idx.msk $0xffff, v10  }
0xbb8: {  	v10 =	vor.u32 v8, v11;
	v9 =	vld.idx.msk [tilespmem:v9+s1+$0x0], $0xffff;
	_ =	sdelay $0x2  }
0xbb9: {  	s6 =	simm.s32 $0x10  }
.LBB2_81:
0xbba: {  	p1 =	sne.s32 s6, $0x40  }
0xbbb: {  	[tilespmem:v10+s24+$0x0] =	vst.idx.msk $0xffff, v9;
	s5 =	sadd.s32 $0x10, s5;
	s7 =	smov.u32 s6;
	s6 =	sadd.s32 $0x10, s6  }
0xbbc: {  	v9 =	vld [tilespmem:s5+$0x0];
	_ =	sdelay $0x4  }
0xbbd: {  	v9 =	vshll.u32 v9, $0x7  }
0xbbe: {  	v10 =	vor.u32 v0, v9;
	_ =	sdelay $0x2  }
0xbbf: {  	v11 =	vmov s7  }
0xbc0: {  	v11 =	vshll.u32 v11, $0x7  }
0xbc1: {  	v11 =	vor.u32 v1, v11;
	v10 =	vld.idx.msk [tilespmem:v10+s1+$0x0], $0xffff  }
0xbc2: {  	v12 =	vor.u32 v0, v11  }
0xbc3: {  	v13 =	vor.u32 v2, v9;
	_ =	sdelay $0x3  }
0xbc4: {  	[tilespmem:v12+s24+$0x0] =	vst.idx.msk $0xffff, v10  }
0xbc5: {  	v10 =	vld.idx.msk [tilespmem:v13+s1+$0x0], $0xffff  }
0xbc6: {  	v12 =	vor.u32 v2, v11  }
0xbc7: {  	v13 =	vor.u32 v3, v9;
	_ =	sdelay $0x3  }
0xbc8: {  	[tilespmem:v12+s24+$0x0] =	vst.idx.msk $0xffff, v10  }
0xbc9: {  	v10 =	vld.idx.msk [tilespmem:v13+s1+$0x0], $0xffff  }
0xbca: {  	v12 =	vor.u32 v3, v11  }
0xbcb: {  	v13 =	vor.u32 v4, v9;
	_ =	sdelay $0x3  }
0xbcc: {  	[tilespmem:v12+s24+$0x0] =	vst.idx.msk $0xffff, v10  }
0xbcd: {  	v10 =	vld.idx.msk [tilespmem:v13+s1+$0x0], $0xffff  }
0xbce: {  	v12 =	vor.u32 v4, v11  }
0xbcf: {  	v13 =	vor.u32 v5, v9;
	_ =	sdelay $0x3  }
0xbd0: {  	[tilespmem:v12+s24+$0x0] =	vst.idx.msk $0xffff, v10  }
0xbd1: {  	v10 =	vld.idx.msk [tilespmem:v13+s1+$0x0], $0xffff  }
0xbd2: {  	v12 =	vor.u32 v5, v11  }
0xbd3: {  	v13 =	vor.u32 v6, v9;
	_ =	sdelay $0x3  }
0xbd4: {  	[tilespmem:v12+s24+$0x0] =	vst.idx.msk $0xffff, v10  }
0xbd5: {  	v10 =	vld.idx.msk [tilespmem:v13+s1+$0x0], $0xffff  }
0xbd6: {  	v12 =	vor.u32 v6, v11  }
0xbd7: {  	v13 =	vor.u32 v7, v9;
	_ =	sdelay $0x3  }
0xbd8: {  	[tilespmem:v12+s24+$0x0] =	vst.idx.msk $0xffff, v10  }
0xbd9: {  	v10 =	vld.idx.msk [tilespmem:v13+s1+$0x0], $0xffff  }
0xbda: {  	v12 =	vor.u32 v7, v11  }
0xbdb: {  	v9 =	vor.u32 v8, v9;
	_ =	sdelay $0x1  }
.Ltmp42:
0xbdc: {  	(pc) =	sbr.rel @p1 .LBB2_81-.Ltmp42, $4  }
0xbdd: {  	_ = 	snop  }
0xbde: {  	[tilespmem:v12+s24+$0x0] =	vst.idx.msk $0xffff, v10  }
0xbdf: {  	v9 =	vld.idx.msk [tilespmem:v9+s1+$0x0], $0xffff  }
0xbe0: {  	v10 =	vor.u32 v8, v11  }
.Ltmp43:
0xbe1: {  	_ = 	snop;
	(pc) =	sbr.rel .LBB2_82-.Ltmp43, $1  }
0xbe2: {  	_ =	sdelay $0x3  }
.LBB2_84:
0xbe3: {  	_ =	sfence.sel $0x180000  }
0xbe4: {  	[bflag:$0x0] =	sbarrier.arrive $0xFFFF  }
0xbe5: {  	_ =	strace $0x90000047  }
0xbe6: {  	[bflag:$0x2] =	sbarrier.arrive $0xFFFF  }
0xbe7: {  	s0 =	rddreg [dreg:$0x3]  }
0xbe8: {  	s0 =	sadd.s32 @!p0 $0x100000, s0  }
0xbe9: {  	[sflag:s0] =	ssyncadd.tile.s32 @!p0 $0x1;
	_ =	shalt  }
.Lfunc_end2:
_tile_overlayer_lowered:
.L_overlay_start_2:
0xbea: {  	(tag) =	ssettag $0x2  }
0xbeb: {  	s0 =	rddreg [dreg:$0x0];
	s2 =	stileid.u32  }
0xbec: {  	s1 =	rddreg [dreg:$0x1];
	p0 =	sne.s32 s2, $0x0  }
0xbed: {  	s3 =	rddreg [dreg:$0x2];
	[bflag:$0x3] =	sbarrier.arrive $0xFFFF;
	s2 =	simm.s32 @!p0 $0x1C09  }
0xbee: {  	[timem:s3], [sflag:s2] =	dma.local @!p0 [hbm:s0], s1  }
0xbef: {  	s0 =	simm.s32 @!p0 $0x9  }
0xbf0: {  	_ =	swait.ge @!p0 [sflag:s0], s1  }
0xbf1: {  	s1 =	ssub.s32 @!p0 $0x0, s1;
	[sflag:s0] =	ssyncset.done @!p0 $0x0  }
0xbf2: {  	[sflag:s0] =	ssyncadd.s32 @!p0 s1  }
0xbf3: {  	[bflag:$0x3] =	sbarrier.arrive $0xFFFF  }
0xbf4: {  	_ =	shalt  }

</sc_bundles>
